<compile_context>
chip_gen: v7x
topology: tpu7x:2x2x1
jax: 0.10.2.dev20260603
libtpu: 0.0.44.dev20260713+nightly
codegen_flags: <defaults>
</compile_context>

<pallas_src>
import functools

import jax
import jax.numpy as jnp
from jax import lax
from jax.experimental import pallas as pl
from jax.experimental.pallas import tpu as pltpu
from jax.experimental.pallas import tpu_sc as plsc

C = 4
K = 11
L = 16
G = 32


@functools.lru_cache(maxsize=None)
def _build_sc_fn(R, H):
    info = plsc.get_sparse_core_info()
    NW = info.num_cores * info.num_subcores
    assert R % (NW * 4 * C) == 0
    rpw = R // NW
    S = rpw // C
    KC = K * C
    HL = H // L
    HG = H // G
    assert H % G == 0

    mesh = plsc.VectorSubcoreMesh(core_axis_name="c", subcore_axis_name="s")

    def body(table_hbm, idx_hbm, type_hbm, out_hbm,
             idx_v, g0, g1, g2, g3, o0, o1, type_v,
             gs0, gs1, gs2, gs3, ws0, ws1):
        wid = lax.axis_index("s") * info.num_cores + lax.axis_index("c")
        step0 = wid * S

        def gather(s, buf, sem):
            return pltpu.make_async_copy(table_hbm.at[idx_v.at[s]], buf, sem)

        def write(s, buf, sem):
            row = wid * rpw + s * C
            return pltpu.make_async_copy(buf, out_hbm.at[pl.ds(row, C)], sem)

        pltpu.sync_copy(idx_hbm.at[pl.ds(step0, S)], idx_v)
        gather(0, g0, gs0).start()
        gather(1, g1, gs1).start()
        gather(2, g2, gs2).start()
        pltpu.sync_copy(type_hbm.at[0], type_v)

        hi_mask = jnp.full((L,), -65536, jnp.int32)

        def tree_sum(vs):
            while len(vs) > 1:
                vs = ([vs[i] + vs[i + 1] for i in range(0, len(vs) - 1, 2)]
                      + ([vs[-1]] if len(vs) % 2 else []))
            return vs[0]

        def compute(buf, obuf, off):
            for n in range(C):
                def col_sum(j, m):
                    sl = pl.ds(j * L, L)
                    ws = [buf[n * K + r, sl] for r in range(K)]
                    lo = tree_sum([lax.bitcast_convert_type(
                        lax.shift_left(w, 16), jnp.float32) for w in ws])
                    hi = tree_sum([lax.bitcast_convert_type(
                        lax.bitwise_and(w, hi_mask), jnp.float32)
                        for w in ws])
                    m = jnp.maximum(m, jnp.maximum(jnp.abs(lo),
                                                   jnp.abs(hi)))
                    obuf[off + n, pl.ds(j * G, L)] = (
                        lo + type_v[pl.ds(j * G, L)])
                    obuf[off + n, pl.ds(j * G + L, L)] = (
                        hi + type_v[pl.ds(j * G + L, L)])
                    return m
                mx = lax.fori_loop(0, HG, col_sum,
                                   jnp.zeros((L,), jnp.float32))
                mz = jnp.max(mx)

                @pl.when(mz == 0.0)
                def _():
                    def zero_fill(j, _):
                        obuf[off + n, pl.ds(j * L, L)] = jnp.zeros(
                            (L,), jnp.float32)
                        return 0
                    lax.fori_loop(0, HL, zero_fill, 0)

        gbuf = (g0, g1, g2, g3)
        gsem = (gs0, gs1, gs2, gs3)
        obuf = (o0, o1)
        wsem = (ws0, ws1)

        def step_quad(s4, _):
            for j in range(4):
                s = s4 * 4 + j

                @pl.when(s + 3 < S)
                def _():
                    gather(s + 3, gbuf[(j + 3) % 4], gsem[(j + 3) % 4]).start()

                gather(s, gbuf[j], gsem[j]).wait()

                @pl.when(s >= 2)
                def _():
                    write(s - 2, obuf[j % 2], wsem[j % 2]).wait()

                compute(gbuf[j], obuf[j % 2], 0)

                write(s, obuf[j % 2], wsem[j % 2]).start()
            return 0

        lax.fori_loop(0, S // 4, step_quad, 0)
        write(S - 2, obuf[0], wsem[0]).wait()
        write(S - 1, obuf[1], wsem[1]).wait()

    fn = pl.kernel(
        body,
        out_type=jax.ShapeDtypeStruct((R, H), jnp.float32),
        mesh=mesh,
        scratch_types=[
            pltpu.VMEM((S, KC), jnp.int32),
            pltpu.VMEM((KC, H // 2), jnp.int32),
            pltpu.VMEM((KC, H // 2), jnp.int32),
            pltpu.VMEM((KC, H // 2), jnp.int32),
            pltpu.VMEM((KC, H // 2), jnp.int32),
            pltpu.VMEM((C, H), jnp.float32),
            pltpu.VMEM((C, H), jnp.float32),
            pltpu.VMEM((H,), jnp.float32),
            pltpu.SemaphoreType.DMA,
            pltpu.SemaphoreType.DMA,
            pltpu.SemaphoreType.DMA,
            pltpu.SemaphoreType.DMA,
            pltpu.SemaphoreType.DMA,
            pltpu.SemaphoreType.DMA,
        ],
        compiler_params=pltpu.CompilerParams(use_tc_tiling_on_sc=False,
                                             needs_layout_passes=False),
    )
    return fn


def kernel(atom_W, in_W, out_W, graph_token_W, type_W, x, in_degree, out_degree):
    B, N, F = x.shape
    H = atom_W.shape[-1]
    NA = atom_W.shape[0]
    NI = in_W.shape[0]
    NO = out_W.shape[0]
    assert K == F + 2

    table = jnp.concatenate(
        [atom_W.at[0].set(0.0), in_W.at[0].set(0.0), out_W.at[0].set(0.0),
         graph_token_W[:1]],
        axis=0).astype(jnp.float32)
    gtok_row = NA + NI + NO
    T = table.shape[0]
    tb = table.astype(jnp.bfloat16).reshape(T, H // G, 2, L)
    tb = jnp.swapaxes(tb, -1, -2)
    tu = jax.lax.bitcast_convert_type(tb, jnp.uint16).astype(jnp.uint32)
    tword = (tu[..., 0] | (tu[..., 1] << 16)).astype(jnp.int32)
    table_packed = tword.reshape(T, H // 2)

    node_idx = jnp.concatenate(
        [x.astype(jnp.int32),
         in_degree.astype(jnp.int32)[..., None] + jnp.int32(NA),
         out_degree.astype(jnp.int32)[..., None] + jnp.int32(NA + NI)],
        axis=-1)
    tok_idx = jnp.zeros((B, 1, K), jnp.int32).at[:, :, 0].set(gtok_row)
    idx = jnp.concatenate([tok_idx, node_idx], axis=1)
    idx2 = idx.reshape(B * (N + 1) // C, K * C)

    fn = _build_sc_fn(B * (N + 1), H)
    out = fn(table_packed, idx2, type_W.astype(jnp.float32))
    return out.reshape(B, N + 1, H)

# --- scband reference (transcript-rebuilt; emitter-appended) ---
"""Pipeline reference for scband-atom-feature-54236847014169 (READ-ONLY COPY).

The authoritative reference and input builder live on the scoring server;
editing this copy changes nothing except your own understanding.
"""

import jax, jax.numpy as jnp
import numpy as np

B, N, F, H = 1024, 64, 9, 768
NUM_ATOMS, NUM_IN, NUM_OUT = 4608, 512, 512


def setup_inputs(seed: int = 0) -> dict:
    key = jax.random.key(seed)
    ks = jax.random.split(key, 8)
    x = jax.random.randint(ks[0], (B, N, F), 0, NUM_ATOMS + 1)
    in_degree = jax.random.randint(ks[1], (B, N), 0, NUM_IN)
    out_degree = jax.random.randint(ks[2], (B, N), 0, NUM_OUT)
    atom_W = 0.02 * jax.random.normal(ks[3], (NUM_ATOMS + 1, H), dtype=jnp.float32)
    atom_W = atom_W.at[0].set(0.0)
    in_W = 0.02 * jax.random.normal(ks[4], (NUM_IN, H), dtype=jnp.float32)
    in_W = in_W.at[0].set(0.0)
    out_W = 0.02 * jax.random.normal(ks[5], (NUM_OUT, H), dtype=jnp.float32)
    out_W = out_W.at[0].set(0.0)
    graph_token_W = 0.02 * jax.random.normal(ks[6], (2, H), dtype=jnp.float32)
    type_W = 0.02 * jax.random.normal(ks[7], (2, H), dtype=jnp.float32)
    return {"atom_W": atom_W, "in_W": in_W, "out_W": out_W,
            "graph_token_W": graph_token_W, "type_W": type_W,
            "x": x, "in_degree": in_degree, "out_degree": out_degree}


def reference(atom_W, in_W, out_W, graph_token_W, type_W, x, in_degree, out_degree):
    # modality == 'ligand', mask_2d is None, no_2d=False; multiway_split_position = -1 (constant)
    aW = atom_W.at[0].set(0.0)  # padding_idx=0 semantics
    iW = in_W.at[0].set(0.0)
    oW = out_W.at[0].set(0.0)
    node_feature = jnp.take(aW, x, axis=0).sum(axis=-2)  # [B, N, H]
    degree_feature = jnp.take(iW, in_degree, axis=0) + jnp.take(oW, out_degree, axis=0)
    node_feature = node_feature + degree_feature
    n_graph = x.shape[0]
    gtok = jnp.broadcast_to(graph_token_W[None, :1, :], (n_graph, 1, graph_token_W.shape[-1]))
    graph_node_feature = jnp.concatenate([gtok, node_feature], axis=1)  # [B, N+1, H]
    padding_mask = jnp.all(graph_node_feature == 0.0, axis=-1, keepdims=True)
    graph_node_feature = graph_node_feature + type_W[0]
    graph_node_feature = jnp.where(padding_mask, 0.0, graph_node_feature)
    return graph_node_feature

if __name__ == "__main__":
    import jax
    _d = setup_inputs()
    print(jax.jit(kernel)(*tuple(_d.values())))

</pallas_src>

<mosaic_0001>
#map = affine_map<(d0, d1) -> (0, 0)>
module attributes {stable_mosaic.version = 14 : i64} {
  func.func @body(%arg0: i32, %arg1: i32, %arg2: memref<5634x384xi32, #tpu.memory_space<hbm>>, %arg3: memref<16640x44xi32, #tpu.memory_space<hbm>>, %arg4: memref<2x768xf32, #tpu.memory_space<hbm>>, %arg5: memref<66560x768xf32, #tpu.memory_space<hbm>>, %arg6: memref<520x44xi32, #tpu.memory_space<vmem>>, %arg7: memref<44x384xi32, #tpu.memory_space<vmem>>, %arg8: memref<44x384xi32, #tpu.memory_space<vmem>>, %arg9: memref<44x384xi32, #tpu.memory_space<vmem>>, %arg10: memref<44x384xi32, #tpu.memory_space<vmem>>, %arg11: memref<4x768xf32, #tpu.memory_space<vmem>>, %arg12: memref<4x768xf32, #tpu.memory_space<vmem>>, %arg13: memref<768xf32, #tpu.memory_space<vmem>>, %arg14: memref<!tpu.dma_semaphore, #tpu.memory_space<semaphore_mem>>, %arg15: memref<!tpu.dma_semaphore, #tpu.memory_space<semaphore_mem>>, %arg16: memref<!tpu.dma_semaphore, #tpu.memory_space<semaphore_mem>>, %arg17: memref<!tpu.dma_semaphore, #tpu.memory_space<semaphore_mem>>, %arg18: memref<!tpu.dma_semaphore, #tpu.memory_space<semaphore_mem>>, %arg19: memref<!tpu.dma_semaphore, #tpu.memory_space<semaphore_mem>>) attributes {dimension_semantics = [#tpu.dimension_semantics<core_parallel>, #tpu.dimension_semantics<subcore_parallel>], iteration_bounds = array<i64: 2, 16>, scalar_prefetch = 0 : i64, scratch_operands = 14 : i64, tpu.core_type = #tpu.core_type<sc_vector_subcore>, window_params = [{transform_indices = #map}, {transform_indices = #map}, {transform_indices = #map}, {transform_indices = #map}]} {
    %mul3A = arith.constant 2 : i32
    %mul3A_0 = arith.muli %arg1, %mul3A : i32
    %add3A = arith.addi %mul3A_0, %arg0 : i32
    %mul3A_1 = arith.constant 520 : i32
    %mul3A_2 = arith.muli %add3A, %mul3A_1 : i32
    "tpu.region"() ({
      %run_scoped3A_45 = tpu.sem_alloc : memref<!tpu.dma_semaphore, #tpu.memory_space<semaphore_mem>>
      %dma_start3A_46 = arith.constant 0 : i32
      %dma_start3A_47 = tpu.memref_slice %arg3[%mul3A_2, %dma_start3A_46] : memref<16640x44xi32, #tpu.memory_space<hbm>> -> memref<520x44xi32, #tpu.memory_space<hbm>>
      %dma_start3A_48 = arith.constant 0 : i32
      %dma_start3A_49 = tpu.memref_slice %arg3[%mul3A_2, %dma_start3A_48] : memref<16640x44xi32, #tpu.memory_space<hbm>> -> memref<520x44xi32, #tpu.memory_space<hbm>>
      tpu.enqueue_dma source(%dma_start3A_49 : memref<520x44xi32, #tpu.memory_space<hbm>>) target(%arg6 : memref<520x44xi32, #tpu.memory_space<vmem>>) target_semaphore(%run_scoped3A_45 : memref<!tpu.dma_semaphore, #tpu.memory_space<semaphore_mem>>)
      %dma_wait3A_50 = arith.constant 0 : i32
      %dma_wait3A_51 = tpu.memref_slice %arg3[%mul3A_2, %dma_wait3A_50] : memref<16640x44xi32, #tpu.memory_space<hbm>> -> memref<520x44xi32, #tpu.memory_space<hbm>>
      %dma_wait3A_52 = arith.constant 0 : i32
      %dma_wait3A_53 = tpu.memref_slice %arg3[%mul3A_2, %dma_wait3A_52] : memref<16640x44xi32, #tpu.memory_space<hbm>> -> memref<520x44xi32, #tpu.memory_space<hbm>>
      tpu.wait_dma2 semaphore(%run_scoped3A_45 : memref<!tpu.dma_semaphore, #tpu.memory_space<semaphore_mem>>) src(%dma_wait3A_53 : memref<520x44xi32, #tpu.memory_space<hbm>>) dst(%arg6 : memref<520x44xi32, #tpu.memory_space<vmem>>)
      tpu.yield
    }) : () -> ()
    %dma_start3A = arith.constant 0 : i32
    %dma_start3A_3 = arith.constant 0 : i32
    %dma_start3A_4 = tpu.memref_slice %arg6[%dma_start3A, %dma_start3A_3] : memref<520x44xi32, #tpu.memory_space<vmem>> -> memref<1x44xi32, #tpu.memory_space<vmem>>
    %dma_start3A_5 = tpu.memref_squeeze %dma_start3A_4 : memref<1x44xi32, #tpu.memory_space<vmem>> -> memref<44xi32, #tpu.memory_space<vmem>>
    %dma_start3A_6 = arith.constant 0 : i32
    %dma_start3A_7 = arith.constant 0 : i32
    %dma_start3A_8 = tpu.memref_slice %arg2[%dma_start3A_6, %dma_start3A_7] : memref<5634x384xi32, #tpu.memory_space<hbm>> -> memref<5634x384xi32, #tpu.memory_space<hbm>>
    tpu.enqueue_indirect_dma source(%dma_start3A_8 : memref<5634x384xi32, #tpu.memory_space<hbm>>) target(%arg7 : memref<44x384xi32, #tpu.memory_space<vmem>>) offsets(%dma_start3A_5 : memref<44xi32, #tpu.memory_space<vmem>>) semaphore(%arg14 : memref<!tpu.dma_semaphore, #tpu.memory_space<semaphore_mem>>)
    %dma_start3A_9 = arith.constant 1 : i32
    %dma_start3A_10 = arith.constant 0 : i32
    %dma_start3A_11 = tpu.memref_slice %arg6[%dma_start3A_9, %dma_start3A_10] : memref<520x44xi32, #tpu.memory_space<vmem>> -> memref<1x44xi32, #tpu.memory_space<vmem>>
    %dma_start3A_12 = tpu.memref_squeeze %dma_start3A_11 : memref<1x44xi32, #tpu.memory_space<vmem>> -> memref<44xi32, #tpu.memory_space<vmem>>
    %dma_start3A_13 = arith.constant 0 : i32
    %dma_start3A_14 = arith.constant 0 : i32
    %dma_start3A_15 = tpu.memref_slice %arg2[%dma_start3A_13, %dma_start3A_14] : memref<5634x384xi32, #tpu.memory_space<hbm>> -> memref<5634x384xi32, #tpu.memory_space<hbm>>
    tpu.enqueue_indirect_dma source(%dma_start3A_15 : memref<5634x384xi32, #tpu.memory_space<hbm>>) target(%arg8 : memref<44x384xi32, #tpu.memory_space<vmem>>) offsets(%dma_start3A_12 : memref<44xi32, #tpu.memory_space<vmem>>) semaphore(%arg15 : memref<!tpu.dma_semaphore, #tpu.memory_space<semaphore_mem>>)
    %dma_start3A_16 = arith.constant 2 : i32
    %dma_start3A_17 = arith.constant 0 : i32
    %dma_start3A_18 = tpu.memref_slice %arg6[%dma_start3A_16, %dma_start3A_17] : memref<520x44xi32, #tpu.memory_space<vmem>> -> memref<1x44xi32, #tpu.memory_space<vmem>>
    %dma_start3A_19 = tpu.memref_squeeze %dma_start3A_18 : memref<1x44xi32, #tpu.memory_space<vmem>> -> memref<44xi32, #tpu.memory_space<vmem>>
    %dma_start3A_20 = arith.constant 0 : i32
    %dma_start3A_21 = arith.constant 0 : i32
    %dma_start3A_22 = tpu.memref_slice %arg2[%dma_start3A_20, %dma_start3A_21] : memref<5634x384xi32, #tpu.memory_space<hbm>> -> memref<5634x384xi32, #tpu.memory_space<hbm>>
    tpu.enqueue_indirect_dma source(%dma_start3A_22 : memref<5634x384xi32, #tpu.memory_space<hbm>>) target(%arg9 : memref<44x384xi32, #tpu.memory_space<vmem>>) offsets(%dma_start3A_19 : memref<44xi32, #tpu.memory_space<vmem>>) semaphore(%arg16 : memref<!tpu.dma_semaphore, #tpu.memory_space<semaphore_mem>>)
    %run_scoped3A = arith.constant 0 : i32
    "tpu.region"() ({
      %run_scoped3A_45 = tpu.sem_alloc : memref<!tpu.dma_semaphore, #tpu.memory_space<semaphore_mem>>
      %dma_start3A_46 = arith.constant 0 : i32
      %dma_start3A_47 = tpu.memref_slice %arg4[%run_scoped3A, %dma_start3A_46] : memref<2x768xf32, #tpu.memory_space<hbm>> -> memref<1x768xf32, #tpu.memory_space<hbm>>
      %dma_start3A_48 = tpu.memref_squeeze %dma_start3A_47 : memref<1x768xf32, #tpu.memory_space<hbm>> -> memref<768xf32, #tpu.memory_space<hbm>>
      %dma_start3A_49 = arith.constant 0 : i32
      %dma_start3A_50 = tpu.memref_slice %arg4[%run_scoped3A, %dma_start3A_49] : memref<2x768xf32, #tpu.memory_space<hbm>> -> memref<1x768xf32, #tpu.memory_space<hbm>>
      %dma_start3A_51 = tpu.memref_squeeze %dma_start3A_50 : memref<1x768xf32, #tpu.memory_space<hbm>> -> memref<768xf32, #tpu.memory_space<hbm>>
      tpu.enqueue_dma source(%dma_start3A_51 : memref<768xf32, #tpu.memory_space<hbm>>) target(%arg13 : memref<768xf32, #tpu.memory_space<vmem>>) target_semaphore(%run_scoped3A_45 : memref<!tpu.dma_semaphore, #tpu.memory_space<semaphore_mem>>)
      %dma_wait3A_52 = arith.constant 0 : i32
      %dma_wait3A_53 = tpu.memref_slice %arg4[%run_scoped3A, %dma_wait3A_52] : memref<2x768xf32, #tpu.memory_space<hbm>> -> memref<1x768xf32, #tpu.memory_space<hbm>>
      %dma_wait3A_54 = tpu.memref_squeeze %dma_wait3A_53 : memref<1x768xf32, #tpu.memory_space<hbm>> -> memref<768xf32, #tpu.memory_space<hbm>>
      %dma_wait3A_55 = arith.constant 0 : i32
      %dma_wait3A_56 = tpu.memref_slice %arg4[%run_scoped3A, %dma_wait3A_55] : memref<2x768xf32, #tpu.memory_space<hbm>> -> memref<1x768xf32, #tpu.memory_space<hbm>>
      %dma_wait3A_57 = tpu.memref_squeeze %dma_wait3A_56 : memref<1x768xf32, #tpu.memory_space<hbm>> -> memref<768xf32, #tpu.memory_space<hbm>>
      tpu.wait_dma2 semaphore(%run_scoped3A_45 : memref<!tpu.dma_semaphore, #tpu.memory_space<semaphore_mem>>) src(%dma_wait3A_57 : memref<768xf32, #tpu.memory_space<hbm>>) dst(%arg13 : memref<768xf32, #tpu.memory_space<vmem>>)
      tpu.yield
    }) : () -> ()
    %broadcast_in_dim3A = arith.constant -65536 : i32
    %broadcast_in_dim3A_23 = vector.broadcast %broadcast_in_dim3A : i32 to vector<16xi32>
    %scan3A = arith.constant 0 : i32
    %scan3A_24 = arith.constant 0 : i32
    %scan3A_25 = arith.constant 130 : i32
    %scan3A_26 = arith.addi %scan3A_24, %scan3A_25 : i32
    %scan3A_27 = arith.constant 1 : i32
    %scan3A_28 = scf.for %scan3A_45 = %scan3A_24 to %scan3A_26 step %scan3A_27 iter_args(%scan3A_46 = %scan3A) -> (i32)  : i32 {
      %mul3A_47 = arith.constant 4 : i32
      %mul3A_48 = arith.muli %scan3A_45, %mul3A_47 : i32
      %add3A_49 = arith.constant 0 : i32
      %add3A_50 = arith.addi %mul3A_48, %add3A_49 : i32
      %add3A_51 = arith.constant 3 : i32
      %add3A_52 = arith.addi %add3A_50, %add3A_51 : i32
      %lt3A = arith.constant 520 : i32
      %lt3A_53 = arith.cmpi slt, %add3A_52, %lt3A : i32
      %convert_element_type3A = arith.extui %lt3A_53 : i1 to i32
      %cond3A = arith.constant 0 : i32
      %cond3A_54 = arith.cmpi ne, %convert_element_type3A, %cond3A : i32
      scf.if %cond3A_54 {
        %add3A_438 = arith.constant 3 : i32
        %add3A_439 = arith.addi %add3A_50, %add3A_438 : i32
        %dma_start3A_440 = arith.constant 0 : i32
        %dma_start3A_441 = tpu.memref_slice %arg6[%add3A_439, %dma_start3A_440] : memref<520x44xi32, #tpu.memory_space<vmem>> -> memref<1x44xi32, #tpu.memory_space<vmem>>
        %dma_start3A_442 = tpu.memref_squeeze %dma_start3A_441 : memref<1x44xi32, #tpu.memory_space<vmem>> -> memref<44xi32, #tpu.memory_space<vmem>>
        %dma_start3A_443 = arith.constant 0 : i32
        %dma_start3A_444 = arith.constant 0 : i32
        %dma_start3A_445 = tpu.memref_slice %arg2[%dma_start3A_443, %dma_start3A_444] : memref<5634x384xi32, #tpu.memory_space<hbm>> -> memref<5634x384xi32, #tpu.memory_space<hbm>>
        tpu.enqueue_indirect_dma source(%dma_start3A_445 : memref<5634x384xi32, #tpu.memory_space<hbm>>) target(%arg10 : memref<44x384xi32, #tpu.memory_space<vmem>>) offsets(%dma_start3A_442 : memref<44xi32, #tpu.memory_space<vmem>>) semaphore(%arg17 : memref<!tpu.dma_semaphore, #tpu.memory_space<semaphore_mem>>)
      } else {
      }
      %dma_wait3A_55 = arith.constant 0 : i32
      %dma_wait3A_56 = tpu.memref_slice %arg6[%add3A_50, %dma_wait3A_55] : memref<520x44xi32, #tpu.memory_space<vmem>> -> memref<1x44xi32, #tpu.memory_space<vmem>>
      %dma_wait3A_57 = tpu.memref_squeeze %dma_wait3A_56 : memref<1x44xi32, #tpu.memory_space<vmem>> -> memref<44xi32, #tpu.memory_space<vmem>>
      %dma_wait3A_58 = arith.constant 0 : i32
      %dma_wait3A_59 = arith.constant 0 : i32
      %dma_wait3A_60 = tpu.memref_slice %arg2[%dma_wait3A_58, %dma_wait3A_59] : memref<5634x384xi32, #tpu.memory_space<hbm>> -> memref<5634x384xi32, #tpu.memory_space<hbm>>
      tpu.wait_indirect_dma semaphore(%arg14 : memref<!tpu.dma_semaphore, #tpu.memory_space<semaphore_mem>>) src(%dma_wait3A_60 : memref<5634x384xi32, #tpu.memory_space<hbm>>) dst(%arg7 : memref<44x384xi32, #tpu.memory_space<vmem>>)
      %ge3A = arith.constant 2 : i32
      %ge3A_61 = arith.cmpi sge, %add3A_50, %ge3A : i32
      %convert_element_type3A_62 = arith.extui %ge3A_61 : i1 to i32
      %cond3A_63 = arith.constant 0 : i32
      %cond3A_64 = arith.cmpi ne, %convert_element_type3A_62, %cond3A_63 : i32
      scf.if %cond3A_64 {
        %sub3A = arith.constant 2 : i32
        %sub3A_438 = arith.subi %add3A_50, %sub3A : i32
        %mul3A_439 = arith.constant 2080 : i32
        %mul3A_440 = arith.muli %add3A, %mul3A_439 : i32
        %mul3A_441 = arith.constant 4 : i32
        %mul3A_442 = arith.muli %sub3A_438, %mul3A_441 : i32
        %add3A_443 = arith.addi %mul3A_440, %mul3A_442 : i32
        %dma_wait3A_444 = arith.constant 0 : i32
        %dma_wait3A_445 = tpu.memref_slice %arg5[%add3A_443, %dma_wait3A_444] : memref<66560x768xf32, #tpu.memory_space<hbm>> -> memref<4x768xf32, #tpu.memory_space<hbm>>
        %dma_wait3A_446 = arith.constant 0 : i32
        %dma_wait3A_447 = tpu.memref_slice %arg5[%add3A_443, %dma_wait3A_446] : memref<66560x768xf32, #tpu.memory_space<hbm>> -> memref<4x768xf32, #tpu.memory_space<hbm>>
        tpu.wait_dma2 semaphore(%arg18 : memref<!tpu.dma_semaphore, #tpu.memory_space<semaphore_mem>>) src(%arg11 : memref<4x768xf32, #tpu.memory_space<vmem>>) dst(%dma_wait3A_447 : memref<4x768xf32, #tpu.memory_space<hbm>>)
      } else {
      }
      %broadcast_in_dim3A_65 = arith.constant 0.000000e+00 : f32
      %broadcast_in_dim3A_66 = vector.broadcast %broadcast_in_dim3A_65 : f32 to vector<16xf32>
      %scan3A_67 = arith.constant 0 : i32
      %scan3A_68 = arith.constant 24 : i32
      %scan3A_69 = arith.addi %scan3A_67, %scan3A_68 : i32
      %scan3A_70 = arith.constant 1 : i32
      %scan3A_71 = scf.for %scan3A_438 = %scan3A_67 to %scan3A_69 step %scan3A_70 iter_args(%scan3A_439 = %broadcast_in_dim3A_66) -> (vector<16xf32>)  : i32 {
        %mul3A_440 = arith.constant 16 : i32
        %mul3A_441 = arith.muli %scan3A_438, %mul3A_440 : i32
        %get3A = arith.constant 0 : i32
        %get3A_442 = arith.index_cast %get3A : i32 to index
        %get3A_443 = arith.index_cast %mul3A_441 : i32 to index
        %get3A_444 = tpu.vector_load %arg7[%get3A_442, %get3A_443] {strides = array<i32>} : memref<44x384xi32, #tpu.memory_space<vmem>>, vector<16xi32>,
        %get3A_445 = arith.constant 1 : i32
        %get3A_446 = arith.index_cast %get3A_445 : i32 to index
        %get3A_447 = arith.index_cast %mul3A_441 : i32 to index
        %get3A_448 = tpu.vector_load %arg7[%get3A_446, %get3A_447] {strides = array<i32>} : memref<44x384xi32, #tpu.memory_space<vmem>>, vector<16xi32>,
        %get3A_449 = arith.constant 2 : i32
        %get3A_450 = arith.index_cast %get3A_449 : i32 to index
        %get3A_451 = arith.index_cast %mul3A_441 : i32 to index
        %get3A_452 = tpu.vector_load %arg7[%get3A_450, %get3A_451] {strides = array<i32>} : memref<44x384xi32, #tpu.memory_space<vmem>>, vector<16xi32>,
        %get3A_453 = arith.constant 3 : i32
        %get3A_454 = arith.index_cast %get3A_453 : i32 to index
        %get3A_455 = arith.index_cast %mul3A_441 : i32 to index
        %get3A_456 = tpu.vector_load %arg7[%get3A_454, %get3A_455] {strides = array<i32>} : memref<44x384xi32, #tpu.memory_space<vmem>>, vector<16xi32>,
        %get3A_457 = arith.constant 4 : i32
        %get3A_458 = arith.index_cast %get3A_457 : i32 to index
        %get3A_459 = arith.index_cast %mul3A_441 : i32 to index
        %get3A_460 = tpu.vector_load %arg7[%get3A_458, %get3A_459] {strides = array<i32>} : memref<44x384xi32, #tpu.memory_space<vmem>>, vector<16xi32>,
        %get3A_461 = arith.constant 5 : i32
        %get3A_462 = arith.index_cast %get3A_461 : i32 to index
        %get3A_463 = arith.index_cast %mul3A_441 : i32 to index
        %get3A_464 = tpu.vector_load %arg7[%get3A_462, %get3A_463] {strides = array<i32>} : memref<44x384xi32, #tpu.memory_space<vmem>>, vector<16xi32>,
        %get3A_465 = arith.constant 6 : i32
        %get3A_466 = arith.index_cast %get3A_465 : i32 to index
        %get3A_467 = arith.index_cast %mul3A_441 : i32 to index
        %get3A_468 = tpu.vector_load %arg7[%get3A_466, %get3A_467] {strides = array<i32>} : memref<44x384xi32, #tpu.memory_space<vmem>>, vector<16xi32>,
        %get3A_469 = arith.constant 7 : i32
        %get3A_470 = arith.index_cast %get3A_469 : i32 to index
        %get3A_471 = arith.index_cast %mul3A_441 : i32 to index
        %get3A_472 = tpu.vector_load %arg7[%get3A_470, %get3A_471] {strides = array<i32>} : memref<44x384xi32, #tpu.memory_space<vmem>>, vector<16xi32>,
        %get3A_473 = arith.constant 8 : i32
        %get3A_474 = arith.index_cast %get3A_473 : i32 to index
        %get3A_475 = arith.index_cast %mul3A_441 : i32 to index
        %get3A_476 = tpu.vector_load %arg7[%get3A_474, %get3A_475] {strides = array<i32>} : memref<44x384xi32, #tpu.memory_space<vmem>>, vector<16xi32>,
        %get3A_477 = arith.constant 9 : i32
        %get3A_478 = arith.index_cast %get3A_477 : i32 to index
        %get3A_479 = arith.index_cast %mul3A_441 : i32 to index
        %get3A_480 = tpu.vector_load %arg7[%get3A_478, %get3A_479] {strides = array<i32>} : memref<44x384xi32, #tpu.memory_space<vmem>>, vector<16xi32>,
        %get3A_481 = arith.constant 10 : i32
        %get3A_482 = arith.index_cast %get3A_481 : i32 to index
        %get3A_483 = arith.index_cast %mul3A_441 : i32 to index
        %get3A_484 = tpu.vector_load %arg7[%get3A_482, %get3A_483] {strides = array<i32>} : memref<44x384xi32, #tpu.memory_space<vmem>>, vector<16xi32>,
        %shift_left3A = arith.constant 16 : i32
        %shift_left3A_485 = vector.broadcast %shift_left3A : i32 to vector<16xi32>
        %shift_left3A_486 = arith.shli %get3A_444, %shift_left3A_485 : vector<16xi32>
        %bitcast_convert_type3A = tpu.bitcast %shift_left3A_486 : vector<16xi32> -> vector<16xf32>
        %shift_left3A_487 = arith.constant 16 : i32
        %shift_left3A_488 = vector.broadcast %shift_left3A_487 : i32 to vector<16xi32>
        %shift_left3A_489 = arith.shli %get3A_448, %shift_left3A_488 : vector<16xi32>
        %bitcast_convert_type3A_490 = tpu.bitcast %shift_left3A_489 : vector<16xi32> -> vector<16xf32>
        %shift_left3A_491 = arith.constant 16 : i32
        %shift_left3A_492 = vector.broadcast %shift_left3A_491 : i32 to vector<16xi32>
        %shift_left3A_493 = arith.shli %get3A_452, %shift_left3A_492 : vector<16xi32>
        %bitcast_convert_type3A_494 = tpu.bitcast %shift_left3A_493 : vector<16xi32> -> vector<16xf32>
        %shift_left3A_495 = arith.constant 16 : i32
        %shift_left3A_496 = vector.broadcast %shift_left3A_495 : i32 to vector<16xi32>
        %shift_left3A_497 = arith.shli %get3A_456, %shift_left3A_496 : vector<16xi32>
        %bitcast_convert_type3A_498 = tpu.bitcast %shift_left3A_497 : vector<16xi32> -> vector<16xf32>
        %shift_left3A_499 = arith.constant 16 : i32
        %shift_left3A_500 = vector.broadcast %shift_left3A_499 : i32 to vector<16xi32>
        %shift_left3A_501 = arith.shli %get3A_460, %shift_left3A_500 : vector<16xi32>
        %bitcast_convert_type3A_502 = tpu.bitcast %shift_left3A_501 : vector<16xi32> -> vector<16xf32>
        %shift_left3A_503 = arith.constant 16 : i32
        %shift_left3A_504 = vector.broadcast %shift_left3A_503 : i32 to vector<16xi32>
        %shift_left3A_505 = arith.shli %get3A_464, %shift_left3A_504 : vector<16xi32>
        %bitcast_convert_type3A_506 = tpu.bitcast %shift_left3A_505 : vector<16xi32> -> vector<16xf32>
        %shift_left3A_507 = arith.constant 16 : i32
        %shift_left3A_508 = vector.broadcast %shift_left3A_507 : i32 to vector<16xi32>
        %shift_left3A_509 = arith.shli %get3A_468, %shift_left3A_508 : vector<16xi32>
        %bitcast_convert_type3A_510 = tpu.bitcast %shift_left3A_509 : vector<16xi32> -> vector<16xf32>
        %shift_left3A_511 = arith.constant 16 : i32
        %shift_left3A_512 = vector.broadcast %shift_left3A_511 : i32 to vector<16xi32>
        %shift_left3A_513 = arith.shli %get3A_472, %shift_left3A_512 : vector<16xi32>
        %bitcast_convert_type3A_514 = tpu.bitcast %shift_left3A_513 : vector<16xi32> -> vector<16xf32>
        %shift_left3A_515 = arith.constant 16 : i32
        %shift_left3A_516 = vector.broadcast %shift_left3A_515 : i32 to vector<16xi32>
        %shift_left3A_517 = arith.shli %get3A_476, %shift_left3A_516 : vector<16xi32>
        %bitcast_convert_type3A_518 = tpu.bitcast %shift_left3A_517 : vector<16xi32> -> vector<16xf32>
        %shift_left3A_519 = arith.constant 16 : i32
        %shift_left3A_520 = vector.broadcast %shift_left3A_519 : i32 to vector<16xi32>
        %shift_left3A_521 = arith.shli %get3A_480, %shift_left3A_520 : vector<16xi32>
        %bitcast_convert_type3A_522 = tpu.bitcast %shift_left3A_521 : vector<16xi32> -> vector<16xf32>
        %shift_left3A_523 = arith.constant 16 : i32
        %shift_left3A_524 = vector.broadcast %shift_left3A_523 : i32 to vector<16xi32>
        %shift_left3A_525 = arith.shli %get3A_484, %shift_left3A_524 : vector<16xi32>
        %bitcast_convert_type3A_526 = tpu.bitcast %shift_left3A_525 : vector<16xi32> -> vector<16xf32>
        %add3A_527 = arith.addf %bitcast_convert_type3A, %bitcast_convert_type3A_490 : vector<16xf32>
        %add3A_528 = arith.addf %bitcast_convert_type3A_494, %bitcast_convert_type3A_498 : vector<16xf32>
        %add3A_529 = arith.addf %bitcast_convert_type3A_502, %bitcast_convert_type3A_506 : vector<16xf32>
        %add3A_530 = arith.addf %bitcast_convert_type3A_510, %bitcast_convert_type3A_514 : vector<16xf32>
        %add3A_531 = arith.addf %bitcast_convert_type3A_518, %bitcast_convert_type3A_522 : vector<16xf32>
        %add3A_532 = arith.addf %add3A_527, %add3A_528 : vector<16xf32>
        %add3A_533 = arith.addf %add3A_529, %add3A_530 : vector<16xf32>
        %add3A_534 = arith.addf %add3A_531, %bitcast_convert_type3A_526 : vector<16xf32>
        %add3A_535 = arith.addf %add3A_532, %add3A_533 : vector<16xf32>
        %add3A_536 = arith.addf %add3A_535, %add3A_534 : vector<16xf32>
        %and3A = arith.andi %get3A_444, %broadcast_in_dim3A_23 : vector<16xi32>
        %bitcast_convert_type3A_537 = tpu.bitcast %and3A : vector<16xi32> -> vector<16xf32>
        %and3A_538 = arith.andi %get3A_448, %broadcast_in_dim3A_23 : vector<16xi32>
        %bitcast_convert_type3A_539 = tpu.bitcast %and3A_538 : vector<16xi32> -> vector<16xf32>
        %and3A_540 = arith.andi %get3A_452, %broadcast_in_dim3A_23 : vector<16xi32>
        %bitcast_convert_type3A_541 = tpu.bitcast %and3A_540 : vector<16xi32> -> vector<16xf32>
        %and3A_542 = arith.andi %get3A_456, %broadcast_in_dim3A_23 : vector<16xi32>
        %bitcast_convert_type3A_543 = tpu.bitcast %and3A_542 : vector<16xi32> -> vector<16xf32>
        %and3A_544 = arith.andi %get3A_460, %broadcast_in_dim3A_23 : vector<16xi32>
        %bitcast_convert_type3A_545 = tpu.bitcast %and3A_544 : vector<16xi32> -> vector<16xf32>
        %and3A_546 = arith.andi %get3A_464, %broadcast_in_dim3A_23 : vector<16xi32>
        %bitcast_convert_type3A_547 = tpu.bitcast %and3A_546 : vector<16xi32> -> vector<16xf32>
        %and3A_548 = arith.andi %get3A_468, %broadcast_in_dim3A_23 : vector<16xi32>
        %bitcast_convert_type3A_549 = tpu.bitcast %and3A_548 : vector<16xi32> -> vector<16xf32>
        %and3A_550 = arith.andi %get3A_472, %broadcast_in_dim3A_23 : vector<16xi32>
        %bitcast_convert_type3A_551 = tpu.bitcast %and3A_550 : vector<16xi32> -> vector<16xf32>
        %and3A_552 = arith.andi %get3A_476, %broadcast_in_dim3A_23 : vector<16xi32>
        %bitcast_convert_type3A_553 = tpu.bitcast %and3A_552 : vector<16xi32> -> vector<16xf32>
        %and3A_554 = arith.andi %get3A_480, %broadcast_in_dim3A_23 : vector<16xi32>
        %bitcast_convert_type3A_555 = tpu.bitcast %and3A_554 : vector<16xi32> -> vector<16xf32>
        %and3A_556 = arith.andi %get3A_484, %broadcast_in_dim3A_23 : vector<16xi32>
        %bitcast_convert_type3A_557 = tpu.bitcast %and3A_556 : vector<16xi32> -> vector<16xf32>
        %add3A_558 = arith.addf %bitcast_convert_type3A_537, %bitcast_convert_type3A_539 : vector<16xf32>
        %add3A_559 = arith.addf %bitcast_convert_type3A_541, %bitcast_convert_type3A_543 : vector<16xf32>
        %add3A_560 = arith.addf %bitcast_convert_type3A_545, %bitcast_convert_type3A_547 : vector<16xf32>
        %add3A_561 = arith.addf %bitcast_convert_type3A_549, %bitcast_convert_type3A_551 : vector<16xf32>
        %add3A_562 = arith.addf %bitcast_convert_type3A_553, %bitcast_convert_type3A_555 : vector<16xf32>
        %add3A_563 = arith.addf %add3A_558, %add3A_559 : vector<16xf32>
        %add3A_564 = arith.addf %add3A_560, %add3A_561 : vector<16xf32>
        %add3A_565 = arith.addf %add3A_562, %bitcast_convert_type3A_557 : vector<16xf32>
        %add3A_566 = arith.addf %add3A_563, %add3A_564 : vector<16xf32>
        %add3A_567 = arith.addf %add3A_566, %add3A_565 : vector<16xf32>
        %abs3A = math.absf %add3A_536 : vector<16xf32>
        %abs3A_568 = math.absf %add3A_567 : vector<16xf32>
        %max3A = arith.maximumf %abs3A, %abs3A_568 : vector<16xf32>
        %max3A_569 = arith.maximumf %scan3A_439, %max3A : vector<16xf32>
        %mul3A_570 = arith.constant 32 : i32
        %mul3A_571 = arith.muli %scan3A_438, %mul3A_570 : i32
        %get3A_572 = arith.index_cast %mul3A_571 : i32 to index
        %get3A_573 = tpu.vector_load %arg13[%get3A_572] {strides = array<i32>} : memref<768xf32, #tpu.memory_space<vmem>>, vector<16xf32>,
        %add3A_574 = arith.addf %add3A_536, %get3A_573 : vector<16xf32>
        %mul3A_575 = arith.constant 32 : i32
        %mul3A_576 = arith.muli %scan3A_438, %mul3A_575 : i32
        %swap3A = arith.constant 0 : i32
        %swap3A_577 = arith.index_cast %swap3A : i32 to index
        %swap3A_578 = arith.index_cast %mul3A_576 : i32 to index
        %swap3A_579 = tpu.vector_load %arg11[%swap3A_577, %swap3A_578] {strides = array<i32>} : memref<4x768xf32, #tpu.memory_space<vmem>>, vector<16xf32>,
        tpu.vector_store %arg11[%swap3A_577, %swap3A_578], %add3A_574 {strides = array<i32>} : memref<4x768xf32, #tpu.memory_space<vmem>>, vector<16xf32>,
        %mul3A_580 = arith.constant 32 : i32
        %mul3A_581 = arith.muli %scan3A_438, %mul3A_580 : i32
        %add3A_582 = arith.constant 16 : i32
        %add3A_583 = arith.addi %mul3A_581, %add3A_582 : i32
        %get3A_584 = arith.index_cast %add3A_583 : i32 to index
        %get3A_585 = tpu.vector_load %arg13[%get3A_584] {strides = array<i32>} : memref<768xf32, #tpu.memory_space<vmem>>, vector<16xf32>,
        %add3A_586 = arith.addf %add3A_567, %get3A_585 : vector<16xf32>
        %mul3A_587 = arith.constant 32 : i32
        %mul3A_588 = arith.muli %scan3A_438, %mul3A_587 : i32
        %add3A_589 = arith.constant 16 : i32
        %add3A_590 = arith.addi %mul3A_588, %add3A_589 : i32
        %swap3A_591 = arith.constant 0 : i32
        %swap3A_592 = arith.index_cast %swap3A_591 : i32 to index
        %swap3A_593 = arith.index_cast %add3A_590 : i32 to index
        %swap3A_594 = tpu.vector_load %arg11[%swap3A_592, %swap3A_593] {strides = array<i32>} : memref<4x768xf32, #tpu.memory_space<vmem>>, vector<16xf32>,
        tpu.vector_store %arg11[%swap3A_592, %swap3A_593], %add3A_586 {strides = array<i32>} : memref<4x768xf32, #tpu.memory_space<vmem>>, vector<16xf32>,
        scf.yield %max3A_569 : vector<16xf32>
      }
      %scan3A_72 = arith.constant 24 : i32
      %reduce_max3A = arith.constant true
      %reduce_max3A_73 = vector.broadcast %reduce_max3A : i1 to vector<16xi1>
      %reduce_max3A_74 = tpu.scan <max>, %scan3A_71 masked %reduce_max3A_73 : vector<16xf32>, vector<16xi1> -> vector<16xf32>
      %reduce_max3A_75 = vector.extract %reduce_max3A_74[15] : f32 from vector<16xf32>
      %eq3A = arith.constant 0.000000e+00 : f32
      %eq3A_76 = arith.cmpf oeq, %reduce_max3A_75, %eq3A : f32
      %convert_element_type3A_77 = arith.extui %eq3A_76 : i1 to i32
      %cond3A_78 = arith.constant 0 : i32
      %cond3A_79 = arith.cmpi ne, %convert_element_type3A_77, %cond3A_78 : i32
      scf.if %cond3A_79 {
        %scan3A_438 = arith.constant 0 : i32
        %scan3A_439 = arith.constant 0 : i32
        %scan3A_440 = arith.constant 48 : i32
        %scan3A_441 = arith.addi %scan3A_439, %scan3A_440 : i32
        %scan3A_442 = arith.constant 1 : i32
        %scan3A_443 = scf.for %scan3A_445 = %scan3A_439 to %scan3A_441 step %scan3A_442 iter_args(%scan3A_446 = %scan3A_438) -> (i32)  : i32 {
          %broadcast_in_dim3A_447 = arith.constant 0.000000e+00 : f32
          %broadcast_in_dim3A_448 = vector.broadcast %broadcast_in_dim3A_447 : f32 to vector<16xf32>
          %mul3A_449 = arith.constant 16 : i32
          %mul3A_450 = arith.muli %scan3A_445, %mul3A_449 : i32
          %swap3A = arith.constant 0 : i32
          %swap3A_451 = arith.index_cast %swap3A : i32 to index
          %swap3A_452 = arith.index_cast %mul3A_450 : i32 to index
          %swap3A_453 = tpu.vector_load %arg11[%swap3A_451, %swap3A_452] {strides = array<i32>} : memref<4x768xf32, #tpu.memory_space<vmem>>, vector<16xf32>,
          tpu.vector_store %arg11[%swap3A_451, %swap3A_452], %broadcast_in_dim3A_448 {strides = array<i32>} : memref<4x768xf32, #tpu.memory_space<vmem>>, vector<16xf32>,
          %scan3A_454 = arith.constant 0 : i32
          scf.yield %scan3A_454 : i32
        }
        %scan3A_444 = arith.constant 48 : i32
      } else {
      }
      %broadcast_in_dim3A_80 = arith.constant 0.000000e+00 : f32
      %broadcast_in_dim3A_81 = vector.broadcast %broadcast_in_dim3A_80 : f32 to vector<16xf32>
      %scan3A_82 = arith.constant 0 : i32
      %scan3A_83 = arith.constant 24 : i32
      %scan3A_84 = arith.addi %scan3A_82, %scan3A_83 : i32
      %scan3A_85 = arith.constant 1 : i32
      %scan3A_86 = scf.for %scan3A_438 = %scan3A_82 to %scan3A_84 step %scan3A_85 iter_args(%scan3A_439 = %broadcast_in_dim3A_81) -> (vector<16xf32>)  : i32 {
        %mul3A_440 = arith.constant 16 : i32
        %mul3A_441 = arith.muli %scan3A_438, %mul3A_440 : i32
        %get3A = arith.constant 11 : i32
        %get3A_442 = arith.index_cast %get3A : i32 to index
        %get3A_443 = arith.index_cast %mul3A_441 : i32 to index
        %get3A_444 = tpu.vector_load %arg7[%get3A_442, %get3A_443] {strides = array<i32>} : memref<44x384xi32, #tpu.memory_space<vmem>>, vector<16xi32>,
        %get3A_445 = arith.constant 12 : i32
        %get3A_446 = arith.index_cast %get3A_445 : i32 to index
        %get3A_447 = arith.index_cast %mul3A_441 : i32 to index
        %get3A_448 = tpu.vector_load %arg7[%get3A_446, %get3A_447] {strides = array<i32>} : memref<44x384xi32, #tpu.memory_space<vmem>>, vector<16xi32>,
        %get3A_449 = arith.constant 13 : i32
        %get3A_450 = arith.index_cast %get3A_449 : i32 to index
        %get3A_451 = arith.index_cast %mul3A_441 : i32 to index
        %get3A_452 = tpu.vector_load %arg7[%get3A_450, %get3A_451] {strides = array<i32>} : memref<44x384xi32, #tpu.memory_space<vmem>>, vector<16xi32>,
        %get3A_453 = arith.constant 14 : i32
        %get3A_454 = arith.index_cast %get3A_453 : i32 to index
        %get3A_455 = arith.index_cast %mul3A_441 : i32 to index
        %get3A_456 = tpu.vector_load %arg7[%get3A_454, %get3A_455] {strides = array<i32>} : memref<44x384xi32, #tpu.memory_space<vmem>>, vector<16xi32>,
        %get3A_457 = arith.constant 15 : i32
        %get3A_458 = arith.index_cast %get3A_457 : i32 to index
        %get3A_459 = arith.index_cast %mul3A_441 : i32 to index
        %get3A_460 = tpu.vector_load %arg7[%get3A_458, %get3A_459] {strides = array<i32>} : memref<44x384xi32, #tpu.memory_space<vmem>>, vector<16xi32>,
        %get3A_461 = arith.constant 16 : i32
        %get3A_462 = arith.index_cast %get3A_461 : i32 to index
        %get3A_463 = arith.index_cast %mul3A_441 : i32 to index
        %get3A_464 = tpu.vector_load %arg7[%get3A_462, %get3A_463] {strides = array<i32>} : memref<44x384xi32, #tpu.memory_space<vmem>>, vector<16xi32>,
        %get3A_465 = arith.constant 17 : i32
        %get3A_466 = arith.index_cast %get3A_465 : i32 to index
        %get3A_467 = arith.index_cast %mul3A_441 : i32 to index
        %get3A_468 = tpu.vector_load %arg7[%get3A_466, %get3A_467] {strides = array<i32>} : memref<44x384xi32, #tpu.memory_space<vmem>>, vector<16xi32>,
        %get3A_469 = arith.constant 18 : i32
        %get3A_470 = arith.index_cast %get3A_469 : i32 to index
        %get3A_471 = arith.index_cast %mul3A_441 : i32 to index
        %get3A_472 = tpu.vector_load %arg7[%get3A_470, %get3A_471] {strides = array<i32>} : memref<44x384xi32, #tpu.memory_space<vmem>>, vector<16xi32>,
        %get3A_473 = arith.constant 19 : i32
        %get3A_474 = arith.index_cast %get3A_473 : i32 to index
        %get3A_475 = arith.index_cast %mul3A_441 : i32 to index
        %get3A_476 = tpu.vector_load %arg7[%get3A_474, %get3A_475] {strides = array<i32>} : memref<44x384xi32, #tpu.memory_space<vmem>>, vector<16xi32>,
        %get3A_477 = arith.constant 20 : i32
        %get3A_478 = arith.index_cast %get3A_477 : i32 to index
        %get3A_479 = arith.index_cast %mul3A_441 : i32 to index
        %get3A_480 = tpu.vector_load %arg7[%get3A_478, %get3A_479] {strides = array<i32>} : memref<44x384xi32, #tpu.memory_space<vmem>>, vector<16xi32>,
        %get3A_481 = arith.constant 21 : i32
        %get3A_482 = arith.index_cast %get3A_481 : i32 to index
        %get3A_483 = arith.index_cast %mul3A_441 : i32 to index
        %get3A_484 = tpu.vector_load %arg7[%get3A_482, %get3A_483] {strides = array<i32>} : memref<44x384xi32, #tpu.memory_space<vmem>>, vector<16xi32>,
        %shift_left3A = arith.constant 16 : i32
        %shift_left3A_485 = vector.broadcast %shift_left3A : i32 to vector<16xi32>
        %shift_left3A_486 = arith.shli %get3A_444, %shift_left3A_485 : vector<16xi32>
        %bitcast_convert_type3A = tpu.bitcast %shift_left3A_486 : vector<16xi32> -> vector<16xf32>
        %shift_left3A_487 = arith.constant 16 : i32
        %shift_left3A_488 = vector.broadcast %shift_left3A_487 : i32 to vector<16xi32>
        %shift_left3A_489 = arith.shli %get3A_448, %shift_left3A_488 : vector<16xi32>
        %bitcast_convert_type3A_490 = tpu.bitcast %shift_left3A_489 : vector<16xi32> -> vector<16xf32>
        %shift_left3A_491 = arith.constant 16 : i32
        %shift_left3A_492 = vector.broadcast %shift_left3A_491 : i32 to vector<16xi32>
        %shift_left3A_493 = arith.shli %get3A_452, %shift_left3A_492 : vector<16xi32>
        %bitcast_convert_type3A_494 = tpu.bitcast %shift_left3A_493 : vector<16xi32> -> vector<16xf32>
        %shift_left3A_495 = arith.constant 16 : i32
        %shift_left3A_496 = vector.broadcast %shift_left3A_495 : i32 to vector<16xi32>
        %shift_left3A_497 = arith.shli %get3A_456, %shift_left3A_496 : vector<16xi32>
        %bitcast_convert_type3A_498 = tpu.bitcast %shift_left3A_497 : vector<16xi32> -> vector<16xf32>
        %shift_left3A_499 = arith.constant 16 : i32
        %shift_left3A_500 = vector.broadcast %shift_left3A_499 : i32 to vector<16xi32>
        %shift_left3A_501 = arith.shli %get3A_460, %shift_left3A_500 : vector<16xi32>
        %bitcast_convert_type3A_502 = tpu.bitcast %shift_left3A_501 : vector<16xi32> -> vector<16xf32>
        %shift_left3A_503 = arith.constant 16 : i32
        %shift_left3A_504 = vector.broadcast %shift_left3A_503 : i32 to vector<16xi32>
        %shift_left3A_505 = arith.shli %get3A_464, %shift_left3A_504 : vector<16xi32>
        %bitcast_convert_type3A_506 = tpu.bitcast %shift_left3A_505 : vector<16xi32> -> vector<16xf32>
        %shift_left3A_507 = arith.constant 16 : i32
        %shift_left3A_508 = vector.broadcast %shift_left3A_507 : i32 to vector<16xi32>
        %shift_left3A_509 = arith.shli %get3A_468, %shift_left3A_508 : vector<16xi32>
        %bitcast_convert_type3A_510 = tpu.bitcast %shift_left3A_509 : vector<16xi32> -> vector<16xf32>
        %shift_left3A_511 = arith.constant 16 : i32
        %shift_left3A_512 = vector.broadcast %shift_left3A_511 : i32 to vector<16xi32>
        %shift_left3A_513 = arith.shli %get3A_472, %shift_left3A_512 : vector<16xi32>
        %bitcast_convert_type3A_514 = tpu.bitcast %shift_left3A_513 : vector<16xi32> -> vector<16xf32>
        %shift_left3A_515 = arith.constant 16 : i32
        %shift_left3A_516 = vector.broadcast %shift_left3A_515 : i32 to vector<16xi32>
        %shift_left3A_517 = arith.shli %get3A_476, %shift_left3A_516 : vector<16xi32>
        %bitcast_convert_type3A_518 = tpu.bitcast %shift_left3A_517 : vector<16xi32> -> vector<16xf32>
        %shift_left3A_519 = arith.constant 16 : i32
        %shift_left3A_520 = vector.broadcast %shift_left3A_519 : i32 to vector<16xi32>
        %shift_left3A_521 = arith.shli %get3A_480, %shift_left3A_520 : vector<16xi32>
        %bitcast_convert_type3A_522 = tpu.bitcast %shift_left3A_521 : vector<16xi32> -> vector<16xf32>
        %shift_left3A_523 = arith.constant 16 : i32
        %shift_left3A_524 = vector.broadcast %shift_left3A_523 : i32 to vector<16xi32>
        %shift_left3A_525 = arith.shli %get3A_484, %shift_left3A_524 : vector<16xi32>
        %bitcast_convert_type3A_526 = tpu.bitcast %shift_left3A_525 : vector<16xi32> -> vector<16xf32>
        %add3A_527 = arith.addf %bitcast_convert_type3A, %bitcast_convert_type3A_490 : vector<16xf32>
        %add3A_528 = arith.addf %bitcast_convert_type3A_494, %bitcast_convert_type3A_498 : vector<16xf32>
        %add3A_529 = arith.addf %bitcast_convert_type3A_502, %bitcast_convert_type3A_506 : vector<16xf32>
        %add3A_530 = arith.addf %bitcast_convert_type3A_510, %bitcast_convert_type3A_514 : vector<16xf32>
        %add3A_531 = arith.addf %bitcast_convert_type3A_518, %bitcast_convert_type3A_522 : vector<16xf32>
        %add3A_532 = arith.addf %add3A_527, %add3A_528 : vector<16xf32>
        %add3A_533 = arith.addf %add3A_529, %add3A_530 : vector<16xf32>
        %add3A_534 = arith.addf %add3A_531, %bitcast_convert_type3A_526 : vector<16xf32>
        %add3A_535 = arith.addf %add3A_532, %add3A_533 : vector<16xf32>
        %add3A_536 = arith.addf %add3A_535, %add3A_534 : vector<16xf32>
        %and3A = arith.andi %get3A_444, %broadcast_in_dim3A_23 : vector<16xi32>
        %bitcast_convert_type3A_537 = tpu.bitcast %and3A : vector<16xi32> -> vector<16xf32>
        %and3A_538 = arith.andi %get3A_448, %broadcast_in_dim3A_23 : vector<16xi32>
        %bitcast_convert_type3A_539 = tpu.bitcast %and3A_538 : vector<16xi32> -> vector<16xf32>
        %and3A_540 = arith.andi %get3A_452, %broadcast_in_dim3A_23 : vector<16xi32>
        %bitcast_convert_type3A_541 = tpu.bitcast %and3A_540 : vector<16xi32> -> vector<16xf32>
        %and3A_542 = arith.andi %get3A_456, %broadcast_in_dim3A_23 : vector<16xi32>
        %bitcast_convert_type3A_543 = tpu.bitcast %and3A_542 : vector<16xi32> -> vector<16xf32>
        %and3A_544 = arith.andi %get3A_460, %broadcast_in_dim3A_23 : vector<16xi32>
        %bitcast_convert_type3A_545 = tpu.bitcast %and3A_544 : vector<16xi32> -> vector<16xf32>
        %and3A_546 = arith.andi %get3A_464, %broadcast_in_dim3A_23 : vector<16xi32>
        %bitcast_convert_type3A_547 = tpu.bitcast %and3A_546 : vector<16xi32> -> vector<16xf32>
        %and3A_548 = arith.andi %get3A_468, %broadcast_in_dim3A_23 : vector<16xi32>
        %bitcast_convert_type3A_549 = tpu.bitcast %and3A_548 : vector<16xi32> -> vector<16xf32>
        %and3A_550 = arith.andi %get3A_472, %broadcast_in_dim3A_23 : vector<16xi32>
        %bitcast_convert_type3A_551 = tpu.bitcast %and3A_550 : vector<16xi32> -> vector<16xf32>
        %and3A_552 = arith.andi %get3A_476, %broadcast_in_dim3A_23 : vector<16xi32>
        %bitcast_convert_type3A_553 = tpu.bitcast %and3A_552 : vector<16xi32> -> vector<16xf32>
        %and3A_554 = arith.andi %get3A_480, %broadcast_in_dim3A_23 : vector<16xi32>
        %bitcast_convert_type3A_555 = tpu.bitcast %and3A_554 : vector<16xi32> -> vector<16xf32>
        %and3A_556 = arith.andi %get3A_484, %broadcast_in_dim3A_23 : vector<16xi32>
        %bitcast_convert_type3A_557 = tpu.bitcast %and3A_556 : vector<16xi32> -> vector<16xf32>
        %add3A_558 = arith.addf %bitcast_convert_type3A_537, %bitcast_convert_type3A_539 : vector<16xf32>
        %add3A_559 = arith.addf %bitcast_convert_type3A_541, %bitcast_convert_type3A_543 : vector<16xf32>
        %add3A_560 = arith.addf %bitcast_convert_type3A_545, %bitcast_convert_type3A_547 : vector<16xf32>
        %add3A_561 = arith.addf %bitcast_convert_type3A_549, %bitcast_convert_type3A_551 : vector<16xf32>
        %add3A_562 = arith.addf %bitcast_convert_type3A_553, %bitcast_convert_type3A_555 : vector<16xf32>
        %add3A_563 = arith.addf %add3A_558, %add3A_559 : vector<16xf32>
        %add3A_564 = arith.addf %add3A_560, %add3A_561 : vector<16xf32>
        %add3A_565 = arith.addf %add3A_562, %bitcast_convert_type3A_557 : vector<16xf32>
        %add3A_566 = arith.addf %add3A_563, %add3A_564 : vector<16xf32>
        %add3A_567 = arith.addf %add3A_566, %add3A_565 : vector<16xf32>
        %abs3A = math.absf %add3A_536 : vector<16xf32>
        %abs3A_568 = math.absf %add3A_567 : vector<16xf32>
        %max3A = arith.maximumf %abs3A, %abs3A_568 : vector<16xf32>
        %max3A_569 = arith.maximumf %scan3A_439, %max3A : vector<16xf32>
        %mul3A_570 = arith.constant 32 : i32
        %mul3A_571 = arith.muli %scan3A_438, %mul3A_570 : i32
        %get3A_572 = arith.index_cast %mul3A_571 : i32 to index
        %get3A_573 = tpu.vector_load %arg13[%get3A_572] {strides = array<i32>} : memref<768xf32, #tpu.memory_space<vmem>>, vector<16xf32>,
        %add3A_574 = arith.addf %add3A_536, %get3A_573 : vector<16xf32>
        %mul3A_575 = arith.constant 32 : i32
        %mul3A_576 = arith.muli %scan3A_438, %mul3A_575 : i32
        %swap3A = arith.constant 1 : i32
        %swap3A_577 = arith.index_cast %swap3A : i32 to index
        %swap3A_578 = arith.index_cast %mul3A_576 : i32 to index
        %swap3A_579 = tpu.vector_load %arg11[%swap3A_577, %swap3A_578] {strides = array<i32>} : memref<4x768xf32, #tpu.memory_space<vmem>>, vector<16xf32>,
        tpu.vector_store %arg11[%swap3A_577, %swap3A_578], %add3A_574 {strides = array<i32>} : memref<4x768xf32, #tpu.memory_space<vmem>>, vector<16xf32>,
        %mul3A_580 = arith.constant 32 : i32
        %mul3A_581 = arith.muli %scan3A_438, %mul3A_580 : i32
        %add3A_582 = arith.constant 16 : i32
        %add3A_583 = arith.addi %mul3A_581, %add3A_582 : i32
        %get3A_584 = arith.index_cast %add3A_583 : i32 to index
        %get3A_585 = tpu.vector_load %arg13[%get3A_584] {strides = array<i32>} : memref<768xf32, #tpu.memory_space<vmem>>, vector<16xf32>,
        %add3A_586 = arith.addf %add3A_567, %get3A_585 : vector<16xf32>
        %mul3A_587 = arith.constant 32 : i32
        %mul3A_588 = arith.muli %scan3A_438, %mul3A_587 : i32
        %add3A_589 = arith.constant 16 : i32
        %add3A_590 = arith.addi %mul3A_588, %add3A_589 : i32
        %swap3A_591 = arith.constant 1 : i32
        %swap3A_592 = arith.index_cast %swap3A_591 : i32 to index
        %swap3A_593 = arith.index_cast %add3A_590 : i32 to index
        %swap3A_594 = tpu.vector_load %arg11[%swap3A_592, %swap3A_593] {strides = array<i32>} : memref<4x768xf32, #tpu.memory_space<vmem>>, vector<16xf32>,
        tpu.vector_store %arg11[%swap3A_592, %swap3A_593], %add3A_586 {strides = array<i32>} : memref<4x768xf32, #tpu.memory_space<vmem>>, vector<16xf32>,
        scf.yield %max3A_569 : vector<16xf32>
      }
      %scan3A_87 = arith.constant 24 : i32
      %reduce_max3A_88 = arith.constant true
      %reduce_max3A_89 = vector.broadcast %reduce_max3A_88 : i1 to vector<16xi1>
      %reduce_max3A_90 = tpu.scan <max>, %scan3A_86 masked %reduce_max3A_89 : vector<16xf32>, vector<16xi1> -> vector<16xf32>
      %reduce_max3A_91 = vector.extract %reduce_max3A_90[15] : f32 from vector<16xf32>
      %eq3A_92 = arith.constant 0.000000e+00 : f32
      %eq3A_93 = arith.cmpf oeq, %reduce_max3A_91, %eq3A_92 : f32
      %convert_element_type3A_94 = arith.extui %eq3A_93 : i1 to i32
      %cond3A_95 = arith.constant 0 : i32
      %cond3A_96 = arith.cmpi ne, %convert_element_type3A_94, %cond3A_95 : i32
      scf.if %cond3A_96 {
        %scan3A_438 = arith.constant 0 : i32
        %scan3A_439 = arith.constant 0 : i32
        %scan3A_440 = arith.constant 48 : i32
        %scan3A_441 = arith.addi %scan3A_439, %scan3A_440 : i32
        %scan3A_442 = arith.constant 1 : i32
        %scan3A_443 = scf.for %scan3A_445 = %scan3A_439 to %scan3A_441 step %scan3A_442 iter_args(%scan3A_446 = %scan3A_438) -> (i32)  : i32 {
          %broadcast_in_dim3A_447 = arith.constant 0.000000e+00 : f32
          %broadcast_in_dim3A_448 = vector.broadcast %broadcast_in_dim3A_447 : f32 to vector<16xf32>
          %mul3A_449 = arith.constant 16 : i32
          %mul3A_450 = arith.muli %scan3A_445, %mul3A_449 : i32
          %swap3A = arith.constant 1 : i32
          %swap3A_451 = arith.index_cast %swap3A : i32 to index
          %swap3A_452 = arith.index_cast %mul3A_450 : i32 to index
          %swap3A_453 = tpu.vector_load %arg11[%swap3A_451, %swap3A_452] {strides = array<i32>} : memref<4x768xf32, #tpu.memory_space<vmem>>, vector<16xf32>,
          tpu.vector_store %arg11[%swap3A_451, %swap3A_452], %broadcast_in_dim3A_448 {strides = array<i32>} : memref<4x768xf32, #tpu.memory_space<vmem>>, vector<16xf32>,
          %scan3A_454 = arith.constant 0 : i32
          scf.yield %scan3A_454 : i32
        }
        %scan3A_444 = arith.constant 48 : i32
      } else {
      }
      %broadcast_in_dim3A_97 = arith.constant 0.000000e+00 : f32
      %broadcast_in_dim3A_98 = vector.broadcast %broadcast_in_dim3A_97 : f32 to vector<16xf32>
      %scan3A_99 = arith.constant 0 : i32
      %scan3A_100 = arith.constant 24 : i32
      %scan3A_101 = arith.addi %scan3A_99, %scan3A_100 : i32
      %scan3A_102 = arith.constant 1 : i32
      %scan3A_103 = scf.for %scan3A_438 = %scan3A_99 to %scan3A_101 step %scan3A_102 iter_args(%scan3A_439 = %broadcast_in_dim3A_98) -> (vector<16xf32>)  : i32 {
        %mul3A_440 = arith.constant 16 : i32
        %mul3A_441 = arith.muli %scan3A_438, %mul3A_440 : i32
        %get3A = arith.constant 22 : i32
        %get3A_442 = arith.index_cast %get3A : i32 to index
        %get3A_443 = arith.index_cast %mul3A_441 : i32 to index
        %get3A_444 = tpu.vector_load %arg7[%get3A_442, %get3A_443] {strides = array<i32>} : memref<44x384xi32, #tpu.memory_space<vmem>>, vector<16xi32>,
        %get3A_445 = arith.constant 23 : i32
        %get3A_446 = arith.index_cast %get3A_445 : i32 to index
        %get3A_447 = arith.index_cast %mul3A_441 : i32 to index
        %get3A_448 = tpu.vector_load %arg7[%get3A_446, %get3A_447] {strides = array<i32>} : memref<44x384xi32, #tpu.memory_space<vmem>>, vector<16xi32>,
        %get3A_449 = arith.constant 24 : i32
        %get3A_450 = arith.index_cast %get3A_449 : i32 to index
        %get3A_451 = arith.index_cast %mul3A_441 : i32 to index
        %get3A_452 = tpu.vector_load %arg7[%get3A_450, %get3A_451] {strides = array<i32>} : memref<44x384xi32, #tpu.memory_space<vmem>>, vector<16xi32>,
        %get3A_453 = arith.constant 25 : i32
        %get3A_454 = arith.index_cast %get3A_453 : i32 to index
        %get3A_455 = arith.index_cast %mul3A_441 : i32 to index
        %get3A_456 = tpu.vector_load %arg7[%get3A_454, %get3A_455] {strides = array<i32>} : memref<44x384xi32, #tpu.memory_space<vmem>>, vector<16xi32>,
        %get3A_457 = arith.constant 26 : i32
        %get3A_458 = arith.index_cast %get3A_457 : i32 to index
        %get3A_459 = arith.index_cast %mul3A_441 : i32 to index
        %get3A_460 = tpu.vector_load %arg7[%get3A_458, %get3A_459] {strides = array<i32>} : memref<44x384xi32, #tpu.memory_space<vmem>>, vector<16xi32>,
        %get3A_461 = arith.constant 27 : i32
        %get3A_462 = arith.index_cast %get3A_461 : i32 to index
        %get3A_463 = arith.index_cast %mul3A_441 : i32 to index
        %get3A_464 = tpu.vector_load %arg7[%get3A_462, %get3A_463] {strides = array<i32>} : memref<44x384xi32, #tpu.memory_space<vmem>>, vector<16xi32>,
        %get3A_465 = arith.constant 28 : i32
        %get3A_466 = arith.index_cast %get3A_465 : i32 to index
        %get3A_467 = arith.index_cast %mul3A_441 : i32 to index
        %get3A_468 = tpu.vector_load %arg7[%get3A_466, %get3A_467] {strides = array<i32>} : memref<44x384xi32, #tpu.memory_space<vmem>>, vector<16xi32>,
        %get3A_469 = arith.constant 29 : i32
        %get3A_470 = arith.index_cast %get3A_469 : i32 to index
        %get3A_471 = arith.index_cast %mul3A_441 : i32 to index
        %get3A_472 = tpu.vector_load %arg7[%get3A_470, %get3A_471] {strides = array<i32>} : memref<44x384xi32, #tpu.memory_space<vmem>>, vector<16xi32>,
        %get3A_473 = arith.constant 30 : i32
        %get3A_474 = arith.index_cast %get3A_473 : i32 to index
        %get3A_475 = arith.index_cast %mul3A_441 : i32 to index
        %get3A_476 = tpu.vector_load %arg7[%get3A_474, %get3A_475] {strides = array<i32>} : memref<44x384xi32, #tpu.memory_space<vmem>>, vector<16xi32>,
        %get3A_477 = arith.constant 31 : i32
        %get3A_478 = arith.index_cast %get3A_477 : i32 to index
        %get3A_479 = arith.index_cast %mul3A_441 : i32 to index
        %get3A_480 = tpu.vector_load %arg7[%get3A_478, %get3A_479] {strides = array<i32>} : memref<44x384xi32, #tpu.memory_space<vmem>>, vector<16xi32>,
        %get3A_481 = arith.constant 32 : i32
        %get3A_482 = arith.index_cast %get3A_481 : i32 to index
        %get3A_483 = arith.index_cast %mul3A_441 : i32 to index
        %get3A_484 = tpu.vector_load %arg7[%get3A_482, %get3A_483] {strides = array<i32>} : memref<44x384xi32, #tpu.memory_space<vmem>>, vector<16xi32>,
        %shift_left3A = arith.constant 16 : i32
        %shift_left3A_485 = vector.broadcast %shift_left3A : i32 to vector<16xi32>
        %shift_left3A_486 = arith.shli %get3A_444, %shift_left3A_485 : vector<16xi32>
        %bitcast_convert_type3A = tpu.bitcast %shift_left3A_486 : vector<16xi32> -> vector<16xf32>
        %shift_left3A_487 = arith.constant 16 : i32
        %shift_left3A_488 = vector.broadcast %shift_left3A_487 : i32 to vector<16xi32>
        %shift_left3A_489 = arith.shli %get3A_448, %shift_left3A_488 : vector<16xi32>
        %bitcast_convert_type3A_490 = tpu.bitcast %shift_left3A_489 : vector<16xi32> -> vector<16xf32>
        %shift_left3A_491 = arith.constant 16 : i32
        %shift_left3A_492 = vector.broadcast %shift_left3A_491 : i32 to vector<16xi32>
        %shift_left3A_493 = arith.shli %get3A_452, %shift_left3A_492 : vector<16xi32>
        %bitcast_convert_type3A_494 = tpu.bitcast %shift_left3A_493 : vector<16xi32> -> vector<16xf32>
        %shift_left3A_495 = arith.constant 16 : i32
        %shift_left3A_496 = vector.broadcast %shift_left3A_495 : i32 to vector<16xi32>
        %shift_left3A_497 = arith.shli %get3A_456, %shift_left3A_496 : vector<16xi32>
        %bitcast_convert_type3A_498 = tpu.bitcast %shift_left3A_497 : vector<16xi32> -> vector<16xf32>
        %shift_left3A_499 = arith.constant 16 : i32
        %shift_left3A_500 = vector.broadcast %shift_left3A_499 : i32 to vector<16xi32>
        %shift_left3A_501 = arith.shli %get3A_460, %shift_left3A_500 : vector<16xi32>
        %bitcast_convert_type3A_502 = tpu.bitcast %shift_left3A_501 : vector<16xi32> -> vector<16xf32>
        %shift_left3A_503 = arith.constant 16 : i32
        %shift_left3A_504 = vector.broadcast %shift_left3A_503 : i32 to vector<16xi32>
        %shift_left3A_505 = arith.shli %get3A_464, %shift_left3A_504 : vector<16xi32>
        %bitcast_convert_type3A_506 = tpu.bitcast %shift_left3A_505 : vector<16xi32> -> vector<16xf32>
        %shift_left3A_507 = arith.constant 16 : i32
        %shift_left3A_508 = vector.broadcast %shift_left3A_507 : i32 to vector<16xi32>
        %shift_left3A_509 = arith.shli %get3A_468, %shift_left3A_508 : vector<16xi32>
        %bitcast_convert_type3A_510 = tpu.bitcast %shift_left3A_509 : vector<16xi32> -> vector<16xf32>
        %shift_left3A_511 = arith.constant 16 : i32
        %shift_left3A_512 = vector.broadcast %shift_left3A_511 : i32 to vector<16xi32>
        %shift_left3A_513 = arith.shli %get3A_472, %shift_left3A_512 : vector<16xi32>
        %bitcast_convert_type3A_514 = tpu.bitcast %shift_left3A_513 : vector<16xi32> -> vector<16xf32>
        %shift_left3A_515 = arith.constant 16 : i32
        %shift_left3A_516 = vector.broadcast %shift_left3A_515 : i32 to vector<16xi32>
        %shift_left3A_517 = arith.shli %get3A_476, %shift_left3A_516 : vector<16xi32>
        %bitcast_convert_type3A_518 = tpu.bitcast %shift_left3A_517 : vector<16xi32> -> vector<16xf32>
        %shift_left3A_519 = arith.constant 16 : i32
        %shift_left3A_520 = vector.broadcast %shift_left3A_519 : i32 to vector<16xi32>
        %shift_left3A_521 = arith.shli %get3A_480, %shift_left3A_520 : vector<16xi32>
        %bitcast_convert_type3A_522 = tpu.bitcast %shift_left3A_521 : vector<16xi32> -> vector<16xf32>
        %shift_left3A_523 = arith.constant 16 : i32
        %shift_left3A_524 = vector.broadcast %shift_left3A_523 : i32 to vector<16xi32>
        %shift_left3A_525 = arith.shli %get3A_484, %shift_left3A_524 : vector<16xi32>
        %bitcast_convert_type3A_526 = tpu.bitcast %shift_left3A_525 : vector<16xi32> -> vector<16xf32>
        %add3A_527 = arith.addf %bitcast_convert_type3A, %bitcast_convert_type3A_490 : vector<16xf32>
        %add3A_528 = arith.addf %bitcast_convert_type3A_494, %bitcast_convert_type3A_498 : vector<16xf32>
        %add3A_529 = arith.addf %bitcast_convert_type3A_502, %bitcast_convert_type3A_506 : vector<16xf32>
        %add3A_530 = arith.addf %bitcast_convert_type3A_510, %bitcast_convert_type3A_514 : vector<16xf32>
        %add3A_531 = arith.addf %bitcast_convert_type3A_518, %bitcast_convert_type3A_522 : vector<16xf32>
        %add3A_532 = arith.addf %add3A_527, %add3A_528 : vector<16xf32>
        %add3A_533 = arith.addf %add3A_529, %add3A_530 : vector<16xf32>
        %add3A_534 = arith.addf %add3A_531, %bitcast_convert_type3A_526 : vector<16xf32>
        %add3A_535 = arith.addf %add3A_532, %add3A_533 : vector<16xf32>
        %add3A_536 = arith.addf %add3A_535, %add3A_534 : vector<16xf32>
        %and3A = arith.andi %get3A_444, %broadcast_in_dim3A_23 : vector<16xi32>
        %bitcast_convert_type3A_537 = tpu.bitcast %and3A : vector<16xi32> -> vector<16xf32>
        %and3A_538 = arith.andi %get3A_448, %broadcast_in_dim3A_23 : vector<16xi32>
        %bitcast_convert_type3A_539 = tpu.bitcast %and3A_538 : vector<16xi32> -> vector<16xf32>
        %and3A_540 = arith.andi %get3A_452, %broadcast_in_dim3A_23 : vector<16xi32>
        %bitcast_convert_type3A_541 = tpu.bitcast %and3A_540 : vector<16xi32> -> vector<16xf32>
        %and3A_542 = arith.andi %get3A_456, %broadcast_in_dim3A_23 : vector<16xi32>
        %bitcast_convert_type3A_543 = tpu.bitcast %and3A_542 : vector<16xi32> -> vector<16xf32>
        %and3A_544 = arith.andi %get3A_460, %broadcast_in_dim3A_23 : vector<16xi32>
        %bitcast_convert_type3A_545 = tpu.bitcast %and3A_544 : vector<16xi32> -> vector<16xf32>
        %and3A_546 = arith.andi %get3A_464, %broadcast_in_dim3A_23 : vector<16xi32>
        %bitcast_convert_type3A_547 = tpu.bitcast %and3A_546 : vector<16xi32> -> vector<16xf32>
        %and3A_548 = arith.andi %get3A_468, %broadcast_in_dim3A_23 : vector<16xi32>
        %bitcast_convert_type3A_549 = tpu.bitcast %and3A_548 : vector<16xi32> -> vector<16xf32>
        %and3A_550 = arith.andi %get3A_472, %broadcast_in_dim3A_23 : vector<16xi32>
        %bitcast_convert_type3A_551 = tpu.bitcast %and3A_550 : vector<16xi32> -> vector<16xf32>
        %and3A_552 = arith.andi %get3A_476, %broadcast_in_dim3A_23 : vector<16xi32>
        %bitcast_convert_type3A_553 = tpu.bitcast %and3A_552 : vector<16xi32> -> vector<16xf32>
        %and3A_554 = arith.andi %get3A_480, %broadcast_in_dim3A_23 : vector<16xi32>
        %bitcast_convert_type3A_555 = tpu.bitcast %and3A_554 : vector<16xi32> -> vector<16xf32>
        %and3A_556 = arith.andi %get3A_484, %broadcast_in_dim3A_23 : vector<16xi32>
        %bitcast_convert_type3A_557 = tpu.bitcast %and3A_556 : vector<16xi32> -> vector<16xf32>
        %add3A_558 = arith.addf %bitcast_convert_type3A_537, %bitcast_convert_type3A_539 : vector<16xf32>
        %add3A_559 = arith.addf %bitcast_convert_type3A_541, %bitcast_convert_type3A_543 : vector<16xf32>
        %add3A_560 = arith.addf %bitcast_convert_type3A_545, %bitcast_convert_type3A_547 : vector<16xf32>
        %add3A_561 = arith.addf %bitcast_convert_type3A_549, %bitcast_convert_type3A_551 : vector<16xf32>
        %add3A_562 = arith.addf %bitcast_convert_type3A_553, %bitcast_convert_type3A_555 : vector<16xf32>
        %add3A_563 = arith.addf %add3A_558, %add3A_559 : vector<16xf32>
        %add3A_564 = arith.addf %add3A_560, %add3A_561 : vector<16xf32>
        %add3A_565 = arith.addf %add3A_562, %bitcast_convert_type3A_557 : vector<16xf32>
        %add3A_566 = arith.addf %add3A_563, %add3A_564 : vector<16xf32>
        %add3A_567 = arith.addf %add3A_566, %add3A_565 : vector<16xf32>
        %abs3A = math.absf %add3A_536 : vector<16xf32>
        %abs3A_568 = math.absf %add3A_567 : vector<16xf32>
        %max3A = arith.maximumf %abs3A, %abs3A_568 : vector<16xf32>
        %max3A_569 = arith.maximumf %scan3A_439, %max3A : vector<16xf32>
        %mul3A_570 = arith.constant 32 : i32
        %mul3A_571 = arith.muli %scan3A_438, %mul3A_570 : i32
        %get3A_572 = arith.index_cast %mul3A_571 : i32 to index
        %get3A_573 = tpu.vector_load %arg13[%get3A_572] {strides = array<i32>} : memref<768xf32, #tpu.memory_space<vmem>>, vector<16xf32>,
        %add3A_574 = arith.addf %add3A_536, %get3A_573 : vector<16xf32>
        %mul3A_575 = arith.constant 32 : i32
        %mul3A_576 = arith.muli %scan3A_438, %mul3A_575 : i32
        %swap3A = arith.constant 2 : i32
        %swap3A_577 = arith.index_cast %swap3A : i32 to index
        %swap3A_578 = arith.index_cast %mul3A_576 : i32 to index
        %swap3A_579 = tpu.vector_load %arg11[%swap3A_577, %swap3A_578] {strides = array<i32>} : memref<4x768xf32, #tpu.memory_space<vmem>>, vector<16xf32>,
        tpu.vector_store %arg11[%swap3A_577, %swap3A_578], %add3A_574 {strides = array<i32>} : memref<4x768xf32, #tpu.memory_space<vmem>>, vector<16xf32>,
        %mul3A_580 = arith.constant 32 : i32
        %mul3A_581 = arith.muli %scan3A_438, %mul3A_580 : i32
        %add3A_582 = arith.constant 16 : i32
        %add3A_583 = arith.addi %mul3A_581, %add3A_582 : i32
        %get3A_584 = arith.index_cast %add3A_583 : i32 to index
        %get3A_585 = tpu.vector_load %arg13[%get3A_584] {strides = array<i32>} : memref<768xf32, #tpu.memory_space<vmem>>, vector<16xf32>,
        %add3A_586 = arith.addf %add3A_567, %get3A_585 : vector<16xf32>
        %mul3A_587 = arith.constant 32 : i32
        %mul3A_588 = arith.muli %scan3A_438, %mul3A_587 : i32
        %add3A_589 = arith.constant 16 : i32
        %add3A_590 = arith.addi %mul3A_588, %add3A_589 : i32
        %swap3A_591 = arith.constant 2 : i32
        %swap3A_592 = arith.index_cast %swap3A_591 : i32 to index
        %swap3A_593 = arith.index_cast %add3A_590 : i32 to index
        %swap3A_594 = tpu.vector_load %arg11[%swap3A_592, %swap3A_593] {strides = array<i32>} : memref<4x768xf32, #tpu.memory_space<vmem>>, vector<16xf32>,
        tpu.vector_store %arg11[%swap3A_592, %swap3A_593], %add3A_586 {strides = array<i32>} : memref<4x768xf32, #tpu.memory_space<vmem>>, vector<16xf32>,
        scf.yield %max3A_569 : vector<16xf32>
      }
      %scan3A_104 = arith.constant 24 : i32
      %reduce_max3A_105 = arith.constant true
      %reduce_max3A_106 = vector.broadcast %reduce_max3A_105 : i1 to vector<16xi1>
      %reduce_max3A_107 = tpu.scan <max>, %scan3A_103 masked %reduce_max3A_106 : vector<16xf32>, vector<16xi1> -> vector<16xf32>
      %reduce_max3A_108 = vector.extract %reduce_max3A_107[15] : f32 from vector<16xf32>
      %eq3A_109 = arith.constant 0.000000e+00 : f32
      %eq3A_110 = arith.cmpf oeq, %reduce_max3A_108, %eq3A_109 : f32
      %convert_element_type3A_111 = arith.extui %eq3A_110 : i1 to i32
      %cond3A_112 = arith.constant 0 : i32
      %cond3A_113 = arith.cmpi ne, %convert_element_type3A_111, %cond3A_112 : i32
      scf.if %cond3A_113 {
        %scan3A_438 = arith.constant 0 : i32
        %scan3A_439 = arith.constant 0 : i32
        %scan3A_440 = arith.constant 48 : i32
        %scan3A_441 = arith.addi %scan3A_439, %scan3A_440 : i32
        %scan3A_442 = arith.constant 1 : i32
        %scan3A_443 = scf.for %scan3A_445 = %scan3A_439 to %scan3A_441 step %scan3A_442 iter_args(%scan3A_446 = %scan3A_438) -> (i32)  : i32 {
          %broadcast_in_dim3A_447 = arith.constant 0.000000e+00 : f32
          %broadcast_in_dim3A_448 = vector.broadcast %broadcast_in_dim3A_447 : f32 to vector<16xf32>
          %mul3A_449 = arith.constant 16 : i32
          %mul3A_450 = arith.muli %scan3A_445, %mul3A_449 : i32
          %swap3A = arith.constant 2 : i32
          %swap3A_451 = arith.index_cast %swap3A : i32 to index
          %swap3A_452 = arith.index_cast %mul3A_450 : i32 to index
          %swap3A_453 = tpu.vector_load %arg11[%swap3A_451, %swap3A_452] {strides = array<i32>} : memref<4x768xf32, #tpu.memory_space<vmem>>, vector<16xf32>,
          tpu.vector_store %arg11[%swap3A_451, %swap3A_452], %broadcast_in_dim3A_448 {strides = array<i32>} : memref<4x768xf32, #tpu.memory_space<vmem>>, vector<16xf32>,
          %scan3A_454 = arith.constant 0 : i32
          scf.yield %scan3A_454 : i32
        }
        %scan3A_444 = arith.constant 48 : i32
      } else {
      }
      %broadcast_in_dim3A_114 = arith.constant 0.000000e+00 : f32
      %broadcast_in_dim3A_115 = vector.broadcast %broadcast_in_dim3A_114 : f32 to vector<16xf32>
      %scan3A_116 = arith.constant 0 : i32
      %scan3A_117 = arith.constant 24 : i32
      %scan3A_118 = arith.addi %scan3A_116, %scan3A_117 : i32
      %scan3A_119 = arith.constant 1 : i32
      %scan3A_120 = scf.for %scan3A_438 = %scan3A_116 to %scan3A_118 step %scan3A_119 iter_args(%scan3A_439 = %broadcast_in_dim3A_115) -> (vector<16xf32>)  : i32 {
        %mul3A_440 = arith.constant 16 : i32
        %mul3A_441 = arith.muli %scan3A_438, %mul3A_440 : i32
        %get3A = arith.constant 33 : i32
        %get3A_442 = arith.index_cast %get3A : i32 to index
        %get3A_443 = arith.index_cast %mul3A_441 : i32 to index
        %get3A_444 = tpu.vector_load %arg7[%get3A_442, %get3A_443] {strides = array<i32>} : memref<44x384xi32, #tpu.memory_space<vmem>>, vector<16xi32>,
        %get3A_445 = arith.constant 34 : i32
        %get3A_446 = arith.index_cast %get3A_445 : i32 to index
        %get3A_447 = arith.index_cast %mul3A_441 : i32 to index
        %get3A_448 = tpu.vector_load %arg7[%get3A_446, %get3A_447] {strides = array<i32>} : memref<44x384xi32, #tpu.memory_space<vmem>>, vector<16xi32>,
        %get3A_449 = arith.constant 35 : i32
        %get3A_450 = arith.index_cast %get3A_449 : i32 to index
        %get3A_451 = arith.index_cast %mul3A_441 : i32 to index
        %get3A_452 = tpu.vector_load %arg7[%get3A_450, %get3A_451] {strides = array<i32>} : memref<44x384xi32, #tpu.memory_space<vmem>>, vector<16xi32>,
        %get3A_453 = arith.constant 36 : i32
        %get3A_454 = arith.index_cast %get3A_453 : i32 to index
        %get3A_455 = arith.index_cast %mul3A_441 : i32 to index
        %get3A_456 = tpu.vector_load %arg7[%get3A_454, %get3A_455] {strides = array<i32>} : memref<44x384xi32, #tpu.memory_space<vmem>>, vector<16xi32>,
        %get3A_457 = arith.constant 37 : i32
        %get3A_458 = arith.index_cast %get3A_457 : i32 to index
        %get3A_459 = arith.index_cast %mul3A_441 : i32 to index
        %get3A_460 = tpu.vector_load %arg7[%get3A_458, %get3A_459] {strides = array<i32>} : memref<44x384xi32, #tpu.memory_space<vmem>>, vector<16xi32>,
        %get3A_461 = arith.constant 38 : i32
        %get3A_462 = arith.index_cast %get3A_461 : i32 to index
        %get3A_463 = arith.index_cast %mul3A_441 : i32 to index
        %get3A_464 = tpu.vector_load %arg7[%get3A_462, %get3A_463] {strides = array<i32>} : memref<44x384xi32, #tpu.memory_space<vmem>>, vector<16xi32>,
        %get3A_465 = arith.constant 39 : i32
        %get3A_466 = arith.index_cast %get3A_465 : i32 to index
        %get3A_467 = arith.index_cast %mul3A_441 : i32 to index
        %get3A_468 = tpu.vector_load %arg7[%get3A_466, %get3A_467] {strides = array<i32>} : memref<44x384xi32, #tpu.memory_space<vmem>>, vector<16xi32>,
        %get3A_469 = arith.constant 40 : i32
        %get3A_470 = arith.index_cast %get3A_469 : i32 to index
        %get3A_471 = arith.index_cast %mul3A_441 : i32 to index
        %get3A_472 = tpu.vector_load %arg7[%get3A_470, %get3A_471] {strides = array<i32>} : memref<44x384xi32, #tpu.memory_space<vmem>>, vector<16xi32>,
        %get3A_473 = arith.constant 41 : i32
        %get3A_474 = arith.index_cast %get3A_473 : i32 to index
        %get3A_475 = arith.index_cast %mul3A_441 : i32 to index
        %get3A_476 = tpu.vector_load %arg7[%get3A_474, %get3A_475] {strides = array<i32>} : memref<44x384xi32, #tpu.memory_space<vmem>>, vector<16xi32>,
        %get3A_477 = arith.constant 42 : i32
        %get3A_478 = arith.index_cast %get3A_477 : i32 to index
        %get3A_479 = arith.index_cast %mul3A_441 : i32 to index
        %get3A_480 = tpu.vector_load %arg7[%get3A_478, %get3A_479] {strides = array<i32>} : memref<44x384xi32, #tpu.memory_space<vmem>>, vector<16xi32>,
        %get3A_481 = arith.constant 43 : i32
        %get3A_482 = arith.index_cast %get3A_481 : i32 to index
        %get3A_483 = arith.index_cast %mul3A_441 : i32 to index
        %get3A_484 = tpu.vector_load %arg7[%get3A_482, %get3A_483] {strides = array<i32>} : memref<44x384xi32, #tpu.memory_space<vmem>>, vector<16xi32>,
        %shift_left3A = arith.constant 16 : i32
        %shift_left3A_485 = vector.broadcast %shift_left3A : i32 to vector<16xi32>
        %shift_left3A_486 = arith.shli %get3A_444, %shift_left3A_485 : vector<16xi32>
        %bitcast_convert_type3A = tpu.bitcast %shift_left3A_486 : vector<16xi32> -> vector<16xf32>
        %shift_left3A_487 = arith.constant 16 : i32
        %shift_left3A_488 = vector.broadcast %shift_left3A_487 : i32 to vector<16xi32>
        %shift_left3A_489 = arith.shli %get3A_448, %shift_left3A_488 : vector<16xi32>
        %bitcast_convert_type3A_490 = tpu.bitcast %shift_left3A_489 : vector<16xi32> -> vector<16xf32>
        %shift_left3A_491 = arith.constant 16 : i32
        %shift_left3A_492 = vector.broadcast %shift_left3A_491 : i32 to vector<16xi32>
        %shift_left3A_493 = arith.shli %get3A_452, %shift_left3A_492 : vector<16xi32>
        %bitcast_convert_type3A_494 = tpu.bitcast %shift_left3A_493 : vector<16xi32> -> vector<16xf32>
        %shift_left3A_495 = arith.constant 16 : i32
        %shift_left3A_496 = vector.broadcast %shift_left3A_495 : i32 to vector<16xi32>
        %shift_left3A_497 = arith.shli %get3A_456, %shift_left3A_496 : vector<16xi32>
        %bitcast_convert_type3A_498 = tpu.bitcast %shift_left3A_497 : vector<16xi32> -> vector<16xf32>
        %shift_left3A_499 = arith.constant 16 : i32
        %shift_left3A_500 = vector.broadcast %shift_left3A_499 : i32 to vector<16xi32>
        %shift_left3A_501 = arith.shli %get3A_460, %shift_left3A_500 : vector<16xi32>
        %bitcast_convert_type3A_502 = tpu.bitcast %shift_left3A_501 : vector<16xi32> -> vector<16xf32>
        %shift_left3A_503 = arith.constant 16 : i32
        %shift_left3A_504 = vector.broadcast %shift_left3A_503 : i32 to vector<16xi32>
        %shift_left3A_505 = arith.shli %get3A_464, %shift_left3A_504 : vector<16xi32>
        %bitcast_convert_type3A_506 = tpu.bitcast %shift_left3A_505 : vector<16xi32> -> vector<16xf32>
        %shift_left3A_507 = arith.constant 16 : i32
        %shift_left3A_508 = vector.broadcast %shift_left3A_507 : i32 to vector<16xi32>
        %shift_left3A_509 = arith.shli %get3A_468, %shift_left3A_508 : vector<16xi32>
        %bitcast_convert_type3A_510 = tpu.bitcast %shift_left3A_509 : vector<16xi32> -> vector<16xf32>
        %shift_left3A_511 = arith.constant 16 : i32
        %shift_left3A_512 = vector.broadcast %shift_left3A_511 : i32 to vector<16xi32>
        %shift_left3A_513 = arith.shli %get3A_472, %shift_left3A_512 : vector<16xi32>
        %bitcast_convert_type3A_514 = tpu.bitcast %shift_left3A_513 : vector<16xi32> -> vector<16xf32>
        %shift_left3A_515 = arith.constant 16 : i32
        %shift_left3A_516 = vector.broadcast %shift_left3A_515 : i32 to vector<16xi32>
        %shift_left3A_517 = arith.shli %get3A_476, %shift_left3A_516 : vector<16xi32>
        %bitcast_convert_type3A_518 = tpu.bitcast %shift_left3A_517 : vector<16xi32> -> vector<16xf32>
        %shift_left3A_519 = arith.constant 16 : i32
        %shift_left3A_520 = vector.broadcast %shift_left3A_519 : i32 to vector<16xi32>
        %shift_left3A_521 = arith.shli %get3A_480, %shift_left3A_520 : vector<16xi32>
        %bitcast_convert_type3A_522 = tpu.bitcast %shift_left3A_521 : vector<16xi32> -> vector<16xf32>
        %shift_left3A_523 = arith.constant 16 : i32
        %shift_left3A_524 = vector.broadcast %shift_left3A_523 : i32 to vector<16xi32>
        %shift_left3A_525 = arith.shli %get3A_484, %shift_left3A_524 : vector<16xi32>
        %bitcast_convert_type3A_526 = tpu.bitcast %shift_left3A_525 : vector<16xi32> -> vector<16xf32>
        %add3A_527 = arith.addf %bitcast_convert_type3A, %bitcast_convert_type3A_490 : vector<16xf32>
        %add3A_528 = arith.addf %bitcast_convert_type3A_494, %bitcast_convert_type3A_498 : vector<16xf32>
        %add3A_529 = arith.addf %bitcast_convert_type3A_502, %bitcast_convert_type3A_506 : vector<16xf32>
        %add3A_530 = arith.addf %bitcast_convert_type3A_510, %bitcast_convert_type3A_514 : vector<16xf32>
        %add3A_531 = arith.addf %bitcast_convert_type3A_518, %bitcast_convert_type3A_522 : vector<16xf32>
        %add3A_532 = arith.addf %add3A_527, %add3A_528 : vector<16xf32>
        %add3A_533 = arith.addf %add3A_529, %add3A_530 : vector<16xf32>
        %add3A_534 = arith.addf %add3A_531, %bitcast_convert_type3A_526 : vector<16xf32>
        %add3A_535 = arith.addf %add3A_532, %add3A_533 : vector<16xf32>
        %add3A_536 = arith.addf %add3A_535, %add3A_534 : vector<16xf32>
        %and3A = arith.andi %get3A_444, %broadcast_in_dim3A_23 : vector<16xi32>
        %bitcast_convert_type3A_537 = tpu.bitcast %and3A : vector<16xi32> -> vector<16xf32>
        %and3A_538 = arith.andi %get3A_448, %broadcast_in_dim3A_23 : vector<16xi32>
        %bitcast_convert_type3A_539 = tpu.bitcast %and3A_538 : vector<16xi32> -> vector<16xf32>
        %and3A_540 = arith.andi %get3A_452, %broadcast_in_dim3A_23 : vector<16xi32>
        %bitcast_convert_type3A_541 = tpu.bitcast %and3A_540 : vector<16xi32> -> vector<16xf32>
        %and3A_542 = arith.andi %get3A_456, %broadcast_in_dim3A_23 : vector<16xi32>
        %bitcast_convert_type3A_543 = tpu.bitcast %and3A_542 : vector<16xi32> -> vector<16xf32>
        %and3A_544 = arith.andi %get3A_460, %broadcast_in_dim3A_23 : vector<16xi32>
        %bitcast_convert_type3A_545 = tpu.bitcast %and3A_544 : vector<16xi32> -> vector<16xf32>
        %and3A_546 = arith.andi %get3A_464, %broadcast_in_dim3A_23 : vector<16xi32>
        %bitcast_convert_type3A_547 = tpu.bitcast %and3A_546 : vector<16xi32> -> vector<16xf32>
        %and3A_548 = arith.andi %get3A_468, %broadcast_in_dim3A_23 : vector<16xi32>
        %bitcast_convert_type3A_549 = tpu.bitcast %and3A_548 : vector<16xi32> -> vector<16xf32>
        %and3A_550 = arith.andi %get3A_472, %broadcast_in_dim3A_23 : vector<16xi32>
        %bitcast_convert_type3A_551 = tpu.bitcast %and3A_550 : vector<16xi32> -> vector<16xf32>
        %and3A_552 = arith.andi %get3A_476, %broadcast_in_dim3A_23 : vector<16xi32>
        %bitcast_convert_type3A_553 = tpu.bitcast %and3A_552 : vector<16xi32> -> vector<16xf32>
        %and3A_554 = arith.andi %get3A_480, %broadcast_in_dim3A_23 : vector<16xi32>
        %bitcast_convert_type3A_555 = tpu.bitcast %and3A_554 : vector<16xi32> -> vector<16xf32>
        %and3A_556 = arith.andi %get3A_484, %broadcast_in_dim3A_23 : vector<16xi32>
        %bitcast_convert_type3A_557 = tpu.bitcast %and3A_556 : vector<16xi32> -> vector<16xf32>
        %add3A_558 = arith.addf %bitcast_convert_type3A_537, %bitcast_convert_type3A_539 : vector<16xf32>
        %add3A_559 = arith.addf %bitcast_convert_type3A_541, %bitcast_convert_type3A_543 : vector<16xf32>
        %add3A_560 = arith.addf %bitcast_convert_type3A_545, %bitcast_convert_type3A_547 : vector<16xf32>
        %add3A_561 = arith.addf %bitcast_convert_type3A_549, %bitcast_convert_type3A_551 : vector<16xf32>
        %add3A_562 = arith.addf %bitcast_convert_type3A_553, %bitcast_convert_type3A_555 : vector<16xf32>
        %add3A_563 = arith.addf %add3A_558, %add3A_559 : vector<16xf32>
        %add3A_564 = arith.addf %add3A_560, %add3A_561 : vector<16xf32>
        %add3A_565 = arith.addf %add3A_562, %bitcast_convert_type3A_557 : vector<16xf32>
        %add3A_566 = arith.addf %add3A_563, %add3A_564 : vector<16xf32>
        %add3A_567 = arith.addf %add3A_566, %add3A_565 : vector<16xf32>
        %abs3A = math.absf %add3A_536 : vector<16xf32>
        %abs3A_568 = math.absf %add3A_567 : vector<16xf32>
        %max3A = arith.maximumf %abs3A, %abs3A_568 : vector<16xf32>
        %max3A_569 = arith.maximumf %scan3A_439, %max3A : vector<16xf32>
        %mul3A_570 = arith.constant 32 : i32
        %mul3A_571 = arith.muli %scan3A_438, %mul3A_570 : i32
        %get3A_572 = arith.index_cast %mul3A_571 : i32 to index
        %get3A_573 = tpu.vector_load %arg13[%get3A_572] {strides = array<i32>} : memref<768xf32, #tpu.memory_space<vmem>>, vector<16xf32>,
        %add3A_574 = arith.addf %add3A_536, %get3A_573 : vector<16xf32>
        %mul3A_575 = arith.constant 32 : i32
        %mul3A_576 = arith.muli %scan3A_438, %mul3A_575 : i32
        %swap3A = arith.constant 3 : i32
        %swap3A_577 = arith.index_cast %swap3A : i32 to index
        %swap3A_578 = arith.index_cast %mul3A_576 : i32 to index
        %swap3A_579 = tpu.vector_load %arg11[%swap3A_577, %swap3A_578] {strides = array<i32>} : memref<4x768xf32, #tpu.memory_space<vmem>>, vector<16xf32>,
        tpu.vector_store %arg11[%swap3A_577, %swap3A_578], %add3A_574 {strides = array<i32>} : memref<4x768xf32, #tpu.memory_space<vmem>>, vector<16xf32>,
        %mul3A_580 = arith.constant 32 : i32
        %mul3A_581 = arith.muli %scan3A_438, %mul3A_580 : i32
        %add3A_582 = arith.constant 16 : i32
        %add3A_583 = arith.addi %mul3A_581, %add3A_582 : i32
        %get3A_584 = arith.index_cast %add3A_583 : i32 to index
        %get3A_585 = tpu.vector_load %arg13[%get3A_584] {strides = array<i32>} : memref<768xf32, #tpu.memory_space<vmem>>, vector<16xf32>,
        %add3A_586 = arith.addf %add3A_567, %get3A_585 : vector<16xf32>
        %mul3A_587 = arith.constant 32 : i32
        %mul3A_588 = arith.muli %scan3A_438, %mul3A_587 : i32
        %add3A_589 = arith.constant 16 : i32
        %add3A_590 = arith.addi %mul3A_588, %add3A_589 : i32
        %swap3A_591 = arith.constant 3 : i32
        %swap3A_592 = arith.index_cast %swap3A_591 : i32 to index
        %swap3A_593 = arith.index_cast %add3A_590 : i32 to index
        %swap3A_594 = tpu.vector_load %arg11[%swap3A_592, %swap3A_593] {strides = array<i32>} : memref<4x768xf32, #tpu.memory_space<vmem>>, vector<16xf32>,
        tpu.vector_store %arg11[%swap3A_592, %swap3A_593], %add3A_586 {strides = array<i32>} : memref<4x768xf32, #tpu.memory_space<vmem>>, vector<16xf32>,
        scf.yield %max3A_569 : vector<16xf32>
      }
      %scan3A_121 = arith.constant 24 : i32
      %reduce_max3A_122 = arith.constant true
      %reduce_max3A_123 = vector.broadcast %reduce_max3A_122 : i1 to vector<16xi1>
      %reduce_max3A_124 = tpu.scan <max>, %scan3A_120 masked %reduce_max3A_123 : vector<16xf32>, vector<16xi1> -> vector<16xf32>
      %reduce_max3A_125 = vector.extract %reduce_max3A_124[15] : f32 from vector<16xf32>
      %eq3A_126 = arith.constant 0.000000e+00 : f32
      %eq3A_127 = arith.cmpf oeq, %reduce_max3A_125, %eq3A_126 : f32
      %convert_element_type3A_128 = arith.extui %eq3A_127 : i1 to i32
      %cond3A_129 = arith.constant 0 : i32
      %cond3A_130 = arith.cmpi ne, %convert_element_type3A_128, %cond3A_129 : i32
      scf.if %cond3A_130 {
        %scan3A_438 = arith.constant 0 : i32
        %scan3A_439 = arith.constant 0 : i32
        %scan3A_440 = arith.constant 48 : i32
        %scan3A_441 = arith.addi %scan3A_439, %scan3A_440 : i32
        %scan3A_442 = arith.constant 1 : i32
        %scan3A_443 = scf.for %scan3A_445 = %scan3A_439 to %scan3A_441 step %scan3A_442 iter_args(%scan3A_446 = %scan3A_438) -> (i32)  : i32 {
          %broadcast_in_dim3A_447 = arith.constant 0.000000e+00 : f32
          %broadcast_in_dim3A_448 = vector.broadcast %broadcast_in_dim3A_447 : f32 to vector<16xf32>
          %mul3A_449 = arith.constant 16 : i32
          %mul3A_450 = arith.muli %scan3A_445, %mul3A_449 : i32
          %swap3A = arith.constant 3 : i32
          %swap3A_451 = arith.index_cast %swap3A : i32 to index
          %swap3A_452 = arith.index_cast %mul3A_450 : i32 to index
          %swap3A_453 = tpu.vector_load %arg11[%swap3A_451, %swap3A_452] {strides = array<i32>} : memref<4x768xf32, #tpu.memory_space<vmem>>, vector<16xf32>,
          tpu.vector_store %arg11[%swap3A_451, %swap3A_452], %broadcast_in_dim3A_448 {strides = array<i32>} : memref<4x768xf32, #tpu.memory_space<vmem>>, vector<16xf32>,
          %scan3A_454 = arith.constant 0 : i32
          scf.yield %scan3A_454 : i32
        }
        %scan3A_444 = arith.constant 48 : i32
      } else {
      }
      %mul3A_131 = arith.constant 2080 : i32
      %mul3A_132 = arith.muli %add3A, %mul3A_131 : i32
      %mul3A_133 = arith.constant 4 : i32
      %mul3A_134 = arith.muli %add3A_50, %mul3A_133 : i32
      %add3A_135 = arith.addi %mul3A_132, %mul3A_134 : i32
      %dma_start3A_136 = arith.constant 0 : i32
      %dma_start3A_137 = tpu.memref_slice %arg5[%add3A_135, %dma_start3A_136] : memref<66560x768xf32, #tpu.memory_space<hbm>> -> memref<4x768xf32, #tpu.memory_space<hbm>>
      %dma_start3A_138 = arith.constant 0 : i32
      %dma_start3A_139 = tpu.memref_slice %arg5[%add3A_135, %dma_start3A_138] : memref<66560x768xf32, #tpu.memory_space<hbm>> -> memref<4x768xf32, #tpu.memory_space<hbm>>
      tpu.enqueue_dma source(%arg11 : memref<4x768xf32, #tpu.memory_space<vmem>>) target(%dma_start3A_139 : memref<4x768xf32, #tpu.memory_space<hbm>>) target_semaphore(%arg18 : memref<!tpu.dma_semaphore, #tpu.memory_space<semaphore_mem>>)
      %mul3A_140 = arith.constant 4 : i32
      %mul3A_141 = arith.muli %scan3A_45, %mul3A_140 : i32
      %add3A_142 = arith.constant 1 : i32
      %add3A_143 = arith.addi %mul3A_141, %add3A_142 : i32
      %add3A_144 = arith.constant 3 : i32
      %add3A_145 = arith.addi %add3A_143, %add3A_144 : i32
      %lt3A_146 = arith.constant 520 : i32
      %lt3A_147 = arith.cmpi slt, %add3A_145, %lt3A_146 : i32
      %convert_element_type3A_148 = arith.extui %lt3A_147 : i1 to i32
      %cond3A_149 = arith.constant 0 : i32
      %cond3A_150 = arith.cmpi ne, %convert_element_type3A_148, %cond3A_149 : i32
      scf.if %cond3A_150 {
        %add3A_438 = arith.constant 3 : i32
        %add3A_439 = arith.addi %add3A_143, %add3A_438 : i32
        %dma_start3A_440 = arith.constant 0 : i32
        %dma_start3A_441 = tpu.memref_slice %arg6[%add3A_439, %dma_start3A_440] : memref<520x44xi32, #tpu.memory_space<vmem>> -> memref<1x44xi32, #tpu.memory_space<vmem>>
        %dma_start3A_442 = tpu.memref_squeeze %dma_start3A_441 : memref<1x44xi32, #tpu.memory_space<vmem>> -> memref<44xi32, #tpu.memory_space<vmem>>
        %dma_start3A_443 = arith.constant 0 : i32
        %dma_start3A_444 = arith.constant 0 : i32
        %dma_start3A_445 = tpu.memref_slice %arg2[%dma_start3A_443, %dma_start3A_444] : memref<5634x384xi32, #tpu.memory_space<hbm>> -> memref<5634x384xi32, #tpu.memory_space<hbm>>
        tpu.enqueue_indirect_dma source(%dma_start3A_445 : memref<5634x384xi32, #tpu.memory_space<hbm>>) target(%arg7 : memref<44x384xi32, #tpu.memory_space<vmem>>) offsets(%dma_start3A_442 : memref<44xi32, #tpu.memory_space<vmem>>) semaphore(%arg14 : memref<!tpu.dma_semaphore, #tpu.memory_space<semaphore_mem>>)
      } else {
      }
      %dma_wait3A_151 = arith.constant 0 : i32
      %dma_wait3A_152 = tpu.memref_slice %arg6[%add3A_143, %dma_wait3A_151] : memref<520x44xi32, #tpu.memory_space<vmem>> -> memref<1x44xi32, #tpu.memory_space<vmem>>
      %dma_wait3A_153 = tpu.memref_squeeze %dma_wait3A_152 : memref<1x44xi32, #tpu.memory_space<vmem>> -> memref<44xi32, #tpu.memory_space<vmem>>
      %dma_wait3A_154 = arith.constant 0 : i32
      %dma_wait3A_155 = arith.constant 0 : i32
      %dma_wait3A_156 = tpu.memref_slice %arg2[%dma_wait3A_154, %dma_wait3A_155] : memref<5634x384xi32, #tpu.memory_space<hbm>> -> memref<5634x384xi32, #tpu.memory_space<hbm>>
      tpu.wait_indirect_dma semaphore(%arg15 : memref<!tpu.dma_semaphore, #tpu.memory_space<semaphore_mem>>) src(%dma_wait3A_156 : memref<5634x384xi32, #tpu.memory_space<hbm>>) dst(%arg8 : memref<44x384xi32, #tpu.memory_space<vmem>>)
      %ge3A_157 = arith.constant 2 : i32
      %ge3A_158 = arith.cmpi sge, %add3A_143, %ge3A_157 : i32
      %convert_element_type3A_159 = arith.extui %ge3A_158 : i1 to i32
      %cond3A_160 = arith.constant 0 : i32
      %cond3A_161 = arith.cmpi ne, %convert_element_type3A_159, %cond3A_160 : i32
      scf.if %cond3A_161 {
        %sub3A = arith.constant 2 : i32
        %sub3A_438 = arith.subi %add3A_143, %sub3A : i32
        %mul3A_439 = arith.constant 2080 : i32
        %mul3A_440 = arith.muli %add3A, %mul3A_439 : i32
        %mul3A_441 = arith.constant 4 : i32
        %mul3A_442 = arith.muli %sub3A_438, %mul3A_441 : i32
        %add3A_443 = arith.addi %mul3A_440, %mul3A_442 : i32
        %dma_wait3A_444 = arith.constant 0 : i32
        %dma_wait3A_445 = tpu.memref_slice %arg5[%add3A_443, %dma_wait3A_444] : memref<66560x768xf32, #tpu.memory_space<hbm>> -> memref<4x768xf32, #tpu.memory_space<hbm>>
        %dma_wait3A_446 = arith.constant 0 : i32
        %dma_wait3A_447 = tpu.memref_slice %arg5[%add3A_443, %dma_wait3A_446] : memref<66560x768xf32, #tpu.memory_space<hbm>> -> memref<4x768xf32, #tpu.memory_space<hbm>>
        tpu.wait_dma2 semaphore(%arg19 : memref<!tpu.dma_semaphore, #tpu.memory_space<semaphore_mem>>) src(%arg12 : memref<4x768xf32, #tpu.memory_space<vmem>>) dst(%dma_wait3A_447 : memref<4x768xf32, #tpu.memory_space<hbm>>)
      } else {
      }
      %broadcast_in_dim3A_162 = arith.constant 0.000000e+00 : f32
      %broadcast_in_dim3A_163 = vector.broadcast %broadcast_in_dim3A_162 : f32 to vector<16xf32>
      %scan3A_164 = arith.constant 0 : i32
      %scan3A_165 = arith.constant 24 : i32
      %scan3A_166 = arith.addi %scan3A_164, %scan3A_165 : i32
      %scan3A_167 = arith.constant 1 : i32
      %scan3A_168 = scf.for %scan3A_438 = %scan3A_164 to %scan3A_166 step %scan3A_167 iter_args(%scan3A_439 = %broadcast_in_dim3A_163) -> (vector<16xf32>)  : i32 {
        %mul3A_440 = arith.constant 16 : i32
        %mul3A_441 = arith.muli %scan3A_438, %mul3A_440 : i32
        %get3A = arith.constant 0 : i32
        %get3A_442 = arith.index_cast %get3A : i32 to index
        %get3A_443 = arith.index_cast %mul3A_441 : i32 to index
        %get3A_444 = tpu.vector_load %arg8[%get3A_442, %get3A_443] {strides = array<i32>} : memref<44x384xi32, #tpu.memory_space<vmem>>, vector<16xi32>,
        %get3A_445 = arith.constant 1 : i32
        %get3A_446 = arith.index_cast %get3A_445 : i32 to index
        %get3A_447 = arith.index_cast %mul3A_441 : i32 to index
        %get3A_448 = tpu.vector_load %arg8[%get3A_446, %get3A_447] {strides = array<i32>} : memref<44x384xi32, #tpu.memory_space<vmem>>, vector<16xi32>,
        %get3A_449 = arith.constant 2 : i32
        %get3A_450 = arith.index_cast %get3A_449 : i32 to index
        %get3A_451 = arith.index_cast %mul3A_441 : i32 to index
        %get3A_452 = tpu.vector_load %arg8[%get3A_450, %get3A_451] {strides = array<i32>} : memref<44x384xi32, #tpu.memory_space<vmem>>, vector<16xi32>,
        %get3A_453 = arith.constant 3 : i32
        %get3A_454 = arith.index_cast %get3A_453 : i32 to index
        %get3A_455 = arith.index_cast %mul3A_441 : i32 to index
        %get3A_456 = tpu.vector_load %arg8[%get3A_454, %get3A_455] {strides = array<i32>} : memref<44x384xi32, #tpu.memory_space<vmem>>, vector<16xi32>,
        %get3A_457 = arith.constant 4 : i32
        %get3A_458 = arith.index_cast %get3A_457 : i32 to index
        %get3A_459 = arith.index_cast %mul3A_441 : i32 to index
        %get3A_460 = tpu.vector_load %arg8[%get3A_458, %get3A_459] {strides = array<i32>} : memref<44x384xi32, #tpu.memory_space<vmem>>, vector<16xi32>,
        %get3A_461 = arith.constant 5 : i32
        %get3A_462 = arith.index_cast %get3A_461 : i32 to index
        %get3A_463 = arith.index_cast %mul3A_441 : i32 to index
        %get3A_464 = tpu.vector_load %arg8[%get3A_462, %get3A_463] {strides = array<i32>} : memref<44x384xi32, #tpu.memory_space<vmem>>, vector<16xi32>,
        %get3A_465 = arith.constant 6 : i32
        %get3A_466 = arith.index_cast %get3A_465 : i32 to index
        %get3A_467 = arith.index_cast %mul3A_441 : i32 to index
        %get3A_468 = tpu.vector_load %arg8[%get3A_466, %get3A_467] {strides = array<i32>} : memref<44x384xi32, #tpu.memory_space<vmem>>, vector<16xi32>,
        %get3A_469 = arith.constant 7 : i32
        %get3A_470 = arith.index_cast %get3A_469 : i32 to index
        %get3A_471 = arith.index_cast %mul3A_441 : i32 to index
        %get3A_472 = tpu.vector_load %arg8[%get3A_470, %get3A_471] {strides = array<i32>} : memref<44x384xi32, #tpu.memory_space<vmem>>, vector<16xi32>,
        %get3A_473 = arith.constant 8 : i32
        %get3A_474 = arith.index_cast %get3A_473 : i32 to index
        %get3A_475 = arith.index_cast %mul3A_441 : i32 to index
        %get3A_476 = tpu.vector_load %arg8[%get3A_474, %get3A_475] {strides = array<i32>} : memref<44x384xi32, #tpu.memory_space<vmem>>, vector<16xi32>,
        %get3A_477 = arith.constant 9 : i32
        %get3A_478 = arith.index_cast %get3A_477 : i32 to index
        %get3A_479 = arith.index_cast %mul3A_441 : i32 to index
        %get3A_480 = tpu.vector_load %arg8[%get3A_478, %get3A_479] {strides = array<i32>} : memref<44x384xi32, #tpu.memory_space<vmem>>, vector<16xi32>,
        %get3A_481 = arith.constant 10 : i32
        %get3A_482 = arith.index_cast %get3A_481 : i32 to index
        %get3A_483 = arith.index_cast %mul3A_441 : i32 to index
        %get3A_484 = tpu.vector_load %arg8[%get3A_482, %get3A_483] {strides = array<i32>} : memref<44x384xi32, #tpu.memory_space<vmem>>, vector<16xi32>,
        %shift_left3A = arith.constant 16 : i32
        %shift_left3A_485 = vector.broadcast %shift_left3A : i32 to vector<16xi32>
        %shift_left3A_486 = arith.shli %get3A_444, %shift_left3A_485 : vector<16xi32>
        %bitcast_convert_type3A = tpu.bitcast %shift_left3A_486 : vector<16xi32> -> vector<16xf32>
        %shift_left3A_487 = arith.constant 16 : i32
        %shift_left3A_488 = vector.broadcast %shift_left3A_487 : i32 to vector<16xi32>
        %shift_left3A_489 = arith.shli %get3A_448, %shift_left3A_488 : vector<16xi32>
        %bitcast_convert_type3A_490 = tpu.bitcast %shift_left3A_489 : vector<16xi32> -> vector<16xf32>
        %shift_left3A_491 = arith.constant 16 : i32
        %shift_left3A_492 = vector.broadcast %shift_left3A_491 : i32 to vector<16xi32>
        %shift_left3A_493 = arith.shli %get3A_452, %shift_left3A_492 : vector<16xi32>
        %bitcast_convert_type3A_494 = tpu.bitcast %shift_left3A_493 : vector<16xi32> -> vector<16xf32>
        %shift_left3A_495 = arith.constant 16 : i32
        %shift_left3A_496 = vector.broadcast %shift_left3A_495 : i32 to vector<16xi32>
        %shift_left3A_497 = arith.shli %get3A_456, %shift_left3A_496 : vector<16xi32>
        %bitcast_convert_type3A_498 = tpu.bitcast %shift_left3A_497 : vector<16xi32> -> vector<16xf32>
        %shift_left3A_499 = arith.constant 16 : i32
        %shift_left3A_500 = vector.broadcast %shift_left3A_499 : i32 to vector<16xi32>
        %shift_left3A_501 = arith.shli %get3A_460, %shift_left3A_500 : vector<16xi32>
        %bitcast_convert_type3A_502 = tpu.bitcast %shift_left3A_501 : vector<16xi32> -> vector<16xf32>
        %shift_left3A_503 = arith.constant 16 : i32
        %shift_left3A_504 = vector.broadcast %shift_left3A_503 : i32 to vector<16xi32>
        %shift_left3A_505 = arith.shli %get3A_464, %shift_left3A_504 : vector<16xi32>
        %bitcast_convert_type3A_506 = tpu.bitcast %shift_left3A_505 : vector<16xi32> -> vector<16xf32>
        %shift_left3A_507 = arith.constant 16 : i32
        %shift_left3A_508 = vector.broadcast %shift_left3A_507 : i32 to vector<16xi32>
        %shift_left3A_509 = arith.shli %get3A_468, %shift_left3A_508 : vector<16xi32>
        %bitcast_convert_type3A_510 = tpu.bitcast %shift_left3A_509 : vector<16xi32> -> vector<16xf32>
        %shift_left3A_511 = arith.constant 16 : i32
        %shift_left3A_512 = vector.broadcast %shift_left3A_511 : i32 to vector<16xi32>
        %shift_left3A_513 = arith.shli %get3A_472, %shift_left3A_512 : vector<16xi32>
        %bitcast_convert_type3A_514 = tpu.bitcast %shift_left3A_513 : vector<16xi32> -> vector<16xf32>
        %shift_left3A_515 = arith.constant 16 : i32
        %shift_left3A_516 = vector.broadcast %shift_left3A_515 : i32 to vector<16xi32>
        %shift_left3A_517 = arith.shli %get3A_476, %shift_left3A_516 : vector<16xi32>
        %bitcast_convert_type3A_518 = tpu.bitcast %shift_left3A_517 : vector<16xi32> -> vector<16xf32>
        %shift_left3A_519 = arith.constant 16 : i32
        %shift_left3A_520 = vector.broadcast %shift_left3A_519 : i32 to vector<16xi32>
        %shift_left3A_521 = arith.shli %get3A_480, %shift_left3A_520 : vector<16xi32>
        %bitcast_convert_type3A_522 = tpu.bitcast %shift_left3A_521 : vector<16xi32> -> vector<16xf32>
        %shift_left3A_523 = arith.constant 16 : i32
        %shift_left3A_524 = vector.broadcast %shift_left3A_523 : i32 to vector<16xi32>
        %shift_left3A_525 = arith.shli %get3A_484, %shift_left3A_524 : vector<16xi32>
        %bitcast_convert_type3A_526 = tpu.bitcast %shift_left3A_525 : vector<16xi32> -> vector<16xf32>
        %add3A_527 = arith.addf %bitcast_convert_type3A, %bitcast_convert_type3A_490 : vector<16xf32>
        %add3A_528 = arith.addf %bitcast_convert_type3A_494, %bitcast_convert_type3A_498 : vector<16xf32>
        %add3A_529 = arith.addf %bitcast_convert_type3A_502, %bitcast_convert_type3A_506 : vector<16xf32>
        %add3A_530 = arith.addf %bitcast_convert_type3A_510, %bitcast_convert_type3A_514 : vector<16xf32>
        %add3A_531 = arith.addf %bitcast_convert_type3A_518, %bitcast_convert_type3A_522 : vector<16xf32>
        %add3A_532 = arith.addf %add3A_527, %add3A_528 : vector<16xf32>
        %add3A_533 = arith.addf %add3A_529, %add3A_530 : vector<16xf32>
        %add3A_534 = arith.addf %add3A_531, %bitcast_convert_type3A_526 : vector<16xf32>
        %add3A_535 = arith.addf %add3A_532, %add3A_533 : vector<16xf32>
        %add3A_536 = arith.addf %add3A_535, %add3A_534 : vector<16xf32>
        %and3A = arith.andi %get3A_444, %broadcast_in_dim3A_23 : vector<16xi32>
        %bitcast_convert_type3A_537 = tpu.bitcast %and3A : vector<16xi32> -> vector<16xf32>
        %and3A_538 = arith.andi %get3A_448, %broadcast_in_dim3A_23 : vector<16xi32>
        %bitcast_convert_type3A_539 = tpu.bitcast %and3A_538 : vector<16xi32> -> vector<16xf32>
        %and3A_540 = arith.andi %get3A_452, %broadcast_in_dim3A_23 : vector<16xi32>
        %bitcast_convert_type3A_541 = tpu.bitcast %and3A_540 : vector<16xi32> -> vector<16xf32>
        %and3A_542 = arith.andi %get3A_456, %broadcast_in_dim3A_23 : vector<16xi32>
        %bitcast_convert_type3A_543 = tpu.bitcast %and3A_542 : vector<16xi32> -> vector<16xf32>
        %and3A_544 = arith.andi %get3A_460, %broadcast_in_dim3A_23 : vector<16xi32>
        %bitcast_convert_type3A_545 = tpu.bitcast %and3A_544 : vector<16xi32> -> vector<16xf32>
        %and3A_546 = arith.andi %get3A_464, %broadcast_in_dim3A_23 : vector<16xi32>
        %bitcast_convert_type3A_547 = tpu.bitcast %and3A_546 : vector<16xi32> -> vector<16xf32>
        %and3A_548 = arith.andi %get3A_468, %broadcast_in_dim3A_23 : vector<16xi32>
        %bitcast_convert_type3A_549 = tpu.bitcast %and3A_548 : vector<16xi32> -> vector<16xf32>
        %and3A_550 = arith.andi %get3A_472, %broadcast_in_dim3A_23 : vector<16xi32>
        %bitcast_convert_type3A_551 = tpu.bitcast %and3A_550 : vector<16xi32> -> vector<16xf32>
        %and3A_552 = arith.andi %get3A_476, %broadcast_in_dim3A_23 : vector<16xi32>
        %bitcast_convert_type3A_553 = tpu.bitcast %and3A_552 : vector<16xi32> -> vector<16xf32>
        %and3A_554 = arith.andi %get3A_480, %broadcast_in_dim3A_23 : vector<16xi32>
        %bitcast_convert_type3A_555 = tpu.bitcast %and3A_554 : vector<16xi32> -> vector<16xf32>
        %and3A_556 = arith.andi %get3A_484, %broadcast_in_dim3A_23 : vector<16xi32>
        %bitcast_convert_type3A_557 = tpu.bitcast %and3A_556 : vector<16xi32> -> vector<16xf32>
        %add3A_558 = arith.addf %bitcast_convert_type3A_537, %bitcast_convert_type3A_539 : vector<16xf32>
        %add3A_559 = arith.addf %bitcast_convert_type3A_541, %bitcast_convert_type3A_543 : vector<16xf32>
        %add3A_560 = arith.addf %bitcast_convert_type3A_545, %bitcast_convert_type3A_547 : vector<16xf32>
        %add3A_561 = arith.addf %bitcast_convert_type3A_549, %bitcast_convert_type3A_551 : vector<16xf32>
        %add3A_562 = arith.addf %bitcast_convert_type3A_553, %bitcast_convert_type3A_555 : vector<16xf32>
        %add3A_563 = arith.addf %add3A_558, %add3A_559 : vector<16xf32>
        %add3A_564 = arith.addf %add3A_560, %add3A_561 : vector<16xf32>
        %add3A_565 = arith.addf %add3A_562, %bitcast_convert_type3A_557 : vector<16xf32>
        %add3A_566 = arith.addf %add3A_563, %add3A_564 : vector<16xf32>
        %add3A_567 = arith.addf %add3A_566, %add3A_565 : vector<16xf32>
        %abs3A = math.absf %add3A_536 : vector<16xf32>
        %abs3A_568 = math.absf %add3A_567 : vector<16xf32>
        %max3A = arith.maximumf %abs3A, %abs3A_568 : vector<16xf32>
        %max3A_569 = arith.maximumf %scan3A_439, %max3A : vector<16xf32>
        %mul3A_570 = arith.constant 32 : i32
        %mul3A_571 = arith.muli %scan3A_438, %mul3A_570 : i32
        %get3A_572 = arith.index_cast %mul3A_571 : i32 to index
        %get3A_573 = tpu.vector_load %arg13[%get3A_572] {strides = array<i32>} : memref<768xf32, #tpu.memory_space<vmem>>, vector<16xf32>,
        %add3A_574 = arith.addf %add3A_536, %get3A_573 : vector<16xf32>
        %mul3A_575 = arith.constant 32 : i32
        %mul3A_576 = arith.muli %scan3A_438, %mul3A_575 : i32
        %swap3A = arith.constant 0 : i32
        %swap3A_577 = arith.index_cast %swap3A : i32 to index
        %swap3A_578 = arith.index_cast %mul3A_576 : i32 to index
        %swap3A_579 = tpu.vector_load %arg12[%swap3A_577, %swap3A_578] {strides = array<i32>} : memref<4x768xf32, #tpu.memory_space<vmem>>, vector<16xf32>,
        tpu.vector_store %arg12[%swap3A_577, %swap3A_578], %add3A_574 {strides = array<i32>} : memref<4x768xf32, #tpu.memory_space<vmem>>, vector<16xf32>,
        %mul3A_580 = arith.constant 32 : i32
        %mul3A_581 = arith.muli %scan3A_438, %mul3A_580 : i32
        %add3A_582 = arith.constant 16 : i32
        %add3A_583 = arith.addi %mul3A_581, %add3A_582 : i32
        %get3A_584 = arith.index_cast %add3A_583 : i32 to index
        %get3A_585 = tpu.vector_load %arg13[%get3A_584] {strides = array<i32>} : memref<768xf32, #tpu.memory_space<vmem>>, vector<16xf32>,
        %add3A_586 = arith.addf %add3A_567, %get3A_585 : vector<16xf32>
        %mul3A_587 = arith.constant 32 : i32
        %mul3A_588 = arith.muli %scan3A_438, %mul3A_587 : i32
        %add3A_589 = arith.constant 16 : i32
        %add3A_590 = arith.addi %mul3A_588, %add3A_589 : i32
        %swap3A_591 = arith.constant 0 : i32
        %swap3A_592 = arith.index_cast %swap3A_591 : i32 to index
        %swap3A_593 = arith.index_cast %add3A_590 : i32 to index
        %swap3A_594 = tpu.vector_load %arg12[%swap3A_592, %swap3A_593] {strides = array<i32>} : memref<4x768xf32, #tpu.memory_space<vmem>>, vector<16xf32>,
        tpu.vector_store %arg12[%swap3A_592, %swap3A_593], %add3A_586 {strides = array<i32>} : memref<4x768xf32, #tpu.memory_space<vmem>>, vector<16xf32>,
        scf.yield %max3A_569 : vector<16xf32>
      }
      %scan3A_169 = arith.constant 24 : i32
      %reduce_max3A_170 = arith.constant true
      %reduce_max3A_171 = vector.broadcast %reduce_max3A_170 : i1 to vector<16xi1>
      %reduce_max3A_172 = tpu.scan <max>, %scan3A_168 masked %reduce_max3A_171 : vector<16xf32>, vector<16xi1> -> vector<16xf32>
      %reduce_max3A_173 = vector.extract %reduce_max3A_172[15] : f32 from vector<16xf32>
      %eq3A_174 = arith.constant 0.000000e+00 : f32
      %eq3A_175 = arith.cmpf oeq, %reduce_max3A_173, %eq3A_174 : f32
      %convert_element_type3A_176 = arith.extui %eq3A_175 : i1 to i32
      %cond3A_177 = arith.constant 0 : i32
      %cond3A_178 = arith.cmpi ne, %convert_element_type3A_176, %cond3A_177 : i32
      scf.if %cond3A_178 {
        %scan3A_438 = arith.constant 0 : i32
        %scan3A_439 = arith.constant 0 : i32
        %scan3A_440 = arith.constant 48 : i32
        %scan3A_441 = arith.addi %scan3A_439, %scan3A_440 : i32
        %scan3A_442 = arith.constant 1 : i32
        %scan3A_443 = scf.for %scan3A_445 = %scan3A_439 to %scan3A_441 step %scan3A_442 iter_args(%scan3A_446 = %scan3A_438) -> (i32)  : i32 {
          %broadcast_in_dim3A_447 = arith.constant 0.000000e+00 : f32
          %broadcast_in_dim3A_448 = vector.broadcast %broadcast_in_dim3A_447 : f32 to vector<16xf32>
          %mul3A_449 = arith.constant 16 : i32
          %mul3A_450 = arith.muli %scan3A_445, %mul3A_449 : i32
          %swap3A = arith.constant 0 : i32
          %swap3A_451 = arith.index_cast %swap3A : i32 to index
          %swap3A_452 = arith.index_cast %mul3A_450 : i32 to index
          %swap3A_453 = tpu.vector_load %arg12[%swap3A_451, %swap3A_452] {strides = array<i32>} : memref<4x768xf32, #tpu.memory_space<vmem>>, vector<16xf32>,
          tpu.vector_store %arg12[%swap3A_451, %swap3A_452], %broadcast_in_dim3A_448 {strides = array<i32>} : memref<4x768xf32, #tpu.memory_space<vmem>>, vector<16xf32>,
          %scan3A_454 = arith.constant 0 : i32
          scf.yield %scan3A_454 : i32
        }
        %scan3A_444 = arith.constant 48 : i32
      } else {
      }
      %broadcast_in_dim3A_179 = arith.constant 0.000000e+00 : f32
      %broadcast_in_dim3A_180 = vector.broadcast %broadcast_in_dim3A_179 : f32 to vector<16xf32>
      %scan3A_181 = arith.constant 0 : i32
      %scan3A_182 = arith.constant 24 : i32
      %scan3A_183 = arith.addi %scan3A_181, %scan3A_182 : i32
      %scan3A_184 = arith.constant 1 : i32
      %scan3A_185 = scf.for %scan3A_438 = %scan3A_181 to %scan3A_183 step %scan3A_184 iter_args(%scan3A_439 = %broadcast_in_dim3A_180) -> (vector<16xf32>)  : i32 {
        %mul3A_440 = arith.constant 16 : i32
        %mul3A_441 = arith.muli %scan3A_438, %mul3A_440 : i32
        %get3A = arith.constant 11 : i32
        %get3A_442 = arith.index_cast %get3A : i32 to index
        %get3A_443 = arith.index_cast %mul3A_441 : i32 to index
        %get3A_444 = tpu.vector_load %arg8[%get3A_442, %get3A_443] {strides = array<i32>} : memref<44x384xi32, #tpu.memory_space<vmem>>, vector<16xi32>,
        %get3A_445 = arith.constant 12 : i32
        %get3A_446 = arith.index_cast %get3A_445 : i32 to index
        %get3A_447 = arith.index_cast %mul3A_441 : i32 to index
        %get3A_448 = tpu.vector_load %arg8[%get3A_446, %get3A_447] {strides = array<i32>} : memref<44x384xi32, #tpu.memory_space<vmem>>, vector<16xi32>,
        %get3A_449 = arith.constant 13 : i32
        %get3A_450 = arith.index_cast %get3A_449 : i32 to index
        %get3A_451 = arith.index_cast %mul3A_441 : i32 to index
        %get3A_452 = tpu.vector_load %arg8[%get3A_450, %get3A_451] {strides = array<i32>} : memref<44x384xi32, #tpu.memory_space<vmem>>, vector<16xi32>,
        %get3A_453 = arith.constant 14 : i32
        %get3A_454 = arith.index_cast %get3A_453 : i32 to index
        %get3A_455 = arith.index_cast %mul3A_441 : i32 to index
        %get3A_456 = tpu.vector_load %arg8[%get3A_454, %get3A_455] {strides = array<i32>} : memref<44x384xi32, #tpu.memory_space<vmem>>, vector<16xi32>,
        %get3A_457 = arith.constant 15 : i32
        %get3A_458 = arith.index_cast %get3A_457 : i32 to index
        %get3A_459 = arith.index_cast %mul3A_441 : i32 to index
        %get3A_460 = tpu.vector_load %arg8[%get3A_458, %get3A_459] {strides = array<i32>} : memref<44x384xi32, #tpu.memory_space<vmem>>, vector<16xi32>,
        %get3A_461 = arith.constant 16 : i32
        %get3A_462 = arith.index_cast %get3A_461 : i32 to index
        %get3A_463 = arith.index_cast %mul3A_441 : i32 to index
        %get3A_464 = tpu.vector_load %arg8[%get3A_462, %get3A_463] {strides = array<i32>} : memref<44x384xi32, #tpu.memory_space<vmem>>, vector<16xi32>,
        %get3A_465 = arith.constant 17 : i32
        %get3A_466 = arith.index_cast %get3A_465 : i32 to index
        %get3A_467 = arith.index_cast %mul3A_441 : i32 to index
        %get3A_468 = tpu.vector_load %arg8[%get3A_466, %get3A_467] {strides = array<i32>} : memref<44x384xi32, #tpu.memory_space<vmem>>, vector<16xi32>,
        %get3A_469 = arith.constant 18 : i32
        %get3A_470 = arith.index_cast %get3A_469 : i32 to index
        %get3A_471 = arith.index_cast %mul3A_441 : i32 to index
        %get3A_472 = tpu.vector_load %arg8[%get3A_470, %get3A_471] {strides = array<i32>} : memref<44x384xi32, #tpu.memory_space<vmem>>, vector<16xi32>,
        %get3A_473 = arith.constant 19 : i32
        %get3A_474 = arith.index_cast %get3A_473 : i32 to index
        %get3A_475 = arith.index_cast %mul3A_441 : i32 to index
        %get3A_476 = tpu.vector_load %arg8[%get3A_474, %get3A_475] {strides = array<i32>} : memref<44x384xi32, #tpu.memory_space<vmem>>, vector<16xi32>,
        %get3A_477 = arith.constant 20 : i32
        %get3A_478 = arith.index_cast %get3A_477 : i32 to index
        %get3A_479 = arith.index_cast %mul3A_441 : i32 to index
        %get3A_480 = tpu.vector_load %arg8[%get3A_478, %get3A_479] {strides = array<i32>} : memref<44x384xi32, #tpu.memory_space<vmem>>, vector<16xi32>,
        %get3A_481 = arith.constant 21 : i32
        %get3A_482 = arith.index_cast %get3A_481 : i32 to index
        %get3A_483 = arith.index_cast %mul3A_441 : i32 to index
        %get3A_484 = tpu.vector_load %arg8[%get3A_482, %get3A_483] {strides = array<i32>} : memref<44x384xi32, #tpu.memory_space<vmem>>, vector<16xi32>,
        %shift_left3A = arith.constant 16 : i32
        %shift_left3A_485 = vector.broadcast %shift_left3A : i32 to vector<16xi32>
        %shift_left3A_486 = arith.shli %get3A_444, %shift_left3A_485 : vector<16xi32>
        %bitcast_convert_type3A = tpu.bitcast %shift_left3A_486 : vector<16xi32> -> vector<16xf32>
        %shift_left3A_487 = arith.constant 16 : i32
        %shift_left3A_488 = vector.broadcast %shift_left3A_487 : i32 to vector<16xi32>
        %shift_left3A_489 = arith.shli %get3A_448, %shift_left3A_488 : vector<16xi32>
        %bitcast_convert_type3A_490 = tpu.bitcast %shift_left3A_489 : vector<16xi32> -> vector<16xf32>
        %shift_left3A_491 = arith.constant 16 : i32
        %shift_left3A_492 = vector.broadcast %shift_left3A_491 : i32 to vector<16xi32>
        %shift_left3A_493 = arith.shli %get3A_452, %shift_left3A_492 : vector<16xi32>
        %bitcast_convert_type3A_494 = tpu.bitcast %shift_left3A_493 : vector<16xi32> -> vector<16xf32>
        %shift_left3A_495 = arith.constant 16 : i32
        %shift_left3A_496 = vector.broadcast %shift_left3A_495 : i32 to vector<16xi32>
        %shift_left3A_497 = arith.shli %get3A_456, %shift_left3A_496 : vector<16xi32>
        %bitcast_convert_type3A_498 = tpu.bitcast %shift_left3A_497 : vector<16xi32> -> vector<16xf32>
        %shift_left3A_499 = arith.constant 16 : i32
        %shift_left3A_500 = vector.broadcast %shift_left3A_499 : i32 to vector<16xi32>
        %shift_left3A_501 = arith.shli %get3A_460, %shift_left3A_500 : vector<16xi32>
        %bitcast_convert_type3A_502 = tpu.bitcast %shift_left3A_501 : vector<16xi32> -> vector<16xf32>
        %shift_left3A_503 = arith.constant 16 : i32
        %shift_left3A_504 = vector.broadcast %shift_left3A_503 : i32 to vector<16xi32>
        %shift_left3A_505 = arith.shli %get3A_464, %shift_left3A_504 : vector<16xi32>
        %bitcast_convert_type3A_506 = tpu.bitcast %shift_left3A_505 : vector<16xi32> -> vector<16xf32>
        %shift_left3A_507 = arith.constant 16 : i32
        %shift_left3A_508 = vector.broadcast %shift_left3A_507 : i32 to vector<16xi32>
        %shift_left3A_509 = arith.shli %get3A_468, %shift_left3A_508 : vector<16xi32>
        %bitcast_convert_type3A_510 = tpu.bitcast %shift_left3A_509 : vector<16xi32> -> vector<16xf32>
        %shift_left3A_511 = arith.constant 16 : i32
        %shift_left3A_512 = vector.broadcast %shift_left3A_511 : i32 to vector<16xi32>
        %shift_left3A_513 = arith.shli %get3A_472, %shift_left3A_512 : vector<16xi32>
        %bitcast_convert_type3A_514 = tpu.bitcast %shift_left3A_513 : vector<16xi32> -> vector<16xf32>
        %shift_left3A_515 = arith.constant 16 : i32
        %shift_left3A_516 = vector.broadcast %shift_left3A_515 : i32 to vector<16xi32>
        %shift_left3A_517 = arith.shli %get3A_476, %shift_left3A_516 : vector<16xi32>
        %bitcast_convert_type3A_518 = tpu.bitcast %shift_left3A_517 : vector<16xi32> -> vector<16xf32>
        %shift_left3A_519 = arith.constant 16 : i32
        %shift_left3A_520 = vector.broadcast %shift_left3A_519 : i32 to vector<16xi32>
        %shift_left3A_521 = arith.shli %get3A_480, %shift_left3A_520 : vector<16xi32>
        %bitcast_convert_type3A_522 = tpu.bitcast %shift_left3A_521 : vector<16xi32> -> vector<16xf32>
        %shift_left3A_523 = arith.constant 16 : i32
        %shift_left3A_524 = vector.broadcast %shift_left3A_523 : i32 to vector<16xi32>
        %shift_left3A_525 = arith.shli %get3A_484, %shift_left3A_524 : vector<16xi32>
        %bitcast_convert_type3A_526 = tpu.bitcast %shift_left3A_525 : vector<16xi32> -> vector<16xf32>
        %add3A_527 = arith.addf %bitcast_convert_type3A, %bitcast_convert_type3A_490 : vector<16xf32>
        %add3A_528 = arith.addf %bitcast_convert_type3A_494, %bitcast_convert_type3A_498 : vector<16xf32>
        %add3A_529 = arith.addf %bitcast_convert_type3A_502, %bitcast_convert_type3A_506 : vector<16xf32>
        %add3A_530 = arith.addf %bitcast_convert_type3A_510, %bitcast_convert_type3A_514 : vector<16xf32>
        %add3A_531 = arith.addf %bitcast_convert_type3A_518, %bitcast_convert_type3A_522 : vector<16xf32>
        %add3A_532 = arith.addf %add3A_527, %add3A_528 : vector<16xf32>
        %add3A_533 = arith.addf %add3A_529, %add3A_530 : vector<16xf32>
        %add3A_534 = arith.addf %add3A_531, %bitcast_convert_type3A_526 : vector<16xf32>
        %add3A_535 = arith.addf %add3A_532, %add3A_533 : vector<16xf32>
        %add3A_536 = arith.addf %add3A_535, %add3A_534 : vector<16xf32>
        %and3A = arith.andi %get3A_444, %broadcast_in_dim3A_23 : vector<16xi32>
        %bitcast_convert_type3A_537 = tpu.bitcast %and3A : vector<16xi32> -> vector<16xf32>
        %and3A_538 = arith.andi %get3A_448, %broadcast_in_dim3A_23 : vector<16xi32>
        %bitcast_convert_type3A_539 = tpu.bitcast %and3A_538 : vector<16xi32> -> vector<16xf32>
        %and3A_540 = arith.andi %get3A_452, %broadcast_in_dim3A_23 : vector<16xi32>
        %bitcast_convert_type3A_541 = tpu.bitcast %and3A_540 : vector<16xi32> -> vector<16xf32>
        %and3A_542 = arith.andi %get3A_456, %broadcast_in_dim3A_23 : vector<16xi32>
        %bitcast_convert_type3A_543 = tpu.bitcast %and3A_542 : vector<16xi32> -> vector<16xf32>
        %and3A_544 = arith.andi %get3A_460, %broadcast_in_dim3A_23 : vector<16xi32>
        %bitcast_convert_type3A_545 = tpu.bitcast %and3A_544 : vector<16xi32> -> vector<16xf32>
        %and3A_546 = arith.andi %get3A_464, %broadcast_in_dim3A_23 : vector<16xi32>
        %bitcast_convert_type3A_547 = tpu.bitcast %and3A_546 : vector<16xi32> -> vector<16xf32>
        %and3A_548 = arith.andi %get3A_468, %broadcast_in_dim3A_23 : vector<16xi32>
        %bitcast_convert_type3A_549 = tpu.bitcast %and3A_548 : vector<16xi32> -> vector<16xf32>
        %and3A_550 = arith.andi %get3A_472, %broadcast_in_dim3A_23 : vector<16xi32>
        %bitcast_convert_type3A_551 = tpu.bitcast %and3A_550 : vector<16xi32> -> vector<16xf32>
        %and3A_552 = arith.andi %get3A_476, %broadcast_in_dim3A_23 : vector<16xi32>
        %bitcast_convert_type3A_553 = tpu.bitcast %and3A_552 : vector<16xi32> -> vector<16xf32>
        %and3A_554 = arith.andi %get3A_480, %broadcast_in_dim3A_23 : vector<16xi32>
        %bitcast_convert_type3A_555 = tpu.bitcast %and3A_554 : vector<16xi32> -> vector<16xf32>
        %and3A_556 = arith.andi %get3A_484, %broadcast_in_dim3A_23 : vector<16xi32>
        %bitcast_convert_type3A_557 = tpu.bitcast %and3A_556 : vector<16xi32> -> vector<16xf32>
        %add3A_558 = arith.addf %bitcast_convert_type3A_537, %bitcast_convert_type3A_539 : vector<16xf32>
        %add3A_559 = arith.addf %bitcast_convert_type3A_541, %bitcast_convert_type3A_543 : vector<16xf32>
        %add3A_560 = arith.addf %bitcast_convert_type3A_545, %bitcast_convert_type3A_547 : vector<16xf32>
        %add3A_561 = arith.addf %bitcast_convert_type3A_549, %bitcast_convert_type3A_551 : vector<16xf32>
        %add3A_562 = arith.addf %bitcast_convert_type3A_553, %bitcast_convert_type3A_555 : vector<16xf32>
        %add3A_563 = arith.addf %add3A_558, %add3A_559 : vector<16xf32>
        %add3A_564 = arith.addf %add3A_560, %add3A_561 : vector<16xf32>
        %add3A_565 = arith.addf %add3A_562, %bitcast_convert_type3A_557 : vector<16xf32>
        %add3A_566 = arith.addf %add3A_563, %add3A_564 : vector<16xf32>
        %add3A_567 = arith.addf %add3A_566, %add3A_565 : vector<16xf32>
        %abs3A = math.absf %add3A_536 : vector<16xf32>
        %abs3A_568 = math.absf %add3A_567 : vector<16xf32>
        %max3A = arith.maximumf %abs3A, %abs3A_568 : vector<16xf32>
        %max3A_569 = arith.maximumf %scan3A_439, %max3A : vector<16xf32>
        %mul3A_570 = arith.constant 32 : i32
        %mul3A_571 = arith.muli %scan3A_438, %mul3A_570 : i32
        %get3A_572 = arith.index_cast %mul3A_571 : i32 to index
        %get3A_573 = tpu.vector_load %arg13[%get3A_572] {strides = array<i32>} : memref<768xf32, #tpu.memory_space<vmem>>, vector<16xf32>,
        %add3A_574 = arith.addf %add3A_536, %get3A_573 : vector<16xf32>
        %mul3A_575 = arith.constant 32 : i32
        %mul3A_576 = arith.muli %scan3A_438, %mul3A_575 : i32
        %swap3A = arith.constant 1 : i32
        %swap3A_577 = arith.index_cast %swap3A : i32 to index
        %swap3A_578 = arith.index_cast %mul3A_576 : i32 to index
        %swap3A_579 = tpu.vector_load %arg12[%swap3A_577, %swap3A_578] {strides = array<i32>} : memref<4x768xf32, #tpu.memory_space<vmem>>, vector<16xf32>,
        tpu.vector_store %arg12[%swap3A_577, %swap3A_578], %add3A_574 {strides = array<i32>} : memref<4x768xf32, #tpu.memory_space<vmem>>, vector<16xf32>,
        %mul3A_580 = arith.constant 32 : i32
        %mul3A_581 = arith.muli %scan3A_438, %mul3A_580 : i32
        %add3A_582 = arith.constant 16 : i32
        %add3A_583 = arith.addi %mul3A_581, %add3A_582 : i32
        %get3A_584 = arith.index_cast %add3A_583 : i32 to index
        %get3A_585 = tpu.vector_load %arg13[%get3A_584] {strides = array<i32>} : memref<768xf32, #tpu.memory_space<vmem>>, vector<16xf32>,
        %add3A_586 = arith.addf %add3A_567, %get3A_585 : vector<16xf32>
        %mul3A_587 = arith.constant 32 : i32
        %mul3A_588 = arith.muli %scan3A_438, %mul3A_587 : i32
        %add3A_589 = arith.constant 16 : i32
        %add3A_590 = arith.addi %mul3A_588, %add3A_589 : i32
        %swap3A_591 = arith.constant 1 : i32
        %swap3A_592 = arith.index_cast %swap3A_591 : i32 to index
        %swap3A_593 = arith.index_cast %add3A_590 : i32 to index
        %swap3A_594 = tpu.vector_load %arg12[%swap3A_592, %swap3A_593] {strides = array<i32>} : memref<4x768xf32, #tpu.memory_space<vmem>>, vector<16xf32>,
        tpu.vector_store %arg12[%swap3A_592, %swap3A_593], %add3A_586 {strides = array<i32>} : memref<4x768xf32, #tpu.memory_space<vmem>>, vector<16xf32>,
        scf.yield %max3A_569 : vector<16xf32>
      }
      %scan3A_186 = arith.constant 24 : i32
      %reduce_max3A_187 = arith.constant true
      %reduce_max3A_188 = vector.broadcast %reduce_max3A_187 : i1 to vector<16xi1>
      %reduce_max3A_189 = tpu.scan <max>, %scan3A_185 masked %reduce_max3A_188 : vector<16xf32>, vector<16xi1> -> vector<16xf32>
      %reduce_max3A_190 = vector.extract %reduce_max3A_189[15] : f32 from vector<16xf32>
      %eq3A_191 = arith.constant 0.000000e+00 : f32
      %eq3A_192 = arith.cmpf oeq, %reduce_max3A_190, %eq3A_191 : f32
      %convert_element_type3A_193 = arith.extui %eq3A_192 : i1 to i32
      %cond3A_194 = arith.constant 0 : i32
      %cond3A_195 = arith.cmpi ne, %convert_element_type3A_193, %cond3A_194 : i32
      scf.if %cond3A_195 {
        %scan3A_438 = arith.constant 0 : i32
        %scan3A_439 = arith.constant 0 : i32
        %scan3A_440 = arith.constant 48 : i32
        %scan3A_441 = arith.addi %scan3A_439, %scan3A_440 : i32
        %scan3A_442 = arith.constant 1 : i32
        %scan3A_443 = scf.for %scan3A_445 = %scan3A_439 to %scan3A_441 step %scan3A_442 iter_args(%scan3A_446 = %scan3A_438) -> (i32)  : i32 {
          %broadcast_in_dim3A_447 = arith.constant 0.000000e+00 : f32
          %broadcast_in_dim3A_448 = vector.broadcast %broadcast_in_dim3A_447 : f32 to vector<16xf32>
          %mul3A_449 = arith.constant 16 : i32
          %mul3A_450 = arith.muli %scan3A_445, %mul3A_449 : i32
          %swap3A = arith.constant 1 : i32
          %swap3A_451 = arith.index_cast %swap3A : i32 to index
          %swap3A_452 = arith.index_cast %mul3A_450 : i32 to index
          %swap3A_453 = tpu.vector_load %arg12[%swap3A_451, %swap3A_452] {strides = array<i32>} : memref<4x768xf32, #tpu.memory_space<vmem>>, vector<16xf32>,
          tpu.vector_store %arg12[%swap3A_451, %swap3A_452], %broadcast_in_dim3A_448 {strides = array<i32>} : memref<4x768xf32, #tpu.memory_space<vmem>>, vector<16xf32>,
          %scan3A_454 = arith.constant 0 : i32
          scf.yield %scan3A_454 : i32
        }
        %scan3A_444 = arith.constant 48 : i32
      } else {
      }
      %broadcast_in_dim3A_196 = arith.constant 0.000000e+00 : f32
      %broadcast_in_dim3A_197 = vector.broadcast %broadcast_in_dim3A_196 : f32 to vector<16xf32>
      %scan3A_198 = arith.constant 0 : i32
      %scan3A_199 = arith.constant 24 : i32
      %scan3A_200 = arith.addi %scan3A_198, %scan3A_199 : i32
      %scan3A_201 = arith.constant 1 : i32
      %scan3A_202 = scf.for %scan3A_438 = %scan3A_198 to %scan3A_200 step %scan3A_201 iter_args(%scan3A_439 = %broadcast_in_dim3A_197) -> (vector<16xf32>)  : i32 {
        %mul3A_440 = arith.constant 16 : i32
        %mul3A_441 = arith.muli %scan3A_438, %mul3A_440 : i32
        %get3A = arith.constant 22 : i32
        %get3A_442 = arith.index_cast %get3A : i32 to index
        %get3A_443 = arith.index_cast %mul3A_441 : i32 to index
        %get3A_444 = tpu.vector_load %arg8[%get3A_442, %get3A_443] {strides = array<i32>} : memref<44x384xi32, #tpu.memory_space<vmem>>, vector<16xi32>,
        %get3A_445 = arith.constant 23 : i32
        %get3A_446 = arith.index_cast %get3A_445 : i32 to index
        %get3A_447 = arith.index_cast %mul3A_441 : i32 to index
        %get3A_448 = tpu.vector_load %arg8[%get3A_446, %get3A_447] {strides = array<i32>} : memref<44x384xi32, #tpu.memory_space<vmem>>, vector<16xi32>,
        %get3A_449 = arith.constant 24 : i32
        %get3A_450 = arith.index_cast %get3A_449 : i32 to index
        %get3A_451 = arith.index_cast %mul3A_441 : i32 to index
        %get3A_452 = tpu.vector_load %arg8[%get3A_450, %get3A_451] {strides = array<i32>} : memref<44x384xi32, #tpu.memory_space<vmem>>, vector<16xi32>,
        %get3A_453 = arith.constant 25 : i32
        %get3A_454 = arith.index_cast %get3A_453 : i32 to index
        %get3A_455 = arith.index_cast %mul3A_441 : i32 to index
        %get3A_456 = tpu.vector_load %arg8[%get3A_454, %get3A_455] {strides = array<i32>} : memref<44x384xi32, #tpu.memory_space<vmem>>, vector<16xi32>,
        %get3A_457 = arith.constant 26 : i32
        %get3A_458 = arith.index_cast %get3A_457 : i32 to index
        %get3A_459 = arith.index_cast %mul3A_441 : i32 to index
        %get3A_460 = tpu.vector_load %arg8[%get3A_458, %get3A_459] {strides = array<i32>} : memref<44x384xi32, #tpu.memory_space<vmem>>, vector<16xi32>,
        %get3A_461 = arith.constant 27 : i32
        %get3A_462 = arith.index_cast %get3A_461 : i32 to index
        %get3A_463 = arith.index_cast %mul3A_441 : i32 to index
        %get3A_464 = tpu.vector_load %arg8[%get3A_462, %get3A_463] {strides = array<i32>} : memref<44x384xi32, #tpu.memory_space<vmem>>, vector<16xi32>,
        %get3A_465 = arith.constant 28 : i32
        %get3A_466 = arith.index_cast %get3A_465 : i32 to index
        %get3A_467 = arith.index_cast %mul3A_441 : i32 to index
        %get3A_468 = tpu.vector_load %arg8[%get3A_466, %get3A_467] {strides = array<i32>} : memref<44x384xi32, #tpu.memory_space<vmem>>, vector<16xi32>,
        %get3A_469 = arith.constant 29 : i32
        %get3A_470 = arith.index_cast %get3A_469 : i32 to index
        %get3A_471 = arith.index_cast %mul3A_441 : i32 to index
        %get3A_472 = tpu.vector_load %arg8[%get3A_470, %get3A_471] {strides = array<i32>} : memref<44x384xi32, #tpu.memory_space<vmem>>, vector<16xi32>,
        %get3A_473 = arith.constant 30 : i32
        %get3A_474 = arith.index_cast %get3A_473 : i32 to index
        %get3A_475 = arith.index_cast %mul3A_441 : i32 to index
        %get3A_476 = tpu.vector_load %arg8[%get3A_474, %get3A_475] {strides = array<i32>} : memref<44x384xi32, #tpu.memory_space<vmem>>, vector<16xi32>,
        %get3A_477 = arith.constant 31 : i32
        %get3A_478 = arith.index_cast %get3A_477 : i32 to index
        %get3A_479 = arith.index_cast %mul3A_441 : i32 to index
        %get3A_480 = tpu.vector_load %arg8[%get3A_478, %get3A_479] {strides = array<i32>} : memref<44x384xi32, #tpu.memory_space<vmem>>, vector<16xi32>,
        %get3A_481 = arith.constant 32 : i32
        %get3A_482 = arith.index_cast %get3A_481 : i32 to index
        %get3A_483 = arith.index_cast %mul3A_441 : i32 to index
        %get3A_484 = tpu.vector_load %arg8[%get3A_482, %get3A_483] {strides = array<i32>} : memref<44x384xi32, #tpu.memory_space<vmem>>, vector<16xi32>,
        %shift_left3A = arith.constant 16 : i32
        %shift_left3A_485 = vector.broadcast %shift_left3A : i32 to vector<16xi32>
        %shift_left3A_486 = arith.shli %get3A_444, %shift_left3A_485 : vector<16xi32>
        %bitcast_convert_type3A = tpu.bitcast %shift_left3A_486 : vector<16xi32> -> vector<16xf32>
        %shift_left3A_487 = arith.constant 16 : i32
        %shift_left3A_488 = vector.broadcast %shift_left3A_487 : i32 to vector<16xi32>
        %shift_left3A_489 = arith.shli %get3A_448, %shift_left3A_488 : vector<16xi32>
        %bitcast_convert_type3A_490 = tpu.bitcast %shift_left3A_489 : vector<16xi32> -> vector<16xf32>
        %shift_left3A_491 = arith.constant 16 : i32
        %shift_left3A_492 = vector.broadcast %shift_left3A_491 : i32 to vector<16xi32>
        %shift_left3A_493 = arith.shli %get3A_452, %shift_left3A_492 : vector<16xi32>
        %bitcast_convert_type3A_494 = tpu.bitcast %shift_left3A_493 : vector<16xi32> -> vector<16xf32>
        %shift_left3A_495 = arith.constant 16 : i32
        %shift_left3A_496 = vector.broadcast %shift_left3A_495 : i32 to vector<16xi32>
        %shift_left3A_497 = arith.shli %get3A_456, %shift_left3A_496 : vector<16xi32>
        %bitcast_convert_type3A_498 = tpu.bitcast %shift_left3A_497 : vector<16xi32> -> vector<16xf32>
        %shift_left3A_499 = arith.constant 16 : i32
        %shift_left3A_500 = vector.broadcast %shift_left3A_499 : i32 to vector<16xi32>
        %shift_left3A_501 = arith.shli %get3A_460, %shift_left3A_500 : vector<16xi32>
        %bitcast_convert_type3A_502 = tpu.bitcast %shift_left3A_501 : vector<16xi32> -> vector<16xf32>
        %shift_left3A_503 = arith.constant 16 : i32
        %shift_left3A_504 = vector.broadcast %shift_left3A_503 : i32 to vector<16xi32>
        %shift_left3A_505 = arith.shli %get3A_464, %shift_left3A_504 : vector<16xi32>
        %bitcast_convert_type3A_506 = tpu.bitcast %shift_left3A_505 : vector<16xi32> -> vector<16xf32>
        %shift_left3A_507 = arith.constant 16 : i32
        %shift_left3A_508 = vector.broadcast %shift_left3A_507 : i32 to vector<16xi32>
        %shift_left3A_509 = arith.shli %get3A_468, %shift_left3A_508 : vector<16xi32>
        %bitcast_convert_type3A_510 = tpu.bitcast %shift_left3A_509 : vector<16xi32> -> vector<16xf32>
        %shift_left3A_511 = arith.constant 16 : i32
        %shift_left3A_512 = vector.broadcast %shift_left3A_511 : i32 to vector<16xi32>
        %shift_left3A_513 = arith.shli %get3A_472, %shift_left3A_512 : vector<16xi32>
        %bitcast_convert_type3A_514 = tpu.bitcast %shift_left3A_513 : vector<16xi32> -> vector<16xf32>
        %shift_left3A_515 = arith.constant 16 : i32
        %shift_left3A_516 = vector.broadcast %shift_left3A_515 : i32 to vector<16xi32>
        %shift_left3A_517 = arith.shli %get3A_476, %shift_left3A_516 : vector<16xi32>
        %bitcast_convert_type3A_518 = tpu.bitcast %shift_left3A_517 : vector<16xi32> -> vector<16xf32>
        %shift_left3A_519 = arith.constant 16 : i32
        %shift_left3A_520 = vector.broadcast %shift_left3A_519 : i32 to vector<16xi32>
        %shift_left3A_521 = arith.shli %get3A_480, %shift_left3A_520 : vector<16xi32>
        %bitcast_convert_type3A_522 = tpu.bitcast %shift_left3A_521 : vector<16xi32> -> vector<16xf32>
        %shift_left3A_523 = arith.constant 16 : i32
        %shift_left3A_524 = vector.broadcast %shift_left3A_523 : i32 to vector<16xi32>
        %shift_left3A_525 = arith.shli %get3A_484, %shift_left3A_524 : vector<16xi32>
        %bitcast_convert_type3A_526 = tpu.bitcast %shift_left3A_525 : vector<16xi32> -> vector<16xf32>
        %add3A_527 = arith.addf %bitcast_convert_type3A, %bitcast_convert_type3A_490 : vector<16xf32>
        %add3A_528 = arith.addf %bitcast_convert_type3A_494, %bitcast_convert_type3A_498 : vector<16xf32>
        %add3A_529 = arith.addf %bitcast_convert_type3A_502, %bitcast_convert_type3A_506 : vector<16xf32>
        %add3A_530 = arith.addf %bitcast_convert_type3A_510, %bitcast_convert_type3A_514 : vector<16xf32>
        %add3A_531 = arith.addf %bitcast_convert_type3A_518, %bitcast_convert_type3A_522 : vector<16xf32>
        %add3A_532 = arith.addf %add3A_527, %add3A_528 : vector<16xf32>
        %add3A_533 = arith.addf %add3A_529, %add3A_530 : vector<16xf32>
        %add3A_534 = arith.addf %add3A_531, %bitcast_convert_type3A_526 : vector<16xf32>
        %add3A_535 = arith.addf %add3A_532, %add3A_533 : vector<16xf32>
        %add3A_536 = arith.addf %add3A_535, %add3A_534 : vector<16xf32>
        %and3A = arith.andi %get3A_444, %broadcast_in_dim3A_23 : vector<16xi32>
        %bitcast_convert_type3A_537 = tpu.bitcast %and3A : vector<16xi32> -> vector<16xf32>
        %and3A_538 = arith.andi %get3A_448, %broadcast_in_dim3A_23 : vector<16xi32>
        %bitcast_convert_type3A_539 = tpu.bitcast %and3A_538 : vector<16xi32> -> vector<16xf32>
        %and3A_540 = arith.andi %get3A_452, %broadcast_in_dim3A_23 : vector<16xi32>
        %bitcast_convert_type3A_541 = tpu.bitcast %and3A_540 : vector<16xi32> -> vector<16xf32>
        %and3A_542 = arith.andi %get3A_456, %broadcast_in_dim3A_23 : vector<16xi32>
        %bitcast_convert_type3A_543 = tpu.bitcast %and3A_542 : vector<16xi32> -> vector<16xf32>
        %and3A_544 = arith.andi %get3A_460, %broadcast_in_dim3A_23 : vector<16xi32>
        %bitcast_convert_type3A_545 = tpu.bitcast %and3A_544 : vector<16xi32> -> vector<16xf32>
        %and3A_546 = arith.andi %get3A_464, %broadcast_in_dim3A_23 : vector<16xi32>
        %bitcast_convert_type3A_547 = tpu.bitcast %and3A_546 : vector<16xi32> -> vector<16xf32>
        %and3A_548 = arith.andi %get3A_468, %broadcast_in_dim3A_23 : vector<16xi32>
        %bitcast_convert_type3A_549 = tpu.bitcast %and3A_548 : vector<16xi32> -> vector<16xf32>
        %and3A_550 = arith.andi %get3A_472, %broadcast_in_dim3A_23 : vector<16xi32>
        %bitcast_convert_type3A_551 = tpu.bitcast %and3A_550 : vector<16xi32> -> vector<16xf32>
        %and3A_552 = arith.andi %get3A_476, %broadcast_in_dim3A_23 : vector<16xi32>
        %bitcast_convert_type3A_553 = tpu.bitcast %and3A_552 : vector<16xi32> -> vector<16xf32>
        %and3A_554 = arith.andi %get3A_480, %broadcast_in_dim3A_23 : vector<16xi32>
        %bitcast_convert_type3A_555 = tpu.bitcast %and3A_554 : vector<16xi32> -> vector<16xf32>
        %and3A_556 = arith.andi %get3A_484, %broadcast_in_dim3A_23 : vector<16xi32>
        %bitcast_convert_type3A_557 = tpu.bitcast %and3A_556 : vector<16xi32> -> vector<16xf32>
        %add3A_558 = arith.addf %bitcast_convert_type3A_537, %bitcast_convert_type3A_539 : vector<16xf32>
        %add3A_559 = arith.addf %bitcast_convert_type3A_541, %bitcast_convert_type3A_543 : vector<16xf32>
        %add3A_560 = arith.addf %bitcast_convert_type3A_545, %bitcast_convert_type3A_547 : vector<16xf32>
        %add3A_561 = arith.addf %bitcast_convert_type3A_549, %bitcast_convert_type3A_551 : vector<16xf32>
        %add3A_562 = arith.addf %bitcast_convert_type3A_553, %bitcast_convert_type3A_555 : vector<16xf32>
        %add3A_563 = arith.addf %add3A_558, %add3A_559 : vector<16xf32>
        %add3A_564 = arith.addf %add3A_560, %add3A_561 : vector<16xf32>
        %add3A_565 = arith.addf %add3A_562, %bitcast_convert_type3A_557 : vector<16xf32>
        %add3A_566 = arith.addf %add3A_563, %add3A_564 : vector<16xf32>
        %add3A_567 = arith.addf %add3A_566, %add3A_565 : vector<16xf32>
        %abs3A = math.absf %add3A_536 : vector<16xf32>
        %abs3A_568 = math.absf %add3A_567 : vector<16xf32>
        %max3A = arith.maximumf %abs3A, %abs3A_568 : vector<16xf32>
        %max3A_569 = arith.maximumf %scan3A_439, %max3A : vector<16xf32>
        %mul3A_570 = arith.constant 32 : i32
        %mul3A_571 = arith.muli %scan3A_438, %mul3A_570 : i32
        %get3A_572 = arith.index_cast %mul3A_571 : i32 to index
        %get3A_573 = tpu.vector_load %arg13[%get3A_572] {strides = array<i32>} : memref<768xf32, #tpu.memory_space<vmem>>, vector<16xf32>,
        %add3A_574 = arith.addf %add3A_536, %get3A_573 : vector<16xf32>
        %mul3A_575 = arith.constant 32 : i32
        %mul3A_576 = arith.muli %scan3A_438, %mul3A_575 : i32
        %swap3A = arith.constant 2 : i32
        %swap3A_577 = arith.index_cast %swap3A : i32 to index
        %swap3A_578 = arith.index_cast %mul3A_576 : i32 to index
        %swap3A_579 = tpu.vector_load %arg12[%swap3A_577, %swap3A_578] {strides = array<i32>} : memref<4x768xf32, #tpu.memory_space<vmem>>, vector<16xf32>,
        tpu.vector_store %arg12[%swap3A_577, %swap3A_578], %add3A_574 {strides = array<i32>} : memref<4x768xf32, #tpu.memory_space<vmem>>, vector<16xf32>,
        %mul3A_580 = arith.constant 32 : i32
        %mul3A_581 = arith.muli %scan3A_438, %mul3A_580 : i32
        %add3A_582 = arith.constant 16 : i32
        %add3A_583 = arith.addi %mul3A_581, %add3A_582 : i32
        %get3A_584 = arith.index_cast %add3A_583 : i32 to index
        %get3A_585 = tpu.vector_load %arg13[%get3A_584] {strides = array<i32>} : memref<768xf32, #tpu.memory_space<vmem>>, vector<16xf32>,
        %add3A_586 = arith.addf %add3A_567, %get3A_585 : vector<16xf32>
        %mul3A_587 = arith.constant 32 : i32
        %mul3A_588 = arith.muli %scan3A_438, %mul3A_587 : i32
        %add3A_589 = arith.constant 16 : i32
        %add3A_590 = arith.addi %mul3A_588, %add3A_589 : i32
        %swap3A_591 = arith.constant 2 : i32
        %swap3A_592 = arith.index_cast %swap3A_591 : i32 to index
        %swap3A_593 = arith.index_cast %add3A_590 : i32 to index
        %swap3A_594 = tpu.vector_load %arg12[%swap3A_592, %swap3A_593] {strides = array<i32>} : memref<4x768xf32, #tpu.memory_space<vmem>>, vector<16xf32>,
        tpu.vector_store %arg12[%swap3A_592, %swap3A_593], %add3A_586 {strides = array<i32>} : memref<4x768xf32, #tpu.memory_space<vmem>>, vector<16xf32>,
        scf.yield %max3A_569 : vector<16xf32>
      }
      %scan3A_203 = arith.constant 24 : i32
      %reduce_max3A_204 = arith.constant true
      %reduce_max3A_205 = vector.broadcast %reduce_max3A_204 : i1 to vector<16xi1>
      %reduce_max3A_206 = tpu.scan <max>, %scan3A_202 masked %reduce_max3A_205 : vector<16xf32>, vector<16xi1> -> vector<16xf32>
      %reduce_max3A_207 = vector.extract %reduce_max3A_206[15] : f32 from vector<16xf32>
      %eq3A_208 = arith.constant 0.000000e+00 : f32
      %eq3A_209 = arith.cmpf oeq, %reduce_max3A_207, %eq3A_208 : f32
      %convert_element_type3A_210 = arith.extui %eq3A_209 : i1 to i32
      %cond3A_211 = arith.constant 0 : i32
      %cond3A_212 = arith.cmpi ne, %convert_element_type3A_210, %cond3A_211 : i32
      scf.if %cond3A_212 {
        %scan3A_438 = arith.constant 0 : i32
        %scan3A_439 = arith.constant 0 : i32
        %scan3A_440 = arith.constant 48 : i32
        %scan3A_441 = arith.addi %scan3A_439, %scan3A_440 : i32
        %scan3A_442 = arith.constant 1 : i32
        %scan3A_443 = scf.for %scan3A_445 = %scan3A_439 to %scan3A_441 step %scan3A_442 iter_args(%scan3A_446 = %scan3A_438) -> (i32)  : i32 {
          %broadcast_in_dim3A_447 = arith.constant 0.000000e+00 : f32
          %broadcast_in_dim3A_448 = vector.broadcast %broadcast_in_dim3A_447 : f32 to vector<16xf32>
          %mul3A_449 = arith.constant 16 : i32
          %mul3A_450 = arith.muli %scan3A_445, %mul3A_449 : i32
          %swap3A = arith.constant 2 : i32
          %swap3A_451 = arith.index_cast %swap3A : i32 to index
          %swap3A_452 = arith.index_cast %mul3A_450 : i32 to index
          %swap3A_453 = tpu.vector_load %arg12[%swap3A_451, %swap3A_452] {strides = array<i32>} : memref<4x768xf32, #tpu.memory_space<vmem>>, vector<16xf32>,
          tpu.vector_store %arg12[%swap3A_451, %swap3A_452], %broadcast_in_dim3A_448 {strides = array<i32>} : memref<4x768xf32, #tpu.memory_space<vmem>>, vector<16xf32>,
          %scan3A_454 = arith.constant 0 : i32
          scf.yield %scan3A_454 : i32
        }
        %scan3A_444 = arith.constant 48 : i32
      } else {
      }
      %broadcast_in_dim3A_213 = arith.constant 0.000000e+00 : f32
      %broadcast_in_dim3A_214 = vector.broadcast %broadcast_in_dim3A_213 : f32 to vector<16xf32>
      %scan3A_215 = arith.constant 0 : i32
      %scan3A_216 = arith.constant 24 : i32
      %scan3A_217 = arith.addi %scan3A_215, %scan3A_216 : i32
      %scan3A_218 = arith.constant 1 : i32
      %scan3A_219 = scf.for %scan3A_438 = %scan3A_215 to %scan3A_217 step %scan3A_218 iter_args(%scan3A_439 = %broadcast_in_dim3A_214) -> (vector<16xf32>)  : i32 {
        %mul3A_440 = arith.constant 16 : i32
        %mul3A_441 = arith.muli %scan3A_438, %mul3A_440 : i32
        %get3A = arith.constant 33 : i32
        %get3A_442 = arith.index_cast %get3A : i32 to index
        %get3A_443 = arith.index_cast %mul3A_441 : i32 to index
        %get3A_444 = tpu.vector_load %arg8[%get3A_442, %get3A_443] {strides = array<i32>} : memref<44x384xi32, #tpu.memory_space<vmem>>, vector<16xi32>,
        %get3A_445 = arith.constant 34 : i32
        %get3A_446 = arith.index_cast %get3A_445 : i32 to index
        %get3A_447 = arith.index_cast %mul3A_441 : i32 to index
        %get3A_448 = tpu.vector_load %arg8[%get3A_446, %get3A_447] {strides = array<i32>} : memref<44x384xi32, #tpu.memory_space<vmem>>, vector<16xi32>,
        %get3A_449 = arith.constant 35 : i32
        %get3A_450 = arith.index_cast %get3A_449 : i32 to index
        %get3A_451 = arith.index_cast %mul3A_441 : i32 to index
        %get3A_452 = tpu.vector_load %arg8[%get3A_450, %get3A_451] {strides = array<i32>} : memref<44x384xi32, #tpu.memory_space<vmem>>, vector<16xi32>,
        %get3A_453 = arith.constant 36 : i32
        %get3A_454 = arith.index_cast %get3A_453 : i32 to index
        %get3A_455 = arith.index_cast %mul3A_441 : i32 to index
        %get3A_456 = tpu.vector_load %arg8[%get3A_454, %get3A_455] {strides = array<i32>} : memref<44x384xi32, #tpu.memory_space<vmem>>, vector<16xi32>,
        %get3A_457 = arith.constant 37 : i32
        %get3A_458 = arith.index_cast %get3A_457 : i32 to index
        %get3A_459 = arith.index_cast %mul3A_441 : i32 to index
        %get3A_460 = tpu.vector_load %arg8[%get3A_458, %get3A_459] {strides = array<i32>} : memref<44x384xi32, #tpu.memory_space<vmem>>, vector<16xi32>,
        %get3A_461 = arith.constant 38 : i32
        %get3A_462 = arith.index_cast %get3A_461 : i32 to index
        %get3A_463 = arith.index_cast %mul3A_441 : i32 to index
        %get3A_464 = tpu.vector_load %arg8[%get3A_462, %get3A_463] {strides = array<i32>} : memref<44x384xi32, #tpu.memory_space<vmem>>, vector<16xi32>,
        %get3A_465 = arith.constant 39 : i32
        %get3A_466 = arith.index_cast %get3A_465 : i32 to index
        %get3A_467 = arith.index_cast %mul3A_441 : i32 to index
        %get3A_468 = tpu.vector_load %arg8[%get3A_466, %get3A_467] {strides = array<i32>} : memref<44x384xi32, #tpu.memory_space<vmem>>, vector<16xi32>,
        %get3A_469 = arith.constant 40 : i32
        %get3A_470 = arith.index_cast %get3A_469 : i32 to index
        %get3A_471 = arith.index_cast %mul3A_441 : i32 to index
        %get3A_472 = tpu.vector_load %arg8[%get3A_470, %get3A_471] {strides = array<i32>} : memref<44x384xi32, #tpu.memory_space<vmem>>, vector<16xi32>,
        %get3A_473 = arith.constant 41 : i32
        %get3A_474 = arith.index_cast %get3A_473 : i32 to index
        %get3A_475 = arith.index_cast %mul3A_441 : i32 to index
        %get3A_476 = tpu.vector_load %arg8[%get3A_474, %get3A_475] {strides = array<i32>} : memref<44x384xi32, #tpu.memory_space<vmem>>, vector<16xi32>,
        %get3A_477 = arith.constant 42 : i32
        %get3A_478 = arith.index_cast %get3A_477 : i32 to index
        %get3A_479 = arith.index_cast %mul3A_441 : i32 to index
        %get3A_480 = tpu.vector_load %arg8[%get3A_478, %get3A_479] {strides = array<i32>} : memref<44x384xi32, #tpu.memory_space<vmem>>, vector<16xi32>,
        %get3A_481 = arith.constant 43 : i32
        %get3A_482 = arith.index_cast %get3A_481 : i32 to index
        %get3A_483 = arith.index_cast %mul3A_441 : i32 to index
        %get3A_484 = tpu.vector_load %arg8[%get3A_482, %get3A_483] {strides = array<i32>} : memref<44x384xi32, #tpu.memory_space<vmem>>, vector<16xi32>,
        %shift_left3A = arith.constant 16 : i32
        %shift_left3A_485 = vector.broadcast %shift_left3A : i32 to vector<16xi32>
        %shift_left3A_486 = arith.shli %get3A_444, %shift_left3A_485 : vector<16xi32>
        %bitcast_convert_type3A = tpu.bitcast %shift_left3A_486 : vector<16xi32> -> vector<16xf32>
        %shift_left3A_487 = arith.constant 16 : i32
        %shift_left3A_488 = vector.broadcast %shift_left3A_487 : i32 to vector<16xi32>
        %shift_left3A_489 = arith.shli %get3A_448, %shift_left3A_488 : vector<16xi32>
        %bitcast_convert_type3A_490 = tpu.bitcast %shift_left3A_489 : vector<16xi32> -> vector<16xf32>
        %shift_left3A_491 = arith.constant 16 : i32
        %shift_left3A_492 = vector.broadcast %shift_left3A_491 : i32 to vector<16xi32>
        %shift_left3A_493 = arith.shli %get3A_452, %shift_left3A_492 : vector<16xi32>
        %bitcast_convert_type3A_494 = tpu.bitcast %shift_left3A_493 : vector<16xi32> -> vector<16xf32>
        %shift_left3A_495 = arith.constant 16 : i32
        %shift_left3A_496 = vector.broadcast %shift_left3A_495 : i32 to vector<16xi32>
        %shift_left3A_497 = arith.shli %get3A_456, %shift_left3A_496 : vector<16xi32>
        %bitcast_convert_type3A_498 = tpu.bitcast %shift_left3A_497 : vector<16xi32> -> vector<16xf32>
        %shift_left3A_499 = arith.constant 16 : i32
        %shift_left3A_500 = vector.broadcast %shift_left3A_499 : i32 to vector<16xi32>
        %shift_left3A_501 = arith.shli %get3A_460, %shift_left3A_500 : vector<16xi32>
        %bitcast_convert_type3A_502 = tpu.bitcast %shift_left3A_501 : vector<16xi32> -> vector<16xf32>
        %shift_left3A_503 = arith.constant 16 : i32
        %shift_left3A_504 = vector.broadcast %shift_left3A_503 : i32 to vector<16xi32>
        %shift_left3A_505 = arith.shli %get3A_464, %shift_left3A_504 : vector<16xi32>
        %bitcast_convert_type3A_506 = tpu.bitcast %shift_left3A_505 : vector<16xi32> -> vector<16xf32>
        %shift_left3A_507 = arith.constant 16 : i32
        %shift_left3A_508 = vector.broadcast %shift_left3A_507 : i32 to vector<16xi32>
        %shift_left3A_509 = arith.shli %get3A_468, %shift_left3A_508 : vector<16xi32>
        %bitcast_convert_type3A_510 = tpu.bitcast %shift_left3A_509 : vector<16xi32> -> vector<16xf32>
        %shift_left3A_511 = arith.constant 16 : i32
        %shift_left3A_512 = vector.broadcast %shift_left3A_511 : i32 to vector<16xi32>
        %shift_left3A_513 = arith.shli %get3A_472, %shift_left3A_512 : vector<16xi32>
        %bitcast_convert_type3A_514 = tpu.bitcast %shift_left3A_513 : vector<16xi32> -> vector<16xf32>
        %shift_left3A_515 = arith.constant 16 : i32
        %shift_left3A_516 = vector.broadcast %shift_left3A_515 : i32 to vector<16xi32>
        %shift_left3A_517 = arith.shli %get3A_476, %shift_left3A_516 : vector<16xi32>
        %bitcast_convert_type3A_518 = tpu.bitcast %shift_left3A_517 : vector<16xi32> -> vector<16xf32>
        %shift_left3A_519 = arith.constant 16 : i32
        %shift_left3A_520 = vector.broadcast %shift_left3A_519 : i32 to vector<16xi32>
        %shift_left3A_521 = arith.shli %get3A_480, %shift_left3A_520 : vector<16xi32>
        %bitcast_convert_type3A_522 = tpu.bitcast %shift_left3A_521 : vector<16xi32> -> vector<16xf32>
        %shift_left3A_523 = arith.constant 16 : i32
        %shift_left3A_524 = vector.broadcast %shift_left3A_523 : i32 to vector<16xi32>
        %shift_left3A_525 = arith.shli %get3A_484, %shift_left3A_524 : vector<16xi32>
        %bitcast_convert_type3A_526 = tpu.bitcast %shift_left3A_525 : vector<16xi32> -> vector<16xf32>
        %add3A_527 = arith.addf %bitcast_convert_type3A, %bitcast_convert_type3A_490 : vector<16xf32>
        %add3A_528 = arith.addf %bitcast_convert_type3A_494, %bitcast_convert_type3A_498 : vector<16xf32>
        %add3A_529 = arith.addf %bitcast_convert_type3A_502, %bitcast_convert_type3A_506 : vector<16xf32>
        %add3A_530 = arith.addf %bitcast_convert_type3A_510, %bitcast_convert_type3A_514 : vector<16xf32>
        %add3A_531 = arith.addf %bitcast_convert_type3A_518, %bitcast_convert_type3A_522 : vector<16xf32>
        %add3A_532 = arith.addf %add3A_527, %add3A_528 : vector<16xf32>
        %add3A_533 = arith.addf %add3A_529, %add3A_530 : vector<16xf32>
        %add3A_534 = arith.addf %add3A_531, %bitcast_convert_type3A_526 : vector<16xf32>
        %add3A_535 = arith.addf %add3A_532, %add3A_533 : vector<16xf32>
        %add3A_536 = arith.addf %add3A_535, %add3A_534 : vector<16xf32>
        %and3A = arith.andi %get3A_444, %broadcast_in_dim3A_23 : vector<16xi32>
        %bitcast_convert_type3A_537 = tpu.bitcast %and3A : vector<16xi32> -> vector<16xf32>
        %and3A_538 = arith.andi %get3A_448, %broadcast_in_dim3A_23 : vector<16xi32>
        %bitcast_convert_type3A_539 = tpu.bitcast %and3A_538 : vector<16xi32> -> vector<16xf32>
        %and3A_540 = arith.andi %get3A_452, %broadcast_in_dim3A_23 : vector<16xi32>
        %bitcast_convert_type3A_541 = tpu.bitcast %and3A_540 : vector<16xi32> -> vector<16xf32>
        %and3A_542 = arith.andi %get3A_456, %broadcast_in_dim3A_23 : vector<16xi32>
        %bitcast_convert_type3A_543 = tpu.bitcast %and3A_542 : vector<16xi32> -> vector<16xf32>
        %and3A_544 = arith.andi %get3A_460, %broadcast_in_dim3A_23 : vector<16xi32>
        %bitcast_convert_type3A_545 = tpu.bitcast %and3A_544 : vector<16xi32> -> vector<16xf32>
        %and3A_546 = arith.andi %get3A_464, %broadcast_in_dim3A_23 : vector<16xi32>
        %bitcast_convert_type3A_547 = tpu.bitcast %and3A_546 : vector<16xi32> -> vector<16xf32>
        %and3A_548 = arith.andi %get3A_468, %broadcast_in_dim3A_23 : vector<16xi32>
        %bitcast_convert_type3A_549 = tpu.bitcast %and3A_548 : vector<16xi32> -> vector<16xf32>
        %and3A_550 = arith.andi %get3A_472, %broadcast_in_dim3A_23 : vector<16xi32>
        %bitcast_convert_type3A_551 = tpu.bitcast %and3A_550 : vector<16xi32> -> vector<16xf32>
        %and3A_552 = arith.andi %get3A_476, %broadcast_in_dim3A_23 : vector<16xi32>
        %bitcast_convert_type3A_553 = tpu.bitcast %and3A_552 : vector<16xi32> -> vector<16xf32>
        %and3A_554 = arith.andi %get3A_480, %broadcast_in_dim3A_23 : vector<16xi32>
        %bitcast_convert_type3A_555 = tpu.bitcast %and3A_554 : vector<16xi32> -> vector<16xf32>
        %and3A_556 = arith.andi %get3A_484, %broadcast_in_dim3A_23 : vector<16xi32>
        %bitcast_convert_type3A_557 = tpu.bitcast %and3A_556 : vector<16xi32> -> vector<16xf32>
        %add3A_558 = arith.addf %bitcast_convert_type3A_537, %bitcast_convert_type3A_539 : vector<16xf32>
        %add3A_559 = arith.addf %bitcast_convert_type3A_541, %bitcast_convert_type3A_543 : vector<16xf32>
        %add3A_560 = arith.addf %bitcast_convert_type3A_545, %bitcast_convert_type3A_547 : vector<16xf32>
        %add3A_561 = arith.addf %bitcast_convert_type3A_549, %bitcast_convert_type3A_551 : vector<16xf32>
        %add3A_562 = arith.addf %bitcast_convert_type3A_553, %bitcast_convert_type3A_555 : vector<16xf32>
        %add3A_563 = arith.addf %add3A_558, %add3A_559 : vector<16xf32>
        %add3A_564 = arith.addf %add3A_560, %add3A_561 : vector<16xf32>
        %add3A_565 = arith.addf %add3A_562, %bitcast_convert_type3A_557 : vector<16xf32>
        %add3A_566 = arith.addf %add3A_563, %add3A_564 : vector<16xf32>
        %add3A_567 = arith.addf %add3A_566, %add3A_565 : vector<16xf32>
        %abs3A = math.absf %add3A_536 : vector<16xf32>
        %abs3A_568 = math.absf %add3A_567 : vector<16xf32>
        %max3A = arith.maximumf %abs3A, %abs3A_568 : vector<16xf32>
        %max3A_569 = arith.maximumf %scan3A_439, %max3A : vector<16xf32>
        %mul3A_570 = arith.constant 32 : i32
        %mul3A_571 = arith.muli %scan3A_438, %mul3A_570 : i32
        %get3A_572 = arith.index_cast %mul3A_571 : i32 to index
        %get3A_573 = tpu.vector_load %arg13[%get3A_572] {strides = array<i32>} : memref<768xf32, #tpu.memory_space<vmem>>, vector<16xf32>,
        %add3A_574 = arith.addf %add3A_536, %get3A_573 : vector<16xf32>
        %mul3A_575 = arith.constant 32 : i32
        %mul3A_576 = arith.muli %scan3A_438, %mul3A_575 : i32
        %swap3A = arith.constant 3 : i32
        %swap3A_577 = arith.index_cast %swap3A : i32 to index
        %swap3A_578 = arith.index_cast %mul3A_576 : i32 to index
        %swap3A_579 = tpu.vector_load %arg12[%swap3A_577, %swap3A_578] {strides = array<i32>} : memref<4x768xf32, #tpu.memory_space<vmem>>, vector<16xf32>,
        tpu.vector_store %arg12[%swap3A_577, %swap3A_578], %add3A_574 {strides = array<i32>} : memref<4x768xf32, #tpu.memory_space<vmem>>, vector<16xf32>,
        %mul3A_580 = arith.constant 32 : i32
        %mul3A_581 = arith.muli %scan3A_438, %mul3A_580 : i32
        %add3A_582 = arith.constant 16 : i32
        %add3A_583 = arith.addi %mul3A_581, %add3A_582 : i32
        %get3A_584 = arith.index_cast %add3A_583 : i32 to index
        %get3A_585 = tpu.vector_load %arg13[%get3A_584] {strides = array<i32>} : memref<768xf32, #tpu.memory_space<vmem>>, vector<16xf32>,
        %add3A_586 = arith.addf %add3A_567, %get3A_585 : vector<16xf32>
        %mul3A_587 = arith.constant 32 : i32
        %mul3A_588 = arith.muli %scan3A_438, %mul3A_587 : i32
        %add3A_589 = arith.constant 16 : i32
        %add3A_590 = arith.addi %mul3A_588, %add3A_589 : i32
        %swap3A_591 = arith.constant 3 : i32
        %swap3A_592 = arith.index_cast %swap3A_591 : i32 to index
        %swap3A_593 = arith.index_cast %add3A_590 : i32 to index
        %swap3A_594 = tpu.vector_load %arg12[%swap3A_592, %swap3A_593] {strides = array<i32>} : memref<4x768xf32, #tpu.memory_space<vmem>>, vector<16xf32>,
        tpu.vector_store %arg12[%swap3A_592, %swap3A_593], %add3A_586 {strides = array<i32>} : memref<4x768xf32, #tpu.memory_space<vmem>>, vector<16xf32>,
        scf.yield %max3A_569 : vector<16xf32>
      }
      %scan3A_220 = arith.constant 24 : i32
      %reduce_max3A_221 = arith.constant true
      %reduce_max3A_222 = vector.broadcast %reduce_max3A_221 : i1 to vector<16xi1>
      %reduce_max3A_223 = tpu.scan <max>, %scan3A_219 masked %reduce_max3A_222 : vector<16xf32>, vector<16xi1> -> vector<16xf32>
      %reduce_max3A_224 = vector.extract %reduce_max3A_223[15] : f32 from vector<16xf32>
      %eq3A_225 = arith.constant 0.000000e+00 : f32
      %eq3A_226 = arith.cmpf oeq, %reduce_max3A_224, %eq3A_225 : f32
      %convert_element_type3A_227 = arith.extui %eq3A_226 : i1 to i32
      %cond3A_228 = arith.constant 0 : i32
      %cond3A_229 = arith.cmpi ne, %convert_element_type3A_227, %cond3A_228 : i32
      scf.if %cond3A_229 {
        %scan3A_438 = arith.constant 0 : i32
        %scan3A_439 = arith.constant 0 : i32
        %scan3A_440 = arith.constant 48 : i32
        %scan3A_441 = arith.addi %scan3A_439, %scan3A_440 : i32
        %scan3A_442 = arith.constant 1 : i32
        %scan3A_443 = scf.for %scan3A_445 = %scan3A_439 to %scan3A_441 step %scan3A_442 iter_args(%scan3A_446 = %scan3A_438) -> (i32)  : i32 {
          %broadcast_in_dim3A_447 = arith.constant 0.000000e+00 : f32
          %broadcast_in_dim3A_448 = vector.broadcast %broadcast_in_dim3A_447 : f32 to vector<16xf32>
          %mul3A_449 = arith.constant 16 : i32
          %mul3A_450 = arith.muli %scan3A_445, %mul3A_449 : i32
          %swap3A = arith.constant 3 : i32
          %swap3A_451 = arith.index_cast %swap3A : i32 to index
          %swap3A_452 = arith.index_cast %mul3A_450 : i32 to index
          %swap3A_453 = tpu.vector_load %arg12[%swap3A_451, %swap3A_452] {strides = array<i32>} : memref<4x768xf32, #tpu.memory_space<vmem>>, vector<16xf32>,
          tpu.vector_store %arg12[%swap3A_451, %swap3A_452], %broadcast_in_dim3A_448 {strides = array<i32>} : memref<4x768xf32, #tpu.memory_space<vmem>>, vector<16xf32>,
          %scan3A_454 = arith.constant 0 : i32
          scf.yield %scan3A_454 : i32
        }
        %scan3A_444 = arith.constant 48 : i32
      } else {
      }
      %mul3A_230 = arith.constant 2080 : i32
      %mul3A_231 = arith.muli %add3A, %mul3A_230 : i32
      %mul3A_232 = arith.constant 4 : i32
      %mul3A_233 = arith.muli %add3A_143, %mul3A_232 : i32
      %add3A_234 = arith.addi %mul3A_231, %mul3A_233 : i32
      %dma_start3A_235 = arith.constant 0 : i32
      %dma_start3A_236 = tpu.memref_slice %arg5[%add3A_234, %dma_start3A_235] : memref<66560x768xf32, #tpu.memory_space<hbm>> -> memref<4x768xf32, #tpu.memory_space<hbm>>
      %dma_start3A_237 = arith.constant 0 : i32
      %dma_start3A_238 = tpu.memref_slice %arg5[%add3A_234, %dma_start3A_237] : memref<66560x768xf32, #tpu.memory_space<hbm>> -> memref<4x768xf32, #tpu.memory_space<hbm>>
      tpu.enqueue_dma source(%arg12 : memref<4x768xf32, #tpu.memory_space<vmem>>) target(%dma_start3A_238 : memref<4x768xf32, #tpu.memory_space<hbm>>) target_semaphore(%arg19 : memref<!tpu.dma_semaphore, #tpu.memory_space<semaphore_mem>>)
      %mul3A_239 = arith.constant 4 : i32
      %mul3A_240 = arith.muli %scan3A_45, %mul3A_239 : i32
      %add3A_241 = arith.constant 2 : i32
      %add3A_242 = arith.addi %mul3A_240, %add3A_241 : i32
      %add3A_243 = arith.constant 3 : i32
      %add3A_244 = arith.addi %add3A_242, %add3A_243 : i32
      %lt3A_245 = arith.constant 520 : i32
      %lt3A_246 = arith.cmpi slt, %add3A_244, %lt3A_245 : i32
      %convert_element_type3A_247 = arith.extui %lt3A_246 : i1 to i32
      %cond3A_248 = arith.constant 0 : i32
      %cond3A_249 = arith.cmpi ne, %convert_element_type3A_247, %cond3A_248 : i32
      scf.if %cond3A_249 {
        %add3A_438 = arith.constant 3 : i32
        %add3A_439 = arith.addi %add3A_242, %add3A_438 : i32
        %dma_start3A_440 = arith.constant 0 : i32
        %dma_start3A_441 = tpu.memref_slice %arg6[%add3A_439, %dma_start3A_440] : memref<520x44xi32, #tpu.memory_space<vmem>> -> memref<1x44xi32, #tpu.memory_space<vmem>>
        %dma_start3A_442 = tpu.memref_squeeze %dma_start3A_441 : memref<1x44xi32, #tpu.memory_space<vmem>> -> memref<44xi32, #tpu.memory_space<vmem>>
        %dma_start3A_443 = arith.constant 0 : i32
        %dma_start3A_444 = arith.constant 0 : i32
        %dma_start3A_445 = tpu.memref_slice %arg2[%dma_start3A_443, %dma_start3A_444] : memref<5634x384xi32, #tpu.memory_space<hbm>> -> memref<5634x384xi32, #tpu.memory_space<hbm>>
        tpu.enqueue_indirect_dma source(%dma_start3A_445 : memref<5634x384xi32, #tpu.memory_space<hbm>>) target(%arg8 : memref<44x384xi32, #tpu.memory_space<vmem>>) offsets(%dma_start3A_442 : memref<44xi32, #tpu.memory_space<vmem>>) semaphore(%arg15 : memref<!tpu.dma_semaphore, #tpu.memory_space<semaphore_mem>>)
      } else {
      }
      %dma_wait3A_250 = arith.constant 0 : i32
      %dma_wait3A_251 = tpu.memref_slice %arg6[%add3A_242, %dma_wait3A_250] : memref<520x44xi32, #tpu.memory_space<vmem>> -> memref<1x44xi32, #tpu.memory_space<vmem>>
      %dma_wait3A_252 = tpu.memref_squeeze %dma_wait3A_251 : memref<1x44xi32, #tpu.memory_space<vmem>> -> memref<44xi32, #tpu.memory_space<vmem>>
      %dma_wait3A_253 = arith.constant 0 : i32
      %dma_wait3A_254 = arith.constant 0 : i32
      %dma_wait3A_255 = tpu.memref_slice %arg2[%dma_wait3A_253, %dma_wait3A_254] : memref<5634x384xi32, #tpu.memory_space<hbm>> -> memref<5634x384xi32, #tpu.memory_space<hbm>>
      tpu.wait_indirect_dma semaphore(%arg16 : memref<!tpu.dma_semaphore, #tpu.memory_space<semaphore_mem>>) src(%dma_wait3A_255 : memref<5634x384xi32, #tpu.memory_space<hbm>>) dst(%arg9 : memref<44x384xi32, #tpu.memory_space<vmem>>)
      %ge3A_256 = arith.constant 2 : i32
      %ge3A_257 = arith.cmpi sge, %add3A_242, %ge3A_256 : i32
      %convert_element_type3A_258 = arith.extui %ge3A_257 : i1 to i32
      %cond3A_259 = arith.constant 0 : i32
      %cond3A_260 = arith.cmpi ne, %convert_element_type3A_258, %cond3A_259 : i32
      scf.if %cond3A_260 {
        %sub3A = arith.constant 2 : i32
        %sub3A_438 = arith.subi %add3A_242, %sub3A : i32
        %mul3A_439 = arith.constant 2080 : i32
        %mul3A_440 = arith.muli %add3A, %mul3A_439 : i32
        %mul3A_441 = arith.constant 4 : i32
        %mul3A_442 = arith.muli %sub3A_438, %mul3A_441 : i32
        %add3A_443 = arith.addi %mul3A_440, %mul3A_442 : i32
        %dma_wait3A_444 = arith.constant 0 : i32
        %dma_wait3A_445 = tpu.memref_slice %arg5[%add3A_443, %dma_wait3A_444] : memref<66560x768xf32, #tpu.memory_space<hbm>> -> memref<4x768xf32, #tpu.memory_space<hbm>>
        %dma_wait3A_446 = arith.constant 0 : i32
        %dma_wait3A_447 = tpu.memref_slice %arg5[%add3A_443, %dma_wait3A_446] : memref<66560x768xf32, #tpu.memory_space<hbm>> -> memref<4x768xf32, #tpu.memory_space<hbm>>
        tpu.wait_dma2 semaphore(%arg18 : memref<!tpu.dma_semaphore, #tpu.memory_space<semaphore_mem>>) src(%arg11 : memref<4x768xf32, #tpu.memory_space<vmem>>) dst(%dma_wait3A_447 : memref<4x768xf32, #tpu.memory_space<hbm>>)
      } else {
      }
      %broadcast_in_dim3A_261 = arith.constant 0.000000e+00 : f32
      %broadcast_in_dim3A_262 = vector.broadcast %broadcast_in_dim3A_261 : f32 to vector<16xf32>
      %scan3A_263 = arith.constant 0 : i32
      %scan3A_264 = arith.constant 24 : i32
      %scan3A_265 = arith.addi %scan3A_263, %scan3A_264 : i32
      %scan3A_266 = arith.constant 1 : i32
      %scan3A_267 = scf.for %scan3A_438 = %scan3A_263 to %scan3A_265 step %scan3A_266 iter_args(%scan3A_439 = %broadcast_in_dim3A_262) -> (vector<16xf32>)  : i32 {
        %mul3A_440 = arith.constant 16 : i32
        %mul3A_441 = arith.muli %scan3A_438, %mul3A_440 : i32
        %get3A = arith.constant 0 : i32
        %get3A_442 = arith.index_cast %get3A : i32 to index
        %get3A_443 = arith.index_cast %mul3A_441 : i32 to index
        %get3A_444 = tpu.vector_load %arg9[%get3A_442, %get3A_443] {strides = array<i32>} : memref<44x384xi32, #tpu.memory_space<vmem>>, vector<16xi32>,
        %get3A_445 = arith.constant 1 : i32
        %get3A_446 = arith.index_cast %get3A_445 : i32 to index
        %get3A_447 = arith.index_cast %mul3A_441 : i32 to index
        %get3A_448 = tpu.vector_load %arg9[%get3A_446, %get3A_447] {strides = array<i32>} : memref<44x384xi32, #tpu.memory_space<vmem>>, vector<16xi32>,
        %get3A_449 = arith.constant 2 : i32
        %get3A_450 = arith.index_cast %get3A_449 : i32 to index
        %get3A_451 = arith.index_cast %mul3A_441 : i32 to index
        %get3A_452 = tpu.vector_load %arg9[%get3A_450, %get3A_451] {strides = array<i32>} : memref<44x384xi32, #tpu.memory_space<vmem>>, vector<16xi32>,
        %get3A_453 = arith.constant 3 : i32
        %get3A_454 = arith.index_cast %get3A_453 : i32 to index
        %get3A_455 = arith.index_cast %mul3A_441 : i32 to index
        %get3A_456 = tpu.vector_load %arg9[%get3A_454, %get3A_455] {strides = array<i32>} : memref<44x384xi32, #tpu.memory_space<vmem>>, vector<16xi32>,
        %get3A_457 = arith.constant 4 : i32
        %get3A_458 = arith.index_cast %get3A_457 : i32 to index
        %get3A_459 = arith.index_cast %mul3A_441 : i32 to index
        %get3A_460 = tpu.vector_load %arg9[%get3A_458, %get3A_459] {strides = array<i32>} : memref<44x384xi32, #tpu.memory_space<vmem>>, vector<16xi32>,
        %get3A_461 = arith.constant 5 : i32
        %get3A_462 = arith.index_cast %get3A_461 : i32 to index
        %get3A_463 = arith.index_cast %mul3A_441 : i32 to index
        %get3A_464 = tpu.vector_load %arg9[%get3A_462, %get3A_463] {strides = array<i32>} : memref<44x384xi32, #tpu.memory_space<vmem>>, vector<16xi32>,
        %get3A_465 = arith.constant 6 : i32
        %get3A_466 = arith.index_cast %get3A_465 : i32 to index
        %get3A_467 = arith.index_cast %mul3A_441 : i32 to index
        %get3A_468 = tpu.vector_load %arg9[%get3A_466, %get3A_467] {strides = array<i32>} : memref<44x384xi32, #tpu.memory_space<vmem>>, vector<16xi32>,
        %get3A_469 = arith.constant 7 : i32
        %get3A_470 = arith.index_cast %get3A_469 : i32 to index
        %get3A_471 = arith.index_cast %mul3A_441 : i32 to index
        %get3A_472 = tpu.vector_load %arg9[%get3A_470, %get3A_471] {strides = array<i32>} : memref<44x384xi32, #tpu.memory_space<vmem>>, vector<16xi32>,
        %get3A_473 = arith.constant 8 : i32
        %get3A_474 = arith.index_cast %get3A_473 : i32 to index
        %get3A_475 = arith.index_cast %mul3A_441 : i32 to index
        %get3A_476 = tpu.vector_load %arg9[%get3A_474, %get3A_475] {strides = array<i32>} : memref<44x384xi32, #tpu.memory_space<vmem>>, vector<16xi32>,
        %get3A_477 = arith.constant 9 : i32
        %get3A_478 = arith.index_cast %get3A_477 : i32 to index
        %get3A_479 = arith.index_cast %mul3A_441 : i32 to index
        %get3A_480 = tpu.vector_load %arg9[%get3A_478, %get3A_479] {strides = array<i32>} : memref<44x384xi32, #tpu.memory_space<vmem>>, vector<16xi32>,
        %get3A_481 = arith.constant 10 : i32
        %get3A_482 = arith.index_cast %get3A_481 : i32 to index
        %get3A_483 = arith.index_cast %mul3A_441 : i32 to index
        %get3A_484 = tpu.vector_load %arg9[%get3A_482, %get3A_483] {strides = array<i32>} : memref<44x384xi32, #tpu.memory_space<vmem>>, vector<16xi32>,
        %shift_left3A = arith.constant 16 : i32
        %shift_left3A_485 = vector.broadcast %shift_left3A : i32 to vector<16xi32>
        %shift_left3A_486 = arith.shli %get3A_444, %shift_left3A_485 : vector<16xi32>
        %bitcast_convert_type3A = tpu.bitcast %shift_left3A_486 : vector<16xi32> -> vector<16xf32>
        %shift_left3A_487 = arith.constant 16 : i32
        %shift_left3A_488 = vector.broadcast %shift_left3A_487 : i32 to vector<16xi32>
        %shift_left3A_489 = arith.shli %get3A_448, %shift_left3A_488 : vector<16xi32>
        %bitcast_convert_type3A_490 = tpu.bitcast %shift_left3A_489 : vector<16xi32> -> vector<16xf32>
        %shift_left3A_491 = arith.constant 16 : i32
        %shift_left3A_492 = vector.broadcast %shift_left3A_491 : i32 to vector<16xi32>
        %shift_left3A_493 = arith.shli %get3A_452, %shift_left3A_492 : vector<16xi32>
        %bitcast_convert_type3A_494 = tpu.bitcast %shift_left3A_493 : vector<16xi32> -> vector<16xf32>
        %shift_left3A_495 = arith.constant 16 : i32
        %shift_left3A_496 = vector.broadcast %shift_left3A_495 : i32 to vector<16xi32>
        %shift_left3A_497 = arith.shli %get3A_456, %shift_left3A_496 : vector<16xi32>
        %bitcast_convert_type3A_498 = tpu.bitcast %shift_left3A_497 : vector<16xi32> -> vector<16xf32>
        %shift_left3A_499 = arith.constant 16 : i32
        %shift_left3A_500 = vector.broadcast %shift_left3A_499 : i32 to vector<16xi32>
        %shift_left3A_501 = arith.shli %get3A_460, %shift_left3A_500 : vector<16xi32>
        %bitcast_convert_type3A_502 = tpu.bitcast %shift_left3A_501 : vector<16xi32> -> vector<16xf32>
        %shift_left3A_503 = arith.constant 16 : i32
        %shift_left3A_504 = vector.broadcast %shift_left3A_503 : i32 to vector<16xi32>
        %shift_left3A_505 = arith.shli %get3A_464, %shift_left3A_504 : vector<16xi32>
        %bitcast_convert_type3A_506 = tpu.bitcast %shift_left3A_505 : vector<16xi32> -> vector<16xf32>
        %shift_left3A_507 = arith.constant 16 : i32
        %shift_left3A_508 = vector.broadcast %shift_left3A_507 : i32 to vector<16xi32>
        %shift_left3A_509 = arith.shli %get3A_468, %shift_left3A_508 : vector<16xi32>
        %bitcast_convert_type3A_510 = tpu.bitcast %shift_left3A_509 : vector<16xi32> -> vector<16xf32>
        %shift_left3A_511 = arith.constant 16 : i32
        %shift_left3A_512 = vector.broadcast %shift_left3A_511 : i32 to vector<16xi32>
        %shift_left3A_513 = arith.shli %get3A_472, %shift_left3A_512 : vector<16xi32>
        %bitcast_convert_type3A_514 = tpu.bitcast %shift_left3A_513 : vector<16xi32> -> vector<16xf32>
        %shift_left3A_515 = arith.constant 16 : i32
        %shift_left3A_516 = vector.broadcast %shift_left3A_515 : i32 to vector<16xi32>
        %shift_left3A_517 = arith.shli %get3A_476, %shift_left3A_516 : vector<16xi32>
        %bitcast_convert_type3A_518 = tpu.bitcast %shift_left3A_517 : vector<16xi32> -> vector<16xf32>
        %shift_left3A_519 = arith.constant 16 : i32
        %shift_left3A_520 = vector.broadcast %shift_left3A_519 : i32 to vector<16xi32>
        %shift_left3A_521 = arith.shli %get3A_480, %shift_left3A_520 : vector<16xi32>
        %bitcast_convert_type3A_522 = tpu.bitcast %shift_left3A_521 : vector<16xi32> -> vector<16xf32>
        %shift_left3A_523 = arith.constant 16 : i32
        %shift_left3A_524 = vector.broadcast %shift_left3A_523 : i32 to vector<16xi32>
        %shift_left3A_525 = arith.shli %get3A_484, %shift_left3A_524 : vector<16xi32>
        %bitcast_convert_type3A_526 = tpu.bitcast %shift_left3A_525 : vector<16xi32> -> vector<16xf32>
        %add3A_527 = arith.addf %bitcast_convert_type3A, %bitcast_convert_type3A_490 : vector<16xf32>
        %add3A_528 = arith.addf %bitcast_convert_type3A_494, %bitcast_convert_type3A_498 : vector<16xf32>
        %add3A_529 = arith.addf %bitcast_convert_type3A_502, %bitcast_convert_type3A_506 : vector<16xf32>
        %add3A_530 = arith.addf %bitcast_convert_type3A_510, %bitcast_convert_type3A_514 : vector<16xf32>
        %add3A_531 = arith.addf %bitcast_convert_type3A_518, %bitcast_convert_type3A_522 : vector<16xf32>
        %add3A_532 = arith.addf %add3A_527, %add3A_528 : vector<16xf32>
        %add3A_533 = arith.addf %add3A_529, %add3A_530 : vector<16xf32>
        %add3A_534 = arith.addf %add3A_531, %bitcast_convert_type3A_526 : vector<16xf32>
        %add3A_535 = arith.addf %add3A_532, %add3A_533 : vector<16xf32>
        %add3A_536 = arith.addf %add3A_535, %add3A_534 : vector<16xf32>
        %and3A = arith.andi %get3A_444, %broadcast_in_dim3A_23 : vector<16xi32>
        %bitcast_convert_type3A_537 = tpu.bitcast %and3A : vector<16xi32> -> vector<16xf32>
        %and3A_538 = arith.andi %get3A_448, %broadcast_in_dim3A_23 : vector<16xi32>
        %bitcast_convert_type3A_539 = tpu.bitcast %and3A_538 : vector<16xi32> -> vector<16xf32>
        %and3A_540 = arith.andi %get3A_452, %broadcast_in_dim3A_23 : vector<16xi32>
        %bitcast_convert_type3A_541 = tpu.bitcast %and3A_540 : vector<16xi32> -> vector<16xf32>
        %and3A_542 = arith.andi %get3A_456, %broadcast_in_dim3A_23 : vector<16xi32>
        %bitcast_convert_type3A_543 = tpu.bitcast %and3A_542 : vector<16xi32> -> vector<16xf32>
        %and3A_544 = arith.andi %get3A_460, %broadcast_in_dim3A_23 : vector<16xi32>
        %bitcast_convert_type3A_545 = tpu.bitcast %and3A_544 : vector<16xi32> -> vector<16xf32>
        %and3A_546 = arith.andi %get3A_464, %broadcast_in_dim3A_23 : vector<16xi32>
        %bitcast_convert_type3A_547 = tpu.bitcast %and3A_546 : vector<16xi32> -> vector<16xf32>
        %and3A_548 = arith.andi %get3A_468, %broadcast_in_dim3A_23 : vector<16xi32>
        %bitcast_convert_type3A_549 = tpu.bitcast %and3A_548 : vector<16xi32> -> vector<16xf32>
        %and3A_550 = arith.andi %get3A_472, %broadcast_in_dim3A_23 : vector<16xi32>
        %bitcast_convert_type3A_551 = tpu.bitcast %and3A_550 : vector<16xi32> -> vector<16xf32>
        %and3A_552 = arith.andi %get3A_476, %broadcast_in_dim3A_23 : vector<16xi32>
        %bitcast_convert_type3A_553 = tpu.bitcast %and3A_552 : vector<16xi32> -> vector<16xf32>
        %and3A_554 = arith.andi %get3A_480, %broadcast_in_dim3A_23 : vector<16xi32>
        %bitcast_convert_type3A_555 = tpu.bitcast %and3A_554 : vector<16xi32> -> vector<16xf32>
        %and3A_556 = arith.andi %get3A_484, %broadcast_in_dim3A_23 : vector<16xi32>
        %bitcast_convert_type3A_557 = tpu.bitcast %and3A_556 : vector<16xi32> -> vector<16xf32>
        %add3A_558 = arith.addf %bitcast_convert_type3A_537, %bitcast_convert_type3A_539 : vector<16xf32>
        %add3A_559 = arith.addf %bitcast_convert_type3A_541, %bitcast_convert_type3A_543 : vector<16xf32>
        %add3A_560 = arith.addf %bitcast_convert_type3A_545, %bitcast_convert_type3A_547 : vector<16xf32>
        %add3A_561 = arith.addf %bitcast_convert_type3A_549, %bitcast_convert_type3A_551 : vector<16xf32>
        %add3A_562 = arith.addf %bitcast_convert_type3A_553, %bitcast_convert_type3A_555 : vector<16xf32>
        %add3A_563 = arith.addf %add3A_558, %add3A_559 : vector<16xf32>
        %add3A_564 = arith.addf %add3A_560, %add3A_561 : vector<16xf32>
        %add3A_565 = arith.addf %add3A_562, %bitcast_convert_type3A_557 : vector<16xf32>
        %add3A_566 = arith.addf %add3A_563, %add3A_564 : vector<16xf32>
        %add3A_567 = arith.addf %add3A_566, %add3A_565 : vector<16xf32>
        %abs3A = math.absf %add3A_536 : vector<16xf32>
        %abs3A_568 = math.absf %add3A_567 : vector<16xf32>
        %max3A = arith.maximumf %abs3A, %abs3A_568 : vector<16xf32>
        %max3A_569 = arith.maximumf %scan3A_439, %max3A : vector<16xf32>
        %mul3A_570 = arith.constant 32 : i32
        %mul3A_571 = arith.muli %scan3A_438, %mul3A_570 : i32
        %get3A_572 = arith.index_cast %mul3A_571 : i32 to index
        %get3A_573 = tpu.vector_load %arg13[%get3A_572] {strides = array<i32>} : memref<768xf32, #tpu.memory_space<vmem>>, vector<16xf32>,
        %add3A_574 = arith.addf %add3A_536, %get3A_573 : vector<16xf32>
        %mul3A_575 = arith.constant 32 : i32
        %mul3A_576 = arith.muli %scan3A_438, %mul3A_575 : i32
        %swap3A = arith.constant 0 : i32
        %swap3A_577 = arith.index_cast %swap3A : i32 to index
        %swap3A_578 = arith.index_cast %mul3A_576 : i32 to index
        %swap3A_579 = tpu.vector_load %arg11[%swap3A_577, %swap3A_578] {strides = array<i32>} : memref<4x768xf32, #tpu.memory_space<vmem>>, vector<16xf32>,
        tpu.vector_store %arg11[%swap3A_577, %swap3A_578], %add3A_574 {strides = array<i32>} : memref<4x768xf32, #tpu.memory_space<vmem>>, vector<16xf32>,
        %mul3A_580 = arith.constant 32 : i32
        %mul3A_581 = arith.muli %scan3A_438, %mul3A_580 : i32
        %add3A_582 = arith.constant 16 : i32
        %add3A_583 = arith.addi %mul3A_581, %add3A_582 : i32
        %get3A_584 = arith.index_cast %add3A_583 : i32 to index
        %get3A_585 = tpu.vector_load %arg13[%get3A_584] {strides = array<i32>} : memref<768xf32, #tpu.memory_space<vmem>>, vector<16xf32>,
        %add3A_586 = arith.addf %add3A_567, %get3A_585 : vector<16xf32>
        %mul3A_587 = arith.constant 32 : i32
        %mul3A_588 = arith.muli %scan3A_438, %mul3A_587 : i32
        %add3A_589 = arith.constant 16 : i32
        %add3A_590 = arith.addi %mul3A_588, %add3A_589 : i32
        %swap3A_591 = arith.constant 0 : i32
        %swap3A_592 = arith.index_cast %swap3A_591 : i32 to index
        %swap3A_593 = arith.index_cast %add3A_590 : i32 to index
        %swap3A_594 = tpu.vector_load %arg11[%swap3A_592, %swap3A_593] {strides = array<i32>} : memref<4x768xf32, #tpu.memory_space<vmem>>, vector<16xf32>,
        tpu.vector_store %arg11[%swap3A_592, %swap3A_593], %add3A_586 {strides = array<i32>} : memref<4x768xf32, #tpu.memory_space<vmem>>, vector<16xf32>,
        scf.yield %max3A_569 : vector<16xf32>
      }
      %scan3A_268 = arith.constant 24 : i32
      %reduce_max3A_269 = arith.constant true
      %reduce_max3A_270 = vector.broadcast %reduce_max3A_269 : i1 to vector<16xi1>
      %reduce_max3A_271 = tpu.scan <max>, %scan3A_267 masked %reduce_max3A_270 : vector<16xf32>, vector<16xi1> -> vector<16xf32>
      %reduce_max3A_272 = vector.extract %reduce_max3A_271[15] : f32 from vector<16xf32>
      %eq3A_273 = arith.constant 0.000000e+00 : f32
      %eq3A_274 = arith.cmpf oeq, %reduce_max3A_272, %eq3A_273 : f32
      %convert_element_type3A_275 = arith.extui %eq3A_274 : i1 to i32
      %cond3A_276 = arith.constant 0 : i32
      %cond3A_277 = arith.cmpi ne, %convert_element_type3A_275, %cond3A_276 : i32
      scf.if %cond3A_277 {
        %scan3A_438 = arith.constant 0 : i32
        %scan3A_439 = arith.constant 0 : i32
        %scan3A_440 = arith.constant 48 : i32
        %scan3A_441 = arith.addi %scan3A_439, %scan3A_440 : i32
        %scan3A_442 = arith.constant 1 : i32
        %scan3A_443 = scf.for %scan3A_445 = %scan3A_439 to %scan3A_441 step %scan3A_442 iter_args(%scan3A_446 = %scan3A_438) -> (i32)  : i32 {
          %broadcast_in_dim3A_447 = arith.constant 0.000000e+00 : f32
          %broadcast_in_dim3A_448 = vector.broadcast %broadcast_in_dim3A_447 : f32 to vector<16xf32>
          %mul3A_449 = arith.constant 16 : i32
          %mul3A_450 = arith.muli %scan3A_445, %mul3A_449 : i32
          %swap3A = arith.constant 0 : i32
          %swap3A_451 = arith.index_cast %swap3A : i32 to index
          %swap3A_452 = arith.index_cast %mul3A_450 : i32 to index
          %swap3A_453 = tpu.vector_load %arg11[%swap3A_451, %swap3A_452] {strides = array<i32>} : memref<4x768xf32, #tpu.memory_space<vmem>>, vector<16xf32>,
          tpu.vector_store %arg11[%swap3A_451, %swap3A_452], %broadcast_in_dim3A_448 {strides = array<i32>} : memref<4x768xf32, #tpu.memory_space<vmem>>, vector<16xf32>,
          %scan3A_454 = arith.constant 0 : i32
          scf.yield %scan3A_454 : i32
        }
        %scan3A_444 = arith.constant 48 : i32
      } else {
      }
      %broadcast_in_dim3A_278 = arith.constant 0.000000e+00 : f32
      %broadcast_in_dim3A_279 = vector.broadcast %broadcast_in_dim3A_278 : f32 to vector<16xf32>
      %scan3A_280 = arith.constant 0 : i32
      %scan3A_281 = arith.constant 24 : i32
      %scan3A_282 = arith.addi %scan3A_280, %scan3A_281 : i32
      %scan3A_283 = arith.constant 1 : i32
      %scan3A_284 = scf.for %scan3A_438 = %scan3A_280 to %scan3A_282 step %scan3A_283 iter_args(%scan3A_439 = %broadcast_in_dim3A_279) -> (vector<16xf32>)  : i32 {
        %mul3A_440 = arith.constant 16 : i32
        %mul3A_441 = arith.muli %scan3A_438, %mul3A_440 : i32
        %get3A = arith.constant 11 : i32
        %get3A_442 = arith.index_cast %get3A : i32 to index
        %get3A_443 = arith.index_cast %mul3A_441 : i32 to index
        %get3A_444 = tpu.vector_load %arg9[%get3A_442, %get3A_443] {strides = array<i32>} : memref<44x384xi32, #tpu.memory_space<vmem>>, vector<16xi32>,
        %get3A_445 = arith.constant 12 : i32
        %get3A_446 = arith.index_cast %get3A_445 : i32 to index
        %get3A_447 = arith.index_cast %mul3A_441 : i32 to index
        %get3A_448 = tpu.vector_load %arg9[%get3A_446, %get3A_447] {strides = array<i32>} : memref<44x384xi32, #tpu.memory_space<vmem>>, vector<16xi32>,
        %get3A_449 = arith.constant 13 : i32
        %get3A_450 = arith.index_cast %get3A_449 : i32 to index
        %get3A_451 = arith.index_cast %mul3A_441 : i32 to index
        %get3A_452 = tpu.vector_load %arg9[%get3A_450, %get3A_451] {strides = array<i32>} : memref<44x384xi32, #tpu.memory_space<vmem>>, vector<16xi32>,
        %get3A_453 = arith.constant 14 : i32
        %get3A_454 = arith.index_cast %get3A_453 : i32 to index
        %get3A_455 = arith.index_cast %mul3A_441 : i32 to index
        %get3A_456 = tpu.vector_load %arg9[%get3A_454, %get3A_455] {strides = array<i32>} : memref<44x384xi32, #tpu.memory_space<vmem>>, vector<16xi32>,
        %get3A_457 = arith.constant 15 : i32
        %get3A_458 = arith.index_cast %get3A_457 : i32 to index
        %get3A_459 = arith.index_cast %mul3A_441 : i32 to index
        %get3A_460 = tpu.vector_load %arg9[%get3A_458, %get3A_459] {strides = array<i32>} : memref<44x384xi32, #tpu.memory_space<vmem>>, vector<16xi32>,
        %get3A_461 = arith.constant 16 : i32
        %get3A_462 = arith.index_cast %get3A_461 : i32 to index
        %get3A_463 = arith.index_cast %mul3A_441 : i32 to index
        %get3A_464 = tpu.vector_load %arg9[%get3A_462, %get3A_463] {strides = array<i32>} : memref<44x384xi32, #tpu.memory_space<vmem>>, vector<16xi32>,
        %get3A_465 = arith.constant 17 : i32
        %get3A_466 = arith.index_cast %get3A_465 : i32 to index
        %get3A_467 = arith.index_cast %mul3A_441 : i32 to index
        %get3A_468 = tpu.vector_load %arg9[%get3A_466, %get3A_467] {strides = array<i32>} : memref<44x384xi32, #tpu.memory_space<vmem>>, vector<16xi32>,
        %get3A_469 = arith.constant 18 : i32
        %get3A_470 = arith.index_cast %get3A_469 : i32 to index
        %get3A_471 = arith.index_cast %mul3A_441 : i32 to index
        %get3A_472 = tpu.vector_load %arg9[%get3A_470, %get3A_471] {strides = array<i32>} : memref<44x384xi32, #tpu.memory_space<vmem>>, vector<16xi32>,
        %get3A_473 = arith.constant 19 : i32
        %get3A_474 = arith.index_cast %get3A_473 : i32 to index
        %get3A_475 = arith.index_cast %mul3A_441 : i32 to index
        %get3A_476 = tpu.vector_load %arg9[%get3A_474, %get3A_475] {strides = array<i32>} : memref<44x384xi32, #tpu.memory_space<vmem>>, vector<16xi32>,
        %get3A_477 = arith.constant 20 : i32
        %get3A_478 = arith.index_cast %get3A_477 : i32 to index
        %get3A_479 = arith.index_cast %mul3A_441 : i32 to index
        %get3A_480 = tpu.vector_load %arg9[%get3A_478, %get3A_479] {strides = array<i32>} : memref<44x384xi32, #tpu.memory_space<vmem>>, vector<16xi32>,
        %get3A_481 = arith.constant 21 : i32
        %get3A_482 = arith.index_cast %get3A_481 : i32 to index
        %get3A_483 = arith.index_cast %mul3A_441 : i32 to index
        %get3A_484 = tpu.vector_load %arg9[%get3A_482, %get3A_483] {strides = array<i32>} : memref<44x384xi32, #tpu.memory_space<vmem>>, vector<16xi32>,
        %shift_left3A = arith.constant 16 : i32
        %shift_left3A_485 = vector.broadcast %shift_left3A : i32 to vector<16xi32>
        %shift_left3A_486 = arith.shli %get3A_444, %shift_left3A_485 : vector<16xi32>
        %bitcast_convert_type3A = tpu.bitcast %shift_left3A_486 : vector<16xi32> -> vector<16xf32>
        %shift_left3A_487 = arith.constant 16 : i32
        %shift_left3A_488 = vector.broadcast %shift_left3A_487 : i32 to vector<16xi32>
        %shift_left3A_489 = arith.shli %get3A_448, %shift_left3A_488 : vector<16xi32>
        %bitcast_convert_type3A_490 = tpu.bitcast %shift_left3A_489 : vector<16xi32> -> vector<16xf32>
        %shift_left3A_491 = arith.constant 16 : i32
        %shift_left3A_492 = vector.broadcast %shift_left3A_491 : i32 to vector<16xi32>
        %shift_left3A_493 = arith.shli %get3A_452, %shift_left3A_492 : vector<16xi32>
        %bitcast_convert_type3A_494 = tpu.bitcast %shift_left3A_493 : vector<16xi32> -> vector<16xf32>
        %shift_left3A_495 = arith.constant 16 : i32
        %shift_left3A_496 = vector.broadcast %shift_left3A_495 : i32 to vector<16xi32>
        %shift_left3A_497 = arith.shli %get3A_456, %shift_left3A_496 : vector<16xi32>
        %bitcast_convert_type3A_498 = tpu.bitcast %shift_left3A_497 : vector<16xi32> -> vector<16xf32>
        %shift_left3A_499 = arith.constant 16 : i32
        %shift_left3A_500 = vector.broadcast %shift_left3A_499 : i32 to vector<16xi32>
        %shift_left3A_501 = arith.shli %get3A_460, %shift_left3A_500 : vector<16xi32>
        %bitcast_convert_type3A_502 = tpu.bitcast %shift_left3A_501 : vector<16xi32> -> vector<16xf32>
        %shift_left3A_503 = arith.constant 16 : i32
        %shift_left3A_504 = vector.broadcast %shift_left3A_503 : i32 to vector<16xi32>
        %shift_left3A_505 = arith.shli %get3A_464, %shift_left3A_504 : vector<16xi32>
        %bitcast_convert_type3A_506 = tpu.bitcast %shift_left3A_505 : vector<16xi32> -> vector<16xf32>
        %shift_left3A_507 = arith.constant 16 : i32
        %shift_left3A_508 = vector.broadcast %shift_left3A_507 : i32 to vector<16xi32>
        %shift_left3A_509 = arith.shli %get3A_468, %shift_left3A_508 : vector<16xi32>
        %bitcast_convert_type3A_510 = tpu.bitcast %shift_left3A_509 : vector<16xi32> -> vector<16xf32>
        %shift_left3A_511 = arith.constant 16 : i32
        %shift_left3A_512 = vector.broadcast %shift_left3A_511 : i32 to vector<16xi32>
        %shift_left3A_513 = arith.shli %get3A_472, %shift_left3A_512 : vector<16xi32>
        %bitcast_convert_type3A_514 = tpu.bitcast %shift_left3A_513 : vector<16xi32> -> vector<16xf32>
        %shift_left3A_515 = arith.constant 16 : i32
        %shift_left3A_516 = vector.broadcast %shift_left3A_515 : i32 to vector<16xi32>
        %shift_left3A_517 = arith.shli %get3A_476, %shift_left3A_516 : vector<16xi32>
        %bitcast_convert_type3A_518 = tpu.bitcast %shift_left3A_517 : vector<16xi32> -> vector<16xf32>
        %shift_left3A_519 = arith.constant 16 : i32
        %shift_left3A_520 = vector.broadcast %shift_left3A_519 : i32 to vector<16xi32>
        %shift_left3A_521 = arith.shli %get3A_480, %shift_left3A_520 : vector<16xi32>
        %bitcast_convert_type3A_522 = tpu.bitcast %shift_left3A_521 : vector<16xi32> -> vector<16xf32>
        %shift_left3A_523 = arith.constant 16 : i32
        %shift_left3A_524 = vector.broadcast %shift_left3A_523 : i32 to vector<16xi32>
        %shift_left3A_525 = arith.shli %get3A_484, %shift_left3A_524 : vector<16xi32>
        %bitcast_convert_type3A_526 = tpu.bitcast %shift_left3A_525 : vector<16xi32> -> vector<16xf32>
        %add3A_527 = arith.addf %bitcast_convert_type3A, %bitcast_convert_type3A_490 : vector<16xf32>
        %add3A_528 = arith.addf %bitcast_convert_type3A_494, %bitcast_convert_type3A_498 : vector<16xf32>
        %add3A_529 = arith.addf %bitcast_convert_type3A_502, %bitcast_convert_type3A_506 : vector<16xf32>
        %add3A_530 = arith.addf %bitcast_convert_type3A_510, %bitcast_convert_type3A_514 : vector<16xf32>
        %add3A_531 = arith.addf %bitcast_convert_type3A_518, %bitcast_convert_type3A_522 : vector<16xf32>
        %add3A_532 = arith.addf %add3A_527, %add3A_528 : vector<16xf32>
        %add3A_533 = arith.addf %add3A_529, %add3A_530 : vector<16xf32>
        %add3A_534 = arith.addf %add3A_531, %bitcast_convert_type3A_526 : vector<16xf32>
        %add3A_535 = arith.addf %add3A_532, %add3A_533 : vector<16xf32>
        %add3A_536 = arith.addf %add3A_535, %add3A_534 : vector<16xf32>
        %and3A = arith.andi %get3A_444, %broadcast_in_dim3A_23 : vector<16xi32>
        %bitcast_convert_type3A_537 = tpu.bitcast %and3A : vector<16xi32> -> vector<16xf32>
        %and3A_538 = arith.andi %get3A_448, %broadcast_in_dim3A_23 : vector<16xi32>
        %bitcast_convert_type3A_539 = tpu.bitcast %and3A_538 : vector<16xi32> -> vector<16xf32>
        %and3A_540 = arith.andi %get3A_452, %broadcast_in_dim3A_23 : vector<16xi32>
        %bitcast_convert_type3A_541 = tpu.bitcast %and3A_540 : vector<16xi32> -> vector<16xf32>
        %and3A_542 = arith.andi %get3A_456, %broadcast_in_dim3A_23 : vector<16xi32>
        %bitcast_convert_type3A_543 = tpu.bitcast %and3A_542 : vector<16xi32> -> vector<16xf32>
        %and3A_544 = arith.andi %get3A_460, %broadcast_in_dim3A_23 : vector<16xi32>
        %bitcast_convert_type3A_545 = tpu.bitcast %and3A_544 : vector<16xi32> -> vector<16xf32>
        %and3A_546 = arith.andi %get3A_464, %broadcast_in_dim3A_23 : vector<16xi32>
        %bitcast_convert_type3A_547 = tpu.bitcast %and3A_546 : vector<16xi32> -> vector<16xf32>
        %and3A_548 = arith.andi %get3A_468, %broadcast_in_dim3A_23 : vector<16xi32>
        %bitcast_convert_type3A_549 = tpu.bitcast %and3A_548 : vector<16xi32> -> vector<16xf32>
        %and3A_550 = arith.andi %get3A_472, %broadcast_in_dim3A_23 : vector<16xi32>
        %bitcast_convert_type3A_551 = tpu.bitcast %and3A_550 : vector<16xi32> -> vector<16xf32>
        %and3A_552 = arith.andi %get3A_476, %broadcast_in_dim3A_23 : vector<16xi32>
        %bitcast_convert_type3A_553 = tpu.bitcast %and3A_552 : vector<16xi32> -> vector<16xf32>
        %and3A_554 = arith.andi %get3A_480, %broadcast_in_dim3A_23 : vector<16xi32>
        %bitcast_convert_type3A_555 = tpu.bitcast %and3A_554 : vector<16xi32> -> vector<16xf32>
        %and3A_556 = arith.andi %get3A_484, %broadcast_in_dim3A_23 : vector<16xi32>
        %bitcast_convert_type3A_557 = tpu.bitcast %and3A_556 : vector<16xi32> -> vector<16xf32>
        %add3A_558 = arith.addf %bitcast_convert_type3A_537, %bitcast_convert_type3A_539 : vector<16xf32>
        %add3A_559 = arith.addf %bitcast_convert_type3A_541, %bitcast_convert_type3A_543 : vector<16xf32>
        %add3A_560 = arith.addf %bitcast_convert_type3A_545, %bitcast_convert_type3A_547 : vector<16xf32>
        %add3A_561 = arith.addf %bitcast_convert_type3A_549, %bitcast_convert_type3A_551 : vector<16xf32>
        %add3A_562 = arith.addf %bitcast_convert_type3A_553, %bitcast_convert_type3A_555 : vector<16xf32>
        %add3A_563 = arith.addf %add3A_558, %add3A_559 : vector<16xf32>
        %add3A_564 = arith.addf %add3A_560, %add3A_561 : vector<16xf32>
        %add3A_565 = arith.addf %add3A_562, %bitcast_convert_type3A_557 : vector<16xf32>
        %add3A_566 = arith.addf %add3A_563, %add3A_564 : vector<16xf32>
        %add3A_567 = arith.addf %add3A_566, %add3A_565 : vector<16xf32>
        %abs3A = math.absf %add3A_536 : vector<16xf32>
        %abs3A_568 = math.absf %add3A_567 : vector<16xf32>
        %max3A = arith.maximumf %abs3A, %abs3A_568 : vector<16xf32>
        %max3A_569 = arith.maximumf %scan3A_439, %max3A : vector<16xf32>
        %mul3A_570 = arith.constant 32 : i32
        %mul3A_571 = arith.muli %scan3A_438, %mul3A_570 : i32
        %get3A_572 = arith.index_cast %mul3A_571 : i32 to index
        %get3A_573 = tpu.vector_load %arg13[%get3A_572] {strides = array<i32>} : memref<768xf32, #tpu.memory_space<vmem>>, vector<16xf32>,
        %add3A_574 = arith.addf %add3A_536, %get3A_573 : vector<16xf32>
        %mul3A_575 = arith.constant 32 : i32
        %mul3A_576 = arith.muli %scan3A_438, %mul3A_575 : i32
        %swap3A = arith.constant 1 : i32
        %swap3A_577 = arith.index_cast %swap3A : i32 to index
        %swap3A_578 = arith.index_cast %mul3A_576 : i32 to index
        %swap3A_579 = tpu.vector_load %arg11[%swap3A_577, %swap3A_578] {strides = array<i32>} : memref<4x768xf32, #tpu.memory_space<vmem>>, vector<16xf32>,
        tpu.vector_store %arg11[%swap3A_577, %swap3A_578], %add3A_574 {strides = array<i32>} : memref<4x768xf32, #tpu.memory_space<vmem>>, vector<16xf32>,
        %mul3A_580 = arith.constant 32 : i32
        %mul3A_581 = arith.muli %scan3A_438, %mul3A_580 : i32
        %add3A_582 = arith.constant 16 : i32
        %add3A_583 = arith.addi %mul3A_581, %add3A_582 : i32
        %get3A_584 = arith.index_cast %add3A_583 : i32 to index
        %get3A_585 = tpu.vector_load %arg13[%get3A_584] {strides = array<i32>} : memref<768xf32, #tpu.memory_space<vmem>>, vector<16xf32>,
        %add3A_586 = arith.addf %add3A_567, %get3A_585 : vector<16xf32>
        %mul3A_587 = arith.constant 32 : i32
        %mul3A_588 = arith.muli %scan3A_438, %mul3A_587 : i32
        %add3A_589 = arith.constant 16 : i32
        %add3A_590 = arith.addi %mul3A_588, %add3A_589 : i32
        %swap3A_591 = arith.constant 1 : i32
        %swap3A_592 = arith.index_cast %swap3A_591 : i32 to index
        %swap3A_593 = arith.index_cast %add3A_590 : i32 to index
        %swap3A_594 = tpu.vector_load %arg11[%swap3A_592, %swap3A_593] {strides = array<i32>} : memref<4x768xf32, #tpu.memory_space<vmem>>, vector<16xf32>,
        tpu.vector_store %arg11[%swap3A_592, %swap3A_593], %add3A_586 {strides = array<i32>} : memref<4x768xf32, #tpu.memory_space<vmem>>, vector<16xf32>,
        scf.yield %max3A_569 : vector<16xf32>
      }
      %scan3A_285 = arith.constant 24 : i32
      %reduce_max3A_286 = arith.constant true
      %reduce_max3A_287 = vector.broadcast %reduce_max3A_286 : i1 to vector<16xi1>
      %reduce_max3A_288 = tpu.scan <max>, %scan3A_284 masked %reduce_max3A_287 : vector<16xf32>, vector<16xi1> -> vector<16xf32>
      %reduce_max3A_289 = vector.extract %reduce_max3A_288[15] : f32 from vector<16xf32>
      %eq3A_290 = arith.constant 0.000000e+00 : f32
      %eq3A_291 = arith.cmpf oeq, %reduce_max3A_289, %eq3A_290 : f32
      %convert_element_type3A_292 = arith.extui %eq3A_291 : i1 to i32
      %cond3A_293 = arith.constant 0 : i32
      %cond3A_294 = arith.cmpi ne, %convert_element_type3A_292, %cond3A_293 : i32
      scf.if %cond3A_294 {
        %scan3A_438 = arith.constant 0 : i32
        %scan3A_439 = arith.constant 0 : i32
        %scan3A_440 = arith.constant 48 : i32
        %scan3A_441 = arith.addi %scan3A_439, %scan3A_440 : i32
        %scan3A_442 = arith.constant 1 : i32
        %scan3A_443 = scf.for %scan3A_445 = %scan3A_439 to %scan3A_441 step %scan3A_442 iter_args(%scan3A_446 = %scan3A_438) -> (i32)  : i32 {
          %broadcast_in_dim3A_447 = arith.constant 0.000000e+00 : f32
          %broadcast_in_dim3A_448 = vector.broadcast %broadcast_in_dim3A_447 : f32 to vector<16xf32>
          %mul3A_449 = arith.constant 16 : i32
          %mul3A_450 = arith.muli %scan3A_445, %mul3A_449 : i32
          %swap3A = arith.constant 1 : i32
          %swap3A_451 = arith.index_cast %swap3A : i32 to index
          %swap3A_452 = arith.index_cast %mul3A_450 : i32 to index
          %swap3A_453 = tpu.vector_load %arg11[%swap3A_451, %swap3A_452] {strides = array<i32>} : memref<4x768xf32, #tpu.memory_space<vmem>>, vector<16xf32>,
          tpu.vector_store %arg11[%swap3A_451, %swap3A_452], %broadcast_in_dim3A_448 {strides = array<i32>} : memref<4x768xf32, #tpu.memory_space<vmem>>, vector<16xf32>,
          %scan3A_454 = arith.constant 0 : i32
          scf.yield %scan3A_454 : i32
        }
        %scan3A_444 = arith.constant 48 : i32
      } else {
      }
      %broadcast_in_dim3A_295 = arith.constant 0.000000e+00 : f32
      %broadcast_in_dim3A_296 = vector.broadcast %broadcast_in_dim3A_295 : f32 to vector<16xf32>
      %scan3A_297 = arith.constant 0 : i32
      %scan3A_298 = arith.constant 24 : i32
      %scan3A_299 = arith.addi %scan3A_297, %scan3A_298 : i32
      %scan3A_300 = arith.constant 1 : i32
      %scan3A_301 = scf.for %scan3A_438 = %scan3A_297 to %scan3A_299 step %scan3A_300 iter_args(%scan3A_439 = %broadcast_in_dim3A_296) -> (vector<16xf32>)  : i32 {
        %mul3A_440 = arith.constant 16 : i32
        %mul3A_441 = arith.muli %scan3A_438, %mul3A_440 : i32
        %get3A = arith.constant 22 : i32
        %get3A_442 = arith.index_cast %get3A : i32 to index
        %get3A_443 = arith.index_cast %mul3A_441 : i32 to index
        %get3A_444 = tpu.vector_load %arg9[%get3A_442, %get3A_443] {strides = array<i32>} : memref<44x384xi32, #tpu.memory_space<vmem>>, vector<16xi32>,
        %get3A_445 = arith.constant 23 : i32
        %get3A_446 = arith.index_cast %get3A_445 : i32 to index
        %get3A_447 = arith.index_cast %mul3A_441 : i32 to index
        %get3A_448 = tpu.vector_load %arg9[%get3A_446, %get3A_447] {strides = array<i32>} : memref<44x384xi32, #tpu.memory_space<vmem>>, vector<16xi32>,
        %get3A_449 = arith.constant 24 : i32
        %get3A_450 = arith.index_cast %get3A_449 : i32 to index
        %get3A_451 = arith.index_cast %mul3A_441 : i32 to index
        %get3A_452 = tpu.vector_load %arg9[%get3A_450, %get3A_451] {strides = array<i32>} : memref<44x384xi32, #tpu.memory_space<vmem>>, vector<16xi32>,
        %get3A_453 = arith.constant 25 : i32
        %get3A_454 = arith.index_cast %get3A_453 : i32 to index
        %get3A_455 = arith.index_cast %mul3A_441 : i32 to index
        %get3A_456 = tpu.vector_load %arg9[%get3A_454, %get3A_455] {strides = array<i32>} : memref<44x384xi32, #tpu.memory_space<vmem>>, vector<16xi32>,
        %get3A_457 = arith.constant 26 : i32
        %get3A_458 = arith.index_cast %get3A_457 : i32 to index
        %get3A_459 = arith.index_cast %mul3A_441 : i32 to index
        %get3A_460 = tpu.vector_load %arg9[%get3A_458, %get3A_459] {strides = array<i32>} : memref<44x384xi32, #tpu.memory_space<vmem>>, vector<16xi32>,
        %get3A_461 = arith.constant 27 : i32
        %get3A_462 = arith.index_cast %get3A_461 : i32 to index
        %get3A_463 = arith.index_cast %mul3A_441 : i32 to index
        %get3A_464 = tpu.vector_load %arg9[%get3A_462, %get3A_463] {strides = array<i32>} : memref<44x384xi32, #tpu.memory_space<vmem>>, vector<16xi32>,
        %get3A_465 = arith.constant 28 : i32
        %get3A_466 = arith.index_cast %get3A_465 : i32 to index
        %get3A_467 = arith.index_cast %mul3A_441 : i32 to index
        %get3A_468 = tpu.vector_load %arg9[%get3A_466, %get3A_467] {strides = array<i32>} : memref<44x384xi32, #tpu.memory_space<vmem>>, vector<16xi32>,
        %get3A_469 = arith.constant 29 : i32
        %get3A_470 = arith.index_cast %get3A_469 : i32 to index
        %get3A_471 = arith.index_cast %mul3A_441 : i32 to index
        %get3A_472 = tpu.vector_load %arg9[%get3A_470, %get3A_471] {strides = array<i32>} : memref<44x384xi32, #tpu.memory_space<vmem>>, vector<16xi32>,
        %get3A_473 = arith.constant 30 : i32
        %get3A_474 = arith.index_cast %get3A_473 : i32 to index
        %get3A_475 = arith.index_cast %mul3A_441 : i32 to index
        %get3A_476 = tpu.vector_load %arg9[%get3A_474, %get3A_475] {strides = array<i32>} : memref<44x384xi32, #tpu.memory_space<vmem>>, vector<16xi32>,
        %get3A_477 = arith.constant 31 : i32
        %get3A_478 = arith.index_cast %get3A_477 : i32 to index
        %get3A_479 = arith.index_cast %mul3A_441 : i32 to index
        %get3A_480 = tpu.vector_load %arg9[%get3A_478, %get3A_479] {strides = array<i32>} : memref<44x384xi32, #tpu.memory_space<vmem>>, vector<16xi32>,
        %get3A_481 = arith.constant 32 : i32
        %get3A_482 = arith.index_cast %get3A_481 : i32 to index
        %get3A_483 = arith.index_cast %mul3A_441 : i32 to index
        %get3A_484 = tpu.vector_load %arg9[%get3A_482, %get3A_483] {strides = array<i32>} : memref<44x384xi32, #tpu.memory_space<vmem>>, vector<16xi32>,
        %shift_left3A = arith.constant 16 : i32
        %shift_left3A_485 = vector.broadcast %shift_left3A : i32 to vector<16xi32>
        %shift_left3A_486 = arith.shli %get3A_444, %shift_left3A_485 : vector<16xi32>
        %bitcast_convert_type3A = tpu.bitcast %shift_left3A_486 : vector<16xi32> -> vector<16xf32>
        %shift_left3A_487 = arith.constant 16 : i32
        %shift_left3A_488 = vector.broadcast %shift_left3A_487 : i32 to vector<16xi32>
        %shift_left3A_489 = arith.shli %get3A_448, %shift_left3A_488 : vector<16xi32>
        %bitcast_convert_type3A_490 = tpu.bitcast %shift_left3A_489 : vector<16xi32> -> vector<16xf32>
        %shift_left3A_491 = arith.constant 16 : i32
        %shift_left3A_492 = vector.broadcast %shift_left3A_491 : i32 to vector<16xi32>
        %shift_left3A_493 = arith.shli %get3A_452, %shift_left3A_492 : vector<16xi32>
        %bitcast_convert_type3A_494 = tpu.bitcast %shift_left3A_493 : vector<16xi32> -> vector<16xf32>
        %shift_left3A_495 = arith.constant 16 : i32
        %shift_left3A_496 = vector.broadcast %shift_left3A_495 : i32 to vector<16xi32>
        %shift_left3A_497 = arith.shli %get3A_456, %shift_left3A_496 : vector<16xi32>
        %bitcast_convert_type3A_498 = tpu.bitcast %shift_left3A_497 : vector<16xi32> -> vector<16xf32>
        %shift_left3A_499 = arith.constant 16 : i32
        %shift_left3A_500 = vector.broadcast %shift_left3A_499 : i32 to vector<16xi32>
        %shift_left3A_501 = arith.shli %get3A_460, %shift_left3A_500 : vector<16xi32>
        %bitcast_convert_type3A_502 = tpu.bitcast %shift_left3A_501 : vector<16xi32> -> vector<16xf32>
        %shift_left3A_503 = arith.constant 16 : i32
        %shift_left3A_504 = vector.broadcast %shift_left3A_503 : i32 to vector<16xi32>
        %shift_left3A_505 = arith.shli %get3A_464, %shift_left3A_504 : vector<16xi32>
        %bitcast_convert_type3A_506 = tpu.bitcast %shift_left3A_505 : vector<16xi32> -> vector<16xf32>
        %shift_left3A_507 = arith.constant 16 : i32
        %shift_left3A_508 = vector.broadcast %shift_left3A_507 : i32 to vector<16xi32>
        %shift_left3A_509 = arith.shli %get3A_468, %shift_left3A_508 : vector<16xi32>
        %bitcast_convert_type3A_510 = tpu.bitcast %shift_left3A_509 : vector<16xi32> -> vector<16xf32>
        %shift_left3A_511 = arith.constant 16 : i32
        %shift_left3A_512 = vector.broadcast %shift_left3A_511 : i32 to vector<16xi32>
        %shift_left3A_513 = arith.shli %get3A_472, %shift_left3A_512 : vector<16xi32>
        %bitcast_convert_type3A_514 = tpu.bitcast %shift_left3A_513 : vector<16xi32> -> vector<16xf32>
        %shift_left3A_515 = arith.constant 16 : i32
        %shift_left3A_516 = vector.broadcast %shift_left3A_515 : i32 to vector<16xi32>
        %shift_left3A_517 = arith.shli %get3A_476, %shift_left3A_516 : vector<16xi32>
        %bitcast_convert_type3A_518 = tpu.bitcast %shift_left3A_517 : vector<16xi32> -> vector<16xf32>
        %shift_left3A_519 = arith.constant 16 : i32
        %shift_left3A_520 = vector.broadcast %shift_left3A_519 : i32 to vector<16xi32>
        %shift_left3A_521 = arith.shli %get3A_480, %shift_left3A_520 : vector<16xi32>
        %bitcast_convert_type3A_522 = tpu.bitcast %shift_left3A_521 : vector<16xi32> -> vector<16xf32>
        %shift_left3A_523 = arith.constant 16 : i32
        %shift_left3A_524 = vector.broadcast %shift_left3A_523 : i32 to vector<16xi32>
        %shift_left3A_525 = arith.shli %get3A_484, %shift_left3A_524 : vector<16xi32>
        %bitcast_convert_type3A_526 = tpu.bitcast %shift_left3A_525 : vector<16xi32> -> vector<16xf32>
        %add3A_527 = arith.addf %bitcast_convert_type3A, %bitcast_convert_type3A_490 : vector<16xf32>
        %add3A_528 = arith.addf %bitcast_convert_type3A_494, %bitcast_convert_type3A_498 : vector<16xf32>
        %add3A_529 = arith.addf %bitcast_convert_type3A_502, %bitcast_convert_type3A_506 : vector<16xf32>
        %add3A_530 = arith.addf %bitcast_convert_type3A_510, %bitcast_convert_type3A_514 : vector<16xf32>
        %add3A_531 = arith.addf %bitcast_convert_type3A_518, %bitcast_convert_type3A_522 : vector<16xf32>
        %add3A_532 = arith.addf %add3A_527, %add3A_528 : vector<16xf32>
        %add3A_533 = arith.addf %add3A_529, %add3A_530 : vector<16xf32>
        %add3A_534 = arith.addf %add3A_531, %bitcast_convert_type3A_526 : vector<16xf32>
        %add3A_535 = arith.addf %add3A_532, %add3A_533 : vector<16xf32>
        %add3A_536 = arith.addf %add3A_535, %add3A_534 : vector<16xf32>
        %and3A = arith.andi %get3A_444, %broadcast_in_dim3A_23 : vector<16xi32>
        %bitcast_convert_type3A_537 = tpu.bitcast %and3A : vector<16xi32> -> vector<16xf32>
        %and3A_538 = arith.andi %get3A_448, %broadcast_in_dim3A_23 : vector<16xi32>
        %bitcast_convert_type3A_539 = tpu.bitcast %and3A_538 : vector<16xi32> -> vector<16xf32>
        %and3A_540 = arith.andi %get3A_452, %broadcast_in_dim3A_23 : vector<16xi32>
        %bitcast_convert_type3A_541 = tpu.bitcast %and3A_540 : vector<16xi32> -> vector<16xf32>
        %and3A_542 = arith.andi %get3A_456, %broadcast_in_dim3A_23 : vector<16xi32>
        %bitcast_convert_type3A_543 = tpu.bitcast %and3A_542 : vector<16xi32> -> vector<16xf32>
        %and3A_544 = arith.andi %get3A_460, %broadcast_in_dim3A_23 : vector<16xi32>
        %bitcast_convert_type3A_545 = tpu.bitcast %and3A_544 : vector<16xi32> -> vector<16xf32>
        %and3A_546 = arith.andi %get3A_464, %broadcast_in_dim3A_23 : vector<16xi32>
        %bitcast_convert_type3A_547 = tpu.bitcast %and3A_546 : vector<16xi32> -> vector<16xf32>
        %and3A_548 = arith.andi %get3A_468, %broadcast_in_dim3A_23 : vector<16xi32>
        %bitcast_convert_type3A_549 = tpu.bitcast %and3A_548 : vector<16xi32> -> vector<16xf32>
        %and3A_550 = arith.andi %get3A_472, %broadcast_in_dim3A_23 : vector<16xi32>
        %bitcast_convert_type3A_551 = tpu.bitcast %and3A_550 : vector<16xi32> -> vector<16xf32>
        %and3A_552 = arith.andi %get3A_476, %broadcast_in_dim3A_23 : vector<16xi32>
        %bitcast_convert_type3A_553 = tpu.bitcast %and3A_552 : vector<16xi32> -> vector<16xf32>
        %and3A_554 = arith.andi %get3A_480, %broadcast_in_dim3A_23 : vector<16xi32>
        %bitcast_convert_type3A_555 = tpu.bitcast %and3A_554 : vector<16xi32> -> vector<16xf32>
        %and3A_556 = arith.andi %get3A_484, %broadcast_in_dim3A_23 : vector<16xi32>
        %bitcast_convert_type3A_557 = tpu.bitcast %and3A_556 : vector<16xi32> -> vector<16xf32>
        %add3A_558 = arith.addf %bitcast_convert_type3A_537, %bitcast_convert_type3A_539 : vector<16xf32>
        %add3A_559 = arith.addf %bitcast_convert_type3A_541, %bitcast_convert_type3A_543 : vector<16xf32>
        %add3A_560 = arith.addf %bitcast_convert_type3A_545, %bitcast_convert_type3A_547 : vector<16xf32>
        %add3A_561 = arith.addf %bitcast_convert_type3A_549, %bitcast_convert_type3A_551 : vector<16xf32>
        %add3A_562 = arith.addf %bitcast_convert_type3A_553, %bitcast_convert_type3A_555 : vector<16xf32>
        %add3A_563 = arith.addf %add3A_558, %add3A_559 : vector<16xf32>
        %add3A_564 = arith.addf %add3A_560, %add3A_561 : vector<16xf32>
        %add3A_565 = arith.addf %add3A_562, %bitcast_convert_type3A_557 : vector<16xf32>
        %add3A_566 = arith.addf %add3A_563, %add3A_564 : vector<16xf32>
        %add3A_567 = arith.addf %add3A_566, %add3A_565 : vector<16xf32>
        %abs3A = math.absf %add3A_536 : vector<16xf32>
        %abs3A_568 = math.absf %add3A_567 : vector<16xf32>
        %max3A = arith.maximumf %abs3A, %abs3A_568 : vector<16xf32>
        %max3A_569 = arith.maximumf %scan3A_439, %max3A : vector<16xf32>
        %mul3A_570 = arith.constant 32 : i32
        %mul3A_571 = arith.muli %scan3A_438, %mul3A_570 : i32
        %get3A_572 = arith.index_cast %mul3A_571 : i32 to index
        %get3A_573 = tpu.vector_load %arg13[%get3A_572] {strides = array<i32>} : memref<768xf32, #tpu.memory_space<vmem>>, vector<16xf32>,
        %add3A_574 = arith.addf %add3A_536, %get3A_573 : vector<16xf32>
        %mul3A_575 = arith.constant 32 : i32
        %mul3A_576 = arith.muli %scan3A_438, %mul3A_575 : i32
        %swap3A = arith.constant 2 : i32
        %swap3A_577 = arith.index_cast %swap3A : i32 to index
        %swap3A_578 = arith.index_cast %mul3A_576 : i32 to index
        %swap3A_579 = tpu.vector_load %arg11[%swap3A_577, %swap3A_578] {strides = array<i32>} : memref<4x768xf32, #tpu.memory_space<vmem>>, vector<16xf32>,
        tpu.vector_store %arg11[%swap3A_577, %swap3A_578], %add3A_574 {strides = array<i32>} : memref<4x768xf32, #tpu.memory_space<vmem>>, vector<16xf32>,
        %mul3A_580 = arith.constant 32 : i32
        %mul3A_581 = arith.muli %scan3A_438, %mul3A_580 : i32
        %add3A_582 = arith.constant 16 : i32
        %add3A_583 = arith.addi %mul3A_581, %add3A_582 : i32
        %get3A_584 = arith.index_cast %add3A_583 : i32 to index
        %get3A_585 = tpu.vector_load %arg13[%get3A_584] {strides = array<i32>} : memref<768xf32, #tpu.memory_space<vmem>>, vector<16xf32>,
        %add3A_586 = arith.addf %add3A_567, %get3A_585 : vector<16xf32>
        %mul3A_587 = arith.constant 32 : i32
        %mul3A_588 = arith.muli %scan3A_438, %mul3A_587 : i32
        %add3A_589 = arith.constant 16 : i32
        %add3A_590 = arith.addi %mul3A_588, %add3A_589 : i32
        %swap3A_591 = arith.constant 2 : i32
        %swap3A_592 = arith.index_cast %swap3A_591 : i32 to index
        %swap3A_593 = arith.index_cast %add3A_590 : i32 to index
        %swap3A_594 = tpu.vector_load %arg11[%swap3A_592, %swap3A_593] {strides = array<i32>} : memref<4x768xf32, #tpu.memory_space<vmem>>, vector<16xf32>,
        tpu.vector_store %arg11[%swap3A_592, %swap3A_593], %add3A_586 {strides = array<i32>} : memref<4x768xf32, #tpu.memory_space<vmem>>, vector<16xf32>,
        scf.yield %max3A_569 : vector<16xf32>
      }
      %scan3A_302 = arith.constant 24 : i32
      %reduce_max3A_303 = arith.constant true
      %reduce_max3A_304 = vector.broadcast %reduce_max3A_303 : i1 to vector<16xi1>
      %reduce_max3A_305 = tpu.scan <max>, %scan3A_301 masked %reduce_max3A_304 : vector<16xf32>, vector<16xi1> -> vector<16xf32>
      %reduce_max3A_306 = vector.extract %reduce_max3A_305[15] : f32 from vector<16xf32>
      %eq3A_307 = arith.constant 0.000000e+00 : f32
      %eq3A_308 = arith.cmpf oeq, %reduce_max3A_306, %eq3A_307 : f32
      %convert_element_type3A_309 = arith.extui %eq3A_308 : i1 to i32
      %cond3A_310 = arith.constant 0 : i32
      %cond3A_311 = arith.cmpi ne, %convert_element_type3A_309, %cond3A_310 : i32
      scf.if %cond3A_311 {
        %scan3A_438 = arith.constant 0 : i32
        %scan3A_439 = arith.constant 0 : i32
        %scan3A_440 = arith.constant 48 : i32
        %scan3A_441 = arith.addi %scan3A_439, %scan3A_440 : i32
        %scan3A_442 = arith.constant 1 : i32
        %scan3A_443 = scf.for %scan3A_445 = %scan3A_439 to %scan3A_441 step %scan3A_442 iter_args(%scan3A_446 = %scan3A_438) -> (i32)  : i32 {
          %broadcast_in_dim3A_447 = arith.constant 0.000000e+00 : f32
          %broadcast_in_dim3A_448 = vector.broadcast %broadcast_in_dim3A_447 : f32 to vector<16xf32>
          %mul3A_449 = arith.constant 16 : i32
          %mul3A_450 = arith.muli %scan3A_445, %mul3A_449 : i32
          %swap3A = arith.constant 2 : i32
          %swap3A_451 = arith.index_cast %swap3A : i32 to index
          %swap3A_452 = arith.index_cast %mul3A_450 : i32 to index
          %swap3A_453 = tpu.vector_load %arg11[%swap3A_451, %swap3A_452] {strides = array<i32>} : memref<4x768xf32, #tpu.memory_space<vmem>>, vector<16xf32>,
          tpu.vector_store %arg11[%swap3A_451, %swap3A_452], %broadcast_in_dim3A_448 {strides = array<i32>} : memref<4x768xf32, #tpu.memory_space<vmem>>, vector<16xf32>,
          %scan3A_454 = arith.constant 0 : i32
          scf.yield %scan3A_454 : i32
        }
        %scan3A_444 = arith.constant 48 : i32
      } else {
      }
      %broadcast_in_dim3A_312 = arith.constant 0.000000e+00 : f32
      %broadcast_in_dim3A_313 = vector.broadcast %broadcast_in_dim3A_312 : f32 to vector<16xf32>
      %scan3A_314 = arith.constant 0 : i32
      %scan3A_315 = arith.constant 24 : i32
      %scan3A_316 = arith.addi %scan3A_314, %scan3A_315 : i32
      %scan3A_317 = arith.constant 1 : i32
      %scan3A_318 = scf.for %scan3A_438 = %scan3A_314 to %scan3A_316 step %scan3A_317 iter_args(%scan3A_439 = %broadcast_in_dim3A_313) -> (vector<16xf32>)  : i32 {
        %mul3A_440 = arith.constant 16 : i32
        %mul3A_441 = arith.muli %scan3A_438, %mul3A_440 : i32
        %get3A = arith.constant 33 : i32
        %get3A_442 = arith.index_cast %get3A : i32 to index
        %get3A_443 = arith.index_cast %mul3A_441 : i32 to index
        %get3A_444 = tpu.vector_load %arg9[%get3A_442, %get3A_443] {strides = array<i32>} : memref<44x384xi32, #tpu.memory_space<vmem>>, vector<16xi32>,
        %get3A_445 = arith.constant 34 : i32
        %get3A_446 = arith.index_cast %get3A_445 : i32 to index
        %get3A_447 = arith.index_cast %mul3A_441 : i32 to index
        %get3A_448 = tpu.vector_load %arg9[%get3A_446, %get3A_447] {strides = array<i32>} : memref<44x384xi32, #tpu.memory_space<vmem>>, vector<16xi32>,
        %get3A_449 = arith.constant 35 : i32
        %get3A_450 = arith.index_cast %get3A_449 : i32 to index
        %get3A_451 = arith.index_cast %mul3A_441 : i32 to index
        %get3A_452 = tpu.vector_load %arg9[%get3A_450, %get3A_451] {strides = array<i32>} : memref<44x384xi32, #tpu.memory_space<vmem>>, vector<16xi32>,
        %get3A_453 = arith.constant 36 : i32
        %get3A_454 = arith.index_cast %get3A_453 : i32 to index
        %get3A_455 = arith.index_cast %mul3A_441 : i32 to index
        %get3A_456 = tpu.vector_load %arg9[%get3A_454, %get3A_455] {strides = array<i32>} : memref<44x384xi32, #tpu.memory_space<vmem>>, vector<16xi32>,
        %get3A_457 = arith.constant 37 : i32
        %get3A_458 = arith.index_cast %get3A_457 : i32 to index
        %get3A_459 = arith.index_cast %mul3A_441 : i32 to index
        %get3A_460 = tpu.vector_load %arg9[%get3A_458, %get3A_459] {strides = array<i32>} : memref<44x384xi32, #tpu.memory_space<vmem>>, vector<16xi32>,
        %get3A_461 = arith.constant 38 : i32
        %get3A_462 = arith.index_cast %get3A_461 : i32 to index
        %get3A_463 = arith.index_cast %mul3A_441 : i32 to index
        %get3A_464 = tpu.vector_load %arg9[%get3A_462, %get3A_463] {strides = array<i32>} : memref<44x384xi32, #tpu.memory_space<vmem>>, vector<16xi32>,
        %get3A_465 = arith.constant 39 : i32
        %get3A_466 = arith.index_cast %get3A_465 : i32 to index
        %get3A_467 = arith.index_cast %mul3A_441 : i32 to index
        %get3A_468 = tpu.vector_load %arg9[%get3A_466, %get3A_467] {strides = array<i32>} : memref<44x384xi32, #tpu.memory_space<vmem>>, vector<16xi32>,
        %get3A_469 = arith.constant 40 : i32
        %get3A_470 = arith.index_cast %get3A_469 : i32 to index
        %get3A_471 = arith.index_cast %mul3A_441 : i32 to index
        %get3A_472 = tpu.vector_load %arg9[%get3A_470, %get3A_471] {strides = array<i32>} : memref<44x384xi32, #tpu.memory_space<vmem>>, vector<16xi32>,
        %get3A_473 = arith.constant 41 : i32
        %get3A_474 = arith.index_cast %get3A_473 : i32 to index
        %get3A_475 = arith.index_cast %mul3A_441 : i32 to index
        %get3A_476 = tpu.vector_load %arg9[%get3A_474, %get3A_475] {strides = array<i32>} : memref<44x384xi32, #tpu.memory_space<vmem>>, vector<16xi32>,
        %get3A_477 = arith.constant 42 : i32
        %get3A_478 = arith.index_cast %get3A_477 : i32 to index
        %get3A_479 = arith.index_cast %mul3A_441 : i32 to index
        %get3A_480 = tpu.vector_load %arg9[%get3A_478, %get3A_479] {strides = array<i32>} : memref<44x384xi32, #tpu.memory_space<vmem>>, vector<16xi32>,
        %get3A_481 = arith.constant 43 : i32
        %get3A_482 = arith.index_cast %get3A_481 : i32 to index
        %get3A_483 = arith.index_cast %mul3A_441 : i32 to index
        %get3A_484 = tpu.vector_load %arg9[%get3A_482, %get3A_483] {strides = array<i32>} : memref<44x384xi32, #tpu.memory_space<vmem>>, vector<16xi32>,
        %shift_left3A = arith.constant 16 : i32
        %shift_left3A_485 = vector.broadcast %shift_left3A : i32 to vector<16xi32>
        %shift_left3A_486 = arith.shli %get3A_444, %shift_left3A_485 : vector<16xi32>
        %bitcast_convert_type3A = tpu.bitcast %shift_left3A_486 : vector<16xi32> -> vector<16xf32>
        %shift_left3A_487 = arith.constant 16 : i32
        %shift_left3A_488 = vector.broadcast %shift_left3A_487 : i32 to vector<16xi32>
        %shift_left3A_489 = arith.shli %get3A_448, %shift_left3A_488 : vector<16xi32>
        %bitcast_convert_type3A_490 = tpu.bitcast %shift_left3A_489 : vector<16xi32> -> vector<16xf32>
        %shift_left3A_491 = arith.constant 16 : i32
        %shift_left3A_492 = vector.broadcast %shift_left3A_491 : i32 to vector<16xi32>
        %shift_left3A_493 = arith.shli %get3A_452, %shift_left3A_492 : vector<16xi32>
        %bitcast_convert_type3A_494 = tpu.bitcast %shift_left3A_493 : vector<16xi32> -> vector<16xf32>
        %shift_left3A_495 = arith.constant 16 : i32
        %shift_left3A_496 = vector.broadcast %shift_left3A_495 : i32 to vector<16xi32>
        %shift_left3A_497 = arith.shli %get3A_456, %shift_left3A_496 : vector<16xi32>
        %bitcast_convert_type3A_498 = tpu.bitcast %shift_left3A_497 : vector<16xi32> -> vector<16xf32>
        %shift_left3A_499 = arith.constant 16 : i32
        %shift_left3A_500 = vector.broadcast %shift_left3A_499 : i32 to vector<16xi32>
        %shift_left3A_501 = arith.shli %get3A_460, %shift_left3A_500 : vector<16xi32>
        %bitcast_convert_type3A_502 = tpu.bitcast %shift_left3A_501 : vector<16xi32> -> vector<16xf32>
        %shift_left3A_503 = arith.constant 16 : i32
        %shift_left3A_504 = vector.broadcast %shift_left3A_503 : i32 to vector<16xi32>
        %shift_left3A_505 = arith.shli %get3A_464, %shift_left3A_504 : vector<16xi32>
        %bitcast_convert_type3A_506 = tpu.bitcast %shift_left3A_505 : vector<16xi32> -> vector<16xf32>
        %shift_left3A_507 = arith.constant 16 : i32
        %shift_left3A_508 = vector.broadcast %shift_left3A_507 : i32 to vector<16xi32>
        %shift_left3A_509 = arith.shli %get3A_468, %shift_left3A_508 : vector<16xi32>
        %bitcast_convert_type3A_510 = tpu.bitcast %shift_left3A_509 : vector<16xi32> -> vector<16xf32>
        %shift_left3A_511 = arith.constant 16 : i32
        %shift_left3A_512 = vector.broadcast %shift_left3A_511 : i32 to vector<16xi32>
        %shift_left3A_513 = arith.shli %get3A_472, %shift_left3A_512 : vector<16xi32>
        %bitcast_convert_type3A_514 = tpu.bitcast %shift_left3A_513 : vector<16xi32> -> vector<16xf32>
        %shift_left3A_515 = arith.constant 16 : i32
        %shift_left3A_516 = vector.broadcast %shift_left3A_515 : i32 to vector<16xi32>
        %shift_left3A_517 = arith.shli %get3A_476, %shift_left3A_516 : vector<16xi32>
        %bitcast_convert_type3A_518 = tpu.bitcast %shift_left3A_517 : vector<16xi32> -> vector<16xf32>
        %shift_left3A_519 = arith.constant 16 : i32
        %shift_left3A_520 = vector.broadcast %shift_left3A_519 : i32 to vector<16xi32>
        %shift_left3A_521 = arith.shli %get3A_480, %shift_left3A_520 : vector<16xi32>
        %bitcast_convert_type3A_522 = tpu.bitcast %shift_left3A_521 : vector<16xi32> -> vector<16xf32>
        %shift_left3A_523 = arith.constant 16 : i32
        %shift_left3A_524 = vector.broadcast %shift_left3A_523 : i32 to vector<16xi32>
        %shift_left3A_525 = arith.shli %get3A_484, %shift_left3A_524 : vector<16xi32>
        %bitcast_convert_type3A_526 = tpu.bitcast %shift_left3A_525 : vector<16xi32> -> vector<16xf32>
        %add3A_527 = arith.addf %bitcast_convert_type3A, %bitcast_convert_type3A_490 : vector<16xf32>
        %add3A_528 = arith.addf %bitcast_convert_type3A_494, %bitcast_convert_type3A_498 : vector<16xf32>
        %add3A_529 = arith.addf %bitcast_convert_type3A_502, %bitcast_convert_type3A_506 : vector<16xf32>
        %add3A_530 = arith.addf %bitcast_convert_type3A_510, %bitcast_convert_type3A_514 : vector<16xf32>
        %add3A_531 = arith.addf %bitcast_convert_type3A_518, %bitcast_convert_type3A_522 : vector<16xf32>
        %add3A_532 = arith.addf %add3A_527, %add3A_528 : vector<16xf32>
        %add3A_533 = arith.addf %add3A_529, %add3A_530 : vector<16xf32>
        %add3A_534 = arith.addf %add3A_531, %bitcast_convert_type3A_526 : vector<16xf32>
        %add3A_535 = arith.addf %add3A_532, %add3A_533 : vector<16xf32>
        %add3A_536 = arith.addf %add3A_535, %add3A_534 : vector<16xf32>
        %and3A = arith.andi %get3A_444, %broadcast_in_dim3A_23 : vector<16xi32>
        %bitcast_convert_type3A_537 = tpu.bitcast %and3A : vector<16xi32> -> vector<16xf32>
        %and3A_538 = arith.andi %get3A_448, %broadcast_in_dim3A_23 : vector<16xi32>
        %bitcast_convert_type3A_539 = tpu.bitcast %and3A_538 : vector<16xi32> -> vector<16xf32>
        %and3A_540 = arith.andi %get3A_452, %broadcast_in_dim3A_23 : vector<16xi32>
        %bitcast_convert_type3A_541 = tpu.bitcast %and3A_540 : vector<16xi32> -> vector<16xf32>
        %and3A_542 = arith.andi %get3A_456, %broadcast_in_dim3A_23 : vector<16xi32>
        %bitcast_convert_type3A_543 = tpu.bitcast %and3A_542 : vector<16xi32> -> vector<16xf32>
        %and3A_544 = arith.andi %get3A_460, %broadcast_in_dim3A_23 : vector<16xi32>
        %bitcast_convert_type3A_545 = tpu.bitcast %and3A_544 : vector<16xi32> -> vector<16xf32>
        %and3A_546 = arith.andi %get3A_464, %broadcast_in_dim3A_23 : vector<16xi32>
        %bitcast_convert_type3A_547 = tpu.bitcast %and3A_546 : vector<16xi32> -> vector<16xf32>
        %and3A_548 = arith.andi %get3A_468, %broadcast_in_dim3A_23 : vector<16xi32>
        %bitcast_convert_type3A_549 = tpu.bitcast %and3A_548 : vector<16xi32> -> vector<16xf32>
        %and3A_550 = arith.andi %get3A_472, %broadcast_in_dim3A_23 : vector<16xi32>
        %bitcast_convert_type3A_551 = tpu.bitcast %and3A_550 : vector<16xi32> -> vector<16xf32>
        %and3A_552 = arith.andi %get3A_476, %broadcast_in_dim3A_23 : vector<16xi32>
        %bitcast_convert_type3A_553 = tpu.bitcast %and3A_552 : vector<16xi32> -> vector<16xf32>
        %and3A_554 = arith.andi %get3A_480, %broadcast_in_dim3A_23 : vector<16xi32>
        %bitcast_convert_type3A_555 = tpu.bitcast %and3A_554 : vector<16xi32> -> vector<16xf32>
        %and3A_556 = arith.andi %get3A_484, %broadcast_in_dim3A_23 : vector<16xi32>
        %bitcast_convert_type3A_557 = tpu.bitcast %and3A_556 : vector<16xi32> -> vector<16xf32>
        %add3A_558 = arith.addf %bitcast_convert_type3A_537, %bitcast_convert_type3A_539 : vector<16xf32>
        %add3A_559 = arith.addf %bitcast_convert_type3A_541, %bitcast_convert_type3A_543 : vector<16xf32>
        %add3A_560 = arith.addf %bitcast_convert_type3A_545, %bitcast_convert_type3A_547 : vector<16xf32>
        %add3A_561 = arith.addf %bitcast_convert_type3A_549, %bitcast_convert_type3A_551 : vector<16xf32>
        %add3A_562 = arith.addf %bitcast_convert_type3A_553, %bitcast_convert_type3A_555 : vector<16xf32>
        %add3A_563 = arith.addf %add3A_558, %add3A_559 : vector<16xf32>
        %add3A_564 = arith.addf %add3A_560, %add3A_561 : vector<16xf32>
        %add3A_565 = arith.addf %add3A_562, %bitcast_convert_type3A_557 : vector<16xf32>
        %add3A_566 = arith.addf %add3A_563, %add3A_564 : vector<16xf32>
        %add3A_567 = arith.addf %add3A_566, %add3A_565 : vector<16xf32>
        %abs3A = math.absf %add3A_536 : vector<16xf32>
        %abs3A_568 = math.absf %add3A_567 : vector<16xf32>
        %max3A = arith.maximumf %abs3A, %abs3A_568 : vector<16xf32>
        %max3A_569 = arith.maximumf %scan3A_439, %max3A : vector<16xf32>
        %mul3A_570 = arith.constant 32 : i32
        %mul3A_571 = arith.muli %scan3A_438, %mul3A_570 : i32
        %get3A_572 = arith.index_cast %mul3A_571 : i32 to index
        %get3A_573 = tpu.vector_load %arg13[%get3A_572] {strides = array<i32>} : memref<768xf32, #tpu.memory_space<vmem>>, vector<16xf32>,
        %add3A_574 = arith.addf %add3A_536, %get3A_573 : vector<16xf32>
        %mul3A_575 = arith.constant 32 : i32
        %mul3A_576 = arith.muli %scan3A_438, %mul3A_575 : i32
        %swap3A = arith.constant 3 : i32
        %swap3A_577 = arith.index_cast %swap3A : i32 to index
        %swap3A_578 = arith.index_cast %mul3A_576 : i32 to index
        %swap3A_579 = tpu.vector_load %arg11[%swap3A_577, %swap3A_578] {strides = array<i32>} : memref<4x768xf32, #tpu.memory_space<vmem>>, vector<16xf32>,
        tpu.vector_store %arg11[%swap3A_577, %swap3A_578], %add3A_574 {strides = array<i32>} : memref<4x768xf32, #tpu.memory_space<vmem>>, vector<16xf32>,
        %mul3A_580 = arith.constant 32 : i32
        %mul3A_581 = arith.muli %scan3A_438, %mul3A_580 : i32
        %add3A_582 = arith.constant 16 : i32
        %add3A_583 = arith.addi %mul3A_581, %add3A_582 : i32
        %get3A_584 = arith.index_cast %add3A_583 : i32 to index
        %get3A_585 = tpu.vector_load %arg13[%get3A_584] {strides = array<i32>} : memref<768xf32, #tpu.memory_space<vmem>>, vector<16xf32>,
        %add3A_586 = arith.addf %add3A_567, %get3A_585 : vector<16xf32>
        %mul3A_587 = arith.constant 32 : i32
        %mul3A_588 = arith.muli %scan3A_438, %mul3A_587 : i32
        %add3A_589 = arith.constant 16 : i32
        %add3A_590 = arith.addi %mul3A_588, %add3A_589 : i32
        %swap3A_591 = arith.constant 3 : i32
        %swap3A_592 = arith.index_cast %swap3A_591 : i32 to index
        %swap3A_593 = arith.index_cast %add3A_590 : i32 to index
        %swap3A_594 = tpu.vector_load %arg11[%swap3A_592, %swap3A_593] {strides = array<i32>} : memref<4x768xf32, #tpu.memory_space<vmem>>, vector<16xf32>,
        tpu.vector_store %arg11[%swap3A_592, %swap3A_593], %add3A_586 {strides = array<i32>} : memref<4x768xf32, #tpu.memory_space<vmem>>, vector<16xf32>,
        scf.yield %max3A_569 : vector<16xf32>
      }
      %scan3A_319 = arith.constant 24 : i32
      %reduce_max3A_320 = arith.constant true
      %reduce_max3A_321 = vector.broadcast %reduce_max3A_320 : i1 to vector<16xi1>
      %reduce_max3A_322 = tpu.scan <max>, %scan3A_318 masked %reduce_max3A_321 : vector<16xf32>, vector<16xi1> -> vector<16xf32>
      %reduce_max3A_323 = vector.extract %reduce_max3A_322[15] : f32 from vector<16xf32>
      %eq3A_324 = arith.constant 0.000000e+00 : f32
      %eq3A_325 = arith.cmpf oeq, %reduce_max3A_323, %eq3A_324 : f32
      %convert_element_type3A_326 = arith.extui %eq3A_325 : i1 to i32
      %cond3A_327 = arith.constant 0 : i32
      %cond3A_328 = arith.cmpi ne, %convert_element_type3A_326, %cond3A_327 : i32
      scf.if %cond3A_328 {
        %scan3A_438 = arith.constant 0 : i32
        %scan3A_439 = arith.constant 0 : i32
        %scan3A_440 = arith.constant 48 : i32
        %scan3A_441 = arith.addi %scan3A_439, %scan3A_440 : i32
        %scan3A_442 = arith.constant 1 : i32
        %scan3A_443 = scf.for %scan3A_445 = %scan3A_439 to %scan3A_441 step %scan3A_442 iter_args(%scan3A_446 = %scan3A_438) -> (i32)  : i32 {
          %broadcast_in_dim3A_447 = arith.constant 0.000000e+00 : f32
          %broadcast_in_dim3A_448 = vector.broadcast %broadcast_in_dim3A_447 : f32 to vector<16xf32>
          %mul3A_449 = arith.constant 16 : i32
          %mul3A_450 = arith.muli %scan3A_445, %mul3A_449 : i32
          %swap3A = arith.constant 3 : i32
          %swap3A_451 = arith.index_cast %swap3A : i32 to index
          %swap3A_452 = arith.index_cast %mul3A_450 : i32 to index
          %swap3A_453 = tpu.vector_load %arg11[%swap3A_451, %swap3A_452] {strides = array<i32>} : memref<4x768xf32, #tpu.memory_space<vmem>>, vector<16xf32>,
          tpu.vector_store %arg11[%swap3A_451, %swap3A_452], %broadcast_in_dim3A_448 {strides = array<i32>} : memref<4x768xf32, #tpu.memory_space<vmem>>, vector<16xf32>,
          %scan3A_454 = arith.constant 0 : i32
          scf.yield %scan3A_454 : i32
        }
        %scan3A_444 = arith.constant 48 : i32
      } else {
      }
      %mul3A_329 = arith.constant 2080 : i32
      %mul3A_330 = arith.muli %add3A, %mul3A_329 : i32
      %mul3A_331 = arith.constant 4 : i32
      %mul3A_332 = arith.muli %add3A_242, %mul3A_331 : i32
      %add3A_333 = arith.addi %mul3A_330, %mul3A_332 : i32
      %dma_start3A_334 = arith.constant 0 : i32
      %dma_start3A_335 = tpu.memref_slice %arg5[%add3A_333, %dma_start3A_334] : memref<66560x768xf32, #tpu.memory_space<hbm>> -> memref<4x768xf32, #tpu.memory_space<hbm>>
      %dma_start3A_336 = arith.constant 0 : i32
      %dma_start3A_337 = tpu.memref_slice %arg5[%add3A_333, %dma_start3A_336] : memref<66560x768xf32, #tpu.memory_space<hbm>> -> memref<4x768xf32, #tpu.memory_space<hbm>>
      tpu.enqueue_dma source(%arg11 : memref<4x768xf32, #tpu.memory_space<vmem>>) target(%dma_start3A_337 : memref<4x768xf32, #tpu.memory_space<hbm>>) target_semaphore(%arg18 : memref<!tpu.dma_semaphore, #tpu.memory_space<semaphore_mem>>)
      %mul3A_338 = arith.constant 4 : i32
      %mul3A_339 = arith.muli %scan3A_45, %mul3A_338 : i32
      %add3A_340 = arith.constant 3 : i32
      %add3A_341 = arith.addi %mul3A_339, %add3A_340 : i32
      %add3A_342 = arith.constant 3 : i32
      %add3A_343 = arith.addi %add3A_341, %add3A_342 : i32
      %lt3A_344 = arith.constant 520 : i32
      %lt3A_345 = arith.cmpi slt, %add3A_343, %lt3A_344 : i32
      %convert_element_type3A_346 = arith.extui %lt3A_345 : i1 to i32
      %cond3A_347 = arith.constant 0 : i32
      %cond3A_348 = arith.cmpi ne, %convert_element_type3A_346, %cond3A_347 : i32
      scf.if %cond3A_348 {
        %add3A_438 = arith.constant 3 : i32
        %add3A_439 = arith.addi %add3A_341, %add3A_438 : i32
        %dma_start3A_440 = arith.constant 0 : i32
        %dma_start3A_441 = tpu.memref_slice %arg6[%add3A_439, %dma_start3A_440] : memref<520x44xi32, #tpu.memory_space<vmem>> -> memref<1x44xi32, #tpu.memory_space<vmem>>
        %dma_start3A_442 = tpu.memref_squeeze %dma_start3A_441 : memref<1x44xi32, #tpu.memory_space<vmem>> -> memref<44xi32, #tpu.memory_space<vmem>>
        %dma_start3A_443 = arith.constant 0 : i32
        %dma_start3A_444 = arith.constant 0 : i32
        %dma_start3A_445 = tpu.memref_slice %arg2[%dma_start3A_443, %dma_start3A_444] : memref<5634x384xi32, #tpu.memory_space<hbm>> -> memref<5634x384xi32, #tpu.memory_space<hbm>>
        tpu.enqueue_indirect_dma source(%dma_start3A_445 : memref<5634x384xi32, #tpu.memory_space<hbm>>) target(%arg9 : memref<44x384xi32, #tpu.memory_space<vmem>>) offsets(%dma_start3A_442 : memref<44xi32, #tpu.memory_space<vmem>>) semaphore(%arg16 : memref<!tpu.dma_semaphore, #tpu.memory_space<semaphore_mem>>)
      } else {
      }
      %dma_wait3A_349 = arith.constant 0 : i32
      %dma_wait3A_350 = tpu.memref_slice %arg6[%add3A_341, %dma_wait3A_349] : memref<520x44xi32, #tpu.memory_space<vmem>> -> memref<1x44xi32, #tpu.memory_space<vmem>>
      %dma_wait3A_351 = tpu.memref_squeeze %dma_wait3A_350 : memref<1x44xi32, #tpu.memory_space<vmem>> -> memref<44xi32, #tpu.memory_space<vmem>>
      %dma_wait3A_352 = arith.constant 0 : i32
      %dma_wait3A_353 = arith.constant 0 : i32
      %dma_wait3A_354 = tpu.memref_slice %arg2[%dma_wait3A_352, %dma_wait3A_353] : memref<5634x384xi32, #tpu.memory_space<hbm>> -> memref<5634x384xi32, #tpu.memory_space<hbm>>
      tpu.wait_indirect_dma semaphore(%arg17 : memref<!tpu.dma_semaphore, #tpu.memory_space<semaphore_mem>>) src(%dma_wait3A_354 : memref<5634x384xi32, #tpu.memory_space<hbm>>) dst(%arg10 : memref<44x384xi32, #tpu.memory_space<vmem>>)
      %ge3A_355 = arith.constant 2 : i32
      %ge3A_356 = arith.cmpi sge, %add3A_341, %ge3A_355 : i32
      %convert_element_type3A_357 = arith.extui %ge3A_356 : i1 to i32
      %cond3A_358 = arith.constant 0 : i32
      %cond3A_359 = arith.cmpi ne, %convert_element_type3A_357, %cond3A_358 : i32
      scf.if %cond3A_359 {
        %sub3A = arith.constant 2 : i32
        %sub3A_438 = arith.subi %add3A_341, %sub3A : i32
        %mul3A_439 = arith.constant 2080 : i32
        %mul3A_440 = arith.muli %add3A, %mul3A_439 : i32
        %mul3A_441 = arith.constant 4 : i32
        %mul3A_442 = arith.muli %sub3A_438, %mul3A_441 : i32
        %add3A_443 = arith.addi %mul3A_440, %mul3A_442 : i32
        %dma_wait3A_444 = arith.constant 0 : i32
        %dma_wait3A_445 = tpu.memref_slice %arg5[%add3A_443, %dma_wait3A_444] : memref<66560x768xf32, #tpu.memory_space<hbm>> -> memref<4x768xf32, #tpu.memory_space<hbm>>
        %dma_wait3A_446 = arith.constant 0 : i32
        %dma_wait3A_447 = tpu.memref_slice %arg5[%add3A_443, %dma_wait3A_446] : memref<66560x768xf32, #tpu.memory_space<hbm>> -> memref<4x768xf32, #tpu.memory_space<hbm>>
        tpu.wait_dma2 semaphore(%arg19 : memref<!tpu.dma_semaphore, #tpu.memory_space<semaphore_mem>>) src(%arg12 : memref<4x768xf32, #tpu.memory_space<vmem>>) dst(%dma_wait3A_447 : memref<4x768xf32, #tpu.memory_space<hbm>>)
      } else {
      }
      %broadcast_in_dim3A_360 = arith.constant 0.000000e+00 : f32
      %broadcast_in_dim3A_361 = vector.broadcast %broadcast_in_dim3A_360 : f32 to vector<16xf32>
      %scan3A_362 = arith.constant 0 : i32
      %scan3A_363 = arith.constant 24 : i32
      %scan3A_364 = arith.addi %scan3A_362, %scan3A_363 : i32
      %scan3A_365 = arith.constant 1 : i32
      %scan3A_366 = scf.for %scan3A_438 = %scan3A_362 to %scan3A_364 step %scan3A_365 iter_args(%scan3A_439 = %broadcast_in_dim3A_361) -> (vector<16xf32>)  : i32 {
        %mul3A_440 = arith.constant 16 : i32
        %mul3A_441 = arith.muli %scan3A_438, %mul3A_440 : i32
        %get3A = arith.constant 0 : i32
        %get3A_442 = arith.index_cast %get3A : i32 to index
        %get3A_443 = arith.index_cast %mul3A_441 : i32 to index
        %get3A_444 = tpu.vector_load %arg10[%get3A_442, %get3A_443] {strides = array<i32>} : memref<44x384xi32, #tpu.memory_space<vmem>>, vector<16xi32>,
        %get3A_445 = arith.constant 1 : i32
        %get3A_446 = arith.index_cast %get3A_445 : i32 to index
        %get3A_447 = arith.index_cast %mul3A_441 : i32 to index
        %get3A_448 = tpu.vector_load %arg10[%get3A_446, %get3A_447] {strides = array<i32>} : memref<44x384xi32, #tpu.memory_space<vmem>>, vector<16xi32>,
        %get3A_449 = arith.constant 2 : i32
        %get3A_450 = arith.index_cast %get3A_449 : i32 to index
        %get3A_451 = arith.index_cast %mul3A_441 : i32 to index
        %get3A_452 = tpu.vector_load %arg10[%get3A_450, %get3A_451] {strides = array<i32>} : memref<44x384xi32, #tpu.memory_space<vmem>>, vector<16xi32>,
        %get3A_453 = arith.constant 3 : i32
        %get3A_454 = arith.index_cast %get3A_453 : i32 to index
        %get3A_455 = arith.index_cast %mul3A_441 : i32 to index
        %get3A_456 = tpu.vector_load %arg10[%get3A_454, %get3A_455] {strides = array<i32>} : memref<44x384xi32, #tpu.memory_space<vmem>>, vector<16xi32>,
        %get3A_457 = arith.constant 4 : i32
        %get3A_458 = arith.index_cast %get3A_457 : i32 to index
        %get3A_459 = arith.index_cast %mul3A_441 : i32 to index
        %get3A_460 = tpu.vector_load %arg10[%get3A_458, %get3A_459] {strides = array<i32>} : memref<44x384xi32, #tpu.memory_space<vmem>>, vector<16xi32>,
        %get3A_461 = arith.constant 5 : i32
        %get3A_462 = arith.index_cast %get3A_461 : i32 to index
        %get3A_463 = arith.index_cast %mul3A_441 : i32 to index
        %get3A_464 = tpu.vector_load %arg10[%get3A_462, %get3A_463] {strides = array<i32>} : memref<44x384xi32, #tpu.memory_space<vmem>>, vector<16xi32>,
        %get3A_465 = arith.constant 6 : i32
        %get3A_466 = arith.index_cast %get3A_465 : i32 to index
        %get3A_467 = arith.index_cast %mul3A_441 : i32 to index
        %get3A_468 = tpu.vector_load %arg10[%get3A_466, %get3A_467] {strides = array<i32>} : memref<44x384xi32, #tpu.memory_space<vmem>>, vector<16xi32>,
        %get3A_469 = arith.constant 7 : i32
        %get3A_470 = arith.index_cast %get3A_469 : i32 to index
        %get3A_471 = arith.index_cast %mul3A_441 : i32 to index
        %get3A_472 = tpu.vector_load %arg10[%get3A_470, %get3A_471] {strides = array<i32>} : memref<44x384xi32, #tpu.memory_space<vmem>>, vector<16xi32>,
        %get3A_473 = arith.constant 8 : i32
        %get3A_474 = arith.index_cast %get3A_473 : i32 to index
        %get3A_475 = arith.index_cast %mul3A_441 : i32 to index
        %get3A_476 = tpu.vector_load %arg10[%get3A_474, %get3A_475] {strides = array<i32>} : memref<44x384xi32, #tpu.memory_space<vmem>>, vector<16xi32>,
        %get3A_477 = arith.constant 9 : i32
        %get3A_478 = arith.index_cast %get3A_477 : i32 to index
        %get3A_479 = arith.index_cast %mul3A_441 : i32 to index
        %get3A_480 = tpu.vector_load %arg10[%get3A_478, %get3A_479] {strides = array<i32>} : memref<44x384xi32, #tpu.memory_space<vmem>>, vector<16xi32>,
        %get3A_481 = arith.constant 10 : i32
        %get3A_482 = arith.index_cast %get3A_481 : i32 to index
        %get3A_483 = arith.index_cast %mul3A_441 : i32 to index
        %get3A_484 = tpu.vector_load %arg10[%get3A_482, %get3A_483] {strides = array<i32>} : memref<44x384xi32, #tpu.memory_space<vmem>>, vector<16xi32>,
        %shift_left3A = arith.constant 16 : i32
        %shift_left3A_485 = vector.broadcast %shift_left3A : i32 to vector<16xi32>
        %shift_left3A_486 = arith.shli %get3A_444, %shift_left3A_485 : vector<16xi32>
        %bitcast_convert_type3A = tpu.bitcast %shift_left3A_486 : vector<16xi32> -> vector<16xf32>
        %shift_left3A_487 = arith.constant 16 : i32
        %shift_left3A_488 = vector.broadcast %shift_left3A_487 : i32 to vector<16xi32>
        %shift_left3A_489 = arith.shli %get3A_448, %shift_left3A_488 : vector<16xi32>
        %bitcast_convert_type3A_490 = tpu.bitcast %shift_left3A_489 : vector<16xi32> -> vector<16xf32>
        %shift_left3A_491 = arith.constant 16 : i32
        %shift_left3A_492 = vector.broadcast %shift_left3A_491 : i32 to vector<16xi32>
        %shift_left3A_493 = arith.shli %get3A_452, %shift_left3A_492 : vector<16xi32>
        %bitcast_convert_type3A_494 = tpu.bitcast %shift_left3A_493 : vector<16xi32> -> vector<16xf32>
        %shift_left3A_495 = arith.constant 16 : i32
        %shift_left3A_496 = vector.broadcast %shift_left3A_495 : i32 to vector<16xi32>
        %shift_left3A_497 = arith.shli %get3A_456, %shift_left3A_496 : vector<16xi32>
        %bitcast_convert_type3A_498 = tpu.bitcast %shift_left3A_497 : vector<16xi32> -> vector<16xf32>
        %shift_left3A_499 = arith.constant 16 : i32
        %shift_left3A_500 = vector.broadcast %shift_left3A_499 : i32 to vector<16xi32>
        %shift_left3A_501 = arith.shli %get3A_460, %shift_left3A_500 : vector<16xi32>
        %bitcast_convert_type3A_502 = tpu.bitcast %shift_left3A_501 : vector<16xi32> -> vector<16xf32>
        %shift_left3A_503 = arith.constant 16 : i32
        %shift_left3A_504 = vector.broadcast %shift_left3A_503 : i32 to vector<16xi32>
        %shift_left3A_505 = arith.shli %get3A_464, %shift_left3A_504 : vector<16xi32>
        %bitcast_convert_type3A_506 = tpu.bitcast %shift_left3A_505 : vector<16xi32> -> vector<16xf32>
        %shift_left3A_507 = arith.constant 16 : i32
        %shift_left3A_508 = vector.broadcast %shift_left3A_507 : i32 to vector<16xi32>
        %shift_left3A_509 = arith.shli %get3A_468, %shift_left3A_508 : vector<16xi32>
        %bitcast_convert_type3A_510 = tpu.bitcast %shift_left3A_509 : vector<16xi32> -> vector<16xf32>
        %shift_left3A_511 = arith.constant 16 : i32
        %shift_left3A_512 = vector.broadcast %shift_left3A_511 : i32 to vector<16xi32>
        %shift_left3A_513 = arith.shli %get3A_472, %shift_left3A_512 : vector<16xi32>
        %bitcast_convert_type3A_514 = tpu.bitcast %shift_left3A_513 : vector<16xi32> -> vector<16xf32>
        %shift_left3A_515 = arith.constant 16 : i32
        %shift_left3A_516 = vector.broadcast %shift_left3A_515 : i32 to vector<16xi32>
        %shift_left3A_517 = arith.shli %get3A_476, %shift_left3A_516 : vector<16xi32>
        %bitcast_convert_type3A_518 = tpu.bitcast %shift_left3A_517 : vector<16xi32> -> vector<16xf32>
        %shift_left3A_519 = arith.constant 16 : i32
        %shift_left3A_520 = vector.broadcast %shift_left3A_519 : i32 to vector<16xi32>
        %shift_left3A_521 = arith.shli %get3A_480, %shift_left3A_520 : vector<16xi32>
        %bitcast_convert_type3A_522 = tpu.bitcast %shift_left3A_521 : vector<16xi32> -> vector<16xf32>
        %shift_left3A_523 = arith.constant 16 : i32
        %shift_left3A_524 = vector.broadcast %shift_left3A_523 : i32 to vector<16xi32>
        %shift_left3A_525 = arith.shli %get3A_484, %shift_left3A_524 : vector<16xi32>
        %bitcast_convert_type3A_526 = tpu.bitcast %shift_left3A_525 : vector<16xi32> -> vector<16xf32>
        %add3A_527 = arith.addf %bitcast_convert_type3A, %bitcast_convert_type3A_490 : vector<16xf32>
        %add3A_528 = arith.addf %bitcast_convert_type3A_494, %bitcast_convert_type3A_498 : vector<16xf32>
        %add3A_529 = arith.addf %bitcast_convert_type3A_502, %bitcast_convert_type3A_506 : vector<16xf32>
        %add3A_530 = arith.addf %bitcast_convert_type3A_510, %bitcast_convert_type3A_514 : vector<16xf32>
        %add3A_531 = arith.addf %bitcast_convert_type3A_518, %bitcast_convert_type3A_522 : vector<16xf32>
        %add3A_532 = arith.addf %add3A_527, %add3A_528 : vector<16xf32>
        %add3A_533 = arith.addf %add3A_529, %add3A_530 : vector<16xf32>
        %add3A_534 = arith.addf %add3A_531, %bitcast_convert_type3A_526 : vector<16xf32>
        %add3A_535 = arith.addf %add3A_532, %add3A_533 : vector<16xf32>
        %add3A_536 = arith.addf %add3A_535, %add3A_534 : vector<16xf32>
        %and3A = arith.andi %get3A_444, %broadcast_in_dim3A_23 : vector<16xi32>
        %bitcast_convert_type3A_537 = tpu.bitcast %and3A : vector<16xi32> -> vector<16xf32>
        %and3A_538 = arith.andi %get3A_448, %broadcast_in_dim3A_23 : vector<16xi32>
        %bitcast_convert_type3A_539 = tpu.bitcast %and3A_538 : vector<16xi32> -> vector<16xf32>
        %and3A_540 = arith.andi %get3A_452, %broadcast_in_dim3A_23 : vector<16xi32>
        %bitcast_convert_type3A_541 = tpu.bitcast %and3A_540 : vector<16xi32> -> vector<16xf32>
        %and3A_542 = arith.andi %get3A_456, %broadcast_in_dim3A_23 : vector<16xi32>
        %bitcast_convert_type3A_543 = tpu.bitcast %and3A_542 : vector<16xi32> -> vector<16xf32>
        %and3A_544 = arith.andi %get3A_460, %broadcast_in_dim3A_23 : vector<16xi32>
        %bitcast_convert_type3A_545 = tpu.bitcast %and3A_544 : vector<16xi32> -> vector<16xf32>
        %and3A_546 = arith.andi %get3A_464, %broadcast_in_dim3A_23 : vector<16xi32>
        %bitcast_convert_type3A_547 = tpu.bitcast %and3A_546 : vector<16xi32> -> vector<16xf32>
        %and3A_548 = arith.andi %get3A_468, %broadcast_in_dim3A_23 : vector<16xi32>
        %bitcast_convert_type3A_549 = tpu.bitcast %and3A_548 : vector<16xi32> -> vector<16xf32>
        %and3A_550 = arith.andi %get3A_472, %broadcast_in_dim3A_23 : vector<16xi32>
        %bitcast_convert_type3A_551 = tpu.bitcast %and3A_550 : vector<16xi32> -> vector<16xf32>
        %and3A_552 = arith.andi %get3A_476, %broadcast_in_dim3A_23 : vector<16xi32>
        %bitcast_convert_type3A_553 = tpu.bitcast %and3A_552 : vector<16xi32> -> vector<16xf32>
        %and3A_554 = arith.andi %get3A_480, %broadcast_in_dim3A_23 : vector<16xi32>
        %bitcast_convert_type3A_555 = tpu.bitcast %and3A_554 : vector<16xi32> -> vector<16xf32>
        %and3A_556 = arith.andi %get3A_484, %broadcast_in_dim3A_23 : vector<16xi32>
        %bitcast_convert_type3A_557 = tpu.bitcast %and3A_556 : vector<16xi32> -> vector<16xf32>
        %add3A_558 = arith.addf %bitcast_convert_type3A_537, %bitcast_convert_type3A_539 : vector<16xf32>
        %add3A_559 = arith.addf %bitcast_convert_type3A_541, %bitcast_convert_type3A_543 : vector<16xf32>
        %add3A_560 = arith.addf %bitcast_convert_type3A_545, %bitcast_convert_type3A_547 : vector<16xf32>
        %add3A_561 = arith.addf %bitcast_convert_type3A_549, %bitcast_convert_type3A_551 : vector<16xf32>
        %add3A_562 = arith.addf %bitcast_convert_type3A_553, %bitcast_convert_type3A_555 : vector<16xf32>
        %add3A_563 = arith.addf %add3A_558, %add3A_559 : vector<16xf32>
        %add3A_564 = arith.addf %add3A_560, %add3A_561 : vector<16xf32>
        %add3A_565 = arith.addf %add3A_562, %bitcast_convert_type3A_557 : vector<16xf32>
        %add3A_566 = arith.addf %add3A_563, %add3A_564 : vector<16xf32>
        %add3A_567 = arith.addf %add3A_566, %add3A_565 : vector<16xf32>
        %abs3A = math.absf %add3A_536 : vector<16xf32>
        %abs3A_568 = math.absf %add3A_567 : vector<16xf32>
        %max3A = arith.maximumf %abs3A, %abs3A_568 : vector<16xf32>
        %max3A_569 = arith.maximumf %scan3A_439, %max3A : vector<16xf32>
        %mul3A_570 = arith.constant 32 : i32
        %mul3A_571 = arith.muli %scan3A_438, %mul3A_570 : i32
        %get3A_572 = arith.index_cast %mul3A_571 : i32 to index
        %get3A_573 = tpu.vector_load %arg13[%get3A_572] {strides = array<i32>} : memref<768xf32, #tpu.memory_space<vmem>>, vector<16xf32>,
        %add3A_574 = arith.addf %add3A_536, %get3A_573 : vector<16xf32>
        %mul3A_575 = arith.constant 32 : i32
        %mul3A_576 = arith.muli %scan3A_438, %mul3A_575 : i32
        %swap3A = arith.constant 0 : i32
        %swap3A_577 = arith.index_cast %swap3A : i32 to index
        %swap3A_578 = arith.index_cast %mul3A_576 : i32 to index
        %swap3A_579 = tpu.vector_load %arg12[%swap3A_577, %swap3A_578] {strides = array<i32>} : memref<4x768xf32, #tpu.memory_space<vmem>>, vector<16xf32>,
        tpu.vector_store %arg12[%swap3A_577, %swap3A_578], %add3A_574 {strides = array<i32>} : memref<4x768xf32, #tpu.memory_space<vmem>>, vector<16xf32>,
        %mul3A_580 = arith.constant 32 : i32
        %mul3A_581 = arith.muli %scan3A_438, %mul3A_580 : i32
        %add3A_582 = arith.constant 16 : i32
        %add3A_583 = arith.addi %mul3A_581, %add3A_582 : i32
        %get3A_584 = arith.index_cast %add3A_583 : i32 to index
        %get3A_585 = tpu.vector_load %arg13[%get3A_584] {strides = array<i32>} : memref<768xf32, #tpu.memory_space<vmem>>, vector<16xf32>,
        %add3A_586 = arith.addf %add3A_567, %get3A_585 : vector<16xf32>
        %mul3A_587 = arith.constant 32 : i32
        %mul3A_588 = arith.muli %scan3A_438, %mul3A_587 : i32
        %add3A_589 = arith.constant 16 : i32
        %add3A_590 = arith.addi %mul3A_588, %add3A_589 : i32
        %swap3A_591 = arith.constant 0 : i32
        %swap3A_592 = arith.index_cast %swap3A_591 : i32 to index
        %swap3A_593 = arith.index_cast %add3A_590 : i32 to index
        %swap3A_594 = tpu.vector_load %arg12[%swap3A_592, %swap3A_593] {strides = array<i32>} : memref<4x768xf32, #tpu.memory_space<vmem>>, vector<16xf32>,
        tpu.vector_store %arg12[%swap3A_592, %swap3A_593], %add3A_586 {strides = array<i32>} : memref<4x768xf32, #tpu.memory_space<vmem>>, vector<16xf32>,
        scf.yield %max3A_569 : vector<16xf32>
      }
      %scan3A_367 = arith.constant 24 : i32
      %reduce_max3A_368 = arith.constant true
      %reduce_max3A_369 = vector.broadcast %reduce_max3A_368 : i1 to vector<16xi1>
      %reduce_max3A_370 = tpu.scan <max>, %scan3A_366 masked %reduce_max3A_369 : vector<16xf32>, vector<16xi1> -> vector<16xf32>
      %reduce_max3A_371 = vector.extract %reduce_max3A_370[15] : f32 from vector<16xf32>
      %eq3A_372 = arith.constant 0.000000e+00 : f32
      %eq3A_373 = arith.cmpf oeq, %reduce_max3A_371, %eq3A_372 : f32
      %convert_element_type3A_374 = arith.extui %eq3A_373 : i1 to i32
      %cond3A_375 = arith.constant 0 : i32
      %cond3A_376 = arith.cmpi ne, %convert_element_type3A_374, %cond3A_375 : i32
      scf.if %cond3A_376 {
        %scan3A_438 = arith.constant 0 : i32
        %scan3A_439 = arith.constant 0 : i32
        %scan3A_440 = arith.constant 48 : i32
        %scan3A_441 = arith.addi %scan3A_439, %scan3A_440 : i32
        %scan3A_442 = arith.constant 1 : i32
        %scan3A_443 = scf.for %scan3A_445 = %scan3A_439 to %scan3A_441 step %scan3A_442 iter_args(%scan3A_446 = %scan3A_438) -> (i32)  : i32 {
          %broadcast_in_dim3A_447 = arith.constant 0.000000e+00 : f32
          %broadcast_in_dim3A_448 = vector.broadcast %broadcast_in_dim3A_447 : f32 to vector<16xf32>
          %mul3A_449 = arith.constant 16 : i32
          %mul3A_450 = arith.muli %scan3A_445, %mul3A_449 : i32
          %swap3A = arith.constant 0 : i32
          %swap3A_451 = arith.index_cast %swap3A : i32 to index
          %swap3A_452 = arith.index_cast %mul3A_450 : i32 to index
          %swap3A_453 = tpu.vector_load %arg12[%swap3A_451, %swap3A_452] {strides = array<i32>} : memref<4x768xf32, #tpu.memory_space<vmem>>, vector<16xf32>,
          tpu.vector_store %arg12[%swap3A_451, %swap3A_452], %broadcast_in_dim3A_448 {strides = array<i32>} : memref<4x768xf32, #tpu.memory_space<vmem>>, vector<16xf32>,
          %scan3A_454 = arith.constant 0 : i32
          scf.yield %scan3A_454 : i32
        }
        %scan3A_444 = arith.constant 48 : i32
      } else {
      }
      %broadcast_in_dim3A_377 = arith.constant 0.000000e+00 : f32
      %broadcast_in_dim3A_378 = vector.broadcast %broadcast_in_dim3A_377 : f32 to vector<16xf32>
      %scan3A_379 = arith.constant 0 : i32
      %scan3A_380 = arith.constant 24 : i32
      %scan3A_381 = arith.addi %scan3A_379, %scan3A_380 : i32
      %scan3A_382 = arith.constant 1 : i32
      %scan3A_383 = scf.for %scan3A_438 = %scan3A_379 to %scan3A_381 step %scan3A_382 iter_args(%scan3A_439 = %broadcast_in_dim3A_378) -> (vector<16xf32>)  : i32 {
        %mul3A_440 = arith.constant 16 : i32
        %mul3A_441 = arith.muli %scan3A_438, %mul3A_440 : i32
        %get3A = arith.constant 11 : i32
        %get3A_442 = arith.index_cast %get3A : i32 to index
        %get3A_443 = arith.index_cast %mul3A_441 : i32 to index
        %get3A_444 = tpu.vector_load %arg10[%get3A_442, %get3A_443] {strides = array<i32>} : memref<44x384xi32, #tpu.memory_space<vmem>>, vector<16xi32>,
        %get3A_445 = arith.constant 12 : i32
        %get3A_446 = arith.index_cast %get3A_445 : i32 to index
        %get3A_447 = arith.index_cast %mul3A_441 : i32 to index
        %get3A_448 = tpu.vector_load %arg10[%get3A_446, %get3A_447] {strides = array<i32>} : memref<44x384xi32, #tpu.memory_space<vmem>>, vector<16xi32>,
        %get3A_449 = arith.constant 13 : i32
        %get3A_450 = arith.index_cast %get3A_449 : i32 to index
        %get3A_451 = arith.index_cast %mul3A_441 : i32 to index
        %get3A_452 = tpu.vector_load %arg10[%get3A_450, %get3A_451] {strides = array<i32>} : memref<44x384xi32, #tpu.memory_space<vmem>>, vector<16xi32>,
        %get3A_453 = arith.constant 14 : i32
        %get3A_454 = arith.index_cast %get3A_453 : i32 to index
        %get3A_455 = arith.index_cast %mul3A_441 : i32 to index
        %get3A_456 = tpu.vector_load %arg10[%get3A_454, %get3A_455] {strides = array<i32>} : memref<44x384xi32, #tpu.memory_space<vmem>>, vector<16xi32>,
        %get3A_457 = arith.constant 15 : i32
        %get3A_458 = arith.index_cast %get3A_457 : i32 to index
        %get3A_459 = arith.index_cast %mul3A_441 : i32 to index
        %get3A_460 = tpu.vector_load %arg10[%get3A_458, %get3A_459] {strides = array<i32>} : memref<44x384xi32, #tpu.memory_space<vmem>>, vector<16xi32>,
        %get3A_461 = arith.constant 16 : i32
        %get3A_462 = arith.index_cast %get3A_461 : i32 to index
        %get3A_463 = arith.index_cast %mul3A_441 : i32 to index
        %get3A_464 = tpu.vector_load %arg10[%get3A_462, %get3A_463] {strides = array<i32>} : memref<44x384xi32, #tpu.memory_space<vmem>>, vector<16xi32>,
        %get3A_465 = arith.constant 17 : i32
        %get3A_466 = arith.index_cast %get3A_465 : i32 to index
        %get3A_467 = arith.index_cast %mul3A_441 : i32 to index
        %get3A_468 = tpu.vector_load %arg10[%get3A_466, %get3A_467] {strides = array<i32>} : memref<44x384xi32, #tpu.memory_space<vmem>>, vector<16xi32>,
        %get3A_469 = arith.constant 18 : i32
        %get3A_470 = arith.index_cast %get3A_469 : i32 to index
        %get3A_471 = arith.index_cast %mul3A_441 : i32 to index
        %get3A_472 = tpu.vector_load %arg10[%get3A_470, %get3A_471] {strides = array<i32>} : memref<44x384xi32, #tpu.memory_space<vmem>>, vector<16xi32>,
        %get3A_473 = arith.constant 19 : i32
        %get3A_474 = arith.index_cast %get3A_473 : i32 to index
        %get3A_475 = arith.index_cast %mul3A_441 : i32 to index
        %get3A_476 = tpu.vector_load %arg10[%get3A_474, %get3A_475] {strides = array<i32>} : memref<44x384xi32, #tpu.memory_space<vmem>>, vector<16xi32>,
        %get3A_477 = arith.constant 20 : i32
        %get3A_478 = arith.index_cast %get3A_477 : i32 to index
        %get3A_479 = arith.index_cast %mul3A_441 : i32 to index
        %get3A_480 = tpu.vector_load %arg10[%get3A_478, %get3A_479] {strides = array<i32>} : memref<44x384xi32, #tpu.memory_space<vmem>>, vector<16xi32>,
        %get3A_481 = arith.constant 21 : i32
        %get3A_482 = arith.index_cast %get3A_481 : i32 to index
        %get3A_483 = arith.index_cast %mul3A_441 : i32 to index
        %get3A_484 = tpu.vector_load %arg10[%get3A_482, %get3A_483] {strides = array<i32>} : memref<44x384xi32, #tpu.memory_space<vmem>>, vector<16xi32>,
        %shift_left3A = arith.constant 16 : i32
        %shift_left3A_485 = vector.broadcast %shift_left3A : i32 to vector<16xi32>
        %shift_left3A_486 = arith.shli %get3A_444, %shift_left3A_485 : vector<16xi32>
        %bitcast_convert_type3A = tpu.bitcast %shift_left3A_486 : vector<16xi32> -> vector<16xf32>
        %shift_left3A_487 = arith.constant 16 : i32
        %shift_left3A_488 = vector.broadcast %shift_left3A_487 : i32 to vector<16xi32>
        %shift_left3A_489 = arith.shli %get3A_448, %shift_left3A_488 : vector<16xi32>
        %bitcast_convert_type3A_490 = tpu.bitcast %shift_left3A_489 : vector<16xi32> -> vector<16xf32>
        %shift_left3A_491 = arith.constant 16 : i32
        %shift_left3A_492 = vector.broadcast %shift_left3A_491 : i32 to vector<16xi32>
        %shift_left3A_493 = arith.shli %get3A_452, %shift_left3A_492 : vector<16xi32>
        %bitcast_convert_type3A_494 = tpu.bitcast %shift_left3A_493 : vector<16xi32> -> vector<16xf32>
        %shift_left3A_495 = arith.constant 16 : i32
        %shift_left3A_496 = vector.broadcast %shift_left3A_495 : i32 to vector<16xi32>
        %shift_left3A_497 = arith.shli %get3A_456, %shift_left3A_496 : vector<16xi32>
        %bitcast_convert_type3A_498 = tpu.bitcast %shift_left3A_497 : vector<16xi32> -> vector<16xf32>
        %shift_left3A_499 = arith.constant 16 : i32
        %shift_left3A_500 = vector.broadcast %shift_left3A_499 : i32 to vector<16xi32>
        %shift_left3A_501 = arith.shli %get3A_460, %shift_left3A_500 : vector<16xi32>
        %bitcast_convert_type3A_502 = tpu.bitcast %shift_left3A_501 : vector<16xi32> -> vector<16xf32>
        %shift_left3A_503 = arith.constant 16 : i32
        %shift_left3A_504 = vector.broadcast %shift_left3A_503 : i32 to vector<16xi32>
        %shift_left3A_505 = arith.shli %get3A_464, %shift_left3A_504 : vector<16xi32>
        %bitcast_convert_type3A_506 = tpu.bitcast %shift_left3A_505 : vector<16xi32> -> vector<16xf32>
        %shift_left3A_507 = arith.constant 16 : i32
        %shift_left3A_508 = vector.broadcast %shift_left3A_507 : i32 to vector<16xi32>
        %shift_left3A_509 = arith.shli %get3A_468, %shift_left3A_508 : vector<16xi32>
        %bitcast_convert_type3A_510 = tpu.bitcast %shift_left3A_509 : vector<16xi32> -> vector<16xf32>
        %shift_left3A_511 = arith.constant 16 : i32
        %shift_left3A_512 = vector.broadcast %shift_left3A_511 : i32 to vector<16xi32>
        %shift_left3A_513 = arith.shli %get3A_472, %shift_left3A_512 : vector<16xi32>
        %bitcast_convert_type3A_514 = tpu.bitcast %shift_left3A_513 : vector<16xi32> -> vector<16xf32>
        %shift_left3A_515 = arith.constant 16 : i32
        %shift_left3A_516 = vector.broadcast %shift_left3A_515 : i32 to vector<16xi32>
        %shift_left3A_517 = arith.shli %get3A_476, %shift_left3A_516 : vector<16xi32>
        %bitcast_convert_type3A_518 = tpu.bitcast %shift_left3A_517 : vector<16xi32> -> vector<16xf32>
        %shift_left3A_519 = arith.constant 16 : i32
        %shift_left3A_520 = vector.broadcast %shift_left3A_519 : i32 to vector<16xi32>
        %shift_left3A_521 = arith.shli %get3A_480, %shift_left3A_520 : vector<16xi32>
        %bitcast_convert_type3A_522 = tpu.bitcast %shift_left3A_521 : vector<16xi32> -> vector<16xf32>
        %shift_left3A_523 = arith.constant 16 : i32
        %shift_left3A_524 = vector.broadcast %shift_left3A_523 : i32 to vector<16xi32>
        %shift_left3A_525 = arith.shli %get3A_484, %shift_left3A_524 : vector<16xi32>
        %bitcast_convert_type3A_526 = tpu.bitcast %shift_left3A_525 : vector<16xi32> -> vector<16xf32>
        %add3A_527 = arith.addf %bitcast_convert_type3A, %bitcast_convert_type3A_490 : vector<16xf32>
        %add3A_528 = arith.addf %bitcast_convert_type3A_494, %bitcast_convert_type3A_498 : vector<16xf32>
        %add3A_529 = arith.addf %bitcast_convert_type3A_502, %bitcast_convert_type3A_506 : vector<16xf32>
        %add3A_530 = arith.addf %bitcast_convert_type3A_510, %bitcast_convert_type3A_514 : vector<16xf32>
        %add3A_531 = arith.addf %bitcast_convert_type3A_518, %bitcast_convert_type3A_522 : vector<16xf32>
        %add3A_532 = arith.addf %add3A_527, %add3A_528 : vector<16xf32>
        %add3A_533 = arith.addf %add3A_529, %add3A_530 : vector<16xf32>
        %add3A_534 = arith.addf %add3A_531, %bitcast_convert_type3A_526 : vector<16xf32>
        %add3A_535 = arith.addf %add3A_532, %add3A_533 : vector<16xf32>
        %add3A_536 = arith.addf %add3A_535, %add3A_534 : vector<16xf32>
        %and3A = arith.andi %get3A_444, %broadcast_in_dim3A_23 : vector<16xi32>
        %bitcast_convert_type3A_537 = tpu.bitcast %and3A : vector<16xi32> -> vector<16xf32>
        %and3A_538 = arith.andi %get3A_448, %broadcast_in_dim3A_23 : vector<16xi32>
        %bitcast_convert_type3A_539 = tpu.bitcast %and3A_538 : vector<16xi32> -> vector<16xf32>
        %and3A_540 = arith.andi %get3A_452, %broadcast_in_dim3A_23 : vector<16xi32>
        %bitcast_convert_type3A_541 = tpu.bitcast %and3A_540 : vector<16xi32> -> vector<16xf32>
        %and3A_542 = arith.andi %get3A_456, %broadcast_in_dim3A_23 : vector<16xi32>
        %bitcast_convert_type3A_543 = tpu.bitcast %and3A_542 : vector<16xi32> -> vector<16xf32>
        %and3A_544 = arith.andi %get3A_460, %broadcast_in_dim3A_23 : vector<16xi32>
        %bitcast_convert_type3A_545 = tpu.bitcast %and3A_544 : vector<16xi32> -> vector<16xf32>
        %and3A_546 = arith.andi %get3A_464, %broadcast_in_dim3A_23 : vector<16xi32>
        %bitcast_convert_type3A_547 = tpu.bitcast %and3A_546 : vector<16xi32> -> vector<16xf32>
        %and3A_548 = arith.andi %get3A_468, %broadcast_in_dim3A_23 : vector<16xi32>
        %bitcast_convert_type3A_549 = tpu.bitcast %and3A_548 : vector<16xi32> -> vector<16xf32>
        %and3A_550 = arith.andi %get3A_472, %broadcast_in_dim3A_23 : vector<16xi32>
        %bitcast_convert_type3A_551 = tpu.bitcast %and3A_550 : vector<16xi32> -> vector<16xf32>
        %and3A_552 = arith.andi %get3A_476, %broadcast_in_dim3A_23 : vector<16xi32>
        %bitcast_convert_type3A_553 = tpu.bitcast %and3A_552 : vector<16xi32> -> vector<16xf32>
        %and3A_554 = arith.andi %get3A_480, %broadcast_in_dim3A_23 : vector<16xi32>
        %bitcast_convert_type3A_555 = tpu.bitcast %and3A_554 : vector<16xi32> -> vector<16xf32>
        %and3A_556 = arith.andi %get3A_484, %broadcast_in_dim3A_23 : vector<16xi32>
        %bitcast_convert_type3A_557 = tpu.bitcast %and3A_556 : vector<16xi32> -> vector<16xf32>
        %add3A_558 = arith.addf %bitcast_convert_type3A_537, %bitcast_convert_type3A_539 : vector<16xf32>
        %add3A_559 = arith.addf %bitcast_convert_type3A_541, %bitcast_convert_type3A_543 : vector<16xf32>
        %add3A_560 = arith.addf %bitcast_convert_type3A_545, %bitcast_convert_type3A_547 : vector<16xf32>
        %add3A_561 = arith.addf %bitcast_convert_type3A_549, %bitcast_convert_type3A_551 : vector<16xf32>
        %add3A_562 = arith.addf %bitcast_convert_type3A_553, %bitcast_convert_type3A_555 : vector<16xf32>
        %add3A_563 = arith.addf %add3A_558, %add3A_559 : vector<16xf32>
        %add3A_564 = arith.addf %add3A_560, %add3A_561 : vector<16xf32>
        %add3A_565 = arith.addf %add3A_562, %bitcast_convert_type3A_557 : vector<16xf32>
        %add3A_566 = arith.addf %add3A_563, %add3A_564 : vector<16xf32>
        %add3A_567 = arith.addf %add3A_566, %add3A_565 : vector<16xf32>
        %abs3A = math.absf %add3A_536 : vector<16xf32>
        %abs3A_568 = math.absf %add3A_567 : vector<16xf32>
        %max3A = arith.maximumf %abs3A, %abs3A_568 : vector<16xf32>
        %max3A_569 = arith.maximumf %scan3A_439, %max3A : vector<16xf32>
        %mul3A_570 = arith.constant 32 : i32
        %mul3A_571 = arith.muli %scan3A_438, %mul3A_570 : i32
        %get3A_572 = arith.index_cast %mul3A_571 : i32 to index
        %get3A_573 = tpu.vector_load %arg13[%get3A_572] {strides = array<i32>} : memref<768xf32, #tpu.memory_space<vmem>>, vector<16xf32>,
        %add3A_574 = arith.addf %add3A_536, %get3A_573 : vector<16xf32>
        %mul3A_575 = arith.constant 32 : i32
        %mul3A_576 = arith.muli %scan3A_438, %mul3A_575 : i32
        %swap3A = arith.constant 1 : i32
        %swap3A_577 = arith.index_cast %swap3A : i32 to index
        %swap3A_578 = arith.index_cast %mul3A_576 : i32 to index
        %swap3A_579 = tpu.vector_load %arg12[%swap3A_577, %swap3A_578] {strides = array<i32>} : memref<4x768xf32, #tpu.memory_space<vmem>>, vector<16xf32>,
        tpu.vector_store %arg12[%swap3A_577, %swap3A_578], %add3A_574 {strides = array<i32>} : memref<4x768xf32, #tpu.memory_space<vmem>>, vector<16xf32>,
        %mul3A_580 = arith.constant 32 : i32
        %mul3A_581 = arith.muli %scan3A_438, %mul3A_580 : i32
        %add3A_582 = arith.constant 16 : i32
        %add3A_583 = arith.addi %mul3A_581, %add3A_582 : i32
        %get3A_584 = arith.index_cast %add3A_583 : i32 to index
        %get3A_585 = tpu.vector_load %arg13[%get3A_584] {strides = array<i32>} : memref<768xf32, #tpu.memory_space<vmem>>, vector<16xf32>,
        %add3A_586 = arith.addf %add3A_567, %get3A_585 : vector<16xf32>
        %mul3A_587 = arith.constant 32 : i32
        %mul3A_588 = arith.muli %scan3A_438, %mul3A_587 : i32
        %add3A_589 = arith.constant 16 : i32
        %add3A_590 = arith.addi %mul3A_588, %add3A_589 : i32
        %swap3A_591 = arith.constant 1 : i32
        %swap3A_592 = arith.index_cast %swap3A_591 : i32 to index
        %swap3A_593 = arith.index_cast %add3A_590 : i32 to index
        %swap3A_594 = tpu.vector_load %arg12[%swap3A_592, %swap3A_593] {strides = array<i32>} : memref<4x768xf32, #tpu.memory_space<vmem>>, vector<16xf32>,
        tpu.vector_store %arg12[%swap3A_592, %swap3A_593], %add3A_586 {strides = array<i32>} : memref<4x768xf32, #tpu.memory_space<vmem>>, vector<16xf32>,
        scf.yield %max3A_569 : vector<16xf32>
      }
      %scan3A_384 = arith.constant 24 : i32
      %reduce_max3A_385 = arith.constant true
      %reduce_max3A_386 = vector.broadcast %reduce_max3A_385 : i1 to vector<16xi1>
      %reduce_max3A_387 = tpu.scan <max>, %scan3A_383 masked %reduce_max3A_386 : vector<16xf32>, vector<16xi1> -> vector<16xf32>
      %reduce_max3A_388 = vector.extract %reduce_max3A_387[15] : f32 from vector<16xf32>
      %eq3A_389 = arith.constant 0.000000e+00 : f32
      %eq3A_390 = arith.cmpf oeq, %reduce_max3A_388, %eq3A_389 : f32
      %convert_element_type3A_391 = arith.extui %eq3A_390 : i1 to i32
      %cond3A_392 = arith.constant 0 : i32
      %cond3A_393 = arith.cmpi ne, %convert_element_type3A_391, %cond3A_392 : i32
      scf.if %cond3A_393 {
        %scan3A_438 = arith.constant 0 : i32
        %scan3A_439 = arith.constant 0 : i32
        %scan3A_440 = arith.constant 48 : i32
        %scan3A_441 = arith.addi %scan3A_439, %scan3A_440 : i32
        %scan3A_442 = arith.constant 1 : i32
        %scan3A_443 = scf.for %scan3A_445 = %scan3A_439 to %scan3A_441 step %scan3A_442 iter_args(%scan3A_446 = %scan3A_438) -> (i32)  : i32 {
          %broadcast_in_dim3A_447 = arith.constant 0.000000e+00 : f32
          %broadcast_in_dim3A_448 = vector.broadcast %broadcast_in_dim3A_447 : f32 to vector<16xf32>
          %mul3A_449 = arith.constant 16 : i32
          %mul3A_450 = arith.muli %scan3A_445, %mul3A_449 : i32
          %swap3A = arith.constant 1 : i32
          %swap3A_451 = arith.index_cast %swap3A : i32 to index
          %swap3A_452 = arith.index_cast %mul3A_450 : i32 to index
          %swap3A_453 = tpu.vector_load %arg12[%swap3A_451, %swap3A_452] {strides = array<i32>} : memref<4x768xf32, #tpu.memory_space<vmem>>, vector<16xf32>,
          tpu.vector_store %arg12[%swap3A_451, %swap3A_452], %broadcast_in_dim3A_448 {strides = array<i32>} : memref<4x768xf32, #tpu.memory_space<vmem>>, vector<16xf32>,
          %scan3A_454 = arith.constant 0 : i32
          scf.yield %scan3A_454 : i32
        }
        %scan3A_444 = arith.constant 48 : i32
      } else {
      }
      %broadcast_in_dim3A_394 = arith.constant 0.000000e+00 : f32
      %broadcast_in_dim3A_395 = vector.broadcast %broadcast_in_dim3A_394 : f32 to vector<16xf32>
      %scan3A_396 = arith.constant 0 : i32
      %scan3A_397 = arith.constant 24 : i32
      %scan3A_398 = arith.addi %scan3A_396, %scan3A_397 : i32
      %scan3A_399 = arith.constant 1 : i32
      %scan3A_400 = scf.for %scan3A_438 = %scan3A_396 to %scan3A_398 step %scan3A_399 iter_args(%scan3A_439 = %broadcast_in_dim3A_395) -> (vector<16xf32>)  : i32 {
        %mul3A_440 = arith.constant 16 : i32
        %mul3A_441 = arith.muli %scan3A_438, %mul3A_440 : i32
        %get3A = arith.constant 22 : i32
        %get3A_442 = arith.index_cast %get3A : i32 to index
        %get3A_443 = arith.index_cast %mul3A_441 : i32 to index
        %get3A_444 = tpu.vector_load %arg10[%get3A_442, %get3A_443] {strides = array<i32>} : memref<44x384xi32, #tpu.memory_space<vmem>>, vector<16xi32>,
        %get3A_445 = arith.constant 23 : i32
        %get3A_446 = arith.index_cast %get3A_445 : i32 to index
        %get3A_447 = arith.index_cast %mul3A_441 : i32 to index
        %get3A_448 = tpu.vector_load %arg10[%get3A_446, %get3A_447] {strides = array<i32>} : memref<44x384xi32, #tpu.memory_space<vmem>>, vector<16xi32>,
        %get3A_449 = arith.constant 24 : i32
        %get3A_450 = arith.index_cast %get3A_449 : i32 to index
        %get3A_451 = arith.index_cast %mul3A_441 : i32 to index
        %get3A_452 = tpu.vector_load %arg10[%get3A_450, %get3A_451] {strides = array<i32>} : memref<44x384xi32, #tpu.memory_space<vmem>>, vector<16xi32>,
        %get3A_453 = arith.constant 25 : i32
        %get3A_454 = arith.index_cast %get3A_453 : i32 to index
        %get3A_455 = arith.index_cast %mul3A_441 : i32 to index
        %get3A_456 = tpu.vector_load %arg10[%get3A_454, %get3A_455] {strides = array<i32>} : memref<44x384xi32, #tpu.memory_space<vmem>>, vector<16xi32>,
        %get3A_457 = arith.constant 26 : i32
        %get3A_458 = arith.index_cast %get3A_457 : i32 to index
        %get3A_459 = arith.index_cast %mul3A_441 : i32 to index
        %get3A_460 = tpu.vector_load %arg10[%get3A_458, %get3A_459] {strides = array<i32>} : memref<44x384xi32, #tpu.memory_space<vmem>>, vector<16xi32>,
        %get3A_461 = arith.constant 27 : i32
        %get3A_462 = arith.index_cast %get3A_461 : i32 to index
        %get3A_463 = arith.index_cast %mul3A_441 : i32 to index
        %get3A_464 = tpu.vector_load %arg10[%get3A_462, %get3A_463] {strides = array<i32>} : memref<44x384xi32, #tpu.memory_space<vmem>>, vector<16xi32>,
        %get3A_465 = arith.constant 28 : i32
        %get3A_466 = arith.index_cast %get3A_465 : i32 to index
        %get3A_467 = arith.index_cast %mul3A_441 : i32 to index
        %get3A_468 = tpu.vector_load %arg10[%get3A_466, %get3A_467] {strides = array<i32>} : memref<44x384xi32, #tpu.memory_space<vmem>>, vector<16xi32>,
        %get3A_469 = arith.constant 29 : i32
        %get3A_470 = arith.index_cast %get3A_469 : i32 to index
        %get3A_471 = arith.index_cast %mul3A_441 : i32 to index
        %get3A_472 = tpu.vector_load %arg10[%get3A_470, %get3A_471] {strides = array<i32>} : memref<44x384xi32, #tpu.memory_space<vmem>>, vector<16xi32>,
        %get3A_473 = arith.constant 30 : i32
        %get3A_474 = arith.index_cast %get3A_473 : i32 to index
        %get3A_475 = arith.index_cast %mul3A_441 : i32 to index
        %get3A_476 = tpu.vector_load %arg10[%get3A_474, %get3A_475] {strides = array<i32>} : memref<44x384xi32, #tpu.memory_space<vmem>>, vector<16xi32>,
        %get3A_477 = arith.constant 31 : i32
        %get3A_478 = arith.index_cast %get3A_477 : i32 to index
        %get3A_479 = arith.index_cast %mul3A_441 : i32 to index
        %get3A_480 = tpu.vector_load %arg10[%get3A_478, %get3A_479] {strides = array<i32>} : memref<44x384xi32, #tpu.memory_space<vmem>>, vector<16xi32>,
        %get3A_481 = arith.constant 32 : i32
        %get3A_482 = arith.index_cast %get3A_481 : i32 to index
        %get3A_483 = arith.index_cast %mul3A_441 : i32 to index
        %get3A_484 = tpu.vector_load %arg10[%get3A_482, %get3A_483] {strides = array<i32>} : memref<44x384xi32, #tpu.memory_space<vmem>>, vector<16xi32>,
        %shift_left3A = arith.constant 16 : i32
        %shift_left3A_485 = vector.broadcast %shift_left3A : i32 to vector<16xi32>
        %shift_left3A_486 = arith.shli %get3A_444, %shift_left3A_485 : vector<16xi32>
        %bitcast_convert_type3A = tpu.bitcast %shift_left3A_486 : vector<16xi32> -> vector<16xf32>
        %shift_left3A_487 = arith.constant 16 : i32
        %shift_left3A_488 = vector.broadcast %shift_left3A_487 : i32 to vector<16xi32>
        %shift_left3A_489 = arith.shli %get3A_448, %shift_left3A_488 : vector<16xi32>
        %bitcast_convert_type3A_490 = tpu.bitcast %shift_left3A_489 : vector<16xi32> -> vector<16xf32>
        %shift_left3A_491 = arith.constant 16 : i32
        %shift_left3A_492 = vector.broadcast %shift_left3A_491 : i32 to vector<16xi32>
        %shift_left3A_493 = arith.shli %get3A_452, %shift_left3A_492 : vector<16xi32>
        %bitcast_convert_type3A_494 = tpu.bitcast %shift_left3A_493 : vector<16xi32> -> vector<16xf32>
        %shift_left3A_495 = arith.constant 16 : i32
        %shift_left3A_496 = vector.broadcast %shift_left3A_495 : i32 to vector<16xi32>
        %shift_left3A_497 = arith.shli %get3A_456, %shift_left3A_496 : vector<16xi32>
        %bitcast_convert_type3A_498 = tpu.bitcast %shift_left3A_497 : vector<16xi32> -> vector<16xf32>
        %shift_left3A_499 = arith.constant 16 : i32
        %shift_left3A_500 = vector.broadcast %shift_left3A_499 : i32 to vector<16xi32>
        %shift_left3A_501 = arith.shli %get3A_460, %shift_left3A_500 : vector<16xi32>
        %bitcast_convert_type3A_502 = tpu.bitcast %shift_left3A_501 : vector<16xi32> -> vector<16xf32>
        %shift_left3A_503 = arith.constant 16 : i32
        %shift_left3A_504 = vector.broadcast %shift_left3A_503 : i32 to vector<16xi32>
        %shift_left3A_505 = arith.shli %get3A_464, %shift_left3A_504 : vector<16xi32>
        %bitcast_convert_type3A_506 = tpu.bitcast %shift_left3A_505 : vector<16xi32> -> vector<16xf32>
        %shift_left3A_507 = arith.constant 16 : i32
        %shift_left3A_508 = vector.broadcast %shift_left3A_507 : i32 to vector<16xi32>
        %shift_left3A_509 = arith.shli %get3A_468, %shift_left3A_508 : vector<16xi32>
        %bitcast_convert_type3A_510 = tpu.bitcast %shift_left3A_509 : vector<16xi32> -> vector<16xf32>
        %shift_left3A_511 = arith.constant 16 : i32
        %shift_left3A_512 = vector.broadcast %shift_left3A_511 : i32 to vector<16xi32>
        %shift_left3A_513 = arith.shli %get3A_472, %shift_left3A_512 : vector<16xi32>
        %bitcast_convert_type3A_514 = tpu.bitcast %shift_left3A_513 : vector<16xi32> -> vector<16xf32>
        %shift_left3A_515 = arith.constant 16 : i32
        %shift_left3A_516 = vector.broadcast %shift_left3A_515 : i32 to vector<16xi32>
        %shift_left3A_517 = arith.shli %get3A_476, %shift_left3A_516 : vector<16xi32>
        %bitcast_convert_type3A_518 = tpu.bitcast %shift_left3A_517 : vector<16xi32> -> vector<16xf32>
        %shift_left3A_519 = arith.constant 16 : i32
        %shift_left3A_520 = vector.broadcast %shift_left3A_519 : i32 to vector<16xi32>
        %shift_left3A_521 = arith.shli %get3A_480, %shift_left3A_520 : vector<16xi32>
        %bitcast_convert_type3A_522 = tpu.bitcast %shift_left3A_521 : vector<16xi32> -> vector<16xf32>
        %shift_left3A_523 = arith.constant 16 : i32
        %shift_left3A_524 = vector.broadcast %shift_left3A_523 : i32 to vector<16xi32>
        %shift_left3A_525 = arith.shli %get3A_484, %shift_left3A_524 : vector<16xi32>
        %bitcast_convert_type3A_526 = tpu.bitcast %shift_left3A_525 : vector<16xi32> -> vector<16xf32>
        %add3A_527 = arith.addf %bitcast_convert_type3A, %bitcast_convert_type3A_490 : vector<16xf32>
        %add3A_528 = arith.addf %bitcast_convert_type3A_494, %bitcast_convert_type3A_498 : vector<16xf32>
        %add3A_529 = arith.addf %bitcast_convert_type3A_502, %bitcast_convert_type3A_506 : vector<16xf32>
        %add3A_530 = arith.addf %bitcast_convert_type3A_510, %bitcast_convert_type3A_514 : vector<16xf32>
        %add3A_531 = arith.addf %bitcast_convert_type3A_518, %bitcast_convert_type3A_522 : vector<16xf32>
        %add3A_532 = arith.addf %add3A_527, %add3A_528 : vector<16xf32>
        %add3A_533 = arith.addf %add3A_529, %add3A_530 : vector<16xf32>
        %add3A_534 = arith.addf %add3A_531, %bitcast_convert_type3A_526 : vector<16xf32>
        %add3A_535 = arith.addf %add3A_532, %add3A_533 : vector<16xf32>
        %add3A_536 = arith.addf %add3A_535, %add3A_534 : vector<16xf32>
        %and3A = arith.andi %get3A_444, %broadcast_in_dim3A_23 : vector<16xi32>
        %bitcast_convert_type3A_537 = tpu.bitcast %and3A : vector<16xi32> -> vector<16xf32>
        %and3A_538 = arith.andi %get3A_448, %broadcast_in_dim3A_23 : vector<16xi32>
        %bitcast_convert_type3A_539 = tpu.bitcast %and3A_538 : vector<16xi32> -> vector<16xf32>
        %and3A_540 = arith.andi %get3A_452, %broadcast_in_dim3A_23 : vector<16xi32>
        %bitcast_convert_type3A_541 = tpu.bitcast %and3A_540 : vector<16xi32> -> vector<16xf32>
        %and3A_542 = arith.andi %get3A_456, %broadcast_in_dim3A_23 : vector<16xi32>
        %bitcast_convert_type3A_543 = tpu.bitcast %and3A_542 : vector<16xi32> -> vector<16xf32>
        %and3A_544 = arith.andi %get3A_460, %broadcast_in_dim3A_23 : vector<16xi32>
        %bitcast_convert_type3A_545 = tpu.bitcast %and3A_544 : vector<16xi32> -> vector<16xf32>
        %and3A_546 = arith.andi %get3A_464, %broadcast_in_dim3A_23 : vector<16xi32>
        %bitcast_convert_type3A_547 = tpu.bitcast %and3A_546 : vector<16xi32> -> vector<16xf32>
        %and3A_548 = arith.andi %get3A_468, %broadcast_in_dim3A_23 : vector<16xi32>
        %bitcast_convert_type3A_549 = tpu.bitcast %and3A_548 : vector<16xi32> -> vector<16xf32>
        %and3A_550 = arith.andi %get3A_472, %broadcast_in_dim3A_23 : vector<16xi32>
        %bitcast_convert_type3A_551 = tpu.bitcast %and3A_550 : vector<16xi32> -> vector<16xf32>
        %and3A_552 = arith.andi %get3A_476, %broadcast_in_dim3A_23 : vector<16xi32>
        %bitcast_convert_type3A_553 = tpu.bitcast %and3A_552 : vector<16xi32> -> vector<16xf32>
        %and3A_554 = arith.andi %get3A_480, %broadcast_in_dim3A_23 : vector<16xi32>
        %bitcast_convert_type3A_555 = tpu.bitcast %and3A_554 : vector<16xi32> -> vector<16xf32>
        %and3A_556 = arith.andi %get3A_484, %broadcast_in_dim3A_23 : vector<16xi32>
        %bitcast_convert_type3A_557 = tpu.bitcast %and3A_556 : vector<16xi32> -> vector<16xf32>
        %add3A_558 = arith.addf %bitcast_convert_type3A_537, %bitcast_convert_type3A_539 : vector<16xf32>
        %add3A_559 = arith.addf %bitcast_convert_type3A_541, %bitcast_convert_type3A_543 : vector<16xf32>
        %add3A_560 = arith.addf %bitcast_convert_type3A_545, %bitcast_convert_type3A_547 : vector<16xf32>
        %add3A_561 = arith.addf %bitcast_convert_type3A_549, %bitcast_convert_type3A_551 : vector<16xf32>
        %add3A_562 = arith.addf %bitcast_convert_type3A_553, %bitcast_convert_type3A_555 : vector<16xf32>
        %add3A_563 = arith.addf %add3A_558, %add3A_559 : vector<16xf32>
        %add3A_564 = arith.addf %add3A_560, %add3A_561 : vector<16xf32>
        %add3A_565 = arith.addf %add3A_562, %bitcast_convert_type3A_557 : vector<16xf32>
        %add3A_566 = arith.addf %add3A_563, %add3A_564 : vector<16xf32>
        %add3A_567 = arith.addf %add3A_566, %add3A_565 : vector<16xf32>
        %abs3A = math.absf %add3A_536 : vector<16xf32>
        %abs3A_568 = math.absf %add3A_567 : vector<16xf32>
        %max3A = arith.maximumf %abs3A, %abs3A_568 : vector<16xf32>
        %max3A_569 = arith.maximumf %scan3A_439, %max3A : vector<16xf32>
        %mul3A_570 = arith.constant 32 : i32
        %mul3A_571 = arith.muli %scan3A_438, %mul3A_570 : i32
        %get3A_572 = arith.index_cast %mul3A_571 : i32 to index
        %get3A_573 = tpu.vector_load %arg13[%get3A_572] {strides = array<i32>} : memref<768xf32, #tpu.memory_space<vmem>>, vector<16xf32>,
        %add3A_574 = arith.addf %add3A_536, %get3A_573 : vector<16xf32>
        %mul3A_575 = arith.constant 32 : i32
        %mul3A_576 = arith.muli %scan3A_438, %mul3A_575 : i32
        %swap3A = arith.constant 2 : i32
        %swap3A_577 = arith.index_cast %swap3A : i32 to index
        %swap3A_578 = arith.index_cast %mul3A_576 : i32 to index
        %swap3A_579 = tpu.vector_load %arg12[%swap3A_577, %swap3A_578] {strides = array<i32>} : memref<4x768xf32, #tpu.memory_space<vmem>>, vector<16xf32>,
        tpu.vector_store %arg12[%swap3A_577, %swap3A_578], %add3A_574 {strides = array<i32>} : memref<4x768xf32, #tpu.memory_space<vmem>>, vector<16xf32>,
        %mul3A_580 = arith.constant 32 : i32
        %mul3A_581 = arith.muli %scan3A_438, %mul3A_580 : i32
        %add3A_582 = arith.constant 16 : i32
        %add3A_583 = arith.addi %mul3A_581, %add3A_582 : i32
        %get3A_584 = arith.index_cast %add3A_583 : i32 to index
        %get3A_585 = tpu.vector_load %arg13[%get3A_584] {strides = array<i32>} : memref<768xf32, #tpu.memory_space<vmem>>, vector<16xf32>,
        %add3A_586 = arith.addf %add3A_567, %get3A_585 : vector<16xf32>
        %mul3A_587 = arith.constant 32 : i32
        %mul3A_588 = arith.muli %scan3A_438, %mul3A_587 : i32
        %add3A_589 = arith.constant 16 : i32
        %add3A_590 = arith.addi %mul3A_588, %add3A_589 : i32
        %swap3A_591 = arith.constant 2 : i32
        %swap3A_592 = arith.index_cast %swap3A_591 : i32 to index
        %swap3A_593 = arith.index_cast %add3A_590 : i32 to index
        %swap3A_594 = tpu.vector_load %arg12[%swap3A_592, %swap3A_593] {strides = array<i32>} : memref<4x768xf32, #tpu.memory_space<vmem>>, vector<16xf32>,
        tpu.vector_store %arg12[%swap3A_592, %swap3A_593], %add3A_586 {strides = array<i32>} : memref<4x768xf32, #tpu.memory_space<vmem>>, vector<16xf32>,
        scf.yield %max3A_569 : vector<16xf32>
      }
      %scan3A_401 = arith.constant 24 : i32
      %reduce_max3A_402 = arith.constant true
      %reduce_max3A_403 = vector.broadcast %reduce_max3A_402 : i1 to vector<16xi1>
      %reduce_max3A_404 = tpu.scan <max>, %scan3A_400 masked %reduce_max3A_403 : vector<16xf32>, vector<16xi1> -> vector<16xf32>
      %reduce_max3A_405 = vector.extract %reduce_max3A_404[15] : f32 from vector<16xf32>
      %eq3A_406 = arith.constant 0.000000e+00 : f32
      %eq3A_407 = arith.cmpf oeq, %reduce_max3A_405, %eq3A_406 : f32
      %convert_element_type3A_408 = arith.extui %eq3A_407 : i1 to i32
      %cond3A_409 = arith.constant 0 : i32
      %cond3A_410 = arith.cmpi ne, %convert_element_type3A_408, %cond3A_409 : i32
      scf.if %cond3A_410 {
        %scan3A_438 = arith.constant 0 : i32
        %scan3A_439 = arith.constant 0 : i32
        %scan3A_440 = arith.constant 48 : i32
        %scan3A_441 = arith.addi %scan3A_439, %scan3A_440 : i32
        %scan3A_442 = arith.constant 1 : i32
        %scan3A_443 = scf.for %scan3A_445 = %scan3A_439 to %scan3A_441 step %scan3A_442 iter_args(%scan3A_446 = %scan3A_438) -> (i32)  : i32 {
          %broadcast_in_dim3A_447 = arith.constant 0.000000e+00 : f32
          %broadcast_in_dim3A_448 = vector.broadcast %broadcast_in_dim3A_447 : f32 to vector<16xf32>
          %mul3A_449 = arith.constant 16 : i32
          %mul3A_450 = arith.muli %scan3A_445, %mul3A_449 : i32
          %swap3A = arith.constant 2 : i32
          %swap3A_451 = arith.index_cast %swap3A : i32 to index
          %swap3A_452 = arith.index_cast %mul3A_450 : i32 to index
          %swap3A_453 = tpu.vector_load %arg12[%swap3A_451, %swap3A_452] {strides = array<i32>} : memref<4x768xf32, #tpu.memory_space<vmem>>, vector<16xf32>,
          tpu.vector_store %arg12[%swap3A_451, %swap3A_452], %broadcast_in_dim3A_448 {strides = array<i32>} : memref<4x768xf32, #tpu.memory_space<vmem>>, vector<16xf32>,
          %scan3A_454 = arith.constant 0 : i32
          scf.yield %scan3A_454 : i32
        }
        %scan3A_444 = arith.constant 48 : i32
      } else {
      }
      %broadcast_in_dim3A_411 = arith.constant 0.000000e+00 : f32
      %broadcast_in_dim3A_412 = vector.broadcast %broadcast_in_dim3A_411 : f32 to vector<16xf32>
      %scan3A_413 = arith.constant 0 : i32
      %scan3A_414 = arith.constant 24 : i32
      %scan3A_415 = arith.addi %scan3A_413, %scan3A_414 : i32
      %scan3A_416 = arith.constant 1 : i32
      %scan3A_417 = scf.for %scan3A_438 = %scan3A_413 to %scan3A_415 step %scan3A_416 iter_args(%scan3A_439 = %broadcast_in_dim3A_412) -> (vector<16xf32>)  : i32 {
        %mul3A_440 = arith.constant 16 : i32
        %mul3A_441 = arith.muli %scan3A_438, %mul3A_440 : i32
        %get3A = arith.constant 33 : i32
        %get3A_442 = arith.index_cast %get3A : i32 to index
        %get3A_443 = arith.index_cast %mul3A_441 : i32 to index
        %get3A_444 = tpu.vector_load %arg10[%get3A_442, %get3A_443] {strides = array<i32>} : memref<44x384xi32, #tpu.memory_space<vmem>>, vector<16xi32>,
        %get3A_445 = arith.constant 34 : i32
        %get3A_446 = arith.index_cast %get3A_445 : i32 to index
        %get3A_447 = arith.index_cast %mul3A_441 : i32 to index
        %get3A_448 = tpu.vector_load %arg10[%get3A_446, %get3A_447] {strides = array<i32>} : memref<44x384xi32, #tpu.memory_space<vmem>>, vector<16xi32>,
        %get3A_449 = arith.constant 35 : i32
        %get3A_450 = arith.index_cast %get3A_449 : i32 to index
        %get3A_451 = arith.index_cast %mul3A_441 : i32 to index
        %get3A_452 = tpu.vector_load %arg10[%get3A_450, %get3A_451] {strides = array<i32>} : memref<44x384xi32, #tpu.memory_space<vmem>>, vector<16xi32>,
        %get3A_453 = arith.constant 36 : i32
        %get3A_454 = arith.index_cast %get3A_453 : i32 to index
        %get3A_455 = arith.index_cast %mul3A_441 : i32 to index
        %get3A_456 = tpu.vector_load %arg10[%get3A_454, %get3A_455] {strides = array<i32>} : memref<44x384xi32, #tpu.memory_space<vmem>>, vector<16xi32>,
        %get3A_457 = arith.constant 37 : i32
        %get3A_458 = arith.index_cast %get3A_457 : i32 to index
        %get3A_459 = arith.index_cast %mul3A_441 : i32 to index
        %get3A_460 = tpu.vector_load %arg10[%get3A_458, %get3A_459] {strides = array<i32>} : memref<44x384xi32, #tpu.memory_space<vmem>>, vector<16xi32>,
        %get3A_461 = arith.constant 38 : i32
        %get3A_462 = arith.index_cast %get3A_461 : i32 to index
        %get3A_463 = arith.index_cast %mul3A_441 : i32 to index
        %get3A_464 = tpu.vector_load %arg10[%get3A_462, %get3A_463] {strides = array<i32>} : memref<44x384xi32, #tpu.memory_space<vmem>>, vector<16xi32>,
        %get3A_465 = arith.constant 39 : i32
        %get3A_466 = arith.index_cast %get3A_465 : i32 to index
        %get3A_467 = arith.index_cast %mul3A_441 : i32 to index
        %get3A_468 = tpu.vector_load %arg10[%get3A_466, %get3A_467] {strides = array<i32>} : memref<44x384xi32, #tpu.memory_space<vmem>>, vector<16xi32>,
        %get3A_469 = arith.constant 40 : i32
        %get3A_470 = arith.index_cast %get3A_469 : i32 to index
        %get3A_471 = arith.index_cast %mul3A_441 : i32 to index
        %get3A_472 = tpu.vector_load %arg10[%get3A_470, %get3A_471] {strides = array<i32>} : memref<44x384xi32, #tpu.memory_space<vmem>>, vector<16xi32>,
        %get3A_473 = arith.constant 41 : i32
        %get3A_474 = arith.index_cast %get3A_473 : i32 to index
        %get3A_475 = arith.index_cast %mul3A_441 : i32 to index
        %get3A_476 = tpu.vector_load %arg10[%get3A_474, %get3A_475] {strides = array<i32>} : memref<44x384xi32, #tpu.memory_space<vmem>>, vector<16xi32>,
        %get3A_477 = arith.constant 42 : i32
        %get3A_478 = arith.index_cast %get3A_477 : i32 to index
        %get3A_479 = arith.index_cast %mul3A_441 : i32 to index
        %get3A_480 = tpu.vector_load %arg10[%get3A_478, %get3A_479] {strides = array<i32>} : memref<44x384xi32, #tpu.memory_space<vmem>>, vector<16xi32>,
        %get3A_481 = arith.constant 43 : i32
        %get3A_482 = arith.index_cast %get3A_481 : i32 to index
        %get3A_483 = arith.index_cast %mul3A_441 : i32 to index
        %get3A_484 = tpu.vector_load %arg10[%get3A_482, %get3A_483] {strides = array<i32>} : memref<44x384xi32, #tpu.memory_space<vmem>>, vector<16xi32>,
        %shift_left3A = arith.constant 16 : i32
        %shift_left3A_485 = vector.broadcast %shift_left3A : i32 to vector<16xi32>
        %shift_left3A_486 = arith.shli %get3A_444, %shift_left3A_485 : vector<16xi32>
        %bitcast_convert_type3A = tpu.bitcast %shift_left3A_486 : vector<16xi32> -> vector<16xf32>
        %shift_left3A_487 = arith.constant 16 : i32
        %shift_left3A_488 = vector.broadcast %shift_left3A_487 : i32 to vector<16xi32>
        %shift_left3A_489 = arith.shli %get3A_448, %shift_left3A_488 : vector<16xi32>
        %bitcast_convert_type3A_490 = tpu.bitcast %shift_left3A_489 : vector<16xi32> -> vector<16xf32>
        %shift_left3A_491 = arith.constant 16 : i32
        %shift_left3A_492 = vector.broadcast %shift_left3A_491 : i32 to vector<16xi32>
        %shift_left3A_493 = arith.shli %get3A_452, %shift_left3A_492 : vector<16xi32>
        %bitcast_convert_type3A_494 = tpu.bitcast %shift_left3A_493 : vector<16xi32> -> vector<16xf32>
        %shift_left3A_495 = arith.constant 16 : i32
        %shift_left3A_496 = vector.broadcast %shift_left3A_495 : i32 to vector<16xi32>
        %shift_left3A_497 = arith.shli %get3A_456, %shift_left3A_496 : vector<16xi32>
        %bitcast_convert_type3A_498 = tpu.bitcast %shift_left3A_497 : vector<16xi32> -> vector<16xf32>
        %shift_left3A_499 = arith.constant 16 : i32
        %shift_left3A_500 = vector.broadcast %shift_left3A_499 : i32 to vector<16xi32>
        %shift_left3A_501 = arith.shli %get3A_460, %shift_left3A_500 : vector<16xi32>
        %bitcast_convert_type3A_502 = tpu.bitcast %shift_left3A_501 : vector<16xi32> -> vector<16xf32>
        %shift_left3A_503 = arith.constant 16 : i32
        %shift_left3A_504 = vector.broadcast %shift_left3A_503 : i32 to vector<16xi32>
        %shift_left3A_505 = arith.shli %get3A_464, %shift_left3A_504 : vector<16xi32>
        %bitcast_convert_type3A_506 = tpu.bitcast %shift_left3A_505 : vector<16xi32> -> vector<16xf32>
        %shift_left3A_507 = arith.constant 16 : i32
        %shift_left3A_508 = vector.broadcast %shift_left3A_507 : i32 to vector<16xi32>
        %shift_left3A_509 = arith.shli %get3A_468, %shift_left3A_508 : vector<16xi32>
        %bitcast_convert_type3A_510 = tpu.bitcast %shift_left3A_509 : vector<16xi32> -> vector<16xf32>
        %shift_left3A_511 = arith.constant 16 : i32
        %shift_left3A_512 = vector.broadcast %shift_left3A_511 : i32 to vector<16xi32>
        %shift_left3A_513 = arith.shli %get3A_472, %shift_left3A_512 : vector<16xi32>
        %bitcast_convert_type3A_514 = tpu.bitcast %shift_left3A_513 : vector<16xi32> -> vector<16xf32>
        %shift_left3A_515 = arith.constant 16 : i32
        %shift_left3A_516 = vector.broadcast %shift_left3A_515 : i32 to vector<16xi32>
        %shift_left3A_517 = arith.shli %get3A_476, %shift_left3A_516 : vector<16xi32>
        %bitcast_convert_type3A_518 = tpu.bitcast %shift_left3A_517 : vector<16xi32> -> vector<16xf32>
        %shift_left3A_519 = arith.constant 16 : i32
        %shift_left3A_520 = vector.broadcast %shift_left3A_519 : i32 to vector<16xi32>
        %shift_left3A_521 = arith.shli %get3A_480, %shift_left3A_520 : vector<16xi32>
        %bitcast_convert_type3A_522 = tpu.bitcast %shift_left3A_521 : vector<16xi32> -> vector<16xf32>
        %shift_left3A_523 = arith.constant 16 : i32
        %shift_left3A_524 = vector.broadcast %shift_left3A_523 : i32 to vector<16xi32>
        %shift_left3A_525 = arith.shli %get3A_484, %shift_left3A_524 : vector<16xi32>
        %bitcast_convert_type3A_526 = tpu.bitcast %shift_left3A_525 : vector<16xi32> -> vector<16xf32>
        %add3A_527 = arith.addf %bitcast_convert_type3A, %bitcast_convert_type3A_490 : vector<16xf32>
        %add3A_528 = arith.addf %bitcast_convert_type3A_494, %bitcast_convert_type3A_498 : vector<16xf32>
        %add3A_529 = arith.addf %bitcast_convert_type3A_502, %bitcast_convert_type3A_506 : vector<16xf32>
        %add3A_530 = arith.addf %bitcast_convert_type3A_510, %bitcast_convert_type3A_514 : vector<16xf32>
        %add3A_531 = arith.addf %bitcast_convert_type3A_518, %bitcast_convert_type3A_522 : vector<16xf32>
        %add3A_532 = arith.addf %add3A_527, %add3A_528 : vector<16xf32>
        %add3A_533 = arith.addf %add3A_529, %add3A_530 : vector<16xf32>
        %add3A_534 = arith.addf %add3A_531, %bitcast_convert_type3A_526 : vector<16xf32>
        %add3A_535 = arith.addf %add3A_532, %add3A_533 : vector<16xf32>
        %add3A_536 = arith.addf %add3A_535, %add3A_534 : vector<16xf32>
        %and3A = arith.andi %get3A_444, %broadcast_in_dim3A_23 : vector<16xi32>
        %bitcast_convert_type3A_537 = tpu.bitcast %and3A : vector<16xi32> -> vector<16xf32>
        %and3A_538 = arith.andi %get3A_448, %broadcast_in_dim3A_23 : vector<16xi32>
        %bitcast_convert_type3A_539 = tpu.bitcast %and3A_538 : vector<16xi32> -> vector<16xf32>
        %and3A_540 = arith.andi %get3A_452, %broadcast_in_dim3A_23 : vector<16xi32>
        %bitcast_convert_type3A_541 = tpu.bitcast %and3A_540 : vector<16xi32> -> vector<16xf32>
        %and3A_542 = arith.andi %get3A_456, %broadcast_in_dim3A_23 : vector<16xi32>
        %bitcast_convert_type3A_543 = tpu.bitcast %and3A_542 : vector<16xi32> -> vector<16xf32>
        %and3A_544 = arith.andi %get3A_460, %broadcast_in_dim3A_23 : vector<16xi32>
        %bitcast_convert_type3A_545 = tpu.bitcast %and3A_544 : vector<16xi32> -> vector<16xf32>
        %and3A_546 = arith.andi %get3A_464, %broadcast_in_dim3A_23 : vector<16xi32>
        %bitcast_convert_type3A_547 = tpu.bitcast %and3A_546 : vector<16xi32> -> vector<16xf32>
        %and3A_548 = arith.andi %get3A_468, %broadcast_in_dim3A_23 : vector<16xi32>
        %bitcast_convert_type3A_549 = tpu.bitcast %and3A_548 : vector<16xi32> -> vector<16xf32>
        %and3A_550 = arith.andi %get3A_472, %broadcast_in_dim3A_23 : vector<16xi32>
        %bitcast_convert_type3A_551 = tpu.bitcast %and3A_550 : vector<16xi32> -> vector<16xf32>
        %and3A_552 = arith.andi %get3A_476, %broadcast_in_dim3A_23 : vector<16xi32>
        %bitcast_convert_type3A_553 = tpu.bitcast %and3A_552 : vector<16xi32> -> vector<16xf32>
        %and3A_554 = arith.andi %get3A_480, %broadcast_in_dim3A_23 : vector<16xi32>
        %bitcast_convert_type3A_555 = tpu.bitcast %and3A_554 : vector<16xi32> -> vector<16xf32>
        %and3A_556 = arith.andi %get3A_484, %broadcast_in_dim3A_23 : vector<16xi32>
        %bitcast_convert_type3A_557 = tpu.bitcast %and3A_556 : vector<16xi32> -> vector<16xf32>
        %add3A_558 = arith.addf %bitcast_convert_type3A_537, %bitcast_convert_type3A_539 : vector<16xf32>
        %add3A_559 = arith.addf %bitcast_convert_type3A_541, %bitcast_convert_type3A_543 : vector<16xf32>
        %add3A_560 = arith.addf %bitcast_convert_type3A_545, %bitcast_convert_type3A_547 : vector<16xf32>
        %add3A_561 = arith.addf %bitcast_convert_type3A_549, %bitcast_convert_type3A_551 : vector<16xf32>
        %add3A_562 = arith.addf %bitcast_convert_type3A_553, %bitcast_convert_type3A_555 : vector<16xf32>
        %add3A_563 = arith.addf %add3A_558, %add3A_559 : vector<16xf32>
        %add3A_564 = arith.addf %add3A_560, %add3A_561 : vector<16xf32>
        %add3A_565 = arith.addf %add3A_562, %bitcast_convert_type3A_557 : vector<16xf32>
        %add3A_566 = arith.addf %add3A_563, %add3A_564 : vector<16xf32>
        %add3A_567 = arith.addf %add3A_566, %add3A_565 : vector<16xf32>
        %abs3A = math.absf %add3A_536 : vector<16xf32>
        %abs3A_568 = math.absf %add3A_567 : vector<16xf32>
        %max3A = arith.maximumf %abs3A, %abs3A_568 : vector<16xf32>
        %max3A_569 = arith.maximumf %scan3A_439, %max3A : vector<16xf32>
        %mul3A_570 = arith.constant 32 : i32
        %mul3A_571 = arith.muli %scan3A_438, %mul3A_570 : i32
        %get3A_572 = arith.index_cast %mul3A_571 : i32 to index
        %get3A_573 = tpu.vector_load %arg13[%get3A_572] {strides = array<i32>} : memref<768xf32, #tpu.memory_space<vmem>>, vector<16xf32>,
        %add3A_574 = arith.addf %add3A_536, %get3A_573 : vector<16xf32>
        %mul3A_575 = arith.constant 32 : i32
        %mul3A_576 = arith.muli %scan3A_438, %mul3A_575 : i32
        %swap3A = arith.constant 3 : i32
        %swap3A_577 = arith.index_cast %swap3A : i32 to index
        %swap3A_578 = arith.index_cast %mul3A_576 : i32 to index
        %swap3A_579 = tpu.vector_load %arg12[%swap3A_577, %swap3A_578] {strides = array<i32>} : memref<4x768xf32, #tpu.memory_space<vmem>>, vector<16xf32>,
        tpu.vector_store %arg12[%swap3A_577, %swap3A_578], %add3A_574 {strides = array<i32>} : memref<4x768xf32, #tpu.memory_space<vmem>>, vector<16xf32>,
        %mul3A_580 = arith.constant 32 : i32
        %mul3A_581 = arith.muli %scan3A_438, %mul3A_580 : i32
        %add3A_582 = arith.constant 16 : i32
        %add3A_583 = arith.addi %mul3A_581, %add3A_582 : i32
        %get3A_584 = arith.index_cast %add3A_583 : i32 to index
        %get3A_585 = tpu.vector_load %arg13[%get3A_584] {strides = array<i32>} : memref<768xf32, #tpu.memory_space<vmem>>, vector<16xf32>,
        %add3A_586 = arith.addf %add3A_567, %get3A_585 : vector<16xf32>
        %mul3A_587 = arith.constant 32 : i32
        %mul3A_588 = arith.muli %scan3A_438, %mul3A_587 : i32
        %add3A_589 = arith.constant 16 : i32
        %add3A_590 = arith.addi %mul3A_588, %add3A_589 : i32
        %swap3A_591 = arith.constant 3 : i32
        %swap3A_592 = arith.index_cast %swap3A_591 : i32 to index
        %swap3A_593 = arith.index_cast %add3A_590 : i32 to index
        %swap3A_594 = tpu.vector_load %arg12[%swap3A_592, %swap3A_593] {strides = array<i32>} : memref<4x768xf32, #tpu.memory_space<vmem>>, vector<16xf32>,
        tpu.vector_store %arg12[%swap3A_592, %swap3A_593], %add3A_586 {strides = array<i32>} : memref<4x768xf32, #tpu.memory_space<vmem>>, vector<16xf32>,
        scf.yield %max3A_569 : vector<16xf32>
      }
      %scan3A_418 = arith.constant 24 : i32
      %reduce_max3A_419 = arith.constant true
      %reduce_max3A_420 = vector.broadcast %reduce_max3A_419 : i1 to vector<16xi1>
      %reduce_max3A_421 = tpu.scan <max>, %scan3A_417 masked %reduce_max3A_420 : vector<16xf32>, vector<16xi1> -> vector<16xf32>
      %reduce_max3A_422 = vector.extract %reduce_max3A_421[15] : f32 from vector<16xf32>
      %eq3A_423 = arith.constant 0.000000e+00 : f32
      %eq3A_424 = arith.cmpf oeq, %reduce_max3A_422, %eq3A_423 : f32
      %convert_element_type3A_425 = arith.extui %eq3A_424 : i1 to i32
      %cond3A_426 = arith.constant 0 : i32
      %cond3A_427 = arith.cmpi ne, %convert_element_type3A_425, %cond3A_426 : i32
      scf.if %cond3A_427 {
        %scan3A_438 = arith.constant 0 : i32
        %scan3A_439 = arith.constant 0 : i32
        %scan3A_440 = arith.constant 48 : i32
        %scan3A_441 = arith.addi %scan3A_439, %scan3A_440 : i32
        %scan3A_442 = arith.constant 1 : i32
        %scan3A_443 = scf.for %scan3A_445 = %scan3A_439 to %scan3A_441 step %scan3A_442 iter_args(%scan3A_446 = %scan3A_438) -> (i32)  : i32 {
          %broadcast_in_dim3A_447 = arith.constant 0.000000e+00 : f32
          %broadcast_in_dim3A_448 = vector.broadcast %broadcast_in_dim3A_447 : f32 to vector<16xf32>
          %mul3A_449 = arith.constant 16 : i32
          %mul3A_450 = arith.muli %scan3A_445, %mul3A_449 : i32
          %swap3A = arith.constant 3 : i32
          %swap3A_451 = arith.index_cast %swap3A : i32 to index
          %swap3A_452 = arith.index_cast %mul3A_450 : i32 to index
          %swap3A_453 = tpu.vector_load %arg12[%swap3A_451, %swap3A_452] {strides = array<i32>} : memref<4x768xf32, #tpu.memory_space<vmem>>, vector<16xf32>,
          tpu.vector_store %arg12[%swap3A_451, %swap3A_452], %broadcast_in_dim3A_448 {strides = array<i32>} : memref<4x768xf32, #tpu.memory_space<vmem>>, vector<16xf32>,
          %scan3A_454 = arith.constant 0 : i32
          scf.yield %scan3A_454 : i32
        }
        %scan3A_444 = arith.constant 48 : i32
      } else {
      }
      %mul3A_428 = arith.constant 2080 : i32
      %mul3A_429 = arith.muli %add3A, %mul3A_428 : i32
      %mul3A_430 = arith.constant 4 : i32
      %mul3A_431 = arith.muli %add3A_341, %mul3A_430 : i32
      %add3A_432 = arith.addi %mul3A_429, %mul3A_431 : i32
      %dma_start3A_433 = arith.constant 0 : i32
      %dma_start3A_434 = tpu.memref_slice %arg5[%add3A_432, %dma_start3A_433] : memref<66560x768xf32, #tpu.memory_space<hbm>> -> memref<4x768xf32, #tpu.memory_space<hbm>>
      %dma_start3A_435 = arith.constant 0 : i32
      %dma_start3A_436 = tpu.memref_slice %arg5[%add3A_432, %dma_start3A_435] : memref<66560x768xf32, #tpu.memory_space<hbm>> -> memref<4x768xf32, #tpu.memory_space<hbm>>
      tpu.enqueue_dma source(%arg12 : memref<4x768xf32, #tpu.memory_space<vmem>>) target(%dma_start3A_436 : memref<4x768xf32, #tpu.memory_space<hbm>>) target_semaphore(%arg19 : memref<!tpu.dma_semaphore, #tpu.memory_space<semaphore_mem>>)
      %scan3A_437 = arith.constant 0 : i32
      scf.yield %scan3A_437 : i32
    }
    %scan3A_29 = arith.constant 130 : i32
    %mul3A_30 = arith.constant 2080 : i32
    %mul3A_31 = arith.muli %add3A, %mul3A_30 : i32
    %add3A_32 = arith.constant 2072 : i32
    %add3A_33 = arith.addi %mul3A_31, %add3A_32 : i32
    %dma_wait3A = arith.constant 0 : i32
    %dma_wait3A_34 = tpu.memref_slice %arg5[%add3A_33, %dma_wait3A] : memref<66560x768xf32, #tpu.memory_space<hbm>> -> memref<4x768xf32, #tpu.memory_space<hbm>>
    %dma_wait3A_35 = arith.constant 0 : i32
    %dma_wait3A_36 = tpu.memref_slice %arg5[%add3A_33, %dma_wait3A_35] : memref<66560x768xf32, #tpu.memory_space<hbm>> -> memref<4x768xf32, #tpu.memory_space<hbm>>
    tpu.wait_dma2 semaphore(%arg18 : memref<!tpu.dma_semaphore, #tpu.memory_space<semaphore_mem>>) src(%arg11 : memref<4x768xf32, #tpu.memory_space<vmem>>) dst(%dma_wait3A_36 : memref<4x768xf32, #tpu.memory_space<hbm>>)
    %mul3A_37 = arith.constant 2080 : i32
    %mul3A_38 = arith.muli %add3A, %mul3A_37 : i32
    %add3A_39 = arith.constant 2076 : i32
    %add3A_40 = arith.addi %mul3A_38, %add3A_39 : i32
    %dma_wait3A_41 = arith.constant 0 : i32
    %dma_wait3A_42 = tpu.memref_slice %arg5[%add3A_40, %dma_wait3A_41] : memref<66560x768xf32, #tpu.memory_space<hbm>> -> memref<4x768xf32, #tpu.memory_space<hbm>>
    %dma_wait3A_43 = arith.constant 0 : i32
    %dma_wait3A_44 = tpu.memref_slice %arg5[%add3A_40, %dma_wait3A_43] : memref<66560x768xf32, #tpu.memory_space<hbm>> -> memref<4x768xf32, #tpu.memory_space<hbm>>
    tpu.wait_dma2 semaphore(%arg19 : memref<!tpu.dma_semaphore, #tpu.memory_space<semaphore_mem>>) src(%arg12 : memref<4x768xf32, #tpu.memory_space<vmem>>) dst(%dma_wait3A_44 : memref<4x768xf32, #tpu.memory_space<hbm>>)
    return
  }
}

</mosaic_0001>

<sc_bundles>
// kernel: kernel.3.cloned.1.call-start
scs
__scs_entry_jumppad:
0x0: {  	(pc) =	sbr.rel $0x88, $3  }
0x1: {  	(tag) =	ssettag $0x0;
	lr =	simm.s32 $0x1  }
0x2: {  	[smem:$0x3F99] =	sst lr;
	_ =	strace $0xD0000000  }
0x3: {  	_ = 	snop  }
0x4: {  	_ = 	snop  }
0x5: {  	_ = 	snop  }
0x6: {  	_ = 	snop  }
0x7: {  	_ = 	snop  }
__scs_overlays_trampoline_lowered:
0x8: {  	[smem:$0x3FA8] =	sst s0  }
0x9: {  	[smem:$0x3FA9] =	sst s1  }
0xa: {  	[smem:$0x3FAA] =	sst s2  }
0xb: {  	[smem:$0x3FAB] =	sst s3  }
0xc: {  	[smem:$0x3FAC] =	sst s4  }
0xd: {  	[smem:$0x3FAD] =	sst s5  }
0xe: {  	[smem:$0x3FAE] =	sst s6  }
0xf: {  	[smem:$0x3FAF] =	sst s7  }
0x10: {  	[smem:$0x3FB0] =	sst s8  }
0x11: {  	[smem:$0x3FB1] =	sst s9;
	s0 =	simm.s32 @!p0 $0x0  }
0x12: {  	s1 =	sld [smem:$0x3F97];
	s0 =	simm.s32 @p0 $0x1  }
0x13: {  	[smem:$0x3FB2] =	sst s0;
	s0 =	simm.s32 @!p1 $0x0  }
0x14: {  	s2 =	sld [smem:$0x3F96];
	s0 =	simm.s32 @p1 $0x1  }
0x15: {  	[smem:$0x3FB3] =	sst s0;
	s0 =	simm.s32 @!p2 $0x0  }
0x16: {  	s3 =	sld [smem:$0x3FDB];
	s0 =	simm.s32 @p2 $0x1  }
0x17: {  	s4 =	simm.s32 $0x1BF5;
	[smem:$0x3FB5] =	sst s0  }
0x18: {  	s0 =	sld [smem:$0x3F98];
	_ =	swait.ge [sflag:s4], $0x0  }
0x19: {  	s7 =	sld [smem:$0x3F99]  }
0x1a: {  	s8 =	sadd.s32 $0xFFFFE003, lr  }
0x1b: {  	s9 =	sadd.s32 $0xFFFFFEF7, lr;
	s5 =	simm.s32 $0xFFFFFFFF;
	p2 =	slt.u32 s8, $0xFFFFF086  }
0x1c: {  	p1 =	slt.u32 s9, $0xF7A;
	s5 =	simm.s32 @!p2 $0x0  }
0x1d: {  	s5 =	simm.s32 @p1 $0x1;
	p0 =	seq.s32 s7, s2  }
0x1e: {  	s7 =	smul.u32 @!p0 $0xF7A, s2;
	p2 =	seq.s32 @!p0 s5, $0x0  }
0x1f: {  	s9 =	smul.u32 $0xF7A, s1;
	s8 =	simm.s32 @!p0 $0x1BF5;
	p2 =	por !p2, p0  }
0x20: {  	[sflag:s8] =	ssyncset.s32 @!p0 $0xFFFFF086;
	s6 =	sadd.s32 @!p0 s3, s7;
	s7 =	simm.s32 @!p0 $0x108  }
0x21: {  	s3 =	sadd.s32 s3, s9;
	s6 =	sadd.s32 @!p0 $0x88, s6;
	s7 =	simm.s32 @p2 $0x1082  }
0x22: {  	[simem:s7], [sflag:s8] =	dma.local @!p0 [hbm:s6], $0xF7A  }
0x23: {  	s9 =	sor.u32 $0xD0000000, s2;
	s6 =	simm.s32 $0x108;
	_ =	swait.ge @!p0 [sflag:s8], $0x0  }
0x24: {  	s3 =	sadd.s32 $0x88, s3;
	s6 =	simm.s32 @!p1 $0x1082;
	[sflag:s4] =	ssyncset.s32 $0xFFFFF086  }
0x25: {  	[simem:s6], [sflag:s4] =	dma.local [hbm:s3], $0xF7A  }
0x26: {  	[smem:$0x3F99] =	sst s1;
	(tag) =	ssettag s2;
	_ =	strace s9  }
0x27: {  	s1 =	sld [smem:$0x3FA9]  }
0x28: {  	s2 =	sld [smem:$0x3FAA]  }
0x29: {  	s4 =	sld [smem:$0x3FAC]  }
0x2a: {  	p0 =	seq.s32 s5, $0x0;
	s5 =	sld [smem:$0x3FAD]  }
0x2b: {  	s6 =	sld [smem:$0x3FAE]  }
0x2c: {  	s7 =	sld [smem:$0x3FAF]  }
0x2d: {  	s3 =	simm.s32 $0x108;
	s8 =	sld [smem:$0x3FB0]  }
0x2e: {  	s3 =	simm.s32 @!p0 $0x1082;
	s9 =	sld [smem:$0x3FB1]  }
0x2f: {  	lr =	sadd.s32 s0, s3;
	s0 =	sld [smem:$0x3FA8]  }
0x30: {  	s3 =	sld [smem:$0x3FAB]  }
0x31: {  	[smem:$0x3FB4] =	sst s10  }
0x32: {  	s10 =	sld [smem:$0x3FB2];
	_ =	sdelay $0x3  }
0x33: {  	p0 =	seq.s32 s10, $0x1;
	s10 =	sld [smem:$0x3FB4];
	_ =	sdelay $0x3  }
0x34: {  	[smem:$0x3FB4] =	sst s10  }
0x35: {  	s10 =	sld [smem:$0x3FB3];
	_ =	sdelay $0x3  }
0x36: {  	p1 =	seq.s32 s10, $0x1;
	s10 =	sld [smem:$0x3FB4];
	_ =	sdelay $0x3  }
0x37: {  	[smem:$0x3FB4] =	sst s10  }
0x38: {  	s10 =	sld [smem:$0x3FB5]  }
0x39: {  	_ = 	snop;
	(pc) =	sbr.ind lr, $3  }
0x3a: {  	_ = 	snop  }
0x3b: {  	_ = 	snop  }
0x3c: {  	p2 =	seq.s32 s10, $0x1;
	s10 =	sld [smem:$0x3FB4]  }
0x3d: {  	_ =	shalt  }
0x3e: {  	_ =	shalt  }
0x3f: {  	_ =	shalt  }
0x40: {  	_ =	shalt  }
0x41: {  	_ =	shalt  }
0x42: {  	_ =	shalt  }
0x43: {  	_ =	shalt  }
0x44: {  	_ =	shalt  }
0x45: {  	_ =	shalt  }
0x46: {  	_ =	shalt  }
0x47: {  	_ =	shalt  }
0x48: {  	_ =	shalt  }
0x49: {  	_ =	shalt  }
0x4a: {  	_ =	shalt  }
0x4b: {  	_ =	shalt  }
0x4c: {  	_ =	shalt  }
0x4d: {  	_ =	shalt  }
0x4e: {  	_ =	shalt  }
0x4f: {  	_ =	shalt  }
0x50: {  	_ =	shalt  }
0x51: {  	_ =	shalt  }
0x52: {  	_ =	shalt  }
0x53: {  	_ =	shalt  }
0x54: {  	_ =	shalt  }
0x55: {  	_ =	shalt  }
0x56: {  	_ =	shalt  }
0x57: {  	_ =	shalt  }
0x58: {  	_ =	shalt  }
0x59: {  	_ =	shalt  }
0x5a: {  	_ =	shalt  }
0x5b: {  	_ =	shalt  }
0x5c: {  	_ =	shalt  }
0x5d: {  	_ =	shalt  }
0x5e: {  	_ =	shalt  }
0x5f: {  	_ =	shalt  }
0x60: {  	_ =	shalt  }
0x61: {  	_ =	shalt  }
0x62: {  	_ =	shalt  }
0x63: {  	_ =	shalt  }
0x64: {  	_ =	shalt  }
0x65: {  	_ =	shalt  }
0x66: {  	_ =	shalt  }
0x67: {  	_ =	shalt  }
0x68: {  	_ =	shalt  }
0x69: {  	_ =	shalt  }
0x6a: {  	_ =	shalt  }
0x6b: {  	_ =	shalt  }
0x6c: {  	_ =	shalt  }
0x6d: {  	_ =	shalt  }
0x6e: {  	_ =	shalt  }
0x6f: {  	_ =	shalt  }
0x70: {  	_ =	shalt  }
0x71: {  	_ =	shalt  }
0x72: {  	_ =	shalt  }
0x73: {  	_ =	shalt  }
0x74: {  	_ =	shalt  }
0x75: {  	_ =	shalt  }
0x76: {  	_ =	shalt  }
0x77: {  	_ =	shalt  }
0x78: {  	_ =	shalt  }
0x79: {  	_ =	shalt  }
0x7a: {  	_ =	shalt  }
0x7b: {  	_ =	shalt  }
0x7c: {  	_ =	shalt  }
0x7d: {  	_ =	shalt  }
0x7e: {  	_ =	shalt  }
0x7f: {  	_ =	shalt  }
0x80: {  	_ =	shalt  }
0x81: {  	_ =	shalt  }
0x82: {  	_ =	shalt  }
0x83: {  	_ =	shalt  }
0x84: {  	_ =	shalt  }
0x85: {  	_ =	shalt  }
0x86: {  	_ =	shalt  }
0x87: {  	_ =	shalt  }
.Lfunc_end0:
.L_simem_size_0:
called_computation.1_lowered:
.L_overlay_start_0:
0x88: {  	s2 =	sld [smem:$0x3FD9]  }
0x89: {  	s3 =	sld [smem:$0x3FFE];
	_ =	sdelay $0x1  }
0x8a: {  	s1 =	srdreg.scid  }
0x8b: {  	s0 =	sand.u32 $0x1, s1  }
0x8c: {  	s17 =	sshll.u32 s0, $0xA;
	s2 =	sadd.s32 s3, s2  }
0x8d: {  	s2 =	sadd.s32 s2, s17  }
0x8e: {  	[smem:$0x3FC0] =	sst s2  }
0x8f: {  	_ = 	snop  }
0x90: {  	s2 =	sld [smem:$0x3FD0];
	(tm) =	ssettm $0x1  }
0x91: {  	s18 =	sld [smem:$0x3FFB];
	_ =	sdelay $0x3  }
0x92: {  	_ =	strace s18  }
0x93: {  	s3 =	sld [smem:$0x3FFC];
	_ =	sdelay $0x3  }
0x94: {  	_ =	strace s3  }
0x95: {  	s3 =	sld [smem:$0x3FFD];
	_ =	sdelay $0x3  }
0x96: {  	_ =	strace s3  }
0x97: {  	_ =	strace $0x8FFFFFFF  }
0x98: {  	s19 =	sld [smem:$0x3FDB];
	_ =	sdelay $0x1  }
0x99: {  	s4 =	simm.s32 $_scs_section_size  }
0x9a: {  	s5 =	simm.s32 $_size__tile_overlayer_lowered;
	s6 =	simm.s32 $_tile_overlayer_lowered  }
0x9b: {  	s22 =	simm.s32 $0x1BFF;
	s21 =	sshll.u32 s6, $0x1;
	s3 =	sadd.s32 s4, s19  }
0x9c: {  	s7 =	simm.s32 $0x0;
	s20 =	sshll.u32 s5, $0x1;
	s5 =	sadd.s32 s21, s3  }
0x9d: {  	[timem:s7], [sflag:s22] =	dma.local [hbm:s5], s20  }
0x9e: {  	_ =	swait.ge [sflag:s22], s20  }
0x9f: {  	s4 =	ssub.s32 $0x0, s20;
	[sflag:s22] =	ssyncset.done $0x0  }
0xa0: {  	[sflag:s22] =	ssyncadd.s32 s4;
	_ =	sdelay $0x1  }
0xa1: {  	s23 =	simm.s32 $0x1B8B  }
0xa2: {  	_ =	swait.ge [sflag:s23], $0x1  }
0xa3: {  	[sflag:s23] =	ssyncset.done $0x0  }
0xa4: {  	s25 =	simm.s32 $0x1B8E;
	s24 =	sld [smem:$0x3FFE];
	[sflag:s23] =	ssyncadd.s32 $0xFFFFFFFF  }
0xa5: {  	s26 =	simm.s32 $execute0_lowered;
	[smem:$0x3FD2] =	sst s25  }
0xa6: {  	s5 =	sshll.u32 s26, $0x1;
	_ =	strace $0x80000046;
	[dreg:$0x1] =	wrdreg $0xFFFFFFFF  }
0xa7: {  	s28 =	simm.s32 $_size_execute0_lowered;
	s3 =	sadd.s32 s3, s5;
	[dreg:$0x0] =	wrdreg $0x0  }
0xa8: {  	s5 =	sshll.u32 s28, $0x1;
	[dreg:$0x2] =	wrdreg s3  }
0xa9: {  	[dreg:$0x3] =	wrdreg s5  }
0xaa: {  	[dreg:$0x4] =	wrdreg $0xC0  }
0xab: {  	_ =	task [dreg:s7], $0x5FFFF  }
0xac: {  	[dreg:$0x1] =	wrdreg $0xFFFFFFFF  }
0xad: {  	[dreg:$0x0] =	wrdreg $0x60  }
0xae: {  	[dreg:$0x2] =	wrdreg s24  }
0xaf: {  	[dreg:$0x3] =	wrdreg s2  }
0xb0: {  	[dreg:$0x4] =	wrdreg $0x9  }
0xb1: {  	_ =	task.clear_ibuf [dreg:s7], $0x5FFFF;
	_ =	strace $0x90000046  }
0xb2: {  	s29 =	simm.s32 $0x9;
	_ =	strace $0x80000048  }
0xb3: {  	_ =	swait.ge [sflag:s29], $0x1  }
0xb4: {  	[sflag:s29] =	ssyncadd.s32 $0xFFFFFFFF  }
0xb5: {  	_ =	strace $0x90000048  }
0xb6: {  	_ =	sfence  }
0xb7: {  	s30 =	sld [smem:$0x0];
	_ =	sdelay $0x2  }
0xb8: {  	s31 =	sshll.u32 s1, $0xD;
	s1 =	sshrl.u32 s1, $0x2  }
0xb9: {  	s3 =	sand.u32 $0x4000, s31;
	s1 =	sadd.s32 s1, s30  }
0xba: {  	s0 =	sor.u32 s3, s0;
	s1 =	sshll.u32 s1, $0x11  }
0xbb: {  	s0 =	sor.u32 s1, s0  }
0xbc: {  	s0 =	sadd.s32 $0x8F2B, s0  }
0xbd: {  	[sflag:s0] =	ssyncadd.remote.s32 $0x1  }
0xbe: {  	_ =	sfence.sel $0xFFFF  }
0xbf: {  	[dreg:$0x0] =	wrdreg $0xFFFFFFFF;
	(pc) =	sbr.abs _section_cstart, $3  }
0xc0: {  	[dreg:$0x1] =	wrdreg $0xFFFFFFFF  }
0xc1: {  	_ =	task.clear_ibuf [dreg:s7], $0x2FFFF;
	_ =	strace $0x9FFFFFFF  }
0xc2: {  	(tm) =	ssettm $0x7FFFFFFF  }
0xc3: {  	_ =	shalt  }
tec
execute0_lowered:
.L_overlay_start_1:
0x0: {  	(tag) =	ssettag $0x1  }
0x1: {  	s0 =	rddreg [dreg:$0x0]  }
0x2: {  	s1 =	srdreg.scid;
	s3 =	stileid.u32  }
0x3: {  	s2 =	rddreg [dreg:$0x1];
	s11 =	simm.s32 $0x7;
	s12 =	simm.s32 $0x2C  }
0x4: {  	s13 =	simm.s32 $0x6180;
	s18 =	simm.s32 $0x18180;
	s19 =	simm.s32 $0x12780  }
0x5: {  	s20 =	simm.s32 $0x1;
	s21 =	simm.s32 $0x16980;
	s22 =	simm.s32 $0x2  }
0x6: {  	s23 =	simm.s32 $0x6;
	s24 =	simm.s32 $0x17580;
	s25 =	simm.s32 $0x3  }
0x7: {  	s26 =	simm.s32 $0x5;
	s1 =	sand.u32 $0x1, s1;
	s4 =	sshll.u32 s3, $0x1  }
0x8: {  	s28 =	simm.s32 $0x4;
	s29 =	simm.s32 $0x0;
	s5 =	sor.u32 s1, s4  }
0x9: {  	s3 =	simm.s32 $0x0;
	s1 =	ssub.s32 $0x2, s1;
	s6 =	smul.u32 $0xC30, s5  }
0xa: {  	[smem:$0x7FF] =	sst s3;
	s8 =	sshrl.u32 s1, $0x1;
	s5 =	smul.u32 $0x820, s5  }
0xb: {  	s4 =	sadd.s32 $0x1000, s0;
	_ =	strace $0x80000047;
	s31 =	ssub.s32 s1, s8  }
0xc: {  	s7 =	sadd.s32 s6, s0;
	s6 =	sadd.s32 $0xE00, s0;
	s8 =	sor.u32 $0x4, s5  }
0xd: {  	s9 =	sor.u32 $0x8, s5;
	s10 =	smax.u32 s31, $0x1;
	s7 =	sadd.s32 $0x43200, s7  }
.LBB2_1:
0xe: {  	[tilespmem:s3], [sflag:$0x7] =	stream.linear.gather [hbm4b:s7+s3], $0x6180, $0x38;
	[tilespmem:$0x18480] =	vst v63  }
0xf: {  	_ =	swait.ge [sflag:s11], $0x6180  }
0x10: {  	[sflag:s11] =	ssyncset.done $0x0  }
0x11: {  	[sflag:s11] =	ssyncadd.s32 $0xFFFF9E80  }
0x12: {  	[tilespmem:s13], [sflag:$0x1] =	stream.indirect.gather [hbm4b:s4+s12], $0x180, s3, s12, $0xb8;
	[tilespmem:$0x18480] =	vst v63  }
0x13: {  	s0 =	simm.s32 $0x30;
	s1 =	simm.s32 $0xA380  }
0x14: {  	[tilespmem:s1], [sflag:$0x2] =	stream.indirect.gather [hbm4b:s4+s12], $0x180, s0, s12, $0xb8;
	[tilespmem:$0x18480] =	vst v63  }
0x15: {  	s17 =	simm.s32 $0x60;
	s31 =	simm.s32 $0xE580  }
0x16: {  	[tilespmem:s31], [sflag:$0x3] =	stream.indirect.gather [hbm4b:s4+s12], $0x180, s17, s12, $0xb8;
	[tilespmem:$0x18480] =	vst v63  }
0x17: {  	_ = 	snop  }
0x18: {  	[tilespmem:s18], [sflag:$0x7] =	stream.linear.gather [hbm4b:s6+s3], $0x300, $0x38;
	[tilespmem:$0x18480] =	vst v63  }
0x19: {  	_ =	swait.ge [sflag:s11], $0x300  }
0x1a: {  	[sflag:s11] =	ssyncset.done $0x0  }
0x1b: {  	s30 =	simm.s32 $0x0;
	[sflag:s11] =	ssyncadd.s32 $0xFFFFFD00  }
.LBB2_2:
0x1c: {  	s31 =	sshllo.u32 s30, $0x2  }
0x1d: {  	s0 =	smul.u32 $0xC0, s31;
	_ =	sdelay $0x1  }
0x1e: {  	s0 =	sshra.s32 s0, $0x2  }
0x1f: {  	[tilespmem:s19], [sflag:$0x4] =	stream.indirect.gather [hbm4b:s4+s12], $0x180, s0, s12, $0xb8;
	[tilespmem:$0x18480] =	vst v63  }
0x20: {  	_ =	swait.ge [sflag:s20], $0x4200  }
0x21: {  	p0 =	seq.s32 s30, $0x0;
	[sflag:s20] =	ssyncset.done $0x0  }
0x22: {  	s0 =	simm.s32 @!p0 $0x5;
	[sflag:s20] =	ssyncadd.s32 $0xFFFFBE00  }
0x23: {  	_ =	swait.ge @!p0 [sflag:s0], $0xC00  }
0x24: {  	[sflag:s0] =	ssyncset.done @!p0 $0x0  }
0x25: {  	[sflag:s0] =	ssyncadd.s32 @!p0 $0xFFFFF400;
	s0 =	simm.s32 $0x6900  }
0x26: {  	v0 =	vld [tilespmem:s0+$0xFFFFF880]  }
0x27: {  	v1 =	vld [tilespmem:s0+$0x0]  }
0x28: {  	v2 =	vld [tilespmem:s0+$0xFFFFFD00]  }
0x29: {  	v3 =	vld [tilespmem:s0+$0xFFFFFB80]  }
0x2a: {  	v4 =	vld [tilespmem:s0+$0x300]  }
0x2b: {  	v5 =	vld [tilespmem:s0+$0x180]  }
0x2c: {  	v6 =	vld [tilespmem:s0+$0xFFFFFA00]  }
0x2d: {  	v8 =	vld [tilespmem:s0+$0xFFFFFE80];
	v7 =	vshll.u32 v1, $0x10;
	v1 =	vand.u32 $0xFFFF0000, v1  }
0x2e: {  	v9 =	vshll.u32 v0, $0x10;
	v0 =	vand.u32 $0xFFFF0000, v0;
	v10 =	vand.u32 $0xFFFF0000, v2  }
0x2f: {  	v11 =	vld [tilespmem:s0+$0x480];
	v12 =	vshll.u32 v3, $0x10;
	v2 =	vshll.u32 v2, $0x10;
	v3 =	vand.u32 $0xFFFF0000, v3  }
0x30: {  	v60 =	vld [tilespmem:s0+$0x600];
	v59 =	vand.u32 $0xFFFF0000, v4;
	v13 =	vshll.u32 v5, $0x10;
	v4 =	vshll.u32 v4, $0x10  }
0x31: {  	v5 =	vand.u32 $0xFFFF0000, v5;
	v14 =	vshll.u32 v6, $0x10;
	v6 =	vand.u32 $0xFFFF0000, v6  }
0x32: {  	v15 =	vshll.u32 v8, $0x10;
	v2 =	vadd.f32 v2, v12;
	v3 =	vadd.f32 v10, v3  }
0x33: {  	v8 =	vand.u32 $0xFFFF0000, v8;
	v4 =	vadd.f32 v4, v13;
	v9 =	vadd.f32 v14, v9  }
0x34: {  	v61 =	vld [tilespmem:s0+$0x780];
	v62 =	vand.u32 $0xFFFF0000, v11;
	v0 =	vadd.f32 v6, v0;
	v7 =	vadd.f32 v7, v15  }
0x35: {  	v63 =	vshll.u32 v60, $0x10;
	v5 =	vadd.f32 v59, v5;
	v1 =	vadd.f32 v1, v8  }
0x36: {  	v6 =	vshll.u32 v11, $0x10;
	v2 =	vadd.f32 v2, v9;
	v0 =	vadd.f32 v3, v0  }
0x37: {  	v3 =	vadd.f32 v63, v6;
	v4 =	vadd.f32 v4, v7;
	v6 =	vand.u32 $0xFFFF0000, v60  }
0x38: {  	v6 =	vadd.f32 v6, v62  }
0x39: {  	s15 =	simm.s32 $0x0;
	v1 =	vadd.f32 v5, v1;
	v4 =	vadd.f32 v4, v2;
	v2 =	vand.u32 $0xFFFF0000, v61  }
0x3a: {  	v7 =	vshll.u32 v61, $0x10;
	v5 =	vadd.f32 v2, v6;
	v2 =	vld [tilespmem:s15+$0x18180]  }
0x3b: {  	v3 =	vadd.f32 v7, v3;
	v6 =	vadd.f32 v1, v0;
	v1 =	vld [tilespmem:s15+$0x18190];
	_ =	sdelay $0x1  }
0x3c: {  	s1 =	simm.s32 $0x80;
	v0 =	vimm.f32 $0.0e+00;
	v4 =	vadd.f32 v3, v4;
	v3 =	vadd.f32 v5, v6  }
.LBB2_3:
0x3d: {  	p1 =	sne.s32 s1, $0xB80  }
0x3e: {  	v2 =	vadd.f32 v4, v2;
	s0 =	sadd.s32 $0x10, s0;
	s14 =	smov.u32 s1;
	s1 =	sadd.s32 $0x80, s1  }
0x3f: {  	v4 =	vand.u32 $0x7FFFFFFF, v4;
	v5 =	vand.u32 $0x7FFFFFFF, v3;
	v1 =	vadd.f32 v3, v1  }
0x40: {  	v3 =	vmax.f32 v4, v5;
	[tilespmem:s15+$0x16980] =	vst v2  }
0x41: {  	v0 =	vmax.f32 v0, v3;
	[tilespmem:s15+$0x16990] =	vst v1  }
0x42: {  	v1 =	vld [tilespmem:s0+$0xFFFFF880]  }
0x43: {  	v2 =	vld [tilespmem:s0+$0x0]  }
0x44: {  	v3 =	vld [tilespmem:s0+$0xFFFFFD00]  }
0x45: {  	v4 =	vld [tilespmem:s0+$0xFFFFFB80]  }
0x46: {  	v5 =	vld [tilespmem:s0+$0x300]  }
0x47: {  	v6 =	vld [tilespmem:s0+$0x180]  }
0x48: {  	v7 =	vld [tilespmem:s0+$0xFFFFFA00];
	v8 =	vshll.u32 v2, $0x10;
	v2 =	vand.u32 $0xFFFF0000, v2  }
0x49: {  	v10 =	vshll.u32 v1, $0x10;
	v1 =	vand.u32 $0xFFFF0000, v1;
	v9 =	vld [tilespmem:s0+$0xFFFFFE80];
	v11 =	vand.u32 $0xFFFF0000, v3  }
0x4a: {  	v3 =	vshll.u32 v3, $0x10;
	v12 =	vld [tilespmem:s0+$0x480];
	v13 =	vshll.u32 v4, $0x10;
	v4 =	vand.u32 $0xFFFF0000, v4  }
0x4b: {  	v14 =	vld [tilespmem:s0+$0x600];
	v3 =	vadd.f32 v3, v13;
	v13 =	vand.u32 $0xFFFF0000, v5;
	v4 =	vadd.f32 v11, v4  }
0x4c: {  	v5 =	vshll.u32 v5, $0x10;
	v11 =	vshll.u32 v6, $0x10;
	v6 =	vand.u32 $0xFFFF0000, v6  }
0x4d: {  	v15 =	vshll.u32 v7, $0x10;
	v5 =	vadd.f32 v5, v11;
	v7 =	vand.u32 $0xFFFF0000, v7  }
0x4e: {  	v11 =	vld [tilespmem:s0+$0x780];
	v16 =	vshll.u32 v9, $0x10;
	v10 =	vadd.f32 v15, v10;
	v1 =	vadd.f32 v7, v1  }
0x4f: {  	v6 =	vadd.f32 v13, v6;
	v7 =	vshll.u32 v12, $0x10;
	v8 =	vadd.f32 v8, v16  }
0x50: {  	v9 =	vand.u32 $0xFFFF0000, v9;
	v3 =	vadd.f32 v3, v10;
	v10 =	vand.u32 $0xFFFF0000, v12  }
0x51: {  	v2 =	vadd.f32 v2, v9;
	v12 =	vshll.u32 v14, $0x10;
	v4 =	vadd.f32 v4, v1  }
0x52: {  	s15 =	sshra.s32 s14, $0x2;
	v1 =	vadd.f32 v12, v7;
	v5 =	vadd.f32 v5, v8;
	v7 =	vand.u32 $0xFFFF0000, v14  }
.Ltmp0:
0x53: {  	v6 =	vadd.f32 v6, v2;
	v7 =	vadd.f32 v7, v10;
	v8 =	vshll.u32 v11, $0x10;
	v2 =	vld [tilespmem:s15+$0x18180];
	(pc) =	sbr.rel @p1 .LBB2_3-.Ltmp0, $4  }
0x54: {  	v3 =	vadd.f32 v5, v3;
	v5 =	vand.u32 $0xFFFF0000, v11;
	v8 =	vadd.f32 v8, v1;
	v1 =	vld [tilespmem:s15+$0x18190]  }
0x55: {  	v6 =	vadd.f32 v6, v4;
	v5 =	vadd.f32 v5, v7  }
0x56: {  	v4 =	vadd.f32 v8, v3  }
0x57: {  	v3 =	vadd.f32 v5, v6  }
0x58: {  	_ = 	snop  }
0x59: {  	v5 =	vand.u32 $0x7FFFFFFF, v4;
	v6 =	vand.u32 $0x7FFFFFFF, v3  }
0x5a: {  	v5 =	vmax.f32 v5, v6  }
0x5b: {  	v0 =	vmax.f32 v0, v5  }
0x5c: {  	(xrf0) =	vmax.scan.msk.f32 $0xffff, v0;
	_ =	sdelay $0x5  }
0x5d: {  	v0, _, _ =	vpop (xrf0)  }
0x5e: {  	(v2sf) =	vpush v0, $0xF;
	_ =	sdelay $0xe  }
0x5f: {  	v1 =	vadd.f32 v3, v1;
	s0 =	spop (v2sf)  }
0x60: {  	v0 =	vadd.f32 v4, v2;
	p1 =	sne.f32 s0, $0.0e+00  }
0x61: {  	[tilespmem:s15+$0x16990] =	vst v1  }
0x62: {  	[tilespmem:s15+$0x16980] =	vst v0;
	v0 =	vimm.f32 @!p1 $0.0e+00  }
0x63: {  	[tilespmem:$0x16980] =	vst @!p1 v0  }
0x64: {  	[tilespmem:$0x16990] =	vst @!p1 v0  }
0x65: {  	[tilespmem:$0x169A0] =	vst @!p1 v0  }
0x66: {  	[tilespmem:$0x169B0] =	vst @!p1 v0  }
0x67: {  	[tilespmem:$0x169C0] =	vst @!p1 v0  }
0x68: {  	[tilespmem:$0x169D0] =	vst @!p1 v0  }
0x69: {  	[tilespmem:$0x169E0] =	vst @!p1 v0  }
0x6a: {  	[tilespmem:$0x169F0] =	vst @!p1 v0  }
0x6b: {  	[tilespmem:$0x16A00] =	vst @!p1 v0  }
0x6c: {  	[tilespmem:$0x16A10] =	vst @!p1 v0  }
0x6d: {  	[tilespmem:$0x16A20] =	vst @!p1 v0  }
0x6e: {  	[tilespmem:$0x16A30] =	vst @!p1 v0  }
0x6f: {  	[tilespmem:$0x16A40] =	vst @!p1 v0  }
0x70: {  	[tilespmem:$0x16A50] =	vst @!p1 v0  }
0x71: {  	[tilespmem:$0x16A60] =	vst @!p1 v0  }
0x72: {  	[tilespmem:$0x16A70] =	vst @!p1 v0  }
0x73: {  	[tilespmem:$0x16A80] =	vst @!p1 v0  }
0x74: {  	[tilespmem:$0x16A90] =	vst @!p1 v0  }
0x75: {  	[tilespmem:$0x16AA0] =	vst @!p1 v0  }
0x76: {  	[tilespmem:$0x16AB0] =	vst @!p1 v0  }
0x77: {  	[tilespmem:$0x16AC0] =	vst @!p1 v0  }
0x78: {  	[tilespmem:$0x16AD0] =	vst @!p1 v0  }
0x79: {  	[tilespmem:$0x16AE0] =	vst @!p1 v0  }
0x7a: {  	[tilespmem:$0x16AF0] =	vst @!p1 v0  }
0x7b: {  	[tilespmem:$0x16B00] =	vst @!p1 v0  }
0x7c: {  	[tilespmem:$0x16B10] =	vst @!p1 v0  }
0x7d: {  	[tilespmem:$0x16B20] =	vst @!p1 v0  }
0x7e: {  	[tilespmem:$0x16B30] =	vst @!p1 v0  }
0x7f: {  	[tilespmem:$0x16B40] =	vst @!p1 v0  }
0x80: {  	[tilespmem:$0x16B50] =	vst @!p1 v0  }
0x81: {  	[tilespmem:$0x16B60] =	vst @!p1 v0  }
0x82: {  	[tilespmem:$0x16B70] =	vst @!p1 v0  }
0x83: {  	[tilespmem:$0x16B80] =	vst @!p1 v0  }
0x84: {  	[tilespmem:$0x16B90] =	vst @!p1 v0  }
0x85: {  	[tilespmem:$0x16BA0] =	vst @!p1 v0  }
0x86: {  	[tilespmem:$0x16BB0] =	vst @!p1 v0  }
0x87: {  	[tilespmem:$0x16BC0] =	vst @!p1 v0  }
0x88: {  	[tilespmem:$0x16BD0] =	vst @!p1 v0  }
0x89: {  	[tilespmem:$0x16BE0] =	vst @!p1 v0  }
0x8a: {  	[tilespmem:$0x16BF0] =	vst @!p1 v0  }
0x8b: {  	[tilespmem:$0x16C00] =	vst @!p1 v0  }
0x8c: {  	[tilespmem:$0x16C10] =	vst @!p1 v0  }
0x8d: {  	[tilespmem:$0x16C20] =	vst @!p1 v0  }
0x8e: {  	[tilespmem:$0x16C30] =	vst @!p1 v0  }
0x8f: {  	[tilespmem:$0x16C40] =	vst @!p1 v0  }
0x90: {  	[tilespmem:$0x16C50] =	vst @!p1 v0  }
0x91: {  	[tilespmem:$0x16C60] =	vst @!p1 v0  }
0x92: {  	s0 =	simm.s32 $0x7200;
	[tilespmem:$0x16C70] =	vst @!p1 v0  }
0x93: {  	v0 =	vld [tilespmem:s0+$0x0]  }
0x94: {  	v1 =	vld [tilespmem:s0+$0x780]  }
0x95: {  	v2 =	vld [tilespmem:s0+$0x480]  }
0x96: {  	v3 =	vld [tilespmem:s0+$0x300]  }
0x97: {  	v4 =	vld [tilespmem:s0+$0xA80]  }
0x98: {  	v5 =	vld [tilespmem:s0+$0x900]  }
0x99: {  	v6 =	vld [tilespmem:s0+$0x180]  }
0x9a: {  	v8 =	vld [tilespmem:s0+$0x600];
	v7 =	vshll.u32 v1, $0x10;
	v1 =	vand.u32 $0xFFFF0000, v1  }
0x9b: {  	v9 =	vshll.u32 v0, $0x10;
	v0 =	vand.u32 $0xFFFF0000, v0;
	v10 =	vand.u32 $0xFFFF0000, v2  }
0x9c: {  	v11 =	vld [tilespmem:s0+$0xC00];
	v12 =	vshll.u32 v3, $0x10;
	v2 =	vshll.u32 v2, $0x10;
	v3 =	vand.u32 $0xFFFF0000, v3  }
0x9d: {  	v60 =	vld [tilespmem:s0+$0xD80];
	v59 =	vand.u32 $0xFFFF0000, v4;
	v13 =	vshll.u32 v5, $0x10;
	v4 =	vshll.u32 v4, $0x10  }
0x9e: {  	v5 =	vand.u32 $0xFFFF0000, v5;
	v14 =	vshll.u32 v6, $0x10;
	v6 =	vand.u32 $0xFFFF0000, v6  }
0x9f: {  	v15 =	vshll.u32 v8, $0x10;
	v2 =	vadd.f32 v2, v12;
	v3 =	vadd.f32 v10, v3  }
0xa0: {  	v8 =	vand.u32 $0xFFFF0000, v8;
	v4 =	vadd.f32 v4, v13;
	v9 =	vadd.f32 v14, v9  }
0xa1: {  	v61 =	vld [tilespmem:s0+$0xF00];
	v62 =	vand.u32 $0xFFFF0000, v11;
	v0 =	vadd.f32 v6, v0;
	v7 =	vadd.f32 v7, v15  }
0xa2: {  	v63 =	vshll.u32 v60, $0x10;
	v5 =	vadd.f32 v59, v5;
	v1 =	vadd.f32 v1, v8  }
0xa3: {  	v6 =	vshll.u32 v11, $0x10;
	v2 =	vadd.f32 v2, v9;
	v0 =	vadd.f32 v3, v0  }
0xa4: {  	v3 =	vadd.f32 v63, v6;
	v4 =	vadd.f32 v4, v7;
	v6 =	vand.u32 $0xFFFF0000, v60  }
0xa5: {  	v6 =	vadd.f32 v6, v62  }
0xa6: {  	s15 =	simm.s32 $0x0;
	v1 =	vadd.f32 v5, v1;
	v4 =	vadd.f32 v4, v2;
	v2 =	vand.u32 $0xFFFF0000, v61  }
0xa7: {  	v7 =	vshll.u32 v61, $0x10;
	v5 =	vadd.f32 v2, v6;
	v2 =	vld [tilespmem:s15+$0x18180]  }
0xa8: {  	v3 =	vadd.f32 v7, v3;
	v6 =	vadd.f32 v1, v0;
	v1 =	vld [tilespmem:s15+$0x18190];
	_ =	sdelay $0x1  }
0xa9: {  	s1 =	simm.s32 $0x80;
	v0 =	vimm.f32 $0.0e+00;
	v4 =	vadd.f32 v3, v4;
	v3 =	vadd.f32 v5, v6  }
.LBB2_5:
0xaa: {  	p1 =	sne.s32 s1, $0xB80  }
0xab: {  	v2 =	vadd.f32 v4, v2;
	s0 =	sadd.s32 $0x10, s0;
	s14 =	smov.u32 s1;
	s1 =	sadd.s32 $0x80, s1  }
0xac: {  	v4 =	vand.u32 $0x7FFFFFFF, v4;
	v5 =	vand.u32 $0x7FFFFFFF, v3;
	v1 =	vadd.f32 v3, v1  }
0xad: {  	v3 =	vmax.f32 v4, v5;
	[tilespmem:s15+$0x16C80] =	vst v2  }
0xae: {  	v0 =	vmax.f32 v0, v3;
	[tilespmem:s15+$0x16C90] =	vst v1  }
0xaf: {  	v1 =	vld [tilespmem:s0+$0x0]  }
0xb0: {  	v2 =	vld [tilespmem:s0+$0x780]  }
0xb1: {  	v3 =	vld [tilespmem:s0+$0x480]  }
0xb2: {  	v4 =	vld [tilespmem:s0+$0x300]  }
0xb3: {  	v5 =	vld [tilespmem:s0+$0xA80]  }
0xb4: {  	v6 =	vld [tilespmem:s0+$0x900]  }
0xb5: {  	v7 =	vld [tilespmem:s0+$0x180];
	v8 =	vshll.u32 v2, $0x10;
	v2 =	vand.u32 $0xFFFF0000, v2  }
0xb6: {  	v10 =	vshll.u32 v1, $0x10;
	v1 =	vand.u32 $0xFFFF0000, v1;
	v9 =	vld [tilespmem:s0+$0x600];
	v11 =	vand.u32 $0xFFFF0000, v3  }
0xb7: {  	v3 =	vshll.u32 v3, $0x10;
	v12 =	vld [tilespmem:s0+$0xC00];
	v13 =	vshll.u32 v4, $0x10;
	v4 =	vand.u32 $0xFFFF0000, v4  }
0xb8: {  	v14 =	vld [tilespmem:s0+$0xD80];
	v3 =	vadd.f32 v3, v13;
	v13 =	vand.u32 $0xFFFF0000, v5;
	v4 =	vadd.f32 v11, v4  }
0xb9: {  	v5 =	vshll.u32 v5, $0x10;
	v11 =	vshll.u32 v6, $0x10;
	v6 =	vand.u32 $0xFFFF0000, v6  }
0xba: {  	v15 =	vshll.u32 v7, $0x10;
	v5 =	vadd.f32 v5, v11;
	v7 =	vand.u32 $0xFFFF0000, v7  }
0xbb: {  	v11 =	vld [tilespmem:s0+$0xF00];
	v16 =	vshll.u32 v9, $0x10;
	v10 =	vadd.f32 v15, v10;
	v1 =	vadd.f32 v7, v1  }
0xbc: {  	v6 =	vadd.f32 v13, v6;
	v7 =	vshll.u32 v12, $0x10;
	v8 =	vadd.f32 v8, v16  }
0xbd: {  	v9 =	vand.u32 $0xFFFF0000, v9;
	v3 =	vadd.f32 v3, v10;
	v10 =	vand.u32 $0xFFFF0000, v12  }
0xbe: {  	v2 =	vadd.f32 v2, v9;
	v12 =	vshll.u32 v14, $0x10;
	v4 =	vadd.f32 v4, v1  }
0xbf: {  	s15 =	sshra.s32 s14, $0x2;
	v1 =	vadd.f32 v12, v7;
	v5 =	vadd.f32 v5, v8;
	v7 =	vand.u32 $0xFFFF0000, v14  }
.Ltmp1:
0xc0: {  	v6 =	vadd.f32 v6, v2;
	v7 =	vadd.f32 v7, v10;
	v8 =	vshll.u32 v11, $0x10;
	v2 =	vld [tilespmem:s15+$0x18180];
	(pc) =	sbr.rel @p1 .LBB2_5-.Ltmp1, $4  }
0xc1: {  	v3 =	vadd.f32 v5, v3;
	v5 =	vand.u32 $0xFFFF0000, v11;
	v8 =	vadd.f32 v8, v1;
	v1 =	vld [tilespmem:s15+$0x18190]  }
0xc2: {  	v6 =	vadd.f32 v6, v4;
	v5 =	vadd.f32 v5, v7  }
0xc3: {  	v4 =	vadd.f32 v8, v3  }
0xc4: {  	v3 =	vadd.f32 v5, v6  }
0xc5: {  	_ = 	snop  }
0xc6: {  	v5 =	vand.u32 $0x7FFFFFFF, v4;
	v6 =	vand.u32 $0x7FFFFFFF, v3  }
0xc7: {  	v5 =	vmax.f32 v5, v6  }
0xc8: {  	v0 =	vmax.f32 v0, v5  }
0xc9: {  	(xrf0) =	vmax.scan.msk.f32 $0xffff, v0;
	_ =	sdelay $0x5  }
0xca: {  	v0, _, _ =	vpop (xrf0)  }
0xcb: {  	(v2sf) =	vpush v0, $0xF;
	_ =	sdelay $0xe  }
0xcc: {  	v1 =	vadd.f32 v3, v1;
	s0 =	spop (v2sf)  }
0xcd: {  	v0 =	vadd.f32 v4, v2;
	p1 =	sne.f32 s0, $0.0e+00  }
0xce: {  	[tilespmem:s15+$0x16C90] =	vst v1  }
0xcf: {  	[tilespmem:s15+$0x16C80] =	vst v0;
	v0 =	vimm.f32 @!p1 $0.0e+00  }
0xd0: {  	[tilespmem:$0x16C80] =	vst @!p1 v0  }
0xd1: {  	[tilespmem:$0x16C90] =	vst @!p1 v0  }
0xd2: {  	[tilespmem:$0x16CA0] =	vst @!p1 v0  }
0xd3: {  	[tilespmem:$0x16CB0] =	vst @!p1 v0  }
0xd4: {  	[tilespmem:$0x16CC0] =	vst @!p1 v0  }
0xd5: {  	[tilespmem:$0x16CD0] =	vst @!p1 v0  }
0xd6: {  	[tilespmem:$0x16CE0] =	vst @!p1 v0  }
0xd7: {  	[tilespmem:$0x16CF0] =	vst @!p1 v0  }
0xd8: {  	[tilespmem:$0x16D00] =	vst @!p1 v0  }
0xd9: {  	[tilespmem:$0x16D10] =	vst @!p1 v0  }
0xda: {  	[tilespmem:$0x16D20] =	vst @!p1 v0  }
0xdb: {  	[tilespmem:$0x16D30] =	vst @!p1 v0  }
0xdc: {  	[tilespmem:$0x16D40] =	vst @!p1 v0  }
0xdd: {  	[tilespmem:$0x16D50] =	vst @!p1 v0  }
0xde: {  	[tilespmem:$0x16D60] =	vst @!p1 v0  }
0xdf: {  	[tilespmem:$0x16D70] =	vst @!p1 v0  }
0xe0: {  	[tilespmem:$0x16D80] =	vst @!p1 v0  }
0xe1: {  	[tilespmem:$0x16D90] =	vst @!p1 v0  }
0xe2: {  	[tilespmem:$0x16DA0] =	vst @!p1 v0  }
0xe3: {  	[tilespmem:$0x16DB0] =	vst @!p1 v0  }
0xe4: {  	[tilespmem:$0x16DC0] =	vst @!p1 v0  }
0xe5: {  	[tilespmem:$0x16DD0] =	vst @!p1 v0  }
0xe6: {  	[tilespmem:$0x16DE0] =	vst @!p1 v0  }
0xe7: {  	[tilespmem:$0x16DF0] =	vst @!p1 v0  }
0xe8: {  	[tilespmem:$0x16E00] =	vst @!p1 v0  }
0xe9: {  	[tilespmem:$0x16E10] =	vst @!p1 v0  }
0xea: {  	[tilespmem:$0x16E20] =	vst @!p1 v0  }
0xeb: {  	[tilespmem:$0x16E30] =	vst @!p1 v0  }
0xec: {  	[tilespmem:$0x16E40] =	vst @!p1 v0  }
0xed: {  	[tilespmem:$0x16E50] =	vst @!p1 v0  }
0xee: {  	[tilespmem:$0x16E60] =	vst @!p1 v0  }
0xef: {  	[tilespmem:$0x16E70] =	vst @!p1 v0  }
0xf0: {  	[tilespmem:$0x16E80] =	vst @!p1 v0  }
0xf1: {  	[tilespmem:$0x16E90] =	vst @!p1 v0  }
0xf2: {  	[tilespmem:$0x16EA0] =	vst @!p1 v0  }
0xf3: {  	[tilespmem:$0x16EB0] =	vst @!p1 v0  }
0xf4: {  	[tilespmem:$0x16EC0] =	vst @!p1 v0  }
0xf5: {  	[tilespmem:$0x16ED0] =	vst @!p1 v0  }
0xf6: {  	[tilespmem:$0x16EE0] =	vst @!p1 v0  }
0xf7: {  	[tilespmem:$0x16EF0] =	vst @!p1 v0  }
0xf8: {  	[tilespmem:$0x16F00] =	vst @!p1 v0  }
0xf9: {  	[tilespmem:$0x16F10] =	vst @!p1 v0  }
0xfa: {  	[tilespmem:$0x16F20] =	vst @!p1 v0  }
0xfb: {  	[tilespmem:$0x16F30] =	vst @!p1 v0  }
0xfc: {  	[tilespmem:$0x16F40] =	vst @!p1 v0  }
0xfd: {  	[tilespmem:$0x16F50] =	vst @!p1 v0  }
0xfe: {  	[tilespmem:$0x16F60] =	vst @!p1 v0  }
0xff: {  	s0 =	simm.s32 $0x8280;
	[tilespmem:$0x16F70] =	vst @!p1 v0  }
0x100: {  	v0 =	vld [tilespmem:s0+$0x0]  }
0x101: {  	v1 =	vld [tilespmem:s0+$0x780]  }
0x102: {  	v2 =	vld [tilespmem:s0+$0x480]  }
0x103: {  	v3 =	vld [tilespmem:s0+$0x300]  }
0x104: {  	v4 =	vld [tilespmem:s0+$0xA80]  }
0x105: {  	v5 =	vld [tilespmem:s0+$0x900]  }
0x106: {  	v6 =	vld [tilespmem:s0+$0x180]  }
0x107: {  	v8 =	vld [tilespmem:s0+$0x600];
	v7 =	vshll.u32 v1, $0x10;
	v1 =	vand.u32 $0xFFFF0000, v1  }
0x108: {  	v9 =	vshll.u32 v0, $0x10;
	v0 =	vand.u32 $0xFFFF0000, v0;
	v10 =	vand.u32 $0xFFFF0000, v2  }
0x109: {  	v11 =	vld [tilespmem:s0+$0xC00];
	v12 =	vshll.u32 v3, $0x10;
	v2 =	vshll.u32 v2, $0x10;
	v3 =	vand.u32 $0xFFFF0000, v3  }
0x10a: {  	v60 =	vld [tilespmem:s0+$0xD80];
	v59 =	vand.u32 $0xFFFF0000, v4;
	v13 =	vshll.u32 v5, $0x10;
	v4 =	vshll.u32 v4, $0x10  }
0x10b: {  	v5 =	vand.u32 $0xFFFF0000, v5;
	v14 =	vshll.u32 v6, $0x10;
	v6 =	vand.u32 $0xFFFF0000, v6  }
0x10c: {  	v15 =	vshll.u32 v8, $0x10;
	v2 =	vadd.f32 v2, v12;
	v3 =	vadd.f32 v10, v3  }
0x10d: {  	v8 =	vand.u32 $0xFFFF0000, v8;
	v4 =	vadd.f32 v4, v13;
	v9 =	vadd.f32 v14, v9  }
0x10e: {  	v61 =	vld [tilespmem:s0+$0xF00];
	v62 =	vand.u32 $0xFFFF0000, v11;
	v0 =	vadd.f32 v6, v0;
	v7 =	vadd.f32 v7, v15  }
0x10f: {  	v63 =	vshll.u32 v60, $0x10;
	v5 =	vadd.f32 v59, v5;
	v1 =	vadd.f32 v1, v8  }
0x110: {  	v6 =	vshll.u32 v11, $0x10;
	v2 =	vadd.f32 v2, v9;
	v0 =	vadd.f32 v3, v0  }
0x111: {  	v3 =	vadd.f32 v63, v6;
	v4 =	vadd.f32 v4, v7;
	v6 =	vand.u32 $0xFFFF0000, v60  }
0x112: {  	v6 =	vadd.f32 v6, v62  }
0x113: {  	s15 =	simm.s32 $0x0;
	v1 =	vadd.f32 v5, v1;
	v4 =	vadd.f32 v4, v2;
	v2 =	vand.u32 $0xFFFF0000, v61  }
0x114: {  	v7 =	vshll.u32 v61, $0x10;
	v5 =	vadd.f32 v2, v6;
	v2 =	vld [tilespmem:s15+$0x18180]  }
0x115: {  	v3 =	vadd.f32 v7, v3;
	v6 =	vadd.f32 v1, v0;
	v1 =	vld [tilespmem:s15+$0x18190];
	_ =	sdelay $0x1  }
0x116: {  	s1 =	simm.s32 $0x80;
	v0 =	vimm.f32 $0.0e+00;
	v4 =	vadd.f32 v3, v4;
	v3 =	vadd.f32 v5, v6  }
.LBB2_7:
0x117: {  	p1 =	sne.s32 s1, $0xB80  }
0x118: {  	v2 =	vadd.f32 v4, v2;
	s0 =	sadd.s32 $0x10, s0;
	s14 =	smov.u32 s1;
	s1 =	sadd.s32 $0x80, s1  }
0x119: {  	v4 =	vand.u32 $0x7FFFFFFF, v4;
	v5 =	vand.u32 $0x7FFFFFFF, v3;
	v1 =	vadd.f32 v3, v1  }
0x11a: {  	v3 =	vmax.f32 v4, v5;
	[tilespmem:s15+$0x16F80] =	vst v2  }
0x11b: {  	v0 =	vmax.f32 v0, v3;
	[tilespmem:s15+$0x16F90] =	vst v1  }
0x11c: {  	v1 =	vld [tilespmem:s0+$0x0]  }
0x11d: {  	v2 =	vld [tilespmem:s0+$0x780]  }
0x11e: {  	v3 =	vld [tilespmem:s0+$0x480]  }
0x11f: {  	v4 =	vld [tilespmem:s0+$0x300]  }
0x120: {  	v5 =	vld [tilespmem:s0+$0xA80]  }
0x121: {  	v6 =	vld [tilespmem:s0+$0x900]  }
0x122: {  	v7 =	vld [tilespmem:s0+$0x180];
	v8 =	vshll.u32 v2, $0x10;
	v2 =	vand.u32 $0xFFFF0000, v2  }
0x123: {  	v10 =	vshll.u32 v1, $0x10;
	v1 =	vand.u32 $0xFFFF0000, v1;
	v9 =	vld [tilespmem:s0+$0x600];
	v11 =	vand.u32 $0xFFFF0000, v3  }
0x124: {  	v3 =	vshll.u32 v3, $0x10;
	v12 =	vld [tilespmem:s0+$0xC00];
	v13 =	vshll.u32 v4, $0x10;
	v4 =	vand.u32 $0xFFFF0000, v4  }
0x125: {  	v14 =	vld [tilespmem:s0+$0xD80];
	v3 =	vadd.f32 v3, v13;
	v13 =	vand.u32 $0xFFFF0000, v5;
	v4 =	vadd.f32 v11, v4  }
0x126: {  	v5 =	vshll.u32 v5, $0x10;
	v11 =	vshll.u32 v6, $0x10;
	v6 =	vand.u32 $0xFFFF0000, v6  }
0x127: {  	v15 =	vshll.u32 v7, $0x10;
	v5 =	vadd.f32 v5, v11;
	v7 =	vand.u32 $0xFFFF0000, v7  }
0x128: {  	v11 =	vld [tilespmem:s0+$0xF00];
	v16 =	vshll.u32 v9, $0x10;
	v10 =	vadd.f32 v15, v10;
	v1 =	vadd.f32 v7, v1  }
0x129: {  	v6 =	vadd.f32 v13, v6;
	v7 =	vshll.u32 v12, $0x10;
	v8 =	vadd.f32 v8, v16  }
0x12a: {  	v9 =	vand.u32 $0xFFFF0000, v9;
	v3 =	vadd.f32 v3, v10;
	v10 =	vand.u32 $0xFFFF0000, v12  }
0x12b: {  	v2 =	vadd.f32 v2, v9;
	v12 =	vshll.u32 v14, $0x10;
	v4 =	vadd.f32 v4, v1  }
0x12c: {  	s15 =	sshra.s32 s14, $0x2;
	v1 =	vadd.f32 v12, v7;
	v5 =	vadd.f32 v5, v8;
	v7 =	vand.u32 $0xFFFF0000, v14  }
.Ltmp2:
0x12d: {  	v6 =	vadd.f32 v6, v2;
	v7 =	vadd.f32 v7, v10;
	v8 =	vshll.u32 v11, $0x10;
	v2 =	vld [tilespmem:s15+$0x18180];
	(pc) =	sbr.rel @p1 .LBB2_7-.Ltmp2, $4  }
0x12e: {  	v3 =	vadd.f32 v5, v3;
	v5 =	vand.u32 $0xFFFF0000, v11;
	v8 =	vadd.f32 v8, v1;
	v1 =	vld [tilespmem:s15+$0x18190]  }
0x12f: {  	v6 =	vadd.f32 v6, v4;
	v5 =	vadd.f32 v5, v7  }
0x130: {  	v4 =	vadd.f32 v8, v3  }
0x131: {  	v3 =	vadd.f32 v5, v6  }
0x132: {  	_ = 	snop  }
0x133: {  	v5 =	vand.u32 $0x7FFFFFFF, v4;
	v6 =	vand.u32 $0x7FFFFFFF, v3  }
0x134: {  	v5 =	vmax.f32 v5, v6  }
0x135: {  	v0 =	vmax.f32 v0, v5  }
0x136: {  	(xrf0) =	vmax.scan.msk.f32 $0xffff, v0;
	_ =	sdelay $0x5  }
0x137: {  	v0, _, _ =	vpop (xrf0)  }
0x138: {  	(v2sf) =	vpush v0, $0xF;
	_ =	sdelay $0xe  }
0x139: {  	v1 =	vadd.f32 v3, v1;
	s0 =	spop (v2sf)  }
0x13a: {  	v0 =	vadd.f32 v4, v2;
	p1 =	sne.f32 s0, $0.0e+00  }
0x13b: {  	[tilespmem:s15+$0x16F90] =	vst v1  }
0x13c: {  	[tilespmem:s15+$0x16F80] =	vst v0;
	v0 =	vimm.f32 @!p1 $0.0e+00  }
0x13d: {  	[tilespmem:$0x16F80] =	vst @!p1 v0  }
0x13e: {  	[tilespmem:$0x16F90] =	vst @!p1 v0  }
0x13f: {  	[tilespmem:$0x16FA0] =	vst @!p1 v0  }
0x140: {  	[tilespmem:$0x16FB0] =	vst @!p1 v0  }
0x141: {  	[tilespmem:$0x16FC0] =	vst @!p1 v0  }
0x142: {  	[tilespmem:$0x16FD0] =	vst @!p1 v0  }
0x143: {  	[tilespmem:$0x16FE0] =	vst @!p1 v0  }
0x144: {  	[tilespmem:$0x16FF0] =	vst @!p1 v0  }
0x145: {  	[tilespmem:$0x17000] =	vst @!p1 v0  }
0x146: {  	[tilespmem:$0x17010] =	vst @!p1 v0  }
0x147: {  	[tilespmem:$0x17020] =	vst @!p1 v0  }
0x148: {  	[tilespmem:$0x17030] =	vst @!p1 v0  }
0x149: {  	[tilespmem:$0x17040] =	vst @!p1 v0  }
0x14a: {  	[tilespmem:$0x17050] =	vst @!p1 v0  }
0x14b: {  	[tilespmem:$0x17060] =	vst @!p1 v0  }
0x14c: {  	[tilespmem:$0x17070] =	vst @!p1 v0  }
0x14d: {  	[tilespmem:$0x17080] =	vst @!p1 v0  }
0x14e: {  	[tilespmem:$0x17090] =	vst @!p1 v0  }
0x14f: {  	[tilespmem:$0x170A0] =	vst @!p1 v0  }
0x150: {  	[tilespmem:$0x170B0] =	vst @!p1 v0  }
0x151: {  	[tilespmem:$0x170C0] =	vst @!p1 v0  }
0x152: {  	[tilespmem:$0x170D0] =	vst @!p1 v0  }
0x153: {  	[tilespmem:$0x170E0] =	vst @!p1 v0  }
0x154: {  	[tilespmem:$0x170F0] =	vst @!p1 v0  }
0x155: {  	[tilespmem:$0x17100] =	vst @!p1 v0  }
0x156: {  	[tilespmem:$0x17110] =	vst @!p1 v0  }
0x157: {  	[tilespmem:$0x17120] =	vst @!p1 v0  }
0x158: {  	[tilespmem:$0x17130] =	vst @!p1 v0  }
0x159: {  	[tilespmem:$0x17140] =	vst @!p1 v0  }
0x15a: {  	[tilespmem:$0x17150] =	vst @!p1 v0  }
0x15b: {  	[tilespmem:$0x17160] =	vst @!p1 v0  }
0x15c: {  	[tilespmem:$0x17170] =	vst @!p1 v0  }
0x15d: {  	[tilespmem:$0x17180] =	vst @!p1 v0  }
0x15e: {  	[tilespmem:$0x17190] =	vst @!p1 v0  }
0x15f: {  	[tilespmem:$0x171A0] =	vst @!p1 v0  }
0x160: {  	[tilespmem:$0x171B0] =	vst @!p1 v0  }
0x161: {  	[tilespmem:$0x171C0] =	vst @!p1 v0  }
0x162: {  	[tilespmem:$0x171D0] =	vst @!p1 v0  }
0x163: {  	[tilespmem:$0x171E0] =	vst @!p1 v0  }
0x164: {  	[tilespmem:$0x171F0] =	vst @!p1 v0  }
0x165: {  	[tilespmem:$0x17200] =	vst @!p1 v0  }
0x166: {  	[tilespmem:$0x17210] =	vst @!p1 v0  }
0x167: {  	[tilespmem:$0x17220] =	vst @!p1 v0  }
0x168: {  	[tilespmem:$0x17230] =	vst @!p1 v0  }
0x169: {  	[tilespmem:$0x17240] =	vst @!p1 v0  }
0x16a: {  	[tilespmem:$0x17250] =	vst @!p1 v0  }
0x16b: {  	[tilespmem:$0x17260] =	vst @!p1 v0  }
0x16c: {  	s0 =	simm.s32 $0xA200;
	[tilespmem:$0x17270] =	vst @!p1 v0  }
0x16d: {  	v0 =	vld [tilespmem:s0+$0xFFFFF100]  }
0x16e: {  	v1 =	vld [tilespmem:s0+$0xFFFFF880]  }
0x16f: {  	v2 =	vld [tilespmem:s0+$0xFFFFF580]  }
0x170: {  	v3 =	vld [tilespmem:s0+$0xFFFFF400]  }
0x171: {  	v4 =	vld [tilespmem:s0+$0xFFFFFB80]  }
0x172: {  	v5 =	vld [tilespmem:s0+$0xFFFFFA00]  }
0x173: {  	v6 =	vld [tilespmem:s0+$0xFFFFF280]  }
0x174: {  	v8 =	vld [tilespmem:s0+$0xFFFFF700];
	v7 =	vshll.u32 v1, $0x10;
	v1 =	vand.u32 $0xFFFF0000, v1  }
0x175: {  	v9 =	vshll.u32 v0, $0x10;
	v0 =	vand.u32 $0xFFFF0000, v0;
	v10 =	vand.u32 $0xFFFF0000, v2  }
0x176: {  	v11 =	vld [tilespmem:s0+$0xFFFFFD00];
	v12 =	vshll.u32 v3, $0x10;
	v2 =	vshll.u32 v2, $0x10;
	v3 =	vand.u32 $0xFFFF0000, v3  }
0x177: {  	v60 =	vld [tilespmem:s0+$0xFFFFFE80];
	v59 =	vand.u32 $0xFFFF0000, v4;
	v13 =	vshll.u32 v5, $0x10;
	v4 =	vshll.u32 v4, $0x10  }
0x178: {  	v5 =	vand.u32 $0xFFFF0000, v5;
	v14 =	vshll.u32 v6, $0x10;
	v6 =	vand.u32 $0xFFFF0000, v6  }
0x179: {  	v15 =	vshll.u32 v8, $0x10;
	v2 =	vadd.f32 v2, v12;
	v3 =	vadd.f32 v10, v3  }
0x17a: {  	v8 =	vand.u32 $0xFFFF0000, v8;
	v4 =	vadd.f32 v4, v13;
	v9 =	vadd.f32 v14, v9  }
0x17b: {  	v61 =	vld [tilespmem:s0+$0x0];
	v62 =	vand.u32 $0xFFFF0000, v11;
	v0 =	vadd.f32 v6, v0;
	v7 =	vadd.f32 v7, v15  }
0x17c: {  	v63 =	vshll.u32 v60, $0x10;
	v5 =	vadd.f32 v59, v5;
	v1 =	vadd.f32 v1, v8  }
0x17d: {  	v6 =	vshll.u32 v11, $0x10;
	v2 =	vadd.f32 v2, v9;
	v0 =	vadd.f32 v3, v0  }
0x17e: {  	v3 =	vadd.f32 v63, v6;
	v4 =	vadd.f32 v4, v7;
	v6 =	vand.u32 $0xFFFF0000, v60  }
0x17f: {  	v6 =	vadd.f32 v6, v62  }
0x180: {  	s15 =	simm.s32 $0x0;
	v1 =	vadd.f32 v5, v1;
	v4 =	vadd.f32 v4, v2;
	v2 =	vand.u32 $0xFFFF0000, v61  }
0x181: {  	v7 =	vshll.u32 v61, $0x10;
	v5 =	vadd.f32 v2, v6;
	v2 =	vld [tilespmem:s15+$0x18180]  }
0x182: {  	v3 =	vadd.f32 v7, v3;
	v6 =	vadd.f32 v1, v0;
	v1 =	vld [tilespmem:s15+$0x18190];
	_ =	sdelay $0x1  }
0x183: {  	s1 =	simm.s32 $0x80;
	v0 =	vimm.f32 $0.0e+00;
	v4 =	vadd.f32 v3, v4;
	v3 =	vadd.f32 v5, v6  }
.LBB2_9:
0x184: {  	p1 =	sne.s32 s1, $0xB80  }
0x185: {  	v2 =	vadd.f32 v4, v2;
	s0 =	sadd.s32 $0x10, s0;
	s14 =	smov.u32 s1;
	s1 =	sadd.s32 $0x80, s1  }
0x186: {  	v4 =	vand.u32 $0x7FFFFFFF, v4;
	v5 =	vand.u32 $0x7FFFFFFF, v3;
	v1 =	vadd.f32 v3, v1  }
0x187: {  	v3 =	vmax.f32 v4, v5;
	[tilespmem:s15+$0x17280] =	vst v2  }
0x188: {  	v0 =	vmax.f32 v0, v3;
	[tilespmem:s15+$0x17290] =	vst v1  }
0x189: {  	v1 =	vld [tilespmem:s0+$0xFFFFF100]  }
0x18a: {  	v2 =	vld [tilespmem:s0+$0xFFFFF880]  }
0x18b: {  	v3 =	vld [tilespmem:s0+$0xFFFFF580]  }
0x18c: {  	v4 =	vld [tilespmem:s0+$0xFFFFF400]  }
0x18d: {  	v5 =	vld [tilespmem:s0+$0xFFFFFB80]  }
0x18e: {  	v6 =	vld [tilespmem:s0+$0xFFFFFA00]  }
0x18f: {  	v7 =	vld [tilespmem:s0+$0xFFFFF280];
	v8 =	vshll.u32 v2, $0x10;
	v2 =	vand.u32 $0xFFFF0000, v2  }
0x190: {  	v10 =	vshll.u32 v1, $0x10;
	v1 =	vand.u32 $0xFFFF0000, v1;
	v9 =	vld [tilespmem:s0+$0xFFFFF700];
	v11 =	vand.u32 $0xFFFF0000, v3  }
0x191: {  	v3 =	vshll.u32 v3, $0x10;
	v12 =	vld [tilespmem:s0+$0xFFFFFD00];
	v13 =	vshll.u32 v4, $0x10;
	v4 =	vand.u32 $0xFFFF0000, v4  }
0x192: {  	v14 =	vld [tilespmem:s0+$0xFFFFFE80];
	v3 =	vadd.f32 v3, v13;
	v13 =	vand.u32 $0xFFFF0000, v5;
	v4 =	vadd.f32 v11, v4  }
0x193: {  	v5 =	vshll.u32 v5, $0x10;
	v11 =	vshll.u32 v6, $0x10;
	v6 =	vand.u32 $0xFFFF0000, v6  }
0x194: {  	v15 =	vshll.u32 v7, $0x10;
	v5 =	vadd.f32 v5, v11;
	v7 =	vand.u32 $0xFFFF0000, v7  }
0x195: {  	v11 =	vld [tilespmem:s0+$0x0];
	v16 =	vshll.u32 v9, $0x10;
	v10 =	vadd.f32 v15, v10;
	v1 =	vadd.f32 v7, v1  }
0x196: {  	v6 =	vadd.f32 v13, v6;
	v7 =	vshll.u32 v12, $0x10;
	v8 =	vadd.f32 v8, v16  }
0x197: {  	v9 =	vand.u32 $0xFFFF0000, v9;
	v3 =	vadd.f32 v3, v10;
	v10 =	vand.u32 $0xFFFF0000, v12  }
0x198: {  	v2 =	vadd.f32 v2, v9;
	v12 =	vshll.u32 v14, $0x10;
	v4 =	vadd.f32 v4, v1  }
0x199: {  	s15 =	sshra.s32 s14, $0x2;
	v1 =	vadd.f32 v12, v7;
	v5 =	vadd.f32 v5, v8;
	v7 =	vand.u32 $0xFFFF0000, v14  }
.Ltmp3:
0x19a: {  	v6 =	vadd.f32 v6, v2;
	v7 =	vadd.f32 v7, v10;
	v8 =	vshll.u32 v11, $0x10;
	v2 =	vld [tilespmem:s15+$0x18180];
	(pc) =	sbr.rel @p1 .LBB2_9-.Ltmp3, $4  }
0x19b: {  	v3 =	vadd.f32 v5, v3;
	v5 =	vand.u32 $0xFFFF0000, v11;
	v8 =	vadd.f32 v8, v1;
	v1 =	vld [tilespmem:s15+$0x18190]  }
0x19c: {  	v6 =	vadd.f32 v6, v4;
	v5 =	vadd.f32 v5, v7  }
0x19d: {  	v4 =	vadd.f32 v8, v3  }
0x19e: {  	v3 =	vadd.f32 v5, v6  }
0x19f: {  	_ = 	snop  }
0x1a0: {  	v5 =	vand.u32 $0x7FFFFFFF, v4;
	v6 =	vand.u32 $0x7FFFFFFF, v3  }
0x1a1: {  	v5 =	vmax.f32 v5, v6  }
0x1a2: {  	v0 =	vmax.f32 v0, v5  }
0x1a3: {  	(xrf0) =	vmax.scan.msk.f32 $0xffff, v0;
	_ =	sdelay $0x5  }
0x1a4: {  	v0, _, _ =	vpop (xrf0)  }
0x1a5: {  	(v2sf) =	vpush v0, $0xF;
	_ =	sdelay $0xe  }
0x1a6: {  	v63 =	vadd.f32 v4, v2;
	s0 =	spop (v2sf)  }
0x1a7: {  	v1 =	vadd.f32 v3, v1;
	p1 =	sne.f32 s0, $0.0e+00  }
0x1a8: {  	[tilespmem:s15+$0x17280] =	vst v63  }
0x1a9: {  	[tilespmem:s15+$0x17290] =	vst v1;
	v0 =	vimm.f32 @!p1 $0.0e+00  }
0x1aa: {  	[tilespmem:$0x17280] =	vst @!p1 v0  }
0x1ab: {  	[tilespmem:$0x17290] =	vst @!p1 v0  }
0x1ac: {  	[tilespmem:$0x172A0] =	vst @!p1 v0  }
0x1ad: {  	[tilespmem:$0x172B0] =	vst @!p1 v0  }
0x1ae: {  	[tilespmem:$0x172C0] =	vst @!p1 v0  }
0x1af: {  	[tilespmem:$0x172D0] =	vst @!p1 v0  }
0x1b0: {  	[tilespmem:$0x172E0] =	vst @!p1 v0  }
0x1b1: {  	[tilespmem:$0x172F0] =	vst @!p1 v0  }
0x1b2: {  	[tilespmem:$0x17300] =	vst @!p1 v0  }
0x1b3: {  	[tilespmem:$0x17310] =	vst @!p1 v0  }
0x1b4: {  	[tilespmem:$0x17320] =	vst @!p1 v0  }
0x1b5: {  	[tilespmem:$0x17330] =	vst @!p1 v0  }
0x1b6: {  	[tilespmem:$0x17340] =	vst @!p1 v0  }
0x1b7: {  	[tilespmem:$0x17350] =	vst @!p1 v0  }
0x1b8: {  	[tilespmem:$0x17360] =	vst @!p1 v0  }
0x1b9: {  	[tilespmem:$0x17370] =	vst @!p1 v0  }
0x1ba: {  	[tilespmem:$0x17380] =	vst @!p1 v0  }
0x1bb: {  	[tilespmem:$0x17390] =	vst @!p1 v0  }
0x1bc: {  	[tilespmem:$0x173A0] =	vst @!p1 v0  }
0x1bd: {  	[tilespmem:$0x173B0] =	vst @!p1 v0  }
0x1be: {  	[tilespmem:$0x173C0] =	vst @!p1 v0  }
0x1bf: {  	[tilespmem:$0x173D0] =	vst @!p1 v0  }
0x1c0: {  	[tilespmem:$0x173E0] =	vst @!p1 v0  }
0x1c1: {  	[tilespmem:$0x173F0] =	vst @!p1 v0  }
0x1c2: {  	[tilespmem:$0x17400] =	vst @!p1 v0  }
0x1c3: {  	[tilespmem:$0x17410] =	vst @!p1 v0  }
0x1c4: {  	[tilespmem:$0x17420] =	vst @!p1 v0  }
0x1c5: {  	[tilespmem:$0x17430] =	vst @!p1 v0  }
0x1c6: {  	[tilespmem:$0x17440] =	vst @!p1 v0  }
0x1c7: {  	[tilespmem:$0x17450] =	vst @!p1 v0  }
0x1c8: {  	[tilespmem:$0x17460] =	vst @!p1 v0  }
0x1c9: {  	[tilespmem:$0x17470] =	vst @!p1 v0  }
0x1ca: {  	[tilespmem:$0x17480] =	vst @!p1 v0  }
0x1cb: {  	[tilespmem:$0x17490] =	vst @!p1 v0  }
0x1cc: {  	[tilespmem:$0x174A0] =	vst @!p1 v0  }
0x1cd: {  	[tilespmem:$0x174B0] =	vst @!p1 v0  }
0x1ce: {  	[tilespmem:$0x174C0] =	vst @!p1 v0  }
0x1cf: {  	[tilespmem:$0x174D0] =	vst @!p1 v0  }
0x1d0: {  	[tilespmem:$0x174E0] =	vst @!p1 v0  }
0x1d1: {  	[tilespmem:$0x174F0] =	vst @!p1 v0  }
0x1d2: {  	[tilespmem:$0x17500] =	vst @!p1 v0  }
0x1d3: {  	[tilespmem:$0x17510] =	vst @!p1 v0  }
0x1d4: {  	[tilespmem:$0x17520] =	vst @!p1 v0  }
0x1d5: {  	[tilespmem:$0x17530] =	vst @!p1 v0  }
0x1d6: {  	[tilespmem:$0x17540] =	vst @!p1 v0  }
0x1d7: {  	[tilespmem:$0x17550] =	vst @!p1 v0  }
0x1d8: {  	[tilespmem:$0x17560] =	vst @!p1 v0  }
0x1d9: {  	s1 =	sshll.u32 s30, $0x4;
	[tilespmem:$0x17570] =	vst @!p1 v0;
	p1 =	sne.s32 s30, $0x81  }
.Ltmp4:
0x1da: {  	s17 =	sadd.s32 s5, s1;
	(pc) =	sbr.rel @p1 .LBB2_12-.Ltmp4, $3  }
0x1db: {  	s0 =	smul.u32 $0x60, s17;
	_ =	sdelay $0x1  }
0x1dc: {  	s0 =	sadd.s32 s2, s0  }
0x1dd: {  	[hbm4b:s0+s3] =	stream.linear.scatter [tilespmem:s21], [sflag:$0x5], $0xC00, $0x38;
	[tilespmem:$0x18480] =	vst v63  }
.Ltmp5:
0x1de: {  	(pc) =	sbr.rel .LBB2_13-.Ltmp5, $4  }
0x1df: {  	_ = 	snop  }
0x1e0: {  	_ =	swait.ge [sflag:s22], $0x4200  }
0x1e1: {  	[sflag:s22] =	ssyncset.done $0x0  }
0x1e2: {  	[sflag:s22] =	ssyncadd.s32 $0xFFFFBE00  }
.LBB2_12:
0x1e3: {  	s0 =	smul.u32 $0x300, s30;
	_ =	sdelay $0x1  }
0x1e4: {  	s0 =	sshra.s32 s0, $0x2  }
.Ltmp6:
0x1e5: {  	s0 =	sadd.s32 $0xC0, s0;
	(pc) =	sbr.rel @p0 .LBB2_14-.Ltmp6, $4  }
0x1e6: {  	[tilespmem:s13], [sflag:$0x1] =	stream.indirect.gather [hbm4b:s4+s12], $0x180, s0, s12, $0xb8;
	[tilespmem:$0x18480] =	vst v63  }
0x1e7: {  	_ =	swait.ge [sflag:s22], $0x4200  }
0x1e8: {  	[sflag:s22] =	ssyncset.done $0x0  }
0x1e9: {  	[sflag:s22] =	ssyncadd.s32 $0xFFFFBE00  }
.LBB2_13:
0x1ea: {  	_ =	swait.ge [sflag:s23], $0xC00  }
0x1eb: {  	[sflag:s23] =	ssyncset.done $0x0  }
0x1ec: {  	[sflag:s23] =	ssyncadd.s32 $0xFFFFF400  }
.LBB2_14:
0x1ed: {  	s0 =	simm.s32 $0xAB00  }
0x1ee: {  	v0 =	vld [tilespmem:s0+$0xFFFFF880]  }
0x1ef: {  	v1 =	vld [tilespmem:s0+$0x0]  }
0x1f0: {  	v2 =	vld [tilespmem:s0+$0xFFFFFD00]  }
0x1f1: {  	v3 =	vld [tilespmem:s0+$0xFFFFFB80]  }
0x1f2: {  	v4 =	vld [tilespmem:s0+$0x300]  }
0x1f3: {  	v5 =	vld [tilespmem:s0+$0x180]  }
0x1f4: {  	v6 =	vld [tilespmem:s0+$0xFFFFFA00]  }
0x1f5: {  	v8 =	vld [tilespmem:s0+$0xFFFFFE80];
	v7 =	vshll.u32 v1, $0x10;
	v1 =	vand.u32 $0xFFFF0000, v1  }
0x1f6: {  	v9 =	vshll.u32 v0, $0x10;
	v0 =	vand.u32 $0xFFFF0000, v0;
	v10 =	vand.u32 $0xFFFF0000, v2  }
0x1f7: {  	v11 =	vld [tilespmem:s0+$0x480];
	v12 =	vshll.u32 v3, $0x10;
	v2 =	vshll.u32 v2, $0x10;
	v3 =	vand.u32 $0xFFFF0000, v3  }
0x1f8: {  	v60 =	vld [tilespmem:s0+$0x600];
	v59 =	vand.u32 $0xFFFF0000, v4;
	v13 =	vshll.u32 v5, $0x10;
	v4 =	vshll.u32 v4, $0x10  }
0x1f9: {  	v5 =	vand.u32 $0xFFFF0000, v5;
	v14 =	vshll.u32 v6, $0x10;
	v6 =	vand.u32 $0xFFFF0000, v6  }
0x1fa: {  	v15 =	vshll.u32 v8, $0x10;
	v2 =	vadd.f32 v2, v12;
	v3 =	vadd.f32 v10, v3  }
0x1fb: {  	v8 =	vand.u32 $0xFFFF0000, v8;
	v4 =	vadd.f32 v4, v13;
	v9 =	vadd.f32 v14, v9  }
0x1fc: {  	v61 =	vld [tilespmem:s0+$0x780];
	v62 =	vand.u32 $0xFFFF0000, v11;
	v0 =	vadd.f32 v6, v0;
	v7 =	vadd.f32 v7, v15  }
0x1fd: {  	v63 =	vshll.u32 v60, $0x10;
	v5 =	vadd.f32 v59, v5;
	v1 =	vadd.f32 v1, v8  }
0x1fe: {  	v6 =	vshll.u32 v11, $0x10;
	v2 =	vadd.f32 v2, v9;
	v0 =	vadd.f32 v3, v0  }
0x1ff: {  	v3 =	vadd.f32 v63, v6;
	v4 =	vadd.f32 v4, v7;
	v6 =	vand.u32 $0xFFFF0000, v60  }
0x200: {  	v6 =	vadd.f32 v6, v62  }
0x201: {  	s16 =	simm.s32 $0x0;
	v1 =	vadd.f32 v5, v1;
	v4 =	vadd.f32 v4, v2;
	v2 =	vand.u32 $0xFFFF0000, v61  }
0x202: {  	v7 =	vshll.u32 v61, $0x10;
	v5 =	vadd.f32 v2, v6;
	v2 =	vld [tilespmem:s16+$0x18180]  }
0x203: {  	v3 =	vadd.f32 v7, v3;
	v6 =	vadd.f32 v1, v0;
	v1 =	vld [tilespmem:s16+$0x18190];
	_ =	sdelay $0x1  }
0x204: {  	s14 =	simm.s32 $0x80;
	v0 =	vimm.f32 $0.0e+00;
	v4 =	vadd.f32 v3, v4;
	v3 =	vadd.f32 v5, v6  }
.LBB2_15:
0x205: {  	p0 =	sne.s32 s14, $0xB80  }
0x206: {  	v2 =	vadd.f32 v4, v2;
	s0 =	sadd.s32 $0x10, s0;
	s15 =	smov.u32 s14;
	s14 =	sadd.s32 $0x80, s14  }
0x207: {  	v4 =	vand.u32 $0x7FFFFFFF, v4;
	v5 =	vand.u32 $0x7FFFFFFF, v3;
	v1 =	vadd.f32 v3, v1  }
0x208: {  	v3 =	vmax.f32 v4, v5;
	[tilespmem:s16+$0x17580] =	vst v2  }
0x209: {  	v0 =	vmax.f32 v0, v3;
	[tilespmem:s16+$0x17590] =	vst v1  }
0x20a: {  	v1 =	vld [tilespmem:s0+$0xFFFFF880]  }
0x20b: {  	v2 =	vld [tilespmem:s0+$0x0]  }
0x20c: {  	v3 =	vld [tilespmem:s0+$0xFFFFFD00]  }
0x20d: {  	v4 =	vld [tilespmem:s0+$0xFFFFFB80]  }
0x20e: {  	v5 =	vld [tilespmem:s0+$0x300]  }
0x20f: {  	v6 =	vld [tilespmem:s0+$0x180]  }
0x210: {  	v7 =	vld [tilespmem:s0+$0xFFFFFA00];
	v8 =	vshll.u32 v2, $0x10;
	v2 =	vand.u32 $0xFFFF0000, v2  }
0x211: {  	v10 =	vshll.u32 v1, $0x10;
	v1 =	vand.u32 $0xFFFF0000, v1;
	v9 =	vld [tilespmem:s0+$0xFFFFFE80];
	v11 =	vand.u32 $0xFFFF0000, v3  }
0x212: {  	v3 =	vshll.u32 v3, $0x10;
	v12 =	vld [tilespmem:s0+$0x480];
	v13 =	vshll.u32 v4, $0x10;
	v4 =	vand.u32 $0xFFFF0000, v4  }
0x213: {  	v14 =	vld [tilespmem:s0+$0x600];
	v3 =	vadd.f32 v3, v13;
	v13 =	vand.u32 $0xFFFF0000, v5;
	v4 =	vadd.f32 v11, v4  }
0x214: {  	v5 =	vshll.u32 v5, $0x10;
	v11 =	vshll.u32 v6, $0x10;
	v6 =	vand.u32 $0xFFFF0000, v6  }
0x215: {  	v15 =	vshll.u32 v7, $0x10;
	v5 =	vadd.f32 v5, v11;
	v7 =	vand.u32 $0xFFFF0000, v7  }
0x216: {  	v11 =	vld [tilespmem:s0+$0x780];
	v16 =	vshll.u32 v9, $0x10;
	v10 =	vadd.f32 v15, v10;
	v1 =	vadd.f32 v7, v1  }
0x217: {  	v6 =	vadd.f32 v13, v6;
	v7 =	vshll.u32 v12, $0x10;
	v8 =	vadd.f32 v8, v16  }
0x218: {  	v9 =	vand.u32 $0xFFFF0000, v9;
	v3 =	vadd.f32 v3, v10;
	v10 =	vand.u32 $0xFFFF0000, v12  }
0x219: {  	v2 =	vadd.f32 v2, v9;
	v12 =	vshll.u32 v14, $0x10;
	v4 =	vadd.f32 v4, v1  }
0x21a: {  	s16 =	sshra.s32 s15, $0x2;
	v1 =	vadd.f32 v12, v7;
	v5 =	vadd.f32 v5, v8;
	v7 =	vand.u32 $0xFFFF0000, v14  }
.Ltmp7:
0x21b: {  	v6 =	vadd.f32 v6, v2;
	v7 =	vadd.f32 v7, v10;
	v8 =	vshll.u32 v11, $0x10;
	v2 =	vld [tilespmem:s16+$0x18180];
	(pc) =	sbr.rel @p0 .LBB2_15-.Ltmp7, $4  }
0x21c: {  	v3 =	vadd.f32 v5, v3;
	v5 =	vand.u32 $0xFFFF0000, v11;
	v8 =	vadd.f32 v8, v1;
	v1 =	vld [tilespmem:s16+$0x18190]  }
0x21d: {  	v6 =	vadd.f32 v6, v4;
	v5 =	vadd.f32 v5, v7  }
0x21e: {  	v4 =	vadd.f32 v8, v3  }
0x21f: {  	v3 =	vadd.f32 v5, v6  }
0x220: {  	_ = 	snop  }
0x221: {  	v5 =	vand.u32 $0x7FFFFFFF, v4;
	v6 =	vand.u32 $0x7FFFFFFF, v3  }
0x222: {  	v5 =	vmax.f32 v5, v6  }
0x223: {  	v0 =	vmax.f32 v0, v5  }
0x224: {  	(xrf0) =	vmax.scan.msk.f32 $0xffff, v0;
	_ =	sdelay $0x5  }
0x225: {  	v0, _, _ =	vpop (xrf0)  }
0x226: {  	(v2sf) =	vpush v0, $0xF;
	_ =	sdelay $0xe  }
0x227: {  	v1 =	vadd.f32 v3, v1;
	s0 =	spop (v2sf)  }
0x228: {  	v0 =	vadd.f32 v4, v2;
	p0 =	sne.f32 s0, $0.0e+00  }
0x229: {  	[tilespmem:s16+$0x17590] =	vst v1  }
0x22a: {  	[tilespmem:s16+$0x17580] =	vst v0;
	v0 =	vimm.f32 @!p0 $0.0e+00  }
0x22b: {  	[tilespmem:$0x17580] =	vst @!p0 v0  }
0x22c: {  	[tilespmem:$0x17590] =	vst @!p0 v0  }
0x22d: {  	[tilespmem:$0x175A0] =	vst @!p0 v0  }
0x22e: {  	[tilespmem:$0x175B0] =	vst @!p0 v0  }
0x22f: {  	[tilespmem:$0x175C0] =	vst @!p0 v0  }
0x230: {  	[tilespmem:$0x175D0] =	vst @!p0 v0  }
0x231: {  	[tilespmem:$0x175E0] =	vst @!p0 v0  }
0x232: {  	[tilespmem:$0x175F0] =	vst @!p0 v0  }
0x233: {  	[tilespmem:$0x17600] =	vst @!p0 v0  }
0x234: {  	[tilespmem:$0x17610] =	vst @!p0 v0  }
0x235: {  	[tilespmem:$0x17620] =	vst @!p0 v0  }
0x236: {  	[tilespmem:$0x17630] =	vst @!p0 v0  }
0x237: {  	[tilespmem:$0x17640] =	vst @!p0 v0  }
0x238: {  	[tilespmem:$0x17650] =	vst @!p0 v0  }
0x239: {  	[tilespmem:$0x17660] =	vst @!p0 v0  }
0x23a: {  	[tilespmem:$0x17670] =	vst @!p0 v0  }
0x23b: {  	[tilespmem:$0x17680] =	vst @!p0 v0  }
0x23c: {  	[tilespmem:$0x17690] =	vst @!p0 v0  }
0x23d: {  	[tilespmem:$0x176A0] =	vst @!p0 v0  }
0x23e: {  	[tilespmem:$0x176B0] =	vst @!p0 v0  }
0x23f: {  	[tilespmem:$0x176C0] =	vst @!p0 v0  }
0x240: {  	[tilespmem:$0x176D0] =	vst @!p0 v0  }
0x241: {  	[tilespmem:$0x176E0] =	vst @!p0 v0  }
0x242: {  	[tilespmem:$0x176F0] =	vst @!p0 v0  }
0x243: {  	[tilespmem:$0x17700] =	vst @!p0 v0  }
0x244: {  	[tilespmem:$0x17710] =	vst @!p0 v0  }
0x245: {  	[tilespmem:$0x17720] =	vst @!p0 v0  }
0x246: {  	[tilespmem:$0x17730] =	vst @!p0 v0  }
0x247: {  	[tilespmem:$0x17740] =	vst @!p0 v0  }
0x248: {  	[tilespmem:$0x17750] =	vst @!p0 v0  }
0x249: {  	[tilespmem:$0x17760] =	vst @!p0 v0  }
0x24a: {  	[tilespmem:$0x17770] =	vst @!p0 v0  }
0x24b: {  	[tilespmem:$0x17780] =	vst @!p0 v0  }
0x24c: {  	[tilespmem:$0x17790] =	vst @!p0 v0  }
0x24d: {  	[tilespmem:$0x177A0] =	vst @!p0 v0  }
0x24e: {  	[tilespmem:$0x177B0] =	vst @!p0 v0  }
0x24f: {  	[tilespmem:$0x177C0] =	vst @!p0 v0  }
0x250: {  	[tilespmem:$0x177D0] =	vst @!p0 v0  }
0x251: {  	[tilespmem:$0x177E0] =	vst @!p0 v0  }
0x252: {  	[tilespmem:$0x177F0] =	vst @!p0 v0  }
0x253: {  	[tilespmem:$0x17800] =	vst @!p0 v0  }
0x254: {  	[tilespmem:$0x17810] =	vst @!p0 v0  }
0x255: {  	[tilespmem:$0x17820] =	vst @!p0 v0  }
0x256: {  	[tilespmem:$0x17830] =	vst @!p0 v0  }
0x257: {  	[tilespmem:$0x17840] =	vst @!p0 v0  }
0x258: {  	[tilespmem:$0x17850] =	vst @!p0 v0  }
0x259: {  	[tilespmem:$0x17860] =	vst @!p0 v0  }
0x25a: {  	s0 =	simm.s32 $0xB400;
	[tilespmem:$0x17870] =	vst @!p0 v0  }
0x25b: {  	v0 =	vld [tilespmem:s0+$0x0]  }
0x25c: {  	v1 =	vld [tilespmem:s0+$0x780]  }
0x25d: {  	v2 =	vld [tilespmem:s0+$0x480]  }
0x25e: {  	v3 =	vld [tilespmem:s0+$0x300]  }
0x25f: {  	v4 =	vld [tilespmem:s0+$0xA80]  }
0x260: {  	v5 =	vld [tilespmem:s0+$0x900]  }
0x261: {  	v6 =	vld [tilespmem:s0+$0x180]  }
0x262: {  	v8 =	vld [tilespmem:s0+$0x600];
	v7 =	vshll.u32 v1, $0x10;
	v1 =	vand.u32 $0xFFFF0000, v1  }
0x263: {  	v9 =	vshll.u32 v0, $0x10;
	v0 =	vand.u32 $0xFFFF0000, v0;
	v10 =	vand.u32 $0xFFFF0000, v2  }
0x264: {  	v11 =	vld [tilespmem:s0+$0xC00];
	v12 =	vshll.u32 v3, $0x10;
	v2 =	vshll.u32 v2, $0x10;
	v3 =	vand.u32 $0xFFFF0000, v3  }
0x265: {  	v60 =	vld [tilespmem:s0+$0xD80];
	v59 =	vand.u32 $0xFFFF0000, v4;
	v13 =	vshll.u32 v5, $0x10;
	v4 =	vshll.u32 v4, $0x10  }
0x266: {  	v5 =	vand.u32 $0xFFFF0000, v5;
	v14 =	vshll.u32 v6, $0x10;
	v6 =	vand.u32 $0xFFFF0000, v6  }
0x267: {  	v15 =	vshll.u32 v8, $0x10;
	v2 =	vadd.f32 v2, v12;
	v3 =	vadd.f32 v10, v3  }
0x268: {  	v8 =	vand.u32 $0xFFFF0000, v8;
	v4 =	vadd.f32 v4, v13;
	v9 =	vadd.f32 v14, v9  }
0x269: {  	v61 =	vld [tilespmem:s0+$0xF00];
	v62 =	vand.u32 $0xFFFF0000, v11;
	v0 =	vadd.f32 v6, v0;
	v7 =	vadd.f32 v7, v15  }
0x26a: {  	v63 =	vshll.u32 v60, $0x10;
	v5 =	vadd.f32 v59, v5;
	v1 =	vadd.f32 v1, v8  }
0x26b: {  	v6 =	vshll.u32 v11, $0x10;
	v2 =	vadd.f32 v2, v9;
	v0 =	vadd.f32 v3, v0  }
0x26c: {  	v3 =	vadd.f32 v63, v6;
	v4 =	vadd.f32 v4, v7;
	v6 =	vand.u32 $0xFFFF0000, v60  }
0x26d: {  	v6 =	vadd.f32 v6, v62  }
0x26e: {  	s16 =	simm.s32 $0x0;
	v1 =	vadd.f32 v5, v1;
	v4 =	vadd.f32 v4, v2;
	v2 =	vand.u32 $0xFFFF0000, v61  }
0x26f: {  	v7 =	vshll.u32 v61, $0x10;
	v5 =	vadd.f32 v2, v6;
	v2 =	vld [tilespmem:s16+$0x18180]  }
0x270: {  	v3 =	vadd.f32 v7, v3;
	v6 =	vadd.f32 v1, v0;
	v1 =	vld [tilespmem:s16+$0x18190];
	_ =	sdelay $0x1  }
0x271: {  	s14 =	simm.s32 $0x80;
	v0 =	vimm.f32 $0.0e+00;
	v4 =	vadd.f32 v3, v4;
	v3 =	vadd.f32 v5, v6  }
.LBB2_17:
0x272: {  	p0 =	sne.s32 s14, $0xB80  }
0x273: {  	v2 =	vadd.f32 v4, v2;
	s0 =	sadd.s32 $0x10, s0;
	s15 =	smov.u32 s14;
	s14 =	sadd.s32 $0x80, s14  }
0x274: {  	v4 =	vand.u32 $0x7FFFFFFF, v4;
	v5 =	vand.u32 $0x7FFFFFFF, v3;
	v1 =	vadd.f32 v3, v1  }
0x275: {  	v3 =	vmax.f32 v4, v5;
	[tilespmem:s16+$0x17880] =	vst v2  }
0x276: {  	v0 =	vmax.f32 v0, v3;
	[tilespmem:s16+$0x17890] =	vst v1  }
0x277: {  	v1 =	vld [tilespmem:s0+$0x0]  }
0x278: {  	v2 =	vld [tilespmem:s0+$0x780]  }
0x279: {  	v3 =	vld [tilespmem:s0+$0x480]  }
0x27a: {  	v4 =	vld [tilespmem:s0+$0x300]  }
0x27b: {  	v5 =	vld [tilespmem:s0+$0xA80]  }
0x27c: {  	v6 =	vld [tilespmem:s0+$0x900]  }
0x27d: {  	v7 =	vld [tilespmem:s0+$0x180];
	v8 =	vshll.u32 v2, $0x10;
	v2 =	vand.u32 $0xFFFF0000, v2  }
0x27e: {  	v10 =	vshll.u32 v1, $0x10;
	v1 =	vand.u32 $0xFFFF0000, v1;
	v9 =	vld [tilespmem:s0+$0x600];
	v11 =	vand.u32 $0xFFFF0000, v3  }
0x27f: {  	v3 =	vshll.u32 v3, $0x10;
	v12 =	vld [tilespmem:s0+$0xC00];
	v13 =	vshll.u32 v4, $0x10;
	v4 =	vand.u32 $0xFFFF0000, v4  }
0x280: {  	v14 =	vld [tilespmem:s0+$0xD80];
	v3 =	vadd.f32 v3, v13;
	v13 =	vand.u32 $0xFFFF0000, v5;
	v4 =	vadd.f32 v11, v4  }
0x281: {  	v5 =	vshll.u32 v5, $0x10;
	v11 =	vshll.u32 v6, $0x10;
	v6 =	vand.u32 $0xFFFF0000, v6  }
0x282: {  	v15 =	vshll.u32 v7, $0x10;
	v5 =	vadd.f32 v5, v11;
	v7 =	vand.u32 $0xFFFF0000, v7  }
0x283: {  	v11 =	vld [tilespmem:s0+$0xF00];
	v16 =	vshll.u32 v9, $0x10;
	v10 =	vadd.f32 v15, v10;
	v1 =	vadd.f32 v7, v1  }
0x284: {  	v6 =	vadd.f32 v13, v6;
	v7 =	vshll.u32 v12, $0x10;
	v8 =	vadd.f32 v8, v16  }
0x285: {  	v9 =	vand.u32 $0xFFFF0000, v9;
	v3 =	vadd.f32 v3, v10;
	v10 =	vand.u32 $0xFFFF0000, v12  }
0x286: {  	v2 =	vadd.f32 v2, v9;
	v12 =	vshll.u32 v14, $0x10;
	v4 =	vadd.f32 v4, v1  }
0x287: {  	s16 =	sshra.s32 s15, $0x2;
	v1 =	vadd.f32 v12, v7;
	v5 =	vadd.f32 v5, v8;
	v7 =	vand.u32 $0xFFFF0000, v14  }
.Ltmp8:
0x288: {  	v6 =	vadd.f32 v6, v2;
	v7 =	vadd.f32 v7, v10;
	v8 =	vshll.u32 v11, $0x10;
	v2 =	vld [tilespmem:s16+$0x18180];
	(pc) =	sbr.rel @p0 .LBB2_17-.Ltmp8, $4  }
0x289: {  	v3 =	vadd.f32 v5, v3;
	v5 =	vand.u32 $0xFFFF0000, v11;
	v8 =	vadd.f32 v8, v1;
	v1 =	vld [tilespmem:s16+$0x18190]  }
0x28a: {  	v6 =	vadd.f32 v6, v4;
	v5 =	vadd.f32 v5, v7  }
0x28b: {  	v4 =	vadd.f32 v8, v3  }
0x28c: {  	v3 =	vadd.f32 v5, v6  }
0x28d: {  	_ = 	snop  }
0x28e: {  	v5 =	vand.u32 $0x7FFFFFFF, v4;
	v6 =	vand.u32 $0x7FFFFFFF, v3  }
0x28f: {  	v5 =	vmax.f32 v5, v6  }
0x290: {  	v0 =	vmax.f32 v0, v5  }
0x291: {  	(xrf0) =	vmax.scan.msk.f32 $0xffff, v0;
	_ =	sdelay $0x5  }
0x292: {  	v0, _, _ =	vpop (xrf0)  }
0x293: {  	(v2sf) =	vpush v0, $0xF;
	_ =	sdelay $0xe  }
0x294: {  	v1 =	vadd.f32 v3, v1;
	s0 =	spop (v2sf)  }
0x295: {  	v0 =	vadd.f32 v4, v2;
	p0 =	sne.f32 s0, $0.0e+00  }
0x296: {  	[tilespmem:s16+$0x17890] =	vst v1  }
0x297: {  	[tilespmem:s16+$0x17880] =	vst v0;
	v0 =	vimm.f32 @!p0 $0.0e+00  }
0x298: {  	[tilespmem:$0x17880] =	vst @!p0 v0  }
0x299: {  	[tilespmem:$0x17890] =	vst @!p0 v0  }
0x29a: {  	[tilespmem:$0x178A0] =	vst @!p0 v0  }
0x29b: {  	[tilespmem:$0x178B0] =	vst @!p0 v0  }
0x29c: {  	[tilespmem:$0x178C0] =	vst @!p0 v0  }
0x29d: {  	[tilespmem:$0x178D0] =	vst @!p0 v0  }
0x29e: {  	[tilespmem:$0x178E0] =	vst @!p0 v0  }
0x29f: {  	[tilespmem:$0x178F0] =	vst @!p0 v0  }
0x2a0: {  	[tilespmem:$0x17900] =	vst @!p0 v0  }
0x2a1: {  	[tilespmem:$0x17910] =	vst @!p0 v0  }
0x2a2: {  	[tilespmem:$0x17920] =	vst @!p0 v0  }
0x2a3: {  	[tilespmem:$0x17930] =	vst @!p0 v0  }
0x2a4: {  	[tilespmem:$0x17940] =	vst @!p0 v0  }
0x2a5: {  	[tilespmem:$0x17950] =	vst @!p0 v0  }
0x2a6: {  	[tilespmem:$0x17960] =	vst @!p0 v0  }
0x2a7: {  	[tilespmem:$0x17970] =	vst @!p0 v0  }
0x2a8: {  	[tilespmem:$0x17980] =	vst @!p0 v0  }
0x2a9: {  	[tilespmem:$0x17990] =	vst @!p0 v0  }
0x2aa: {  	[tilespmem:$0x179A0] =	vst @!p0 v0  }
0x2ab: {  	[tilespmem:$0x179B0] =	vst @!p0 v0  }
0x2ac: {  	[tilespmem:$0x179C0] =	vst @!p0 v0  }
0x2ad: {  	[tilespmem:$0x179D0] =	vst @!p0 v0  }
0x2ae: {  	[tilespmem:$0x179E0] =	vst @!p0 v0  }
0x2af: {  	[tilespmem:$0x179F0] =	vst @!p0 v0  }
0x2b0: {  	[tilespmem:$0x17A00] =	vst @!p0 v0  }
0x2b1: {  	[tilespmem:$0x17A10] =	vst @!p0 v0  }
0x2b2: {  	[tilespmem:$0x17A20] =	vst @!p0 v0  }
0x2b3: {  	[tilespmem:$0x17A30] =	vst @!p0 v0  }
0x2b4: {  	[tilespmem:$0x17A40] =	vst @!p0 v0  }
0x2b5: {  	[tilespmem:$0x17A50] =	vst @!p0 v0  }
0x2b6: {  	[tilespmem:$0x17A60] =	vst @!p0 v0  }
0x2b7: {  	[tilespmem:$0x17A70] =	vst @!p0 v0  }
0x2b8: {  	[tilespmem:$0x17A80] =	vst @!p0 v0  }
0x2b9: {  	[tilespmem:$0x17A90] =	vst @!p0 v0  }
0x2ba: {  	[tilespmem:$0x17AA0] =	vst @!p0 v0  }
0x2bb: {  	[tilespmem:$0x17AB0] =	vst @!p0 v0  }
0x2bc: {  	[tilespmem:$0x17AC0] =	vst @!p0 v0  }
0x2bd: {  	[tilespmem:$0x17AD0] =	vst @!p0 v0  }
0x2be: {  	[tilespmem:$0x17AE0] =	vst @!p0 v0  }
0x2bf: {  	[tilespmem:$0x17AF0] =	vst @!p0 v0  }
0x2c0: {  	[tilespmem:$0x17B00] =	vst @!p0 v0  }
0x2c1: {  	[tilespmem:$0x17B10] =	vst @!p0 v0  }
0x2c2: {  	[tilespmem:$0x17B20] =	vst @!p0 v0  }
0x2c3: {  	[tilespmem:$0x17B30] =	vst @!p0 v0  }
0x2c4: {  	[tilespmem:$0x17B40] =	vst @!p0 v0  }
0x2c5: {  	[tilespmem:$0x17B50] =	vst @!p0 v0  }
0x2c6: {  	[tilespmem:$0x17B60] =	vst @!p0 v0  }
0x2c7: {  	s0 =	simm.s32 $0xC480;
	[tilespmem:$0x17B70] =	vst @!p0 v0  }
0x2c8: {  	v0 =	vld [tilespmem:s0+$0x0]  }
0x2c9: {  	v1 =	vld [tilespmem:s0+$0x780]  }
0x2ca: {  	v2 =	vld [tilespmem:s0+$0x480]  }
0x2cb: {  	v3 =	vld [tilespmem:s0+$0x300]  }
0x2cc: {  	v4 =	vld [tilespmem:s0+$0xA80]  }
0x2cd: {  	v5 =	vld [tilespmem:s0+$0x900]  }
0x2ce: {  	v6 =	vld [tilespmem:s0+$0x180]  }
0x2cf: {  	v8 =	vld [tilespmem:s0+$0x600];
	v7 =	vshll.u32 v1, $0x10;
	v1 =	vand.u32 $0xFFFF0000, v1  }
0x2d0: {  	v9 =	vshll.u32 v0, $0x10;
	v0 =	vand.u32 $0xFFFF0000, v0;
	v10 =	vand.u32 $0xFFFF0000, v2  }
0x2d1: {  	v11 =	vld [tilespmem:s0+$0xC00];
	v12 =	vshll.u32 v3, $0x10;
	v2 =	vshll.u32 v2, $0x10;
	v3 =	vand.u32 $0xFFFF0000, v3  }
0x2d2: {  	v60 =	vld [tilespmem:s0+$0xD80];
	v59 =	vand.u32 $0xFFFF0000, v4;
	v13 =	vshll.u32 v5, $0x10;
	v4 =	vshll.u32 v4, $0x10  }
0x2d3: {  	v5 =	vand.u32 $0xFFFF0000, v5;
	v14 =	vshll.u32 v6, $0x10;
	v6 =	vand.u32 $0xFFFF0000, v6  }
0x2d4: {  	v15 =	vshll.u32 v8, $0x10;
	v2 =	vadd.f32 v2, v12;
	v3 =	vadd.f32 v10, v3  }
0x2d5: {  	v8 =	vand.u32 $0xFFFF0000, v8;
	v4 =	vadd.f32 v4, v13;
	v9 =	vadd.f32 v14, v9  }
0x2d6: {  	v61 =	vld [tilespmem:s0+$0xF00];
	v62 =	vand.u32 $0xFFFF0000, v11;
	v0 =	vadd.f32 v6, v0;
	v7 =	vadd.f32 v7, v15  }
0x2d7: {  	v63 =	vshll.u32 v60, $0x10;
	v5 =	vadd.f32 v59, v5;
	v1 =	vadd.f32 v1, v8  }
0x2d8: {  	v6 =	vshll.u32 v11, $0x10;
	v2 =	vadd.f32 v2, v9;
	v0 =	vadd.f32 v3, v0  }
0x2d9: {  	v3 =	vadd.f32 v63, v6;
	v4 =	vadd.f32 v4, v7;
	v6 =	vand.u32 $0xFFFF0000, v60  }
0x2da: {  	v6 =	vadd.f32 v6, v62  }
0x2db: {  	s16 =	simm.s32 $0x0;
	v1 =	vadd.f32 v5, v1;
	v4 =	vadd.f32 v4, v2;
	v2 =	vand.u32 $0xFFFF0000, v61  }
0x2dc: {  	v7 =	vshll.u32 v61, $0x10;
	v5 =	vadd.f32 v2, v6;
	v2 =	vld [tilespmem:s16+$0x18180]  }
0x2dd: {  	v3 =	vadd.f32 v7, v3;
	v6 =	vadd.f32 v1, v0;
	v1 =	vld [tilespmem:s16+$0x18190];
	_ =	sdelay $0x1  }
0x2de: {  	s14 =	simm.s32 $0x80;
	v0 =	vimm.f32 $0.0e+00;
	v4 =	vadd.f32 v3, v4;
	v3 =	vadd.f32 v5, v6  }
.LBB2_19:
0x2df: {  	p0 =	sne.s32 s14, $0xB80  }
0x2e0: {  	v2 =	vadd.f32 v4, v2;
	s0 =	sadd.s32 $0x10, s0;
	s15 =	smov.u32 s14;
	s14 =	sadd.s32 $0x80, s14  }
0x2e1: {  	v4 =	vand.u32 $0x7FFFFFFF, v4;
	v5 =	vand.u32 $0x7FFFFFFF, v3;
	v1 =	vadd.f32 v3, v1  }
0x2e2: {  	v3 =	vmax.f32 v4, v5;
	[tilespmem:s16+$0x17B80] =	vst v2  }
0x2e3: {  	v0 =	vmax.f32 v0, v3;
	[tilespmem:s16+$0x17B90] =	vst v1  }
0x2e4: {  	v1 =	vld [tilespmem:s0+$0x0]  }
0x2e5: {  	v2 =	vld [tilespmem:s0+$0x780]  }
0x2e6: {  	v3 =	vld [tilespmem:s0+$0x480]  }
0x2e7: {  	v4 =	vld [tilespmem:s0+$0x300]  }
0x2e8: {  	v5 =	vld [tilespmem:s0+$0xA80]  }
0x2e9: {  	v6 =	vld [tilespmem:s0+$0x900]  }
0x2ea: {  	v7 =	vld [tilespmem:s0+$0x180];
	v8 =	vshll.u32 v2, $0x10;
	v2 =	vand.u32 $0xFFFF0000, v2  }
0x2eb: {  	v10 =	vshll.u32 v1, $0x10;
	v1 =	vand.u32 $0xFFFF0000, v1;
	v9 =	vld [tilespmem:s0+$0x600];
	v11 =	vand.u32 $0xFFFF0000, v3  }
0x2ec: {  	v3 =	vshll.u32 v3, $0x10;
	v12 =	vld [tilespmem:s0+$0xC00];
	v13 =	vshll.u32 v4, $0x10;
	v4 =	vand.u32 $0xFFFF0000, v4  }
0x2ed: {  	v14 =	vld [tilespmem:s0+$0xD80];
	v3 =	vadd.f32 v3, v13;
	v13 =	vand.u32 $0xFFFF0000, v5;
	v4 =	vadd.f32 v11, v4  }
0x2ee: {  	v5 =	vshll.u32 v5, $0x10;
	v11 =	vshll.u32 v6, $0x10;
	v6 =	vand.u32 $0xFFFF0000, v6  }
0x2ef: {  	v15 =	vshll.u32 v7, $0x10;
	v5 =	vadd.f32 v5, v11;
	v7 =	vand.u32 $0xFFFF0000, v7  }
0x2f0: {  	v11 =	vld [tilespmem:s0+$0xF00];
	v16 =	vshll.u32 v9, $0x10;
	v10 =	vadd.f32 v15, v10;
	v1 =	vadd.f32 v7, v1  }
0x2f1: {  	v6 =	vadd.f32 v13, v6;
	v7 =	vshll.u32 v12, $0x10;
	v8 =	vadd.f32 v8, v16  }
0x2f2: {  	v9 =	vand.u32 $0xFFFF0000, v9;
	v3 =	vadd.f32 v3, v10;
	v10 =	vand.u32 $0xFFFF0000, v12  }
0x2f3: {  	v2 =	vadd.f32 v2, v9;
	v12 =	vshll.u32 v14, $0x10;
	v4 =	vadd.f32 v4, v1  }
0x2f4: {  	s16 =	sshra.s32 s15, $0x2;
	v1 =	vadd.f32 v12, v7;
	v5 =	vadd.f32 v5, v8;
	v7 =	vand.u32 $0xFFFF0000, v14  }
.Ltmp9:
0x2f5: {  	v6 =	vadd.f32 v6, v2;
	v7 =	vadd.f32 v7, v10;
	v8 =	vshll.u32 v11, $0x10;
	v2 =	vld [tilespmem:s16+$0x18180];
	(pc) =	sbr.rel @p0 .LBB2_19-.Ltmp9, $4  }
0x2f6: {  	v3 =	vadd.f32 v5, v3;
	v5 =	vand.u32 $0xFFFF0000, v11;
	v8 =	vadd.f32 v8, v1;
	v1 =	vld [tilespmem:s16+$0x18190]  }
0x2f7: {  	v6 =	vadd.f32 v6, v4;
	v5 =	vadd.f32 v5, v7  }
0x2f8: {  	v4 =	vadd.f32 v8, v3  }
0x2f9: {  	v3 =	vadd.f32 v5, v6  }
0x2fa: {  	_ = 	snop  }
0x2fb: {  	v5 =	vand.u32 $0x7FFFFFFF, v4;
	v6 =	vand.u32 $0x7FFFFFFF, v3  }
0x2fc: {  	v5 =	vmax.f32 v5, v6  }
0x2fd: {  	v0 =	vmax.f32 v0, v5  }
0x2fe: {  	(xrf0) =	vmax.scan.msk.f32 $0xffff, v0;
	_ =	sdelay $0x5  }
0x2ff: {  	v0, _, _ =	vpop (xrf0)  }
0x300: {  	(v2sf) =	vpush v0, $0xF;
	_ =	sdelay $0xe  }
0x301: {  	v1 =	vadd.f32 v3, v1;
	s0 =	spop (v2sf)  }
0x302: {  	v0 =	vadd.f32 v4, v2;
	p0 =	sne.f32 s0, $0.0e+00  }
0x303: {  	[tilespmem:s16+$0x17B90] =	vst v1  }
0x304: {  	[tilespmem:s16+$0x17B80] =	vst v0;
	v0 =	vimm.f32 @!p0 $0.0e+00  }
0x305: {  	[tilespmem:$0x17B80] =	vst @!p0 v0  }
0x306: {  	[tilespmem:$0x17B90] =	vst @!p0 v0  }
0x307: {  	[tilespmem:$0x17BA0] =	vst @!p0 v0  }
0x308: {  	[tilespmem:$0x17BB0] =	vst @!p0 v0  }
0x309: {  	[tilespmem:$0x17BC0] =	vst @!p0 v0  }
0x30a: {  	[tilespmem:$0x17BD0] =	vst @!p0 v0  }
0x30b: {  	[tilespmem:$0x17BE0] =	vst @!p0 v0  }
0x30c: {  	[tilespmem:$0x17BF0] =	vst @!p0 v0  }
0x30d: {  	[tilespmem:$0x17C00] =	vst @!p0 v0  }
0x30e: {  	[tilespmem:$0x17C10] =	vst @!p0 v0  }
0x30f: {  	[tilespmem:$0x17C20] =	vst @!p0 v0  }
0x310: {  	[tilespmem:$0x17C30] =	vst @!p0 v0  }
0x311: {  	[tilespmem:$0x17C40] =	vst @!p0 v0  }
0x312: {  	[tilespmem:$0x17C50] =	vst @!p0 v0  }
0x313: {  	[tilespmem:$0x17C60] =	vst @!p0 v0  }
0x314: {  	[tilespmem:$0x17C70] =	vst @!p0 v0  }
0x315: {  	[tilespmem:$0x17C80] =	vst @!p0 v0  }
0x316: {  	[tilespmem:$0x17C90] =	vst @!p0 v0  }
0x317: {  	[tilespmem:$0x17CA0] =	vst @!p0 v0  }
0x318: {  	[tilespmem:$0x17CB0] =	vst @!p0 v0  }
0x319: {  	[tilespmem:$0x17CC0] =	vst @!p0 v0  }
0x31a: {  	[tilespmem:$0x17CD0] =	vst @!p0 v0  }
0x31b: {  	[tilespmem:$0x17CE0] =	vst @!p0 v0  }
0x31c: {  	[tilespmem:$0x17CF0] =	vst @!p0 v0  }
0x31d: {  	[tilespmem:$0x17D00] =	vst @!p0 v0  }
0x31e: {  	[tilespmem:$0x17D10] =	vst @!p0 v0  }
0x31f: {  	[tilespmem:$0x17D20] =	vst @!p0 v0  }
0x320: {  	[tilespmem:$0x17D30] =	vst @!p0 v0  }
0x321: {  	[tilespmem:$0x17D40] =	vst @!p0 v0  }
0x322: {  	[tilespmem:$0x17D50] =	vst @!p0 v0  }
0x323: {  	[tilespmem:$0x17D60] =	vst @!p0 v0  }
0x324: {  	[tilespmem:$0x17D70] =	vst @!p0 v0  }
0x325: {  	[tilespmem:$0x17D80] =	vst @!p0 v0  }
0x326: {  	[tilespmem:$0x17D90] =	vst @!p0 v0  }
0x327: {  	[tilespmem:$0x17DA0] =	vst @!p0 v0  }
0x328: {  	[tilespmem:$0x17DB0] =	vst @!p0 v0  }
0x329: {  	[tilespmem:$0x17DC0] =	vst @!p0 v0  }
0x32a: {  	[tilespmem:$0x17DD0] =	vst @!p0 v0  }
0x32b: {  	[tilespmem:$0x17DE0] =	vst @!p0 v0  }
0x32c: {  	[tilespmem:$0x17DF0] =	vst @!p0 v0  }
0x32d: {  	[tilespmem:$0x17E00] =	vst @!p0 v0  }
0x32e: {  	[tilespmem:$0x17E10] =	vst @!p0 v0  }
0x32f: {  	[tilespmem:$0x17E20] =	vst @!p0 v0  }
0x330: {  	[tilespmem:$0x17E30] =	vst @!p0 v0  }
0x331: {  	[tilespmem:$0x17E40] =	vst @!p0 v0  }
0x332: {  	[tilespmem:$0x17E50] =	vst @!p0 v0  }
0x333: {  	[tilespmem:$0x17E60] =	vst @!p0 v0  }
0x334: {  	s0 =	simm.s32 $0xE400;
	[tilespmem:$0x17E70] =	vst @!p0 v0  }
0x335: {  	v0 =	vld [tilespmem:s0+$0xFFFFF100]  }
0x336: {  	v1 =	vld [tilespmem:s0+$0xFFFFF880]  }
0x337: {  	v2 =	vld [tilespmem:s0+$0xFFFFF580]  }
0x338: {  	v3 =	vld [tilespmem:s0+$0xFFFFF400]  }
0x339: {  	v4 =	vld [tilespmem:s0+$0xFFFFFB80]  }
0x33a: {  	v5 =	vld [tilespmem:s0+$0xFFFFFA00]  }
0x33b: {  	v6 =	vld [tilespmem:s0+$0xFFFFF280]  }
0x33c: {  	v8 =	vld [tilespmem:s0+$0xFFFFF700];
	v7 =	vshll.u32 v1, $0x10;
	v1 =	vand.u32 $0xFFFF0000, v1  }
0x33d: {  	v9 =	vshll.u32 v0, $0x10;
	v0 =	vand.u32 $0xFFFF0000, v0;
	v10 =	vand.u32 $0xFFFF0000, v2  }
0x33e: {  	v11 =	vld [tilespmem:s0+$0xFFFFFD00];
	v12 =	vshll.u32 v3, $0x10;
	v2 =	vshll.u32 v2, $0x10;
	v3 =	vand.u32 $0xFFFF0000, v3  }
0x33f: {  	v60 =	vld [tilespmem:s0+$0xFFFFFE80];
	v59 =	vand.u32 $0xFFFF0000, v4;
	v13 =	vshll.u32 v5, $0x10;
	v4 =	vshll.u32 v4, $0x10  }
0x340: {  	v5 =	vand.u32 $0xFFFF0000, v5;
	v14 =	vshll.u32 v6, $0x10;
	v6 =	vand.u32 $0xFFFF0000, v6  }
0x341: {  	v15 =	vshll.u32 v8, $0x10;
	v2 =	vadd.f32 v2, v12;
	v3 =	vadd.f32 v10, v3  }
0x342: {  	v8 =	vand.u32 $0xFFFF0000, v8;
	v4 =	vadd.f32 v4, v13;
	v9 =	vadd.f32 v14, v9  }
0x343: {  	v61 =	vld [tilespmem:s0+$0x0];
	v62 =	vand.u32 $0xFFFF0000, v11;
	v0 =	vadd.f32 v6, v0;
	v7 =	vadd.f32 v7, v15  }
0x344: {  	v63 =	vshll.u32 v60, $0x10;
	v5 =	vadd.f32 v59, v5;
	v1 =	vadd.f32 v1, v8  }
0x345: {  	v6 =	vshll.u32 v11, $0x10;
	v2 =	vadd.f32 v2, v9;
	v0 =	vadd.f32 v3, v0  }
0x346: {  	v3 =	vadd.f32 v63, v6;
	v4 =	vadd.f32 v4, v7;
	v6 =	vand.u32 $0xFFFF0000, v60  }
0x347: {  	v6 =	vadd.f32 v6, v62  }
0x348: {  	s16 =	simm.s32 $0x0;
	v1 =	vadd.f32 v5, v1;
	v4 =	vadd.f32 v4, v2;
	v2 =	vand.u32 $0xFFFF0000, v61  }
0x349: {  	v7 =	vshll.u32 v61, $0x10;
	v5 =	vadd.f32 v2, v6;
	v2 =	vld [tilespmem:s16+$0x18180]  }
0x34a: {  	v3 =	vadd.f32 v7, v3;
	v6 =	vadd.f32 v1, v0;
	v1 =	vld [tilespmem:s16+$0x18190];
	_ =	sdelay $0x1  }
0x34b: {  	s14 =	simm.s32 $0x80;
	v0 =	vimm.f32 $0.0e+00;
	v4 =	vadd.f32 v3, v4;
	v3 =	vadd.f32 v5, v6  }
.LBB2_21:
0x34c: {  	p0 =	sne.s32 s14, $0xB80  }
0x34d: {  	v2 =	vadd.f32 v4, v2;
	s0 =	sadd.s32 $0x10, s0;
	s15 =	smov.u32 s14;
	s14 =	sadd.s32 $0x80, s14  }
0x34e: {  	v4 =	vand.u32 $0x7FFFFFFF, v4;
	v5 =	vand.u32 $0x7FFFFFFF, v3;
	v1 =	vadd.f32 v3, v1  }
0x34f: {  	v3 =	vmax.f32 v4, v5;
	[tilespmem:s16+$0x17E80] =	vst v2  }
0x350: {  	v0 =	vmax.f32 v0, v3;
	[tilespmem:s16+$0x17E90] =	vst v1  }
0x351: {  	v1 =	vld [tilespmem:s0+$0xFFFFF100]  }
0x352: {  	v2 =	vld [tilespmem:s0+$0xFFFFF880]  }
0x353: {  	v3 =	vld [tilespmem:s0+$0xFFFFF580]  }
0x354: {  	v4 =	vld [tilespmem:s0+$0xFFFFF400]  }
0x355: {  	v5 =	vld [tilespmem:s0+$0xFFFFFB80]  }
0x356: {  	v6 =	vld [tilespmem:s0+$0xFFFFFA00]  }
0x357: {  	v7 =	vld [tilespmem:s0+$0xFFFFF280];
	v8 =	vshll.u32 v2, $0x10;
	v2 =	vand.u32 $0xFFFF0000, v2  }
0x358: {  	v10 =	vshll.u32 v1, $0x10;
	v1 =	vand.u32 $0xFFFF0000, v1;
	v9 =	vld [tilespmem:s0+$0xFFFFF700];
	v11 =	vand.u32 $0xFFFF0000, v3  }
0x359: {  	v3 =	vshll.u32 v3, $0x10;
	v12 =	vld [tilespmem:s0+$0xFFFFFD00];
	v13 =	vshll.u32 v4, $0x10;
	v4 =	vand.u32 $0xFFFF0000, v4  }
0x35a: {  	v14 =	vld [tilespmem:s0+$0xFFFFFE80];
	v3 =	vadd.f32 v3, v13;
	v13 =	vand.u32 $0xFFFF0000, v5;
	v4 =	vadd.f32 v11, v4  }
0x35b: {  	v5 =	vshll.u32 v5, $0x10;
	v11 =	vshll.u32 v6, $0x10;
	v6 =	vand.u32 $0xFFFF0000, v6  }
0x35c: {  	v15 =	vshll.u32 v7, $0x10;
	v5 =	vadd.f32 v5, v11;
	v7 =	vand.u32 $0xFFFF0000, v7  }
0x35d: {  	v11 =	vld [tilespmem:s0+$0x0];
	v16 =	vshll.u32 v9, $0x10;
	v10 =	vadd.f32 v15, v10;
	v1 =	vadd.f32 v7, v1  }
0x35e: {  	v6 =	vadd.f32 v13, v6;
	v7 =	vshll.u32 v12, $0x10;
	v8 =	vadd.f32 v8, v16  }
0x35f: {  	v9 =	vand.u32 $0xFFFF0000, v9;
	v3 =	vadd.f32 v3, v10;
	v10 =	vand.u32 $0xFFFF0000, v12  }
0x360: {  	v2 =	vadd.f32 v2, v9;
	v12 =	vshll.u32 v14, $0x10;
	v4 =	vadd.f32 v4, v1  }
0x361: {  	s16 =	sshra.s32 s15, $0x2;
	v1 =	vadd.f32 v12, v7;
	v5 =	vadd.f32 v5, v8;
	v7 =	vand.u32 $0xFFFF0000, v14  }
.Ltmp10:
0x362: {  	v6 =	vadd.f32 v6, v2;
	v7 =	vadd.f32 v7, v10;
	v8 =	vshll.u32 v11, $0x10;
	v2 =	vld [tilespmem:s16+$0x18180];
	(pc) =	sbr.rel @p0 .LBB2_21-.Ltmp10, $4  }
0x363: {  	v3 =	vadd.f32 v5, v3;
	v5 =	vand.u32 $0xFFFF0000, v11;
	v8 =	vadd.f32 v8, v1;
	v1 =	vld [tilespmem:s16+$0x18190]  }
0x364: {  	v6 =	vadd.f32 v6, v4;
	v5 =	vadd.f32 v5, v7  }
0x365: {  	v4 =	vadd.f32 v8, v3  }
0x366: {  	v3 =	vadd.f32 v5, v6  }
0x367: {  	_ = 	snop  }
0x368: {  	v5 =	vand.u32 $0x7FFFFFFF, v4;
	v6 =	vand.u32 $0x7FFFFFFF, v3  }
0x369: {  	v5 =	vmax.f32 v5, v6  }
0x36a: {  	v0 =	vmax.f32 v0, v5  }
0x36b: {  	(xrf0) =	vmax.scan.msk.f32 $0xffff, v0;
	_ =	sdelay $0x5  }
0x36c: {  	v0, _, _ =	vpop (xrf0)  }
0x36d: {  	(v2sf) =	vpush v0, $0xF;
	_ =	sdelay $0xe  }
0x36e: {  	v1 =	vadd.f32 v3, v1;
	s0 =	spop (v2sf)  }
0x36f: {  	v0 =	vadd.f32 v4, v2;
	p1 =	sne.f32 s0, $0.0e+00  }
0x370: {  	[tilespmem:s16+$0x17E90] =	vst v1  }
0x371: {  	[tilespmem:s16+$0x17E80] =	vst v0;
	v0 =	vimm.f32 @!p1 $0.0e+00  }
0x372: {  	[tilespmem:$0x17E80] =	vst @!p1 v0  }
0x373: {  	[tilespmem:$0x17E90] =	vst @!p1 v0  }
0x374: {  	[tilespmem:$0x17EA0] =	vst @!p1 v0  }
0x375: {  	[tilespmem:$0x17EB0] =	vst @!p1 v0  }
0x376: {  	[tilespmem:$0x17EC0] =	vst @!p1 v0  }
0x377: {  	[tilespmem:$0x17ED0] =	vst @!p1 v0  }
0x378: {  	[tilespmem:$0x17EE0] =	vst @!p1 v0  }
0x379: {  	[tilespmem:$0x17EF0] =	vst @!p1 v0  }
0x37a: {  	[tilespmem:$0x17F00] =	vst @!p1 v0  }
0x37b: {  	[tilespmem:$0x17F10] =	vst @!p1 v0  }
0x37c: {  	[tilespmem:$0x17F20] =	vst @!p1 v0  }
0x37d: {  	[tilespmem:$0x17F30] =	vst @!p1 v0  }
0x37e: {  	[tilespmem:$0x17F40] =	vst @!p1 v0  }
0x37f: {  	[tilespmem:$0x17F50] =	vst @!p1 v0  }
0x380: {  	[tilespmem:$0x17F60] =	vst @!p1 v0  }
0x381: {  	[tilespmem:$0x17F70] =	vst @!p1 v0  }
0x382: {  	[tilespmem:$0x17F80] =	vst @!p1 v0  }
0x383: {  	[tilespmem:$0x17F90] =	vst @!p1 v0  }
0x384: {  	[tilespmem:$0x17FA0] =	vst @!p1 v0  }
0x385: {  	[tilespmem:$0x17FB0] =	vst @!p1 v0  }
0x386: {  	[tilespmem:$0x17FC0] =	vst @!p1 v0  }
0x387: {  	[tilespmem:$0x17FD0] =	vst @!p1 v0  }
0x388: {  	[tilespmem:$0x17FE0] =	vst @!p1 v0  }
0x389: {  	[tilespmem:$0x17FF0] =	vst @!p1 v0  }
0x38a: {  	[tilespmem:$0x18000] =	vst @!p1 v0  }
0x38b: {  	[tilespmem:$0x18010] =	vst @!p1 v0  }
0x38c: {  	[tilespmem:$0x18020] =	vst @!p1 v0  }
0x38d: {  	[tilespmem:$0x18030] =	vst @!p1 v0  }
0x38e: {  	[tilespmem:$0x18040] =	vst @!p1 v0  }
0x38f: {  	[tilespmem:$0x18050] =	vst @!p1 v0  }
0x390: {  	[tilespmem:$0x18060] =	vst @!p1 v0  }
0x391: {  	[tilespmem:$0x18070] =	vst @!p1 v0  }
0x392: {  	[tilespmem:$0x18080] =	vst @!p1 v0  }
0x393: {  	[tilespmem:$0x18090] =	vst @!p1 v0  }
0x394: {  	[tilespmem:$0x180A0] =	vst @!p1 v0  }
0x395: {  	[tilespmem:$0x180B0] =	vst @!p1 v0  }
0x396: {  	[tilespmem:$0x180C0] =	vst @!p1 v0  }
0x397: {  	[tilespmem:$0x180D0] =	vst @!p1 v0  }
0x398: {  	[tilespmem:$0x180E0] =	vst @!p1 v0  }
0x399: {  	[tilespmem:$0x180F0] =	vst @!p1 v0  }
0x39a: {  	[tilespmem:$0x18100] =	vst @!p1 v0  }
0x39b: {  	[tilespmem:$0x18110] =	vst @!p1 v0  }
0x39c: {  	[tilespmem:$0x18120] =	vst @!p1 v0  }
0x39d: {  	[tilespmem:$0x18130] =	vst @!p1 v0  }
0x39e: {  	s17 =	sadd.s32 s1, s8;
	[tilespmem:$0x18140] =	vst @!p1 v0  }
0x39f: {  	s0 =	smul.u32 $0x60, s17;
	[tilespmem:$0x18150] =	vst @!p1 v0  }
0x3a0: {  	p0 =	seq.s32 s30, $0x81;
	[tilespmem:$0x18160] =	vst @!p1 v0  }
0x3a1: {  	s14 =	smul.u32 @!p0 $0x300, s30;
	s0 =	sadd.s32 s2, s0;
	[tilespmem:$0x18170] =	vst @!p1 v0  }
0x3a2: {  	[hbm4b:s0+s3] =	stream.linear.scatter [tilespmem:s24], [sflag:$0x6], $0xC00, $0x38;
	[tilespmem:$0x18480] =	vst v63  }
0x3a3: {  	s0 =	sshra.s32 @!p0 s14, $0x2  }
0x3a4: {  	s15 =	simm.s32 @!p0 $0x2C;
	s16 =	simm.s32 @!p0 $0xA380;
	s14 =	sadd.s32 @!p0 $0xF0, s0  }
0x3a5: {  	[tilespmem:s16], [sflag:$0x2] =	stream.indirect.gather @!p0 [hbm4b:s4+s15], $0x180, s14, s15, $0xb8;
	[tilespmem:$0x18480] =	vst v63  }
0x3a6: {  	_ =	swait.ge [sflag:s25], $0x4200  }
0x3a7: {  	[sflag:s25] =	ssyncset.done $0x0  }
0x3a8: {  	[sflag:s25] =	ssyncadd.s32 $0xFFFFBE00  }
0x3a9: {  	_ =	swait.ge [sflag:s26], $0xC00  }
0x3aa: {  	[sflag:s26] =	ssyncset.done $0x0  }
0x3ab: {  	s14 =	simm.s32 $0xED00;
	[sflag:s26] =	ssyncadd.s32 $0xFFFFF400  }
0x3ac: {  	v0 =	vld [tilespmem:s14+$0xFFFFF880]  }
0x3ad: {  	v1 =	vld [tilespmem:s14+$0x0]  }
0x3ae: {  	v2 =	vld [tilespmem:s14+$0xFFFFFD00]  }
0x3af: {  	v3 =	vld [tilespmem:s14+$0xFFFFFB80]  }
0x3b0: {  	v4 =	vld [tilespmem:s14+$0x300]  }
0x3b1: {  	v5 =	vld [tilespmem:s14+$0x180]  }
0x3b2: {  	v6 =	vld [tilespmem:s14+$0xFFFFFA00]  }
0x3b3: {  	v8 =	vld [tilespmem:s14+$0xFFFFFE80];
	v7 =	vshll.u32 v1, $0x10;
	v1 =	vand.u32 $0xFFFF0000, v1  }
0x3b4: {  	v9 =	vshll.u32 v0, $0x10;
	v0 =	vand.u32 $0xFFFF0000, v0;
	v10 =	vand.u32 $0xFFFF0000, v2  }
0x3b5: {  	v11 =	vld [tilespmem:s14+$0x480];
	v12 =	vshll.u32 v3, $0x10;
	v2 =	vshll.u32 v2, $0x10;
	v3 =	vand.u32 $0xFFFF0000, v3  }
0x3b6: {  	v60 =	vld [tilespmem:s14+$0x600];
	v59 =	vand.u32 $0xFFFF0000, v4;
	v13 =	vshll.u32 v5, $0x10;
	v4 =	vshll.u32 v4, $0x10  }
0x3b7: {  	v5 =	vand.u32 $0xFFFF0000, v5;
	v14 =	vshll.u32 v6, $0x10;
	v6 =	vand.u32 $0xFFFF0000, v6  }
0x3b8: {  	v15 =	vshll.u32 v8, $0x10;
	v2 =	vadd.f32 v2, v12;
	v3 =	vadd.f32 v10, v3  }
0x3b9: {  	v8 =	vand.u32 $0xFFFF0000, v8;
	v4 =	vadd.f32 v4, v13;
	v9 =	vadd.f32 v14, v9  }
0x3ba: {  	v61 =	vld [tilespmem:s14+$0x780];
	v62 =	vand.u32 $0xFFFF0000, v11;
	v0 =	vadd.f32 v6, v0;
	v7 =	vadd.f32 v7, v15  }
0x3bb: {  	v63 =	vshll.u32 v60, $0x10;
	v5 =	vadd.f32 v59, v5;
	v1 =	vadd.f32 v1, v8  }
0x3bc: {  	v6 =	vshll.u32 v11, $0x10;
	v2 =	vadd.f32 v2, v9;
	v0 =	vadd.f32 v3, v0  }
0x3bd: {  	v3 =	vadd.f32 v63, v6;
	v4 =	vadd.f32 v4, v7;
	v6 =	vand.u32 $0xFFFF0000, v60  }
0x3be: {  	v6 =	vadd.f32 v6, v62  }
0x3bf: {  	s17 =	simm.s32 $0x0;
	v1 =	vadd.f32 v5, v1;
	v4 =	vadd.f32 v4, v2;
	v2 =	vand.u32 $0xFFFF0000, v61  }
0x3c0: {  	v7 =	vshll.u32 v61, $0x10;
	v5 =	vadd.f32 v2, v6;
	v2 =	vld [tilespmem:s17+$0x18180]  }
0x3c1: {  	v3 =	vadd.f32 v7, v3;
	v6 =	vadd.f32 v1, v0;
	v1 =	vld [tilespmem:s17+$0x18190];
	_ =	sdelay $0x1  }
0x3c2: {  	s15 =	simm.s32 $0x80;
	v0 =	vimm.f32 $0.0e+00;
	v4 =	vadd.f32 v3, v4;
	v3 =	vadd.f32 v5, v6  }
.LBB2_23:
0x3c3: {  	p1 =	sne.s32 s15, $0xB80  }
0x3c4: {  	v2 =	vadd.f32 v4, v2;
	s14 =	sadd.s32 $0x10, s14;
	s16 =	smov.u32 s15;
	s15 =	sadd.s32 $0x80, s15  }
0x3c5: {  	v4 =	vand.u32 $0x7FFFFFFF, v4;
	v5 =	vand.u32 $0x7FFFFFFF, v3;
	v1 =	vadd.f32 v3, v1  }
0x3c6: {  	v3 =	vmax.f32 v4, v5;
	[tilespmem:s17+$0x16980] =	vst v2  }
0x3c7: {  	v0 =	vmax.f32 v0, v3;
	[tilespmem:s17+$0x16990] =	vst v1  }
0x3c8: {  	v1 =	vld [tilespmem:s14+$0xFFFFF880]  }
0x3c9: {  	v2 =	vld [tilespmem:s14+$0x0]  }
0x3ca: {  	v3 =	vld [tilespmem:s14+$0xFFFFFD00]  }
0x3cb: {  	v4 =	vld [tilespmem:s14+$0xFFFFFB80]  }
0x3cc: {  	v5 =	vld [tilespmem:s14+$0x300]  }
0x3cd: {  	v6 =	vld [tilespmem:s14+$0x180]  }
0x3ce: {  	v7 =	vld [tilespmem:s14+$0xFFFFFA00];
	v8 =	vshll.u32 v2, $0x10;
	v2 =	vand.u32 $0xFFFF0000, v2  }
0x3cf: {  	v10 =	vshll.u32 v1, $0x10;
	v1 =	vand.u32 $0xFFFF0000, v1;
	v9 =	vld [tilespmem:s14+$0xFFFFFE80];
	v11 =	vand.u32 $0xFFFF0000, v3  }
0x3d0: {  	v3 =	vshll.u32 v3, $0x10;
	v12 =	vld [tilespmem:s14+$0x480];
	v13 =	vshll.u32 v4, $0x10;
	v4 =	vand.u32 $0xFFFF0000, v4  }
0x3d1: {  	v14 =	vld [tilespmem:s14+$0x600];
	v3 =	vadd.f32 v3, v13;
	v13 =	vand.u32 $0xFFFF0000, v5;
	v4 =	vadd.f32 v11, v4  }
0x3d2: {  	v5 =	vshll.u32 v5, $0x10;
	v11 =	vshll.u32 v6, $0x10;
	v6 =	vand.u32 $0xFFFF0000, v6  }
0x3d3: {  	v15 =	vshll.u32 v7, $0x10;
	v5 =	vadd.f32 v5, v11;
	v7 =	vand.u32 $0xFFFF0000, v7  }
0x3d4: {  	v11 =	vld [tilespmem:s14+$0x780];
	v16 =	vshll.u32 v9, $0x10;
	v10 =	vadd.f32 v15, v10;
	v1 =	vadd.f32 v7, v1  }
0x3d5: {  	v6 =	vadd.f32 v13, v6;
	v7 =	vshll.u32 v12, $0x10;
	v8 =	vadd.f32 v8, v16  }
0x3d6: {  	v9 =	vand.u32 $0xFFFF0000, v9;
	v3 =	vadd.f32 v3, v10;
	v10 =	vand.u32 $0xFFFF0000, v12  }
0x3d7: {  	v2 =	vadd.f32 v2, v9;
	v12 =	vshll.u32 v14, $0x10;
	v4 =	vadd.f32 v4, v1  }
0x3d8: {  	s17 =	sshra.s32 s16, $0x2;
	v1 =	vadd.f32 v12, v7;
	v5 =	vadd.f32 v5, v8;
	v7 =	vand.u32 $0xFFFF0000, v14  }
.Ltmp11:
0x3d9: {  	v6 =	vadd.f32 v6, v2;
	v7 =	vadd.f32 v7, v10;
	v8 =	vshll.u32 v11, $0x10;
	v2 =	vld [tilespmem:s17+$0x18180];
	(pc) =	sbr.rel @p1 .LBB2_23-.Ltmp11, $4  }
0x3da: {  	v3 =	vadd.f32 v5, v3;
	v5 =	vand.u32 $0xFFFF0000, v11;
	v8 =	vadd.f32 v8, v1;
	v1 =	vld [tilespmem:s17+$0x18190]  }
0x3db: {  	v6 =	vadd.f32 v6, v4;
	v5 =	vadd.f32 v5, v7  }
0x3dc: {  	v4 =	vadd.f32 v8, v3  }
0x3dd: {  	v3 =	vadd.f32 v5, v6  }
0x3de: {  	_ = 	snop  }
0x3df: {  	v5 =	vand.u32 $0x7FFFFFFF, v4;
	v6 =	vand.u32 $0x7FFFFFFF, v3  }
0x3e0: {  	v5 =	vmax.f32 v5, v6  }
0x3e1: {  	v0 =	vmax.f32 v0, v5  }
0x3e2: {  	(xrf0) =	vmax.scan.msk.f32 $0xffff, v0;
	_ =	sdelay $0x5  }
0x3e3: {  	v0, _, _ =	vpop (xrf0)  }
0x3e4: {  	(v2sf) =	vpush v0, $0xF;
	_ =	sdelay $0xe  }
0x3e5: {  	v1 =	vadd.f32 v3, v1;
	s14 =	spop (v2sf)  }
0x3e6: {  	v0 =	vadd.f32 v4, v2;
	p1 =	sne.f32 s14, $0.0e+00  }
0x3e7: {  	[tilespmem:s17+$0x16990] =	vst v1  }
0x3e8: {  	[tilespmem:s17+$0x16980] =	vst v0;
	v0 =	vimm.f32 @!p1 $0.0e+00  }
0x3e9: {  	[tilespmem:$0x16980] =	vst @!p1 v0  }
0x3ea: {  	[tilespmem:$0x16990] =	vst @!p1 v0  }
0x3eb: {  	[tilespmem:$0x169A0] =	vst @!p1 v0  }
0x3ec: {  	[tilespmem:$0x169B0] =	vst @!p1 v0  }
0x3ed: {  	[tilespmem:$0x169C0] =	vst @!p1 v0  }
0x3ee: {  	[tilespmem:$0x169D0] =	vst @!p1 v0  }
0x3ef: {  	[tilespmem:$0x169E0] =	vst @!p1 v0  }
0x3f0: {  	[tilespmem:$0x169F0] =	vst @!p1 v0  }
0x3f1: {  	[tilespmem:$0x16A00] =	vst @!p1 v0  }
0x3f2: {  	[tilespmem:$0x16A10] =	vst @!p1 v0  }
0x3f3: {  	[tilespmem:$0x16A20] =	vst @!p1 v0  }
0x3f4: {  	[tilespmem:$0x16A30] =	vst @!p1 v0  }
0x3f5: {  	[tilespmem:$0x16A40] =	vst @!p1 v0  }
0x3f6: {  	[tilespmem:$0x16A50] =	vst @!p1 v0  }
0x3f7: {  	[tilespmem:$0x16A60] =	vst @!p1 v0  }
0x3f8: {  	[tilespmem:$0x16A70] =	vst @!p1 v0  }
0x3f9: {  	[tilespmem:$0x16A80] =	vst @!p1 v0  }
0x3fa: {  	[tilespmem:$0x16A90] =	vst @!p1 v0  }
0x3fb: {  	[tilespmem:$0x16AA0] =	vst @!p1 v0  }
0x3fc: {  	[tilespmem:$0x16AB0] =	vst @!p1 v0  }
0x3fd: {  	[tilespmem:$0x16AC0] =	vst @!p1 v0  }
0x3fe: {  	[tilespmem:$0x16AD0] =	vst @!p1 v0  }
0x3ff: {  	[tilespmem:$0x16AE0] =	vst @!p1 v0  }
0x400: {  	[tilespmem:$0x16AF0] =	vst @!p1 v0  }
0x401: {  	[tilespmem:$0x16B00] =	vst @!p1 v0  }
0x402: {  	[tilespmem:$0x16B10] =	vst @!p1 v0  }
0x403: {  	[tilespmem:$0x16B20] =	vst @!p1 v0  }
0x404: {  	[tilespmem:$0x16B30] =	vst @!p1 v0  }
0x405: {  	[tilespmem:$0x16B40] =	vst @!p1 v0  }
0x406: {  	[tilespmem:$0x16B50] =	vst @!p1 v0  }
0x407: {  	[tilespmem:$0x16B60] =	vst @!p1 v0  }
0x408: {  	[tilespmem:$0x16B70] =	vst @!p1 v0  }
0x409: {  	[tilespmem:$0x16B80] =	vst @!p1 v0  }
0x40a: {  	[tilespmem:$0x16B90] =	vst @!p1 v0  }
0x40b: {  	[tilespmem:$0x16BA0] =	vst @!p1 v0  }
0x40c: {  	[tilespmem:$0x16BB0] =	vst @!p1 v0  }
0x40d: {  	[tilespmem:$0x16BC0] =	vst @!p1 v0  }
0x40e: {  	[tilespmem:$0x16BD0] =	vst @!p1 v0  }
0x40f: {  	[tilespmem:$0x16BE0] =	vst @!p1 v0  }
0x410: {  	[tilespmem:$0x16BF0] =	vst @!p1 v0  }
0x411: {  	[tilespmem:$0x16C00] =	vst @!p1 v0  }
0x412: {  	[tilespmem:$0x16C10] =	vst @!p1 v0  }
0x413: {  	[tilespmem:$0x16C20] =	vst @!p1 v0  }
0x414: {  	[tilespmem:$0x16C30] =	vst @!p1 v0  }
0x415: {  	[tilespmem:$0x16C40] =	vst @!p1 v0  }
0x416: {  	[tilespmem:$0x16C50] =	vst @!p1 v0  }
0x417: {  	[tilespmem:$0x16C60] =	vst @!p1 v0  }
0x418: {  	s14 =	simm.s32 $0xF600;
	[tilespmem:$0x16C70] =	vst @!p1 v0  }
0x419: {  	v0 =	vld [tilespmem:s14+$0x0]  }
0x41a: {  	v1 =	vld [tilespmem:s14+$0x780]  }
0x41b: {  	v2 =	vld [tilespmem:s14+$0x480]  }
0x41c: {  	v3 =	vld [tilespmem:s14+$0x300]  }
0x41d: {  	v4 =	vld [tilespmem:s14+$0xA80]  }
0x41e: {  	v5 =	vld [tilespmem:s14+$0x900]  }
0x41f: {  	v6 =	vld [tilespmem:s14+$0x180]  }
0x420: {  	v8 =	vld [tilespmem:s14+$0x600];
	v7 =	vshll.u32 v1, $0x10;
	v1 =	vand.u32 $0xFFFF0000, v1  }
0x421: {  	v9 =	vshll.u32 v0, $0x10;
	v0 =	vand.u32 $0xFFFF0000, v0;
	v10 =	vand.u32 $0xFFFF0000, v2  }
0x422: {  	v11 =	vld [tilespmem:s14+$0xC00];
	v12 =	vshll.u32 v3, $0x10;
	v2 =	vshll.u32 v2, $0x10;
	v3 =	vand.u32 $0xFFFF0000, v3  }
0x423: {  	v60 =	vld [tilespmem:s14+$0xD80];
	v59 =	vand.u32 $0xFFFF0000, v4;
	v13 =	vshll.u32 v5, $0x10;
	v4 =	vshll.u32 v4, $0x10  }
0x424: {  	v5 =	vand.u32 $0xFFFF0000, v5;
	v14 =	vshll.u32 v6, $0x10;
	v6 =	vand.u32 $0xFFFF0000, v6  }
0x425: {  	v15 =	vshll.u32 v8, $0x10;
	v2 =	vadd.f32 v2, v12;
	v3 =	vadd.f32 v10, v3  }
0x426: {  	v8 =	vand.u32 $0xFFFF0000, v8;
	v4 =	vadd.f32 v4, v13;
	v9 =	vadd.f32 v14, v9  }
0x427: {  	v61 =	vld [tilespmem:s14+$0xF00];
	v62 =	vand.u32 $0xFFFF0000, v11;
	v0 =	vadd.f32 v6, v0;
	v7 =	vadd.f32 v7, v15  }
0x428: {  	v63 =	vshll.u32 v60, $0x10;
	v5 =	vadd.f32 v59, v5;
	v1 =	vadd.f32 v1, v8  }
0x429: {  	v6 =	vshll.u32 v11, $0x10;
	v2 =	vadd.f32 v2, v9;
	v0 =	vadd.f32 v3, v0  }
0x42a: {  	v3 =	vadd.f32 v63, v6;
	v4 =	vadd.f32 v4, v7;
	v6 =	vand.u32 $0xFFFF0000, v60  }
0x42b: {  	v6 =	vadd.f32 v6, v62  }
0x42c: {  	s17 =	simm.s32 $0x0;
	v1 =	vadd.f32 v5, v1;
	v4 =	vadd.f32 v4, v2;
	v2 =	vand.u32 $0xFFFF0000, v61  }
0x42d: {  	v7 =	vshll.u32 v61, $0x10;
	v5 =	vadd.f32 v2, v6;
	v2 =	vld [tilespmem:s17+$0x18180]  }
0x42e: {  	v3 =	vadd.f32 v7, v3;
	v6 =	vadd.f32 v1, v0;
	v1 =	vld [tilespmem:s17+$0x18190];
	_ =	sdelay $0x1  }
0x42f: {  	s15 =	simm.s32 $0x80;
	v0 =	vimm.f32 $0.0e+00;
	v4 =	vadd.f32 v3, v4;
	v3 =	vadd.f32 v5, v6  }
.LBB2_25:
0x430: {  	p1 =	sne.s32 s15, $0xB80  }
0x431: {  	v2 =	vadd.f32 v4, v2;
	s14 =	sadd.s32 $0x10, s14;
	s16 =	smov.u32 s15;
	s15 =	sadd.s32 $0x80, s15  }
0x432: {  	v4 =	vand.u32 $0x7FFFFFFF, v4;
	v5 =	vand.u32 $0x7FFFFFFF, v3;
	v1 =	vadd.f32 v3, v1  }
0x433: {  	v3 =	vmax.f32 v4, v5;
	[tilespmem:s17+$0x16C80] =	vst v2  }
0x434: {  	v0 =	vmax.f32 v0, v3;
	[tilespmem:s17+$0x16C90] =	vst v1  }
0x435: {  	v1 =	vld [tilespmem:s14+$0x0]  }
0x436: {  	v2 =	vld [tilespmem:s14+$0x780]  }
0x437: {  	v3 =	vld [tilespmem:s14+$0x480]  }
0x438: {  	v4 =	vld [tilespmem:s14+$0x300]  }
0x439: {  	v5 =	vld [tilespmem:s14+$0xA80]  }
0x43a: {  	v6 =	vld [tilespmem:s14+$0x900]  }
0x43b: {  	v7 =	vld [tilespmem:s14+$0x180];
	v8 =	vshll.u32 v2, $0x10;
	v2 =	vand.u32 $0xFFFF0000, v2  }
0x43c: {  	v10 =	vshll.u32 v1, $0x10;
	v1 =	vand.u32 $0xFFFF0000, v1;
	v9 =	vld [tilespmem:s14+$0x600];
	v11 =	vand.u32 $0xFFFF0000, v3  }
0x43d: {  	v3 =	vshll.u32 v3, $0x10;
	v12 =	vld [tilespmem:s14+$0xC00];
	v13 =	vshll.u32 v4, $0x10;
	v4 =	vand.u32 $0xFFFF0000, v4  }
0x43e: {  	v14 =	vld [tilespmem:s14+$0xD80];
	v3 =	vadd.f32 v3, v13;
	v13 =	vand.u32 $0xFFFF0000, v5;
	v4 =	vadd.f32 v11, v4  }
0x43f: {  	v5 =	vshll.u32 v5, $0x10;
	v11 =	vshll.u32 v6, $0x10;
	v6 =	vand.u32 $0xFFFF0000, v6  }
0x440: {  	v15 =	vshll.u32 v7, $0x10;
	v5 =	vadd.f32 v5, v11;
	v7 =	vand.u32 $0xFFFF0000, v7  }
0x441: {  	v11 =	vld [tilespmem:s14+$0xF00];
	v16 =	vshll.u32 v9, $0x10;
	v10 =	vadd.f32 v15, v10;
	v1 =	vadd.f32 v7, v1  }
0x442: {  	v6 =	vadd.f32 v13, v6;
	v7 =	vshll.u32 v12, $0x10;
	v8 =	vadd.f32 v8, v16  }
0x443: {  	v9 =	vand.u32 $0xFFFF0000, v9;
	v3 =	vadd.f32 v3, v10;
	v10 =	vand.u32 $0xFFFF0000, v12  }
0x444: {  	v2 =	vadd.f32 v2, v9;
	v12 =	vshll.u32 v14, $0x10;
	v4 =	vadd.f32 v4, v1  }
0x445: {  	s17 =	sshra.s32 s16, $0x2;
	v1 =	vadd.f32 v12, v7;
	v5 =	vadd.f32 v5, v8;
	v7 =	vand.u32 $0xFFFF0000, v14  }
.Ltmp12:
0x446: {  	v6 =	vadd.f32 v6, v2;
	v7 =	vadd.f32 v7, v10;
	v8 =	vshll.u32 v11, $0x10;
	v2 =	vld [tilespmem:s17+$0x18180];
	(pc) =	sbr.rel @p1 .LBB2_25-.Ltmp12, $4  }
0x447: {  	v3 =	vadd.f32 v5, v3;
	v5 =	vand.u32 $0xFFFF0000, v11;
	v8 =	vadd.f32 v8, v1;
	v1 =	vld [tilespmem:s17+$0x18190]  }
0x448: {  	v6 =	vadd.f32 v6, v4;
	v5 =	vadd.f32 v5, v7  }
0x449: {  	v4 =	vadd.f32 v8, v3  }
0x44a: {  	v3 =	vadd.f32 v5, v6  }
0x44b: {  	_ = 	snop  }
0x44c: {  	v5 =	vand.u32 $0x7FFFFFFF, v4;
	v6 =	vand.u32 $0x7FFFFFFF, v3  }
0x44d: {  	v5 =	vmax.f32 v5, v6  }
0x44e: {  	v0 =	vmax.f32 v0, v5  }
0x44f: {  	(xrf0) =	vmax.scan.msk.f32 $0xffff, v0;
	_ =	sdelay $0x5  }
0x450: {  	v0, _, _ =	vpop (xrf0)  }
0x451: {  	(v2sf) =	vpush v0, $0xF;
	_ =	sdelay $0xe  }
0x452: {  	v1 =	vadd.f32 v3, v1;
	s14 =	spop (v2sf)  }
0x453: {  	v0 =	vadd.f32 v4, v2;
	p1 =	sne.f32 s14, $0.0e+00  }
0x454: {  	[tilespmem:s17+$0x16C90] =	vst v1  }
0x455: {  	[tilespmem:s17+$0x16C80] =	vst v0;
	v0 =	vimm.f32 @!p1 $0.0e+00  }
0x456: {  	[tilespmem:$0x16C80] =	vst @!p1 v0  }
0x457: {  	[tilespmem:$0x16C90] =	vst @!p1 v0  }
0x458: {  	[tilespmem:$0x16CA0] =	vst @!p1 v0  }
0x459: {  	[tilespmem:$0x16CB0] =	vst @!p1 v0  }
0x45a: {  	[tilespmem:$0x16CC0] =	vst @!p1 v0  }
0x45b: {  	[tilespmem:$0x16CD0] =	vst @!p1 v0  }
0x45c: {  	[tilespmem:$0x16CE0] =	vst @!p1 v0  }
0x45d: {  	[tilespmem:$0x16CF0] =	vst @!p1 v0  }
0x45e: {  	[tilespmem:$0x16D00] =	vst @!p1 v0  }
0x45f: {  	[tilespmem:$0x16D10] =	vst @!p1 v0  }
0x460: {  	[tilespmem:$0x16D20] =	vst @!p1 v0  }
0x461: {  	[tilespmem:$0x16D30] =	vst @!p1 v0  }
0x462: {  	[tilespmem:$0x16D40] =	vst @!p1 v0  }
0x463: {  	[tilespmem:$0x16D50] =	vst @!p1 v0  }
0x464: {  	[tilespmem:$0x16D60] =	vst @!p1 v0  }
0x465: {  	[tilespmem:$0x16D70] =	vst @!p1 v0  }
0x466: {  	[tilespmem:$0x16D80] =	vst @!p1 v0  }
0x467: {  	[tilespmem:$0x16D90] =	vst @!p1 v0  }
0x468: {  	[tilespmem:$0x16DA0] =	vst @!p1 v0  }
0x469: {  	[tilespmem:$0x16DB0] =	vst @!p1 v0  }
0x46a: {  	[tilespmem:$0x16DC0] =	vst @!p1 v0  }
0x46b: {  	[tilespmem:$0x16DD0] =	vst @!p1 v0  }
0x46c: {  	[tilespmem:$0x16DE0] =	vst @!p1 v0  }
0x46d: {  	[tilespmem:$0x16DF0] =	vst @!p1 v0  }
0x46e: {  	[tilespmem:$0x16E00] =	vst @!p1 v0  }
0x46f: {  	[tilespmem:$0x16E10] =	vst @!p1 v0  }
0x470: {  	[tilespmem:$0x16E20] =	vst @!p1 v0  }
0x471: {  	[tilespmem:$0x16E30] =	vst @!p1 v0  }
0x472: {  	[tilespmem:$0x16E40] =	vst @!p1 v0  }
0x473: {  	[tilespmem:$0x16E50] =	vst @!p1 v0  }
0x474: {  	[tilespmem:$0x16E60] =	vst @!p1 v0  }
0x475: {  	[tilespmem:$0x16E70] =	vst @!p1 v0  }
0x476: {  	[tilespmem:$0x16E80] =	vst @!p1 v0  }
0x477: {  	[tilespmem:$0x16E90] =	vst @!p1 v0  }
0x478: {  	[tilespmem:$0x16EA0] =	vst @!p1 v0  }
0x479: {  	[tilespmem:$0x16EB0] =	vst @!p1 v0  }
0x47a: {  	[tilespmem:$0x16EC0] =	vst @!p1 v0  }
0x47b: {  	[tilespmem:$0x16ED0] =	vst @!p1 v0  }
0x47c: {  	[tilespmem:$0x16EE0] =	vst @!p1 v0  }
0x47d: {  	[tilespmem:$0x16EF0] =	vst @!p1 v0  }
0x47e: {  	[tilespmem:$0x16F00] =	vst @!p1 v0  }
0x47f: {  	[tilespmem:$0x16F10] =	vst @!p1 v0  }
0x480: {  	[tilespmem:$0x16F20] =	vst @!p1 v0  }
0x481: {  	[tilespmem:$0x16F30] =	vst @!p1 v0  }
0x482: {  	[tilespmem:$0x16F40] =	vst @!p1 v0  }
0x483: {  	[tilespmem:$0x16F50] =	vst @!p1 v0  }
0x484: {  	[tilespmem:$0x16F60] =	vst @!p1 v0  }
0x485: {  	s14 =	simm.s32 $0x10680;
	[tilespmem:$0x16F70] =	vst @!p1 v0  }
0x486: {  	v0 =	vld [tilespmem:s14+$0x0]  }
0x487: {  	v1 =	vld [tilespmem:s14+$0x780]  }
0x488: {  	v2 =	vld [tilespmem:s14+$0x480]  }
0x489: {  	v3 =	vld [tilespmem:s14+$0x300]  }
0x48a: {  	v4 =	vld [tilespmem:s14+$0xA80]  }
0x48b: {  	v5 =	vld [tilespmem:s14+$0x900]  }
0x48c: {  	v6 =	vld [tilespmem:s14+$0x180]  }
0x48d: {  	v8 =	vld [tilespmem:s14+$0x600];
	v7 =	vshll.u32 v1, $0x10;
	v1 =	vand.u32 $0xFFFF0000, v1  }
0x48e: {  	v9 =	vshll.u32 v0, $0x10;
	v0 =	vand.u32 $0xFFFF0000, v0;
	v10 =	vand.u32 $0xFFFF0000, v2  }
0x48f: {  	v11 =	vld [tilespmem:s14+$0xC00];
	v12 =	vshll.u32 v3, $0x10;
	v2 =	vshll.u32 v2, $0x10;
	v3 =	vand.u32 $0xFFFF0000, v3  }
0x490: {  	v60 =	vld [tilespmem:s14+$0xD80];
	v59 =	vand.u32 $0xFFFF0000, v4;
	v13 =	vshll.u32 v5, $0x10;
	v4 =	vshll.u32 v4, $0x10  }
0x491: {  	v5 =	vand.u32 $0xFFFF0000, v5;
	v14 =	vshll.u32 v6, $0x10;
	v6 =	vand.u32 $0xFFFF0000, v6  }
0x492: {  	v15 =	vshll.u32 v8, $0x10;
	v2 =	vadd.f32 v2, v12;
	v3 =	vadd.f32 v10, v3  }
0x493: {  	v8 =	vand.u32 $0xFFFF0000, v8;
	v4 =	vadd.f32 v4, v13;
	v9 =	vadd.f32 v14, v9  }
0x494: {  	v61 =	vld [tilespmem:s14+$0xF00];
	v62 =	vand.u32 $0xFFFF0000, v11;
	v0 =	vadd.f32 v6, v0;
	v7 =	vadd.f32 v7, v15  }
0x495: {  	v63 =	vshll.u32 v60, $0x10;
	v5 =	vadd.f32 v59, v5;
	v1 =	vadd.f32 v1, v8  }
0x496: {  	v6 =	vshll.u32 v11, $0x10;
	v2 =	vadd.f32 v2, v9;
	v0 =	vadd.f32 v3, v0  }
0x497: {  	v3 =	vadd.f32 v63, v6;
	v4 =	vadd.f32 v4, v7;
	v6 =	vand.u32 $0xFFFF0000, v60  }
0x498: {  	v6 =	vadd.f32 v6, v62  }
0x499: {  	s17 =	simm.s32 $0x0;
	v1 =	vadd.f32 v5, v1;
	v4 =	vadd.f32 v4, v2;
	v2 =	vand.u32 $0xFFFF0000, v61  }
0x49a: {  	v7 =	vshll.u32 v61, $0x10;
	v5 =	vadd.f32 v2, v6;
	v2 =	vld [tilespmem:s17+$0x18180]  }
0x49b: {  	v3 =	vadd.f32 v7, v3;
	v6 =	vadd.f32 v1, v0;
	v1 =	vld [tilespmem:s17+$0x18190];
	_ =	sdelay $0x1  }
0x49c: {  	s15 =	simm.s32 $0x80;
	v0 =	vimm.f32 $0.0e+00;
	v4 =	vadd.f32 v3, v4;
	v3 =	vadd.f32 v5, v6  }
.LBB2_27:
0x49d: {  	p1 =	sne.s32 s15, $0xB80  }
0x49e: {  	v2 =	vadd.f32 v4, v2;
	s14 =	sadd.s32 $0x10, s14;
	s16 =	smov.u32 s15;
	s15 =	sadd.s32 $0x80, s15  }
0x49f: {  	v4 =	vand.u32 $0x7FFFFFFF, v4;
	v5 =	vand.u32 $0x7FFFFFFF, v3;
	v1 =	vadd.f32 v3, v1  }
0x4a0: {  	v3 =	vmax.f32 v4, v5;
	[tilespmem:s17+$0x16F80] =	vst v2  }
0x4a1: {  	v0 =	vmax.f32 v0, v3;
	[tilespmem:s17+$0x16F90] =	vst v1  }
0x4a2: {  	v1 =	vld [tilespmem:s14+$0x0]  }
0x4a3: {  	v2 =	vld [tilespmem:s14+$0x780]  }
0x4a4: {  	v3 =	vld [tilespmem:s14+$0x480]  }
0x4a5: {  	v4 =	vld [tilespmem:s14+$0x300]  }
0x4a6: {  	v5 =	vld [tilespmem:s14+$0xA80]  }
0x4a7: {  	v6 =	vld [tilespmem:s14+$0x900]  }
0x4a8: {  	v7 =	vld [tilespmem:s14+$0x180];
	v8 =	vshll.u32 v2, $0x10;
	v2 =	vand.u32 $0xFFFF0000, v2  }
0x4a9: {  	v10 =	vshll.u32 v1, $0x10;
	v1 =	vand.u32 $0xFFFF0000, v1;
	v9 =	vld [tilespmem:s14+$0x600];
	v11 =	vand.u32 $0xFFFF0000, v3  }
0x4aa: {  	v3 =	vshll.u32 v3, $0x10;
	v12 =	vld [tilespmem:s14+$0xC00];
	v13 =	vshll.u32 v4, $0x10;
	v4 =	vand.u32 $0xFFFF0000, v4  }
0x4ab: {  	v14 =	vld [tilespmem:s14+$0xD80];
	v3 =	vadd.f32 v3, v13;
	v13 =	vand.u32 $0xFFFF0000, v5;
	v4 =	vadd.f32 v11, v4  }
0x4ac: {  	v5 =	vshll.u32 v5, $0x10;
	v11 =	vshll.u32 v6, $0x10;
	v6 =	vand.u32 $0xFFFF0000, v6  }
0x4ad: {  	v15 =	vshll.u32 v7, $0x10;
	v5 =	vadd.f32 v5, v11;
	v7 =	vand.u32 $0xFFFF0000, v7  }
0x4ae: {  	v11 =	vld [tilespmem:s14+$0xF00];
	v16 =	vshll.u32 v9, $0x10;
	v10 =	vadd.f32 v15, v10;
	v1 =	vadd.f32 v7, v1  }
0x4af: {  	v6 =	vadd.f32 v13, v6;
	v7 =	vshll.u32 v12, $0x10;
	v8 =	vadd.f32 v8, v16  }
0x4b0: {  	v9 =	vand.u32 $0xFFFF0000, v9;
	v3 =	vadd.f32 v3, v10;
	v10 =	vand.u32 $0xFFFF0000, v12  }
0x4b1: {  	v2 =	vadd.f32 v2, v9;
	v12 =	vshll.u32 v14, $0x10;
	v4 =	vadd.f32 v4, v1  }
0x4b2: {  	s17 =	sshra.s32 s16, $0x2;
	v1 =	vadd.f32 v12, v7;
	v5 =	vadd.f32 v5, v8;
	v7 =	vand.u32 $0xFFFF0000, v14  }
.Ltmp13:
0x4b3: {  	v6 =	vadd.f32 v6, v2;
	v7 =	vadd.f32 v7, v10;
	v8 =	vshll.u32 v11, $0x10;
	v2 =	vld [tilespmem:s17+$0x18180];
	(pc) =	sbr.rel @p1 .LBB2_27-.Ltmp13, $4  }
0x4b4: {  	v3 =	vadd.f32 v5, v3;
	v5 =	vand.u32 $0xFFFF0000, v11;
	v8 =	vadd.f32 v8, v1;
	v1 =	vld [tilespmem:s17+$0x18190]  }
0x4b5: {  	v6 =	vadd.f32 v6, v4;
	v5 =	vadd.f32 v5, v7  }
0x4b6: {  	v4 =	vadd.f32 v8, v3  }
0x4b7: {  	v3 =	vadd.f32 v5, v6  }
0x4b8: {  	_ = 	snop  }
0x4b9: {  	v5 =	vand.u32 $0x7FFFFFFF, v4;
	v6 =	vand.u32 $0x7FFFFFFF, v3  }
0x4ba: {  	v5 =	vmax.f32 v5, v6  }
0x4bb: {  	v0 =	vmax.f32 v0, v5  }
0x4bc: {  	(xrf0) =	vmax.scan.msk.f32 $0xffff, v0;
	_ =	sdelay $0x5  }
0x4bd: {  	v0, _, _ =	vpop (xrf0)  }
0x4be: {  	(v2sf) =	vpush v0, $0xF;
	_ =	sdelay $0xe  }
0x4bf: {  	v1 =	vadd.f32 v3, v1;
	s14 =	spop (v2sf)  }
0x4c0: {  	v0 =	vadd.f32 v4, v2;
	p1 =	sne.f32 s14, $0.0e+00  }
0x4c1: {  	[tilespmem:s17+$0x16F90] =	vst v1  }
0x4c2: {  	[tilespmem:s17+$0x16F80] =	vst v0;
	v0 =	vimm.f32 @!p1 $0.0e+00  }
0x4c3: {  	[tilespmem:$0x16F80] =	vst @!p1 v0  }
0x4c4: {  	[tilespmem:$0x16F90] =	vst @!p1 v0  }
0x4c5: {  	[tilespmem:$0x16FA0] =	vst @!p1 v0  }
0x4c6: {  	[tilespmem:$0x16FB0] =	vst @!p1 v0  }
0x4c7: {  	[tilespmem:$0x16FC0] =	vst @!p1 v0  }
0x4c8: {  	[tilespmem:$0x16FD0] =	vst @!p1 v0  }
0x4c9: {  	[tilespmem:$0x16FE0] =	vst @!p1 v0  }
0x4ca: {  	[tilespmem:$0x16FF0] =	vst @!p1 v0  }
0x4cb: {  	[tilespmem:$0x17000] =	vst @!p1 v0  }
0x4cc: {  	[tilespmem:$0x17010] =	vst @!p1 v0  }
0x4cd: {  	[tilespmem:$0x17020] =	vst @!p1 v0  }
0x4ce: {  	[tilespmem:$0x17030] =	vst @!p1 v0  }
0x4cf: {  	[tilespmem:$0x17040] =	vst @!p1 v0  }
0x4d0: {  	[tilespmem:$0x17050] =	vst @!p1 v0  }
0x4d1: {  	[tilespmem:$0x17060] =	vst @!p1 v0  }
0x4d2: {  	[tilespmem:$0x17070] =	vst @!p1 v0  }
0x4d3: {  	[tilespmem:$0x17080] =	vst @!p1 v0  }
0x4d4: {  	[tilespmem:$0x17090] =	vst @!p1 v0  }
0x4d5: {  	[tilespmem:$0x170A0] =	vst @!p1 v0  }
0x4d6: {  	[tilespmem:$0x170B0] =	vst @!p1 v0  }
0x4d7: {  	[tilespmem:$0x170C0] =	vst @!p1 v0  }
0x4d8: {  	[tilespmem:$0x170D0] =	vst @!p1 v0  }
0x4d9: {  	[tilespmem:$0x170E0] =	vst @!p1 v0  }
0x4da: {  	[tilespmem:$0x170F0] =	vst @!p1 v0  }
0x4db: {  	[tilespmem:$0x17100] =	vst @!p1 v0  }
0x4dc: {  	[tilespmem:$0x17110] =	vst @!p1 v0  }
0x4dd: {  	[tilespmem:$0x17120] =	vst @!p1 v0  }
0x4de: {  	[tilespmem:$0x17130] =	vst @!p1 v0  }
0x4df: {  	[tilespmem:$0x17140] =	vst @!p1 v0  }
0x4e0: {  	[tilespmem:$0x17150] =	vst @!p1 v0  }
0x4e1: {  	[tilespmem:$0x17160] =	vst @!p1 v0  }
0x4e2: {  	[tilespmem:$0x17170] =	vst @!p1 v0  }
0x4e3: {  	[tilespmem:$0x17180] =	vst @!p1 v0  }
0x4e4: {  	[tilespmem:$0x17190] =	vst @!p1 v0  }
0x4e5: {  	[tilespmem:$0x171A0] =	vst @!p1 v0  }
0x4e6: {  	[tilespmem:$0x171B0] =	vst @!p1 v0  }
0x4e7: {  	[tilespmem:$0x171C0] =	vst @!p1 v0  }
0x4e8: {  	[tilespmem:$0x171D0] =	vst @!p1 v0  }
0x4e9: {  	[tilespmem:$0x171E0] =	vst @!p1 v0  }
0x4ea: {  	[tilespmem:$0x171F0] =	vst @!p1 v0  }
0x4eb: {  	[tilespmem:$0x17200] =	vst @!p1 v0  }
0x4ec: {  	[tilespmem:$0x17210] =	vst @!p1 v0  }
0x4ed: {  	[tilespmem:$0x17220] =	vst @!p1 v0  }
0x4ee: {  	[tilespmem:$0x17230] =	vst @!p1 v0  }
0x4ef: {  	[tilespmem:$0x17240] =	vst @!p1 v0  }
0x4f0: {  	[tilespmem:$0x17250] =	vst @!p1 v0  }
0x4f1: {  	[tilespmem:$0x17260] =	vst @!p1 v0  }
0x4f2: {  	s14 =	simm.s32 $0x12600;
	[tilespmem:$0x17270] =	vst @!p1 v0  }
0x4f3: {  	v0 =	vld [tilespmem:s14+$0xFFFFF100]  }
0x4f4: {  	v1 =	vld [tilespmem:s14+$0xFFFFF880]  }
0x4f5: {  	v2 =	vld [tilespmem:s14+$0xFFFFF580]  }
0x4f6: {  	v3 =	vld [tilespmem:s14+$0xFFFFF400]  }
0x4f7: {  	v4 =	vld [tilespmem:s14+$0xFFFFFB80]  }
0x4f8: {  	v5 =	vld [tilespmem:s14+$0xFFFFFA00]  }
0x4f9: {  	v6 =	vld [tilespmem:s14+$0xFFFFF280]  }
0x4fa: {  	v8 =	vld [tilespmem:s14+$0xFFFFF700];
	v7 =	vshll.u32 v1, $0x10;
	v1 =	vand.u32 $0xFFFF0000, v1  }
0x4fb: {  	v9 =	vshll.u32 v0, $0x10;
	v0 =	vand.u32 $0xFFFF0000, v0;
	v10 =	vand.u32 $0xFFFF0000, v2  }
0x4fc: {  	v11 =	vld [tilespmem:s14+$0xFFFFFD00];
	v12 =	vshll.u32 v3, $0x10;
	v2 =	vshll.u32 v2, $0x10;
	v3 =	vand.u32 $0xFFFF0000, v3  }
0x4fd: {  	v60 =	vld [tilespmem:s14+$0xFFFFFE80];
	v59 =	vand.u32 $0xFFFF0000, v4;
	v13 =	vshll.u32 v5, $0x10;
	v4 =	vshll.u32 v4, $0x10  }
0x4fe: {  	v5 =	vand.u32 $0xFFFF0000, v5;
	v14 =	vshll.u32 v6, $0x10;
	v6 =	vand.u32 $0xFFFF0000, v6  }
0x4ff: {  	v15 =	vshll.u32 v8, $0x10;
	v2 =	vadd.f32 v2, v12;
	v3 =	vadd.f32 v10, v3  }
0x500: {  	v8 =	vand.u32 $0xFFFF0000, v8;
	v4 =	vadd.f32 v4, v13;
	v9 =	vadd.f32 v14, v9  }
0x501: {  	v61 =	vld [tilespmem:s14+$0x0];
	v62 =	vand.u32 $0xFFFF0000, v11;
	v0 =	vadd.f32 v6, v0;
	v7 =	vadd.f32 v7, v15  }
0x502: {  	v63 =	vshll.u32 v60, $0x10;
	v5 =	vadd.f32 v59, v5;
	v1 =	vadd.f32 v1, v8  }
0x503: {  	v6 =	vshll.u32 v11, $0x10;
	v2 =	vadd.f32 v2, v9;
	v0 =	vadd.f32 v3, v0  }
0x504: {  	v3 =	vadd.f32 v63, v6;
	v4 =	vadd.f32 v4, v7;
	v6 =	vand.u32 $0xFFFF0000, v60  }
0x505: {  	v6 =	vadd.f32 v6, v62  }
0x506: {  	s17 =	simm.s32 $0x0;
	v1 =	vadd.f32 v5, v1;
	v4 =	vadd.f32 v4, v2;
	v2 =	vand.u32 $0xFFFF0000, v61  }
0x507: {  	v7 =	vshll.u32 v61, $0x10;
	v5 =	vadd.f32 v2, v6;
	v2 =	vld [tilespmem:s17+$0x18180]  }
0x508: {  	v3 =	vadd.f32 v7, v3;
	v6 =	vadd.f32 v1, v0;
	v1 =	vld [tilespmem:s17+$0x18190];
	_ =	sdelay $0x1  }
0x509: {  	s15 =	simm.s32 $0x80;
	v0 =	vimm.f32 $0.0e+00;
	v4 =	vadd.f32 v3, v4;
	v3 =	vadd.f32 v5, v6  }
.LBB2_29:
0x50a: {  	p1 =	sne.s32 s15, $0xB80  }
0x50b: {  	v2 =	vadd.f32 v4, v2;
	s14 =	sadd.s32 $0x10, s14;
	s16 =	smov.u32 s15;
	s15 =	sadd.s32 $0x80, s15  }
0x50c: {  	v4 =	vand.u32 $0x7FFFFFFF, v4;
	v5 =	vand.u32 $0x7FFFFFFF, v3;
	v1 =	vadd.f32 v3, v1  }
0x50d: {  	v3 =	vmax.f32 v4, v5;
	[tilespmem:s17+$0x17280] =	vst v2  }
0x50e: {  	v0 =	vmax.f32 v0, v3;
	[tilespmem:s17+$0x17290] =	vst v1  }
0x50f: {  	v1 =	vld [tilespmem:s14+$0xFFFFF100]  }
0x510: {  	v2 =	vld [tilespmem:s14+$0xFFFFF880]  }
0x511: {  	v3 =	vld [tilespmem:s14+$0xFFFFF580]  }
0x512: {  	v4 =	vld [tilespmem:s14+$0xFFFFF400]  }
0x513: {  	v5 =	vld [tilespmem:s14+$0xFFFFFB80]  }
0x514: {  	v6 =	vld [tilespmem:s14+$0xFFFFFA00]  }
0x515: {  	v7 =	vld [tilespmem:s14+$0xFFFFF280];
	v8 =	vshll.u32 v2, $0x10;
	v2 =	vand.u32 $0xFFFF0000, v2  }
0x516: {  	v10 =	vshll.u32 v1, $0x10;
	v1 =	vand.u32 $0xFFFF0000, v1;
	v9 =	vld [tilespmem:s14+$0xFFFFF700];
	v11 =	vand.u32 $0xFFFF0000, v3  }
0x517: {  	v3 =	vshll.u32 v3, $0x10;
	v12 =	vld [tilespmem:s14+$0xFFFFFD00];
	v13 =	vshll.u32 v4, $0x10;
	v4 =	vand.u32 $0xFFFF0000, v4  }
0x518: {  	v14 =	vld [tilespmem:s14+$0xFFFFFE80];
	v3 =	vadd.f32 v3, v13;
	v13 =	vand.u32 $0xFFFF0000, v5;
	v4 =	vadd.f32 v11, v4  }
0x519: {  	v5 =	vshll.u32 v5, $0x10;
	v11 =	vshll.u32 v6, $0x10;
	v6 =	vand.u32 $0xFFFF0000, v6  }
0x51a: {  	v15 =	vshll.u32 v7, $0x10;
	v5 =	vadd.f32 v5, v11;
	v7 =	vand.u32 $0xFFFF0000, v7  }
0x51b: {  	v11 =	vld [tilespmem:s14+$0x0];
	v16 =	vshll.u32 v9, $0x10;
	v10 =	vadd.f32 v15, v10;
	v1 =	vadd.f32 v7, v1  }
0x51c: {  	v6 =	vadd.f32 v13, v6;
	v7 =	vshll.u32 v12, $0x10;
	v8 =	vadd.f32 v8, v16  }
0x51d: {  	v9 =	vand.u32 $0xFFFF0000, v9;
	v3 =	vadd.f32 v3, v10;
	v10 =	vand.u32 $0xFFFF0000, v12  }
0x51e: {  	v2 =	vadd.f32 v2, v9;
	v12 =	vshll.u32 v14, $0x10;
	v4 =	vadd.f32 v4, v1  }
0x51f: {  	s17 =	sshra.s32 s16, $0x2;
	v1 =	vadd.f32 v12, v7;
	v5 =	vadd.f32 v5, v8;
	v7 =	vand.u32 $0xFFFF0000, v14  }
.Ltmp14:
0x520: {  	v6 =	vadd.f32 v6, v2;
	v7 =	vadd.f32 v7, v10;
	v8 =	vshll.u32 v11, $0x10;
	v2 =	vld [tilespmem:s17+$0x18180];
	(pc) =	sbr.rel @p1 .LBB2_29-.Ltmp14, $4  }
0x521: {  	v3 =	vadd.f32 v5, v3;
	v5 =	vand.u32 $0xFFFF0000, v11;
	v8 =	vadd.f32 v8, v1;
	v1 =	vld [tilespmem:s17+$0x18190]  }
0x522: {  	v6 =	vadd.f32 v6, v4;
	v5 =	vadd.f32 v5, v7  }
0x523: {  	v4 =	vadd.f32 v8, v3  }
0x524: {  	v3 =	vadd.f32 v5, v6  }
0x525: {  	_ = 	snop  }
0x526: {  	v5 =	vand.u32 $0x7FFFFFFF, v4;
	v6 =	vand.u32 $0x7FFFFFFF, v3  }
0x527: {  	v5 =	vmax.f32 v5, v6  }
0x528: {  	v0 =	vmax.f32 v0, v5  }
0x529: {  	(xrf0) =	vmax.scan.msk.f32 $0xffff, v0;
	_ =	sdelay $0x5  }
0x52a: {  	v0, _, _ =	vpop (xrf0)  }
0x52b: {  	(v2sf) =	vpush v0, $0xF;
	_ =	sdelay $0xe  }
0x52c: {  	v1 =	vadd.f32 v3, v1;
	s14 =	spop (v2sf)  }
0x52d: {  	v0 =	vadd.f32 v4, v2;
	p1 =	sne.f32 s14, $0.0e+00  }
0x52e: {  	[tilespmem:s17+$0x17290] =	vst v1  }
0x52f: {  	[tilespmem:s17+$0x17280] =	vst v0;
	v0 =	vimm.f32 @!p1 $0.0e+00  }
0x530: {  	[tilespmem:$0x17280] =	vst @!p1 v0  }
0x531: {  	[tilespmem:$0x17290] =	vst @!p1 v0  }
0x532: {  	[tilespmem:$0x172A0] =	vst @!p1 v0  }
0x533: {  	[tilespmem:$0x172B0] =	vst @!p1 v0  }
0x534: {  	[tilespmem:$0x172C0] =	vst @!p1 v0  }
0x535: {  	[tilespmem:$0x172D0] =	vst @!p1 v0  }
0x536: {  	[tilespmem:$0x172E0] =	vst @!p1 v0  }
0x537: {  	[tilespmem:$0x172F0] =	vst @!p1 v0  }
0x538: {  	[tilespmem:$0x17300] =	vst @!p1 v0  }
0x539: {  	[tilespmem:$0x17310] =	vst @!p1 v0  }
0x53a: {  	[tilespmem:$0x17320] =	vst @!p1 v0  }
0x53b: {  	[tilespmem:$0x17330] =	vst @!p1 v0  }
0x53c: {  	[tilespmem:$0x17340] =	vst @!p1 v0  }
0x53d: {  	[tilespmem:$0x17350] =	vst @!p1 v0  }
0x53e: {  	[tilespmem:$0x17360] =	vst @!p1 v0  }
0x53f: {  	[tilespmem:$0x17370] =	vst @!p1 v0  }
0x540: {  	[tilespmem:$0x17380] =	vst @!p1 v0  }
0x541: {  	[tilespmem:$0x17390] =	vst @!p1 v0  }
0x542: {  	[tilespmem:$0x173A0] =	vst @!p1 v0  }
0x543: {  	[tilespmem:$0x173B0] =	vst @!p1 v0  }
0x544: {  	[tilespmem:$0x173C0] =	vst @!p1 v0  }
0x545: {  	[tilespmem:$0x173D0] =	vst @!p1 v0  }
0x546: {  	[tilespmem:$0x173E0] =	vst @!p1 v0  }
0x547: {  	[tilespmem:$0x173F0] =	vst @!p1 v0  }
0x548: {  	[tilespmem:$0x17400] =	vst @!p1 v0  }
0x549: {  	[tilespmem:$0x17410] =	vst @!p1 v0  }
0x54a: {  	[tilespmem:$0x17420] =	vst @!p1 v0  }
0x54b: {  	[tilespmem:$0x17430] =	vst @!p1 v0  }
0x54c: {  	[tilespmem:$0x17440] =	vst @!p1 v0  }
0x54d: {  	[tilespmem:$0x17450] =	vst @!p1 v0  }
0x54e: {  	[tilespmem:$0x17460] =	vst @!p1 v0  }
0x54f: {  	[tilespmem:$0x17470] =	vst @!p1 v0  }
0x550: {  	[tilespmem:$0x17480] =	vst @!p1 v0  }
0x551: {  	[tilespmem:$0x17490] =	vst @!p1 v0  }
0x552: {  	[tilespmem:$0x174A0] =	vst @!p1 v0  }
0x553: {  	[tilespmem:$0x174B0] =	vst @!p1 v0  }
0x554: {  	[tilespmem:$0x174C0] =	vst @!p1 v0  }
0x555: {  	[tilespmem:$0x174D0] =	vst @!p1 v0  }
0x556: {  	[tilespmem:$0x174E0] =	vst @!p1 v0  }
0x557: {  	[tilespmem:$0x174F0] =	vst @!p1 v0  }
0x558: {  	[tilespmem:$0x17500] =	vst @!p1 v0  }
0x559: {  	[tilespmem:$0x17510] =	vst @!p1 v0  }
0x55a: {  	[tilespmem:$0x17520] =	vst @!p1 v0  }
0x55b: {  	[tilespmem:$0x17530] =	vst @!p1 v0  }
0x55c: {  	s1 =	sadd.s32 s1, s9;
	[tilespmem:$0x17540] =	vst @!p1 v0  }
0x55d: {  	s1 =	smul.u32 $0x60, s1;
	[tilespmem:$0x17550] =	vst @!p1 v0  }
0x55e: {  	[tilespmem:$0x17560] =	vst @!p1 v0  }
0x55f: {  	s1 =	sadd.s32 s2, s1;
	[tilespmem:$0x17570] =	vst @!p1 v0  }
0x560: {  	[hbm4b:s1+s3] =	stream.linear.scatter [tilespmem:s21], [sflag:$0x5], $0xC00, $0x38;
	[tilespmem:$0x18480] =	vst v63  }
0x561: {  	s0 =	sadd.s32 @!p0 $0x120, s0;
	s14 =	simm.s32 @!p0 $0xE580;
	s1 =	simm.s32 @!p0 $0x2C  }
0x562: {  	[tilespmem:s14], [sflag:$0x3] =	stream.indirect.gather @!p0 [hbm4b:s4+s1], $0x180, s0, s1, $0xb8;
	[tilespmem:$0x18480] =	vst v63  }
0x563: {  	_ =	swait.ge [sflag:s28], $0x4200  }
0x564: {  	[sflag:s28] =	ssyncset.done $0x0  }
0x565: {  	[sflag:s28] =	ssyncadd.s32 $0xFFFFBE00  }
0x566: {  	_ =	swait.ge [sflag:s23], $0xC00  }
0x567: {  	[sflag:s23] =	ssyncset.done $0x0  }
0x568: {  	s0 =	simm.s32 $0x12F00;
	[sflag:s23] =	ssyncadd.s32 $0xFFFFF400  }
0x569: {  	v0 =	vld [tilespmem:s0+$0xFFFFF880]  }
0x56a: {  	v1 =	vld [tilespmem:s0+$0x0]  }
0x56b: {  	v2 =	vld [tilespmem:s0+$0xFFFFFD00]  }
0x56c: {  	v3 =	vld [tilespmem:s0+$0xFFFFFB80]  }
0x56d: {  	v4 =	vld [tilespmem:s0+$0x300]  }
0x56e: {  	v5 =	vld [tilespmem:s0+$0x180]  }
0x56f: {  	v6 =	vld [tilespmem:s0+$0xFFFFFA00]  }
0x570: {  	v8 =	vld [tilespmem:s0+$0xFFFFFE80];
	v7 =	vshll.u32 v1, $0x10;
	v1 =	vand.u32 $0xFFFF0000, v1  }
0x571: {  	v9 =	vshll.u32 v0, $0x10;
	v0 =	vand.u32 $0xFFFF0000, v0;
	v10 =	vand.u32 $0xFFFF0000, v2  }
0x572: {  	v11 =	vld [tilespmem:s0+$0x480];
	v12 =	vshll.u32 v3, $0x10;
	v2 =	vshll.u32 v2, $0x10;
	v3 =	vand.u32 $0xFFFF0000, v3  }
0x573: {  	v60 =	vld [tilespmem:s0+$0x600];
	v59 =	vand.u32 $0xFFFF0000, v4;
	v13 =	vshll.u32 v5, $0x10;
	v4 =	vshll.u32 v4, $0x10  }
0x574: {  	v5 =	vand.u32 $0xFFFF0000, v5;
	v14 =	vshll.u32 v6, $0x10;
	v6 =	vand.u32 $0xFFFF0000, v6  }
0x575: {  	v15 =	vshll.u32 v8, $0x10;
	v2 =	vadd.f32 v2, v12;
	v3 =	vadd.f32 v10, v3  }
0x576: {  	v8 =	vand.u32 $0xFFFF0000, v8;
	v4 =	vadd.f32 v4, v13;
	v9 =	vadd.f32 v14, v9  }
0x577: {  	v61 =	vld [tilespmem:s0+$0x780];
	v62 =	vand.u32 $0xFFFF0000, v11;
	v0 =	vadd.f32 v6, v0;
	v7 =	vadd.f32 v7, v15  }
0x578: {  	v63 =	vshll.u32 v60, $0x10;
	v5 =	vadd.f32 v59, v5;
	v1 =	vadd.f32 v1, v8  }
0x579: {  	v6 =	vshll.u32 v11, $0x10;
	v2 =	vadd.f32 v2, v9;
	v0 =	vadd.f32 v3, v0  }
0x57a: {  	v3 =	vadd.f32 v63, v6;
	v4 =	vadd.f32 v4, v7;
	v6 =	vand.u32 $0xFFFF0000, v60  }
0x57b: {  	v6 =	vadd.f32 v6, v62  }
0x57c: {  	s15 =	simm.s32 $0x0;
	v1 =	vadd.f32 v5, v1;
	v4 =	vadd.f32 v4, v2;
	v2 =	vand.u32 $0xFFFF0000, v61  }
0x57d: {  	v7 =	vshll.u32 v61, $0x10;
	v5 =	vadd.f32 v2, v6;
	v2 =	vld [tilespmem:s15+$0x18180]  }
0x57e: {  	v3 =	vadd.f32 v7, v3;
	v6 =	vadd.f32 v1, v0;
	v1 =	vld [tilespmem:s15+$0x18190];
	_ =	sdelay $0x1  }
0x57f: {  	s1 =	simm.s32 $0x80;
	v0 =	vimm.f32 $0.0e+00;
	v4 =	vadd.f32 v3, v4;
	v3 =	vadd.f32 v5, v6  }
.LBB2_31:
0x580: {  	p0 =	sne.s32 s1, $0xB80  }
0x581: {  	v2 =	vadd.f32 v4, v2;
	s0 =	sadd.s32 $0x10, s0;
	s14 =	smov.u32 s1;
	s1 =	sadd.s32 $0x80, s1  }
0x582: {  	v4 =	vand.u32 $0x7FFFFFFF, v4;
	v5 =	vand.u32 $0x7FFFFFFF, v3;
	v1 =	vadd.f32 v3, v1  }
0x583: {  	v3 =	vmax.f32 v4, v5;
	[tilespmem:s15+$0x17580] =	vst v2  }
0x584: {  	v0 =	vmax.f32 v0, v3;
	[tilespmem:s15+$0x17590] =	vst v1  }
0x585: {  	v1 =	vld [tilespmem:s0+$0xFFFFF880]  }
0x586: {  	v2 =	vld [tilespmem:s0+$0x0]  }
0x587: {  	v3 =	vld [tilespmem:s0+$0xFFFFFD00]  }
0x588: {  	v4 =	vld [tilespmem:s0+$0xFFFFFB80]  }
0x589: {  	v5 =	vld [tilespmem:s0+$0x300]  }
0x58a: {  	v6 =	vld [tilespmem:s0+$0x180]  }
0x58b: {  	v7 =	vld [tilespmem:s0+$0xFFFFFA00];
	v8 =	vshll.u32 v2, $0x10;
	v2 =	vand.u32 $0xFFFF0000, v2  }
0x58c: {  	v10 =	vshll.u32 v1, $0x10;
	v1 =	vand.u32 $0xFFFF0000, v1;
	v9 =	vld [tilespmem:s0+$0xFFFFFE80];
	v11 =	vand.u32 $0xFFFF0000, v3  }
0x58d: {  	v3 =	vshll.u32 v3, $0x10;
	v12 =	vld [tilespmem:s0+$0x480];
	v13 =	vshll.u32 v4, $0x10;
	v4 =	vand.u32 $0xFFFF0000, v4  }
0x58e: {  	v14 =	vld [tilespmem:s0+$0x600];
	v3 =	vadd.f32 v3, v13;
	v13 =	vand.u32 $0xFFFF0000, v5;
	v4 =	vadd.f32 v11, v4  }
0x58f: {  	v5 =	vshll.u32 v5, $0x10;
	v11 =	vshll.u32 v6, $0x10;
	v6 =	vand.u32 $0xFFFF0000, v6  }
0x590: {  	v15 =	vshll.u32 v7, $0x10;
	v5 =	vadd.f32 v5, v11;
	v7 =	vand.u32 $0xFFFF0000, v7  }
0x591: {  	v11 =	vld [tilespmem:s0+$0x780];
	v16 =	vshll.u32 v9, $0x10;
	v10 =	vadd.f32 v15, v10;
	v1 =	vadd.f32 v7, v1  }
0x592: {  	v6 =	vadd.f32 v13, v6;
	v7 =	vshll.u32 v12, $0x10;
	v8 =	vadd.f32 v8, v16  }
0x593: {  	v9 =	vand.u32 $0xFFFF0000, v9;
	v3 =	vadd.f32 v3, v10;
	v10 =	vand.u32 $0xFFFF0000, v12  }
0x594: {  	v2 =	vadd.f32 v2, v9;
	v12 =	vshll.u32 v14, $0x10;
	v4 =	vadd.f32 v4, v1  }
0x595: {  	s15 =	sshra.s32 s14, $0x2;
	v1 =	vadd.f32 v12, v7;
	v5 =	vadd.f32 v5, v8;
	v7 =	vand.u32 $0xFFFF0000, v14  }
.Ltmp15:
0x596: {  	v6 =	vadd.f32 v6, v2;
	v7 =	vadd.f32 v7, v10;
	v8 =	vshll.u32 v11, $0x10;
	v2 =	vld [tilespmem:s15+$0x18180];
	(pc) =	sbr.rel @p0 .LBB2_31-.Ltmp15, $4  }
0x597: {  	v3 =	vadd.f32 v5, v3;
	v5 =	vand.u32 $0xFFFF0000, v11;
	v8 =	vadd.f32 v8, v1;
	v1 =	vld [tilespmem:s15+$0x18190]  }
0x598: {  	v6 =	vadd.f32 v6, v4;
	v5 =	vadd.f32 v5, v7  }
0x599: {  	v4 =	vadd.f32 v8, v3  }
0x59a: {  	v3 =	vadd.f32 v5, v6  }
0x59b: {  	_ = 	snop  }
0x59c: {  	v5 =	vand.u32 $0x7FFFFFFF, v4;
	v6 =	vand.u32 $0x7FFFFFFF, v3  }
0x59d: {  	v5 =	vmax.f32 v5, v6  }
0x59e: {  	v0 =	vmax.f32 v0, v5  }
0x59f: {  	(xrf0) =	vmax.scan.msk.f32 $0xffff, v0;
	_ =	sdelay $0x5  }
0x5a0: {  	v0, _, _ =	vpop (xrf0)  }
0x5a1: {  	(v2sf) =	vpush v0, $0xF;
	_ =	sdelay $0xe  }
0x5a2: {  	v1 =	vadd.f32 v3, v1;
	s0 =	spop (v2sf)  }
0x5a3: {  	v0 =	vadd.f32 v4, v2;
	p0 =	sne.f32 s0, $0.0e+00  }
0x5a4: {  	[tilespmem:s15+$0x17590] =	vst v1  }
0x5a5: {  	[tilespmem:s15+$0x17580] =	vst v0;
	v0 =	vimm.f32 @!p0 $0.0e+00  }
0x5a6: {  	[tilespmem:$0x17580] =	vst @!p0 v0  }
0x5a7: {  	[tilespmem:$0x17590] =	vst @!p0 v0  }
0x5a8: {  	[tilespmem:$0x175A0] =	vst @!p0 v0  }
0x5a9: {  	[tilespmem:$0x175B0] =	vst @!p0 v0  }
0x5aa: {  	[tilespmem:$0x175C0] =	vst @!p0 v0  }
0x5ab: {  	[tilespmem:$0x175D0] =	vst @!p0 v0  }
0x5ac: {  	[tilespmem:$0x175E0] =	vst @!p0 v0  }
0x5ad: {  	[tilespmem:$0x175F0] =	vst @!p0 v0  }
0x5ae: {  	[tilespmem:$0x17600] =	vst @!p0 v0  }
0x5af: {  	[tilespmem:$0x17610] =	vst @!p0 v0  }
0x5b0: {  	[tilespmem:$0x17620] =	vst @!p0 v0  }
0x5b1: {  	[tilespmem:$0x17630] =	vst @!p0 v0  }
0x5b2: {  	[tilespmem:$0x17640] =	vst @!p0 v0  }
0x5b3: {  	[tilespmem:$0x17650] =	vst @!p0 v0  }
0x5b4: {  	[tilespmem:$0x17660] =	vst @!p0 v0  }
0x5b5: {  	[tilespmem:$0x17670] =	vst @!p0 v0  }
0x5b6: {  	[tilespmem:$0x17680] =	vst @!p0 v0  }
0x5b7: {  	[tilespmem:$0x17690] =	vst @!p0 v0  }
0x5b8: {  	[tilespmem:$0x176A0] =	vst @!p0 v0  }
0x5b9: {  	[tilespmem:$0x176B0] =	vst @!p0 v0  }
0x5ba: {  	[tilespmem:$0x176C0] =	vst @!p0 v0  }
0x5bb: {  	[tilespmem:$0x176D0] =	vst @!p0 v0  }
0x5bc: {  	[tilespmem:$0x176E0] =	vst @!p0 v0  }
0x5bd: {  	[tilespmem:$0x176F0] =	vst @!p0 v0  }
0x5be: {  	[tilespmem:$0x17700] =	vst @!p0 v0  }
0x5bf: {  	[tilespmem:$0x17710] =	vst @!p0 v0  }
0x5c0: {  	[tilespmem:$0x17720] =	vst @!p0 v0  }
0x5c1: {  	[tilespmem:$0x17730] =	vst @!p0 v0  }
0x5c2: {  	[tilespmem:$0x17740] =	vst @!p0 v0  }
0x5c3: {  	[tilespmem:$0x17750] =	vst @!p0 v0  }
0x5c4: {  	[tilespmem:$0x17760] =	vst @!p0 v0  }
0x5c5: {  	[tilespmem:$0x17770] =	vst @!p0 v0  }
0x5c6: {  	[tilespmem:$0x17780] =	vst @!p0 v0  }
0x5c7: {  	[tilespmem:$0x17790] =	vst @!p0 v0  }
0x5c8: {  	[tilespmem:$0x177A0] =	vst @!p0 v0  }
0x5c9: {  	[tilespmem:$0x177B0] =	vst @!p0 v0  }
0x5ca: {  	[tilespmem:$0x177C0] =	vst @!p0 v0  }
0x5cb: {  	[tilespmem:$0x177D0] =	vst @!p0 v0  }
0x5cc: {  	[tilespmem:$0x177E0] =	vst @!p0 v0  }
0x5cd: {  	[tilespmem:$0x177F0] =	vst @!p0 v0  }
0x5ce: {  	[tilespmem:$0x17800] =	vst @!p0 v0  }
0x5cf: {  	[tilespmem:$0x17810] =	vst @!p0 v0  }
0x5d0: {  	[tilespmem:$0x17820] =	vst @!p0 v0  }
0x5d1: {  	[tilespmem:$0x17830] =	vst @!p0 v0  }
0x5d2: {  	[tilespmem:$0x17840] =	vst @!p0 v0  }
0x5d3: {  	[tilespmem:$0x17850] =	vst @!p0 v0  }
0x5d4: {  	[tilespmem:$0x17860] =	vst @!p0 v0  }
0x5d5: {  	s0 =	simm.s32 $0x13800;
	[tilespmem:$0x17870] =	vst @!p0 v0  }
0x5d6: {  	v0 =	vld [tilespmem:s0+$0x0]  }
0x5d7: {  	v1 =	vld [tilespmem:s0+$0x780]  }
0x5d8: {  	v2 =	vld [tilespmem:s0+$0x480]  }
0x5d9: {  	v3 =	vld [tilespmem:s0+$0x300]  }
0x5da: {  	v4 =	vld [tilespmem:s0+$0xA80]  }
0x5db: {  	v5 =	vld [tilespmem:s0+$0x900]  }
0x5dc: {  	v6 =	vld [tilespmem:s0+$0x180]  }
0x5dd: {  	v8 =	vld [tilespmem:s0+$0x600];
	v7 =	vshll.u32 v1, $0x10;
	v1 =	vand.u32 $0xFFFF0000, v1  }
0x5de: {  	v9 =	vshll.u32 v0, $0x10;
	v0 =	vand.u32 $0xFFFF0000, v0;
	v10 =	vand.u32 $0xFFFF0000, v2  }
0x5df: {  	v11 =	vld [tilespmem:s0+$0xC00];
	v12 =	vshll.u32 v3, $0x10;
	v2 =	vshll.u32 v2, $0x10;
	v3 =	vand.u32 $0xFFFF0000, v3  }
0x5e0: {  	v60 =	vld [tilespmem:s0+$0xD80];
	v59 =	vand.u32 $0xFFFF0000, v4;
	v13 =	vshll.u32 v5, $0x10;
	v4 =	vshll.u32 v4, $0x10  }
0x5e1: {  	v5 =	vand.u32 $0xFFFF0000, v5;
	v14 =	vshll.u32 v6, $0x10;
	v6 =	vand.u32 $0xFFFF0000, v6  }
0x5e2: {  	v15 =	vshll.u32 v8, $0x10;
	v2 =	vadd.f32 v2, v12;
	v3 =	vadd.f32 v10, v3  }
0x5e3: {  	v8 =	vand.u32 $0xFFFF0000, v8;
	v4 =	vadd.f32 v4, v13;
	v9 =	vadd.f32 v14, v9  }
0x5e4: {  	v61 =	vld [tilespmem:s0+$0xF00];
	v62 =	vand.u32 $0xFFFF0000, v11;
	v0 =	vadd.f32 v6, v0;
	v7 =	vadd.f32 v7, v15  }
0x5e5: {  	v63 =	vshll.u32 v60, $0x10;
	v5 =	vadd.f32 v59, v5;
	v1 =	vadd.f32 v1, v8  }
0x5e6: {  	v6 =	vshll.u32 v11, $0x10;
	v2 =	vadd.f32 v2, v9;
	v0 =	vadd.f32 v3, v0  }
0x5e7: {  	v3 =	vadd.f32 v63, v6;
	v4 =	vadd.f32 v4, v7;
	v6 =	vand.u32 $0xFFFF0000, v60  }
0x5e8: {  	v6 =	vadd.f32 v6, v62  }
0x5e9: {  	s15 =	simm.s32 $0x0;
	v1 =	vadd.f32 v5, v1;
	v4 =	vadd.f32 v4, v2;
	v2 =	vand.u32 $0xFFFF0000, v61  }
0x5ea: {  	v7 =	vshll.u32 v61, $0x10;
	v5 =	vadd.f32 v2, v6;
	v2 =	vld [tilespmem:s15+$0x18180]  }
0x5eb: {  	v3 =	vadd.f32 v7, v3;
	v6 =	vadd.f32 v1, v0;
	v1 =	vld [tilespmem:s15+$0x18190];
	_ =	sdelay $0x1  }
0x5ec: {  	s1 =	simm.s32 $0x80;
	v0 =	vimm.f32 $0.0e+00;
	v4 =	vadd.f32 v3, v4;
	v3 =	vadd.f32 v5, v6  }
.LBB2_33:
0x5ed: {  	p0 =	sne.s32 s1, $0xB80  }
0x5ee: {  	v2 =	vadd.f32 v4, v2;
	s0 =	sadd.s32 $0x10, s0;
	s14 =	smov.u32 s1;
	s1 =	sadd.s32 $0x80, s1  }
0x5ef: {  	v4 =	vand.u32 $0x7FFFFFFF, v4;
	v5 =	vand.u32 $0x7FFFFFFF, v3;
	v1 =	vadd.f32 v3, v1  }
0x5f0: {  	v3 =	vmax.f32 v4, v5;
	[tilespmem:s15+$0x17880] =	vst v2  }
0x5f1: {  	v0 =	vmax.f32 v0, v3;
	[tilespmem:s15+$0x17890] =	vst v1  }
0x5f2: {  	v1 =	vld [tilespmem:s0+$0x0]  }
0x5f3: {  	v2 =	vld [tilespmem:s0+$0x780]  }
0x5f4: {  	v3 =	vld [tilespmem:s0+$0x480]  }
0x5f5: {  	v4 =	vld [tilespmem:s0+$0x300]  }
0x5f6: {  	v5 =	vld [tilespmem:s0+$0xA80]  }
0x5f7: {  	v6 =	vld [tilespmem:s0+$0x900]  }
0x5f8: {  	v7 =	vld [tilespmem:s0+$0x180];
	v8 =	vshll.u32 v2, $0x10;
	v2 =	vand.u32 $0xFFFF0000, v2  }
0x5f9: {  	v10 =	vshll.u32 v1, $0x10;
	v1 =	vand.u32 $0xFFFF0000, v1;
	v9 =	vld [tilespmem:s0+$0x600];
	v11 =	vand.u32 $0xFFFF0000, v3  }
0x5fa: {  	v3 =	vshll.u32 v3, $0x10;
	v12 =	vld [tilespmem:s0+$0xC00];
	v13 =	vshll.u32 v4, $0x10;
	v4 =	vand.u32 $0xFFFF0000, v4  }
0x5fb: {  	v14 =	vld [tilespmem:s0+$0xD80];
	v3 =	vadd.f32 v3, v13;
	v13 =	vand.u32 $0xFFFF0000, v5;
	v4 =	vadd.f32 v11, v4  }
0x5fc: {  	v5 =	vshll.u32 v5, $0x10;
	v11 =	vshll.u32 v6, $0x10;
	v6 =	vand.u32 $0xFFFF0000, v6  }
0x5fd: {  	v15 =	vshll.u32 v7, $0x10;
	v5 =	vadd.f32 v5, v11;
	v7 =	vand.u32 $0xFFFF0000, v7  }
0x5fe: {  	v11 =	vld [tilespmem:s0+$0xF00];
	v16 =	vshll.u32 v9, $0x10;
	v10 =	vadd.f32 v15, v10;
	v1 =	vadd.f32 v7, v1  }
0x5ff: {  	v6 =	vadd.f32 v13, v6;
	v7 =	vshll.u32 v12, $0x10;
	v8 =	vadd.f32 v8, v16  }
0x600: {  	v9 =	vand.u32 $0xFFFF0000, v9;
	v3 =	vadd.f32 v3, v10;
	v10 =	vand.u32 $0xFFFF0000, v12  }
0x601: {  	v2 =	vadd.f32 v2, v9;
	v12 =	vshll.u32 v14, $0x10;
	v4 =	vadd.f32 v4, v1  }
0x602: {  	s15 =	sshra.s32 s14, $0x2;
	v1 =	vadd.f32 v12, v7;
	v5 =	vadd.f32 v5, v8;
	v7 =	vand.u32 $0xFFFF0000, v14  }
.Ltmp16:
0x603: {  	v6 =	vadd.f32 v6, v2;
	v7 =	vadd.f32 v7, v10;
	v8 =	vshll.u32 v11, $0x10;
	v2 =	vld [tilespmem:s15+$0x18180];
	(pc) =	sbr.rel @p0 .LBB2_33-.Ltmp16, $4  }
0x604: {  	v3 =	vadd.f32 v5, v3;
	v5 =	vand.u32 $0xFFFF0000, v11;
	v8 =	vadd.f32 v8, v1;
	v1 =	vld [tilespmem:s15+$0x18190]  }
0x605: {  	v6 =	vadd.f32 v6, v4;
	v5 =	vadd.f32 v5, v7  }
0x606: {  	v4 =	vadd.f32 v8, v3  }
0x607: {  	v3 =	vadd.f32 v5, v6  }
0x608: {  	_ = 	snop  }
0x609: {  	v5 =	vand.u32 $0x7FFFFFFF, v4;
	v6 =	vand.u32 $0x7FFFFFFF, v3  }
0x60a: {  	v5 =	vmax.f32 v5, v6  }
0x60b: {  	v0 =	vmax.f32 v0, v5  }
0x60c: {  	(xrf0) =	vmax.scan.msk.f32 $0xffff, v0;
	_ =	sdelay $0x5  }
0x60d: {  	v0, _, _ =	vpop (xrf0)  }
0x60e: {  	(v2sf) =	vpush v0, $0xF;
	_ =	sdelay $0xe  }
0x60f: {  	v1 =	vadd.f32 v3, v1;
	s0 =	spop (v2sf)  }
0x610: {  	v0 =	vadd.f32 v4, v2;
	p0 =	sne.f32 s0, $0.0e+00  }
0x611: {  	[tilespmem:s15+$0x17890] =	vst v1  }
0x612: {  	[tilespmem:s15+$0x17880] =	vst v0;
	v0 =	vimm.f32 @!p0 $0.0e+00  }
0x613: {  	[tilespmem:$0x17880] =	vst @!p0 v0  }
0x614: {  	[tilespmem:$0x17890] =	vst @!p0 v0  }
0x615: {  	[tilespmem:$0x178A0] =	vst @!p0 v0  }
0x616: {  	[tilespmem:$0x178B0] =	vst @!p0 v0  }
0x617: {  	[tilespmem:$0x178C0] =	vst @!p0 v0  }
0x618: {  	[tilespmem:$0x178D0] =	vst @!p0 v0  }
0x619: {  	[tilespmem:$0x178E0] =	vst @!p0 v0  }
0x61a: {  	[tilespmem:$0x178F0] =	vst @!p0 v0  }
0x61b: {  	[tilespmem:$0x17900] =	vst @!p0 v0  }
0x61c: {  	[tilespmem:$0x17910] =	vst @!p0 v0  }
0x61d: {  	[tilespmem:$0x17920] =	vst @!p0 v0  }
0x61e: {  	[tilespmem:$0x17930] =	vst @!p0 v0  }
0x61f: {  	[tilespmem:$0x17940] =	vst @!p0 v0  }
0x620: {  	[tilespmem:$0x17950] =	vst @!p0 v0  }
0x621: {  	[tilespmem:$0x17960] =	vst @!p0 v0  }
0x622: {  	[tilespmem:$0x17970] =	vst @!p0 v0  }
0x623: {  	[tilespmem:$0x17980] =	vst @!p0 v0  }
0x624: {  	[tilespmem:$0x17990] =	vst @!p0 v0  }
0x625: {  	[tilespmem:$0x179A0] =	vst @!p0 v0  }
0x626: {  	[tilespmem:$0x179B0] =	vst @!p0 v0  }
0x627: {  	[tilespmem:$0x179C0] =	vst @!p0 v0  }
0x628: {  	[tilespmem:$0x179D0] =	vst @!p0 v0  }
0x629: {  	[tilespmem:$0x179E0] =	vst @!p0 v0  }
0x62a: {  	[tilespmem:$0x179F0] =	vst @!p0 v0  }
0x62b: {  	[tilespmem:$0x17A00] =	vst @!p0 v0  }
0x62c: {  	[tilespmem:$0x17A10] =	vst @!p0 v0  }
0x62d: {  	[tilespmem:$0x17A20] =	vst @!p0 v0  }
0x62e: {  	[tilespmem:$0x17A30] =	vst @!p0 v0  }
0x62f: {  	[tilespmem:$0x17A40] =	vst @!p0 v0  }
0x630: {  	[tilespmem:$0x17A50] =	vst @!p0 v0  }
0x631: {  	[tilespmem:$0x17A60] =	vst @!p0 v0  }
0x632: {  	[tilespmem:$0x17A70] =	vst @!p0 v0  }
0x633: {  	[tilespmem:$0x17A80] =	vst @!p0 v0  }
0x634: {  	[tilespmem:$0x17A90] =	vst @!p0 v0  }
0x635: {  	[tilespmem:$0x17AA0] =	vst @!p0 v0  }
0x636: {  	[tilespmem:$0x17AB0] =	vst @!p0 v0  }
0x637: {  	[tilespmem:$0x17AC0] =	vst @!p0 v0  }
0x638: {  	[tilespmem:$0x17AD0] =	vst @!p0 v0  }
0x639: {  	[tilespmem:$0x17AE0] =	vst @!p0 v0  }
0x63a: {  	[tilespmem:$0x17AF0] =	vst @!p0 v0  }
0x63b: {  	[tilespmem:$0x17B00] =	vst @!p0 v0  }
0x63c: {  	[tilespmem:$0x17B10] =	vst @!p0 v0  }
0x63d: {  	[tilespmem:$0x17B20] =	vst @!p0 v0  }
0x63e: {  	[tilespmem:$0x17B30] =	vst @!p0 v0  }
0x63f: {  	[tilespmem:$0x17B40] =	vst @!p0 v0  }
0x640: {  	[tilespmem:$0x17B50] =	vst @!p0 v0  }
0x641: {  	[tilespmem:$0x17B60] =	vst @!p0 v0  }
0x642: {  	s0 =	simm.s32 $0x14880;
	[tilespmem:$0x17B70] =	vst @!p0 v0  }
0x643: {  	v0 =	vld [tilespmem:s0+$0x0]  }
0x644: {  	v1 =	vld [tilespmem:s0+$0x780]  }
0x645: {  	v2 =	vld [tilespmem:s0+$0x480]  }
0x646: {  	v3 =	vld [tilespmem:s0+$0x300]  }
0x647: {  	v4 =	vld [tilespmem:s0+$0xA80]  }
0x648: {  	v5 =	vld [tilespmem:s0+$0x900]  }
0x649: {  	v6 =	vld [tilespmem:s0+$0x180]  }
0x64a: {  	v8 =	vld [tilespmem:s0+$0x600];
	v7 =	vshll.u32 v1, $0x10;
	v1 =	vand.u32 $0xFFFF0000, v1  }
0x64b: {  	v9 =	vshll.u32 v0, $0x10;
	v0 =	vand.u32 $0xFFFF0000, v0;
	v10 =	vand.u32 $0xFFFF0000, v2  }
0x64c: {  	v11 =	vld [tilespmem:s0+$0xC00];
	v12 =	vshll.u32 v3, $0x10;
	v2 =	vshll.u32 v2, $0x10;
	v3 =	vand.u32 $0xFFFF0000, v3  }
0x64d: {  	v60 =	vld [tilespmem:s0+$0xD80];
	v59 =	vand.u32 $0xFFFF0000, v4;
	v13 =	vshll.u32 v5, $0x10;
	v4 =	vshll.u32 v4, $0x10  }
0x64e: {  	v5 =	vand.u32 $0xFFFF0000, v5;
	v14 =	vshll.u32 v6, $0x10;
	v6 =	vand.u32 $0xFFFF0000, v6  }
0x64f: {  	v15 =	vshll.u32 v8, $0x10;
	v2 =	vadd.f32 v2, v12;
	v3 =	vadd.f32 v10, v3  }
0x650: {  	v8 =	vand.u32 $0xFFFF0000, v8;
	v4 =	vadd.f32 v4, v13;
	v9 =	vadd.f32 v14, v9  }
0x651: {  	v61 =	vld [tilespmem:s0+$0xF00];
	v62 =	vand.u32 $0xFFFF0000, v11;
	v0 =	vadd.f32 v6, v0;
	v7 =	vadd.f32 v7, v15  }
0x652: {  	v63 =	vshll.u32 v60, $0x10;
	v5 =	vadd.f32 v59, v5;
	v1 =	vadd.f32 v1, v8  }
0x653: {  	v6 =	vshll.u32 v11, $0x10;
	v2 =	vadd.f32 v2, v9;
	v0 =	vadd.f32 v3, v0  }
0x654: {  	v3 =	vadd.f32 v63, v6;
	v4 =	vadd.f32 v4, v7;
	v6 =	vand.u32 $0xFFFF0000, v60  }
0x655: {  	v6 =	vadd.f32 v6, v62  }
0x656: {  	s15 =	simm.s32 $0x0;
	v1 =	vadd.f32 v5, v1;
	v4 =	vadd.f32 v4, v2;
	v2 =	vand.u32 $0xFFFF0000, v61  }
0x657: {  	v7 =	vshll.u32 v61, $0x10;
	v5 =	vadd.f32 v2, v6;
	v2 =	vld [tilespmem:s15+$0x18180]  }
0x658: {  	v3 =	vadd.f32 v7, v3;
	v6 =	vadd.f32 v1, v0;
	v1 =	vld [tilespmem:s15+$0x18190];
	_ =	sdelay $0x1  }
0x659: {  	s1 =	simm.s32 $0x80;
	v0 =	vimm.f32 $0.0e+00;
	v4 =	vadd.f32 v3, v4;
	v3 =	vadd.f32 v5, v6  }
.LBB2_35:
0x65a: {  	p0 =	sne.s32 s1, $0xB80  }
0x65b: {  	v2 =	vadd.f32 v4, v2;
	s0 =	sadd.s32 $0x10, s0;
	s14 =	smov.u32 s1;
	s1 =	sadd.s32 $0x80, s1  }
0x65c: {  	v4 =	vand.u32 $0x7FFFFFFF, v4;
	v5 =	vand.u32 $0x7FFFFFFF, v3;
	v1 =	vadd.f32 v3, v1  }
0x65d: {  	v3 =	vmax.f32 v4, v5;
	[tilespmem:s15+$0x17B80] =	vst v2  }
0x65e: {  	v0 =	vmax.f32 v0, v3;
	[tilespmem:s15+$0x17B90] =	vst v1  }
0x65f: {  	v1 =	vld [tilespmem:s0+$0x0]  }
0x660: {  	v2 =	vld [tilespmem:s0+$0x780]  }
0x661: {  	v3 =	vld [tilespmem:s0+$0x480]  }
0x662: {  	v4 =	vld [tilespmem:s0+$0x300]  }
0x663: {  	v5 =	vld [tilespmem:s0+$0xA80]  }
0x664: {  	v6 =	vld [tilespmem:s0+$0x900]  }
0x665: {  	v7 =	vld [tilespmem:s0+$0x180];
	v8 =	vshll.u32 v2, $0x10;
	v2 =	vand.u32 $0xFFFF0000, v2  }
0x666: {  	v10 =	vshll.u32 v1, $0x10;
	v1 =	vand.u32 $0xFFFF0000, v1;
	v9 =	vld [tilespmem:s0+$0x600];
	v11 =	vand.u32 $0xFFFF0000, v3  }
0x667: {  	v3 =	vshll.u32 v3, $0x10;
	v12 =	vld [tilespmem:s0+$0xC00];
	v13 =	vshll.u32 v4, $0x10;
	v4 =	vand.u32 $0xFFFF0000, v4  }
0x668: {  	v14 =	vld [tilespmem:s0+$0xD80];
	v3 =	vadd.f32 v3, v13;
	v13 =	vand.u32 $0xFFFF0000, v5;
	v4 =	vadd.f32 v11, v4  }
0x669: {  	v5 =	vshll.u32 v5, $0x10;
	v11 =	vshll.u32 v6, $0x10;
	v6 =	vand.u32 $0xFFFF0000, v6  }
0x66a: {  	v15 =	vshll.u32 v7, $0x10;
	v5 =	vadd.f32 v5, v11;
	v7 =	vand.u32 $0xFFFF0000, v7  }
0x66b: {  	v11 =	vld [tilespmem:s0+$0xF00];
	v16 =	vshll.u32 v9, $0x10;
	v10 =	vadd.f32 v15, v10;
	v1 =	vadd.f32 v7, v1  }
0x66c: {  	v6 =	vadd.f32 v13, v6;
	v7 =	vshll.u32 v12, $0x10;
	v8 =	vadd.f32 v8, v16  }
0x66d: {  	v9 =	vand.u32 $0xFFFF0000, v9;
	v3 =	vadd.f32 v3, v10;
	v10 =	vand.u32 $0xFFFF0000, v12  }
0x66e: {  	v2 =	vadd.f32 v2, v9;
	v12 =	vshll.u32 v14, $0x10;
	v4 =	vadd.f32 v4, v1  }
0x66f: {  	s15 =	sshra.s32 s14, $0x2;
	v1 =	vadd.f32 v12, v7;
	v5 =	vadd.f32 v5, v8;
	v7 =	vand.u32 $0xFFFF0000, v14  }
.Ltmp17:
0x670: {  	v6 =	vadd.f32 v6, v2;
	v7 =	vadd.f32 v7, v10;
	v8 =	vshll.u32 v11, $0x10;
	v2 =	vld [tilespmem:s15+$0x18180];
	(pc) =	sbr.rel @p0 .LBB2_35-.Ltmp17, $4  }
0x671: {  	v3 =	vadd.f32 v5, v3;
	v5 =	vand.u32 $0xFFFF0000, v11;
	v8 =	vadd.f32 v8, v1;
	v1 =	vld [tilespmem:s15+$0x18190]  }
0x672: {  	v6 =	vadd.f32 v6, v4;
	v5 =	vadd.f32 v5, v7  }
0x673: {  	v4 =	vadd.f32 v8, v3  }
0x674: {  	v3 =	vadd.f32 v5, v6  }
0x675: {  	_ = 	snop  }
0x676: {  	v5 =	vand.u32 $0x7FFFFFFF, v4;
	v6 =	vand.u32 $0x7FFFFFFF, v3  }
0x677: {  	v5 =	vmax.f32 v5, v6  }
0x678: {  	v0 =	vmax.f32 v0, v5  }
0x679: {  	(xrf0) =	vmax.scan.msk.f32 $0xffff, v0;
	_ =	sdelay $0x5  }
0x67a: {  	v0, _, _ =	vpop (xrf0)  }
0x67b: {  	(v2sf) =	vpush v0, $0xF;
	_ =	sdelay $0xe  }
0x67c: {  	v1 =	vadd.f32 v3, v1;
	s0 =	spop (v2sf)  }
0x67d: {  	v0 =	vadd.f32 v4, v2;
	p0 =	sne.f32 s0, $0.0e+00  }
0x67e: {  	[tilespmem:s15+$0x17B90] =	vst v1  }
0x67f: {  	[tilespmem:s15+$0x17B80] =	vst v0;
	v0 =	vimm.f32 @!p0 $0.0e+00  }
0x680: {  	[tilespmem:$0x17B80] =	vst @!p0 v0  }
0x681: {  	[tilespmem:$0x17B90] =	vst @!p0 v0  }
0x682: {  	[tilespmem:$0x17BA0] =	vst @!p0 v0  }
0x683: {  	[tilespmem:$0x17BB0] =	vst @!p0 v0  }
0x684: {  	[tilespmem:$0x17BC0] =	vst @!p0 v0  }
0x685: {  	[tilespmem:$0x17BD0] =	vst @!p0 v0  }
0x686: {  	[tilespmem:$0x17BE0] =	vst @!p0 v0  }
0x687: {  	[tilespmem:$0x17BF0] =	vst @!p0 v0  }
0x688: {  	[tilespmem:$0x17C00] =	vst @!p0 v0  }
0x689: {  	[tilespmem:$0x17C10] =	vst @!p0 v0  }
0x68a: {  	[tilespmem:$0x17C20] =	vst @!p0 v0  }
0x68b: {  	[tilespmem:$0x17C30] =	vst @!p0 v0  }
0x68c: {  	[tilespmem:$0x17C40] =	vst @!p0 v0  }
0x68d: {  	[tilespmem:$0x17C50] =	vst @!p0 v0  }
0x68e: {  	[tilespmem:$0x17C60] =	vst @!p0 v0  }
0x68f: {  	[tilespmem:$0x17C70] =	vst @!p0 v0  }
0x690: {  	[tilespmem:$0x17C80] =	vst @!p0 v0  }
0x691: {  	[tilespmem:$0x17C90] =	vst @!p0 v0  }
0x692: {  	[tilespmem:$0x17CA0] =	vst @!p0 v0  }
0x693: {  	[tilespmem:$0x17CB0] =	vst @!p0 v0  }
0x694: {  	[tilespmem:$0x17CC0] =	vst @!p0 v0  }
0x695: {  	[tilespmem:$0x17CD0] =	vst @!p0 v0  }
0x696: {  	[tilespmem:$0x17CE0] =	vst @!p0 v0  }
0x697: {  	[tilespmem:$0x17CF0] =	vst @!p0 v0  }
0x698: {  	[tilespmem:$0x17D00] =	vst @!p0 v0  }
0x699: {  	[tilespmem:$0x17D10] =	vst @!p0 v0  }
0x69a: {  	[tilespmem:$0x17D20] =	vst @!p0 v0  }
0x69b: {  	[tilespmem:$0x17D30] =	vst @!p0 v0  }
0x69c: {  	[tilespmem:$0x17D40] =	vst @!p0 v0  }
0x69d: {  	[tilespmem:$0x17D50] =	vst @!p0 v0  }
0x69e: {  	[tilespmem:$0x17D60] =	vst @!p0 v0  }
0x69f: {  	[tilespmem:$0x17D70] =	vst @!p0 v0  }
0x6a0: {  	[tilespmem:$0x17D80] =	vst @!p0 v0  }
0x6a1: {  	[tilespmem:$0x17D90] =	vst @!p0 v0  }
0x6a2: {  	[tilespmem:$0x17DA0] =	vst @!p0 v0  }
0x6a3: {  	[tilespmem:$0x17DB0] =	vst @!p0 v0  }
0x6a4: {  	[tilespmem:$0x17DC0] =	vst @!p0 v0  }
0x6a5: {  	[tilespmem:$0x17DD0] =	vst @!p0 v0  }
0x6a6: {  	[tilespmem:$0x17DE0] =	vst @!p0 v0  }
0x6a7: {  	[tilespmem:$0x17DF0] =	vst @!p0 v0  }
0x6a8: {  	[tilespmem:$0x17E00] =	vst @!p0 v0  }
0x6a9: {  	[tilespmem:$0x17E10] =	vst @!p0 v0  }
0x6aa: {  	[tilespmem:$0x17E20] =	vst @!p0 v0  }
0x6ab: {  	[tilespmem:$0x17E30] =	vst @!p0 v0  }
0x6ac: {  	[tilespmem:$0x17E40] =	vst @!p0 v0  }
0x6ad: {  	[tilespmem:$0x17E50] =	vst @!p0 v0  }
0x6ae: {  	[tilespmem:$0x17E60] =	vst @!p0 v0  }
0x6af: {  	s0 =	simm.s32 $0x16800;
	[tilespmem:$0x17E70] =	vst @!p0 v0  }
0x6b0: {  	v0 =	vld [tilespmem:s0+$0xFFFFF100]  }
0x6b1: {  	v1 =	vld [tilespmem:s0+$0xFFFFF880]  }
0x6b2: {  	v2 =	vld [tilespmem:s0+$0xFFFFF580]  }
0x6b3: {  	v3 =	vld [tilespmem:s0+$0xFFFFF400]  }
0x6b4: {  	v4 =	vld [tilespmem:s0+$0xFFFFFB80]  }
0x6b5: {  	v5 =	vld [tilespmem:s0+$0xFFFFFA00]  }
0x6b6: {  	v6 =	vld [tilespmem:s0+$0xFFFFF280]  }
0x6b7: {  	v8 =	vld [tilespmem:s0+$0xFFFFF700];
	v7 =	vshll.u32 v1, $0x10;
	v1 =	vand.u32 $0xFFFF0000, v1  }
0x6b8: {  	v9 =	vshll.u32 v0, $0x10;
	v0 =	vand.u32 $0xFFFF0000, v0;
	v10 =	vand.u32 $0xFFFF0000, v2  }
0x6b9: {  	v11 =	vld [tilespmem:s0+$0xFFFFFD00];
	v12 =	vshll.u32 v3, $0x10;
	v2 =	vshll.u32 v2, $0x10;
	v3 =	vand.u32 $0xFFFF0000, v3  }
0x6ba: {  	v60 =	vld [tilespmem:s0+$0xFFFFFE80];
	v59 =	vand.u32 $0xFFFF0000, v4;
	v13 =	vshll.u32 v5, $0x10;
	v4 =	vshll.u32 v4, $0x10  }
0x6bb: {  	v5 =	vand.u32 $0xFFFF0000, v5;
	v14 =	vshll.u32 v6, $0x10;
	v6 =	vand.u32 $0xFFFF0000, v6  }
0x6bc: {  	v15 =	vshll.u32 v8, $0x10;
	v2 =	vadd.f32 v2, v12;
	v3 =	vadd.f32 v10, v3  }
0x6bd: {  	v8 =	vand.u32 $0xFFFF0000, v8;
	v4 =	vadd.f32 v4, v13;
	v9 =	vadd.f32 v14, v9  }
0x6be: {  	v61 =	vld [tilespmem:s0+$0x0];
	v62 =	vand.u32 $0xFFFF0000, v11;
	v0 =	vadd.f32 v6, v0;
	v7 =	vadd.f32 v7, v15  }
0x6bf: {  	v63 =	vshll.u32 v60, $0x10;
	v5 =	vadd.f32 v59, v5;
	v1 =	vadd.f32 v1, v8  }
0x6c0: {  	v6 =	vshll.u32 v11, $0x10;
	v2 =	vadd.f32 v2, v9;
	v0 =	vadd.f32 v3, v0  }
0x6c1: {  	v3 =	vadd.f32 v63, v6;
	v4 =	vadd.f32 v4, v7;
	v6 =	vand.u32 $0xFFFF0000, v60  }
0x6c2: {  	v6 =	vadd.f32 v6, v62  }
0x6c3: {  	s15 =	simm.s32 $0x0;
	v1 =	vadd.f32 v5, v1;
	v4 =	vadd.f32 v4, v2;
	v2 =	vand.u32 $0xFFFF0000, v61  }
0x6c4: {  	v7 =	vshll.u32 v61, $0x10;
	v5 =	vadd.f32 v2, v6;
	v2 =	vld [tilespmem:s15+$0x18180]  }
0x6c5: {  	v3 =	vadd.f32 v7, v3;
	v6 =	vadd.f32 v1, v0;
	v1 =	vld [tilespmem:s15+$0x18190];
	_ =	sdelay $0x1  }
0x6c6: {  	s1 =	simm.s32 $0x80;
	v0 =	vimm.f32 $0.0e+00;
	v4 =	vadd.f32 v3, v4;
	v3 =	vadd.f32 v5, v6  }
.LBB2_37:
0x6c7: {  	p0 =	sne.s32 s1, $0xB80  }
0x6c8: {  	v2 =	vadd.f32 v4, v2;
	s0 =	sadd.s32 $0x10, s0;
	s14 =	smov.u32 s1;
	s1 =	sadd.s32 $0x80, s1  }
0x6c9: {  	v4 =	vand.u32 $0x7FFFFFFF, v4;
	v5 =	vand.u32 $0x7FFFFFFF, v3;
	v1 =	vadd.f32 v3, v1  }
0x6ca: {  	v3 =	vmax.f32 v4, v5;
	[tilespmem:s15+$0x17E80] =	vst v2  }
0x6cb: {  	v0 =	vmax.f32 v0, v3;
	[tilespmem:s15+$0x17E90] =	vst v1  }
0x6cc: {  	v1 =	vld [tilespmem:s0+$0xFFFFF100]  }
0x6cd: {  	v2 =	vld [tilespmem:s0+$0xFFFFF880]  }
0x6ce: {  	v3 =	vld [tilespmem:s0+$0xFFFFF580]  }
0x6cf: {  	v4 =	vld [tilespmem:s0+$0xFFFFF400]  }
0x6d0: {  	v5 =	vld [tilespmem:s0+$0xFFFFFB80]  }
0x6d1: {  	v6 =	vld [tilespmem:s0+$0xFFFFFA00]  }
0x6d2: {  	v7 =	vld [tilespmem:s0+$0xFFFFF280];
	v8 =	vshll.u32 v2, $0x10;
	v2 =	vand.u32 $0xFFFF0000, v2  }
0x6d3: {  	v10 =	vshll.u32 v1, $0x10;
	v1 =	vand.u32 $0xFFFF0000, v1;
	v9 =	vld [tilespmem:s0+$0xFFFFF700];
	v11 =	vand.u32 $0xFFFF0000, v3  }
0x6d4: {  	v3 =	vshll.u32 v3, $0x10;
	v12 =	vld [tilespmem:s0+$0xFFFFFD00];
	v13 =	vshll.u32 v4, $0x10;
	v4 =	vand.u32 $0xFFFF0000, v4  }
0x6d5: {  	v14 =	vld [tilespmem:s0+$0xFFFFFE80];
	v3 =	vadd.f32 v3, v13;
	v13 =	vand.u32 $0xFFFF0000, v5;
	v4 =	vadd.f32 v11, v4  }
0x6d6: {  	v5 =	vshll.u32 v5, $0x10;
	v11 =	vshll.u32 v6, $0x10;
	v6 =	vand.u32 $0xFFFF0000, v6  }
0x6d7: {  	v15 =	vshll.u32 v7, $0x10;
	v5 =	vadd.f32 v5, v11;
	v7 =	vand.u32 $0xFFFF0000, v7  }
0x6d8: {  	v11 =	vld [tilespmem:s0+$0x0];
	v16 =	vshll.u32 v9, $0x10;
	v10 =	vadd.f32 v15, v10;
	v1 =	vadd.f32 v7, v1  }
0x6d9: {  	v6 =	vadd.f32 v13, v6;
	v7 =	vshll.u32 v12, $0x10;
	v8 =	vadd.f32 v8, v16  }
0x6da: {  	v9 =	vand.u32 $0xFFFF0000, v9;
	v3 =	vadd.f32 v3, v10;
	v10 =	vand.u32 $0xFFFF0000, v12  }
0x6db: {  	v2 =	vadd.f32 v2, v9;
	v12 =	vshll.u32 v14, $0x10;
	v4 =	vadd.f32 v4, v1  }
0x6dc: {  	s15 =	sshra.s32 s14, $0x2;
	v1 =	vadd.f32 v12, v7;
	v5 =	vadd.f32 v5, v8;
	v7 =	vand.u32 $0xFFFF0000, v14  }
.Ltmp18:
0x6dd: {  	v6 =	vadd.f32 v6, v2;
	v7 =	vadd.f32 v7, v10;
	v8 =	vshll.u32 v11, $0x10;
	v2 =	vld [tilespmem:s15+$0x18180];
	(pc) =	sbr.rel @p0 .LBB2_37-.Ltmp18, $4  }
0x6de: {  	v3 =	vadd.f32 v5, v3;
	v5 =	vand.u32 $0xFFFF0000, v11;
	v8 =	vadd.f32 v8, v1;
	v1 =	vld [tilespmem:s15+$0x18190]  }
0x6df: {  	v6 =	vadd.f32 v6, v4;
	v5 =	vadd.f32 v5, v7  }
0x6e0: {  	v4 =	vadd.f32 v8, v3  }
0x6e1: {  	v3 =	vadd.f32 v5, v6  }
0x6e2: {  	_ = 	snop  }
0x6e3: {  	v5 =	vand.u32 $0x7FFFFFFF, v4;
	v6 =	vand.u32 $0x7FFFFFFF, v3  }
0x6e4: {  	v5 =	vmax.f32 v5, v6  }
0x6e5: {  	v0 =	vmax.f32 v0, v5  }
0x6e6: {  	(xrf0) =	vmax.scan.msk.f32 $0xffff, v0;
	_ =	sdelay $0x5  }
0x6e7: {  	v0, _, _ =	vpop (xrf0)  }
0x6e8: {  	(v2sf) =	vpush v0, $0xF;
	_ =	sdelay $0xe  }
0x6e9: {  	v63 =	vadd.f32 v4, v2;
	s0 =	spop (v2sf)  }
0x6ea: {  	v1 =	vadd.f32 v3, v1;
	p0 =	sne.f32 s0, $0.0e+00  }
0x6eb: {  	[tilespmem:s15+$0x17E80] =	vst v63  }
0x6ec: {  	[tilespmem:s15+$0x17E90] =	vst v1;
	v0 =	vimm.f32 @!p0 $0.0e+00  }
0x6ed: {  	[tilespmem:$0x17E80] =	vst @!p0 v0  }
0x6ee: {  	[tilespmem:$0x17E90] =	vst @!p0 v0  }
0x6ef: {  	[tilespmem:$0x17EA0] =	vst @!p0 v0  }
0x6f0: {  	[tilespmem:$0x17EB0] =	vst @!p0 v0  }
0x6f1: {  	[tilespmem:$0x17EC0] =	vst @!p0 v0  }
0x6f2: {  	[tilespmem:$0x17ED0] =	vst @!p0 v0  }
0x6f3: {  	[tilespmem:$0x17EE0] =	vst @!p0 v0  }
0x6f4: {  	[tilespmem:$0x17EF0] =	vst @!p0 v0  }
0x6f5: {  	[tilespmem:$0x17F00] =	vst @!p0 v0  }
0x6f6: {  	[tilespmem:$0x17F10] =	vst @!p0 v0  }
0x6f7: {  	[tilespmem:$0x17F20] =	vst @!p0 v0  }
0x6f8: {  	[tilespmem:$0x17F30] =	vst @!p0 v0  }
0x6f9: {  	[tilespmem:$0x17F40] =	vst @!p0 v0  }
0x6fa: {  	[tilespmem:$0x17F50] =	vst @!p0 v0  }
0x6fb: {  	[tilespmem:$0x17F60] =	vst @!p0 v0  }
0x6fc: {  	[tilespmem:$0x17F70] =	vst @!p0 v0  }
0x6fd: {  	[tilespmem:$0x17F80] =	vst @!p0 v0  }
0x6fe: {  	[tilespmem:$0x17F90] =	vst @!p0 v0  }
0x6ff: {  	[tilespmem:$0x17FA0] =	vst @!p0 v0  }
0x700: {  	[tilespmem:$0x17FB0] =	vst @!p0 v0  }
0x701: {  	[tilespmem:$0x17FC0] =	vst @!p0 v0  }
0x702: {  	[tilespmem:$0x17FD0] =	vst @!p0 v0  }
0x703: {  	[tilespmem:$0x17FE0] =	vst @!p0 v0  }
0x704: {  	[tilespmem:$0x17FF0] =	vst @!p0 v0  }
0x705: {  	[tilespmem:$0x18000] =	vst @!p0 v0  }
0x706: {  	[tilespmem:$0x18010] =	vst @!p0 v0  }
0x707: {  	[tilespmem:$0x18020] =	vst @!p0 v0  }
0x708: {  	[tilespmem:$0x18030] =	vst @!p0 v0  }
0x709: {  	[tilespmem:$0x18040] =	vst @!p0 v0  }
0x70a: {  	[tilespmem:$0x18050] =	vst @!p0 v0  }
0x70b: {  	[tilespmem:$0x18060] =	vst @!p0 v0  }
0x70c: {  	[tilespmem:$0x18070] =	vst @!p0 v0  }
0x70d: {  	[tilespmem:$0x18080] =	vst @!p0 v0  }
0x70e: {  	[tilespmem:$0x18090] =	vst @!p0 v0  }
0x70f: {  	[tilespmem:$0x180A0] =	vst @!p0 v0  }
0x710: {  	[tilespmem:$0x180B0] =	vst @!p0 v0  }
0x711: {  	[tilespmem:$0x180C0] =	vst @!p0 v0  }
0x712: {  	[tilespmem:$0x180D0] =	vst @!p0 v0  }
0x713: {  	[tilespmem:$0x180E0] =	vst @!p0 v0  }
0x714: {  	[tilespmem:$0x180F0] =	vst @!p0 v0  }
0x715: {  	[tilespmem:$0x18100] =	vst @!p0 v0  }
0x716: {  	[tilespmem:$0x18110] =	vst @!p0 v0  }
0x717: {  	[tilespmem:$0x18120] =	vst @!p0 v0  }
0x718: {  	[tilespmem:$0x18130] =	vst @!p0 v0  }
0x719: {  	[tilespmem:$0x18140] =	vst @!p0 v0  }
0x71a: {  	[tilespmem:$0x18150] =	vst @!p0 v0  }
0x71b: {  	s30 =	sadd.s32 $0x1, s30;
	[tilespmem:$0x18160] =	vst @!p0 v0  }
0x71c: {  	s31 =	sshll.u32 s31, $0x2;
	[tilespmem:$0x18170] =	vst @!p0 v0;
	p0 =	sne.s32 s30, $0x82  }
.Ltmp19:
0x71d: {  	s0 =	sadd.s32 s5, s31;
	(pc) =	sbr.rel @p0 .LBB2_2-.Ltmp19, $3  }
0x71e: {  	s0 =	smul.u32 $0x60, s0;
	_ =	sdelay $0x1  }
0x71f: {  	s0 =	sadd.s32 s2, s0  }
0x720: {  	[hbm4b:s0+s3] =	stream.linear.scatter [tilespmem:s24], [sflag:$0x6], $0xC00, $0x38;
	[tilespmem:$0x18480] =	vst v63  }
0x721: {  	s29 =	sadd.s32 $0x1, s29  }
0x722: {  	_ =	swait.ge [sflag:s26], $0xC00;
	p0 =	sne.s32 s29, s10  }
.Ltmp20:
0x723: {  	[sflag:s26] =	ssyncset.done $0x0;
	(pc) =	sbr.rel @p0 .LBB2_1-.Ltmp20, $4  }
0x724: {  	[sflag:s26] =	ssyncadd.s32 $0xFFFFF400  }
0x725: {  	_ =	swait.ge [sflag:s23], $0xC00  }
0x726: {  	[sflag:s23] =	ssyncset.done $0x0  }
0x727: {  	[sflag:s23] =	ssyncadd.s32 $0xFFFFF400  }
0x728: {  	_ =	sfence.sel $0x180000  }
0x729: {  	[bflag:$0x0] =	sbarrier.arrive $0xFFFF  }
0x72a: {  	_ =	strace $0x90000047  }
0x72b: {  	s0 =	stileid.u32;
	[bflag:$0x2] =	sbarrier.arrive $0xFFFF  }
0x72c: {  	p0 =	sne.s32 s0, $0x0;
	s0 =	rddreg [dreg:$0x2]  }
0x72d: {  	s0 =	sadd.s32 @!p0 $0x100000, s0  }
0x72e: {  	[sflag:s0] =	ssyncadd.tile.s32 @!p0 $0x1;
	_ =	shalt  }
.Lfunc_end2:
_tile_overlayer_lowered:
.L_overlay_start_2:
0x72f: {  	(tag) =	ssettag $0x2  }
0x730: {  	s0 =	rddreg [dreg:$0x0];
	s2 =	stileid.u32  }
0x731: {  	s1 =	rddreg [dreg:$0x1];
	p0 =	sne.s32 s2, $0x0  }
0x732: {  	s3 =	rddreg [dreg:$0x2];
	[bflag:$0x3] =	sbarrier.arrive $0xFFFF;
	s2 =	simm.s32 @!p0 $0x1C07  }
0x733: {  	[timem:s3], [sflag:s2] =	dma.local @!p0 [hbm:s0], s1  }
0x734: {  	s0 =	simm.s32 @!p0 $0x7  }
0x735: {  	_ =	swait.ge @!p0 [sflag:s0], s1  }
0x736: {  	s1 =	ssub.s32 @!p0 $0x0, s1;
	[sflag:s0] =	ssyncset.done @!p0 $0x0  }
0x737: {  	[sflag:s0] =	ssyncadd.s32 @!p0 s1  }
0x738: {  	[bflag:$0x3] =	sbarrier.arrive $0xFFFF  }
0x739: {  	_ =	shalt  }

// kernel: sparse-core-data-format-call.cloned.1.call-start
scs
called_computation_lowered:
.L_overlay_start_0:
0x0: {  	s2 =	sld [smem:$0x3FD9]  }
0x1: {  	s3 =	sld [smem:$0x3FFE];
	_ =	sdelay $0x1  }
0x2: {  	s1 =	srdreg.scid  }
0x3: {  	s0 =	sand.u32 $0x1, s1  }
0x4: {  	s18 =	sshll.u32 s0, $0xA;
	s2 =	sadd.s32 s3, s2  }
0x5: {  	s2 =	sadd.s32 s2, s18  }
0x6: {  	[smem:$0x3FC0] =	sst s2  }
0x7: {  	_ = 	snop  }
0x8: {  	s2 =	sld [smem:$0x3FD0];
	(tm) =	ssettm $0x1  }
0x9: {  	s19 =	sld [smem:$0x3FFB];
	_ =	sdelay $0x3  }
0xa: {  	_ =	strace s19  }
0xb: {  	s3 =	sld [smem:$0x3FFC];
	_ =	sdelay $0x3  }
0xc: {  	_ =	strace s3  }
0xd: {  	s3 =	sld [smem:$0x3FFD];
	_ =	sdelay $0x3  }
0xe: {  	_ =	strace s3  }
0xf: {  	_ =	strace $0x8FFFFFFF  }
0x10: {  	s20 =	sld [smem:$0x3FDB];
	_ =	sdelay $0x1  }
0x11: {  	s4 =	simm.s32 $_scs_section_size  }
0x12: {  	s5 =	simm.s32 $_size__tile_overlayer_lowered;
	s6 =	simm.s32 $_tile_overlayer_lowered  }
0x13: {  	s23 =	simm.s32 $0x1BFF;
	s22 =	sshll.u32 s6, $0x1;
	s3 =	sadd.s32 s4, s20  }
0x14: {  	s7 =	simm.s32 $0x0;
	s21 =	sshll.u32 s5, $0x1;
	s5 =	sadd.s32 s22, s3  }
0x15: {  	[timem:s7], [sflag:s23] =	dma.local [hbm:s5], s21  }
0x16: {  	_ =	swait.ge [sflag:s23], s21  }
0x17: {  	s4 =	ssub.s32 $0x0, s21;
	[sflag:s23] =	ssyncset.done $0x0  }
0x18: {  	[sflag:s23] =	ssyncadd.s32 s4;
	_ =	sdelay $0x1  }
0x19: {  	s24 =	simm.s32 $0x1B8B  }
0x1a: {  	_ =	swait.ge [sflag:s24], $0x1  }
0x1b: {  	[sflag:s24] =	ssyncset.done $0x0  }
0x1c: {  	s26 =	simm.s32 $0x1B8E;
	s25 =	sld [smem:$0x3FFE];
	[sflag:s24] =	ssyncadd.s32 $0xFFFFFFFF  }
0x1d: {  	s27 =	simm.s32 $execute0_lowered;
	[smem:$0x3FD2] =	sst s26  }
0x1e: {  	s5 =	sshll.u32 s27, $0x1;
	_ =	strace $0x80000049;
	[dreg:$0x1] =	wrdreg $0xFFFFFFFF  }
0x1f: {  	s28 =	simm.s32 $_size_execute0_lowered;
	s3 =	sadd.s32 s3, s5;
	[dreg:$0x0] =	wrdreg $0x0  }
0x20: {  	s5 =	sshll.u32 s28, $0x1;
	[dreg:$0x2] =	wrdreg s3  }
0x21: {  	[dreg:$0x3] =	wrdreg s5  }
0x22: {  	[dreg:$0x4] =	wrdreg $0xC0  }
0x23: {  	_ =	task [dreg:s7], $0x5FFFF  }
0x24: {  	[dreg:$0x1] =	wrdreg $0xFFFFFFFF  }
0x25: {  	[dreg:$0x0] =	wrdreg $0x60  }
0x26: {  	[dreg:$0x2] =	wrdreg s25  }
0x27: {  	[dreg:$0x3] =	wrdreg s2  }
0x28: {  	[dreg:$0x4] =	wrdreg $0x9  }
0x29: {  	_ =	task.clear_ibuf [dreg:s7], $0x5FFFF;
	_ =	strace $0x90000049  }
0x2a: {  	s29 =	simm.s32 $0x9;
	_ =	strace $0x8000004B  }
0x2b: {  	_ =	swait.ge [sflag:s29], $0x1  }
0x2c: {  	[sflag:s29] =	ssyncadd.s32 $0xFFFFFFFF  }
0x2d: {  	_ =	strace $0x9000004B  }
0x2e: {  	_ =	sfence  }
0x2f: {  	s30 =	sld [smem:$0x0];
	_ =	sdelay $0x2  }
0x30: {  	s31 =	sshll.u32 s1, $0xD;
	s1 =	sshrl.u32 s1, $0x2  }
0x31: {  	s3 =	sand.u32 $0x4000, s31;
	s1 =	sadd.s32 s1, s30  }
0x32: {  	s0 =	sor.u32 s3, s0;
	s1 =	sshll.u32 s1, $0x11  }
0x33: {  	s0 =	sor.u32 s1, s0  }
0x34: {  	s0 =	sadd.s32 $0x8F2B, s0  }
0x35: {  	[sflag:s0] =	ssyncadd.remote.s32 $0x1  }
0x36: {  	_ =	sfence.sel $0xFFFF  }
0x37: {  	[dreg:$0x0] =	wrdreg $0xFFFFFFFF;
	(pc) =	sbr.abs _section_cstart, $3  }
0x38: {  	[dreg:$0x1] =	wrdreg $0xFFFFFFFF  }
0x39: {  	_ =	task.clear_ibuf [dreg:s7], $0x2FFFF;
	_ =	strace $0x9FFFFFFF  }
0x3a: {  	(tm) =	ssettm $0x7FFFFFFF  }
0x3b: {  	_ =	shalt  }
tec
execute0_lowered:
.L_overlay_start_1:
0x0: {  	(tag) =	ssettag $0x1  }
0x1: {  	s0 =	stileid.u32;
	s1 =	srdreg.scid  }
0x2: {  	s2 =	sshll.u32 s0, $0x7;
	s3 =	sshll.u32 s0, $0x4;
	s4 =	sshll.u32 s1, $0x8  }
0x3: {  	s7 =	rddreg [dreg:$0x0];
	s1 =	sand.u32 $0x380, s2;
	s29 =	sor.u32 s3, s4  }
0x4: {  	s8 =	simm.s32 $0x2;
	s2 =	sand.u32 $0x180, s29;
	s30 =	ssub.s32 $0x400, s1  }
0x5: {  	s16 =	simm.s32 $0x0;
	s31 =	sand.u32 $0x380, s30;
	s5 =	ssub.s32 $0x300, s2  }
0x6: {  	s4 =	simm.s32 $0x1;
	p0 =	sne.s32 s31, $0x0;
	s6 =	sand.u32 $0x180, s5  }
0x7: {  	s4 =	simm.s32 @!p0 $0x0;
	p0 =	sne.s32 s6, $0x0;
	s6 =	simm.s32 $0x1  }
0x8: {  	s3 =	sshrl.u32 s30, $0xA;
	s5 =	sshrl.u32 s5, $0x9;
	s6 =	simm.s32 @!p0 $0x0  }
0x9: {  	s9 =	simm.s32 $0x1800;
	s3 =	sadd.s32 s4, s3;
	s5 =	sadd.s32 s6, s5  }
0xa: {  	s10 =	simm.s32 $0x0;
	s15 =	simm.s32 $0x0;
	s6 =	smul.u32 s5, s3  }
.Ltmp0:
0xb: {  	s17 =	simm.s32 $0x0;
	s4 =	rddreg [dreg:$0x1];
	(pc) =	sbr.rel .LBB1_1-.Ltmp0, $4  }
0xc: {  	s12 =	simm.s32 $0x0;
	s14 =	simm.s32 $0x0;
	s3 =	rddreg [dreg:$0x2]  }
0xd: {  	_ =	strace $0x8000004A;
	s5 =	simm.s32 $0x1;
	s6 =	smul.u32 $0x41, s6  }
0xe: {  	s7 =	sadd.s32 $0xE00, s7;
	s13 =	smov.u32 s1;
	[sflag:s5] =	ssyncpa.u1 $0x0  }
0xf: {  	s11 =	smov.u32 s2;
	[sflag:s8] =	ssyncpa.u1 $0x0;
	s8 =	sadd.s32 $0x1, s6  }
.LBB1_4:
0x10: {  	_ =	sdelay $0x2  }
0x11: {  	s21 =	sshrl.u32 s17, $0x3  }
0x12: {  	[tilespmem:v0+s20+$0xFFFFFFD0 ss:$0x1] =	vst.idx.msk $0xffff, v7;
	s22 =	sshll.u32 s16, $0x3;
	s21 =	smul.u32 $0x1800, s21  }
0x13: {  	v56 =	vld.idx.msk [tilespmem:v1+s19+$0x0 ss:$0x1], $0xffff;
	[tilespmem:v0+s20+$0xFFFFFFE0 ss:$0x1] =	vst.idx.msk $0xffff, v5;
	s27 =	sshll.u32 s17, $0x7;
	s22 =	sand.u32 $0xFFFFFC00, s22  }
0x14: {  	v57 =	vld.idx.msk [tilespmem:v1+s19+$0xFFFFFF90 ss:$0x1], $0xffff;
	[tilespmem:v0+s20+$0xFFFFFFF0 ss:$0x1] =	vst.idx.msk $0xffff, v4;
	s17 =	sand.u32 $0x380, s27;
	s21 =	sadd.s32 s21, s22  }
0x15: {  	v58 =	vld.idx.msk [tilespmem:v1+s19+$0xFFFFFFA0 ss:$0x1], $0xffff;
	[tilespmem:v0+s20+$0x0 ss:$0x1] =	vst.idx.msk $0xffff, v2;
	s28 =	sand.u32 $0x7F, s16;
	s17 =	sor.u32 s17, s21  }
0x16: {  	v59 =	vld.idx.msk [tilespmem:v1+s19+$0xFFFFFFB0 ss:$0x1], $0xffff;
	[tilespmem:v0+s20+$0x10 ss:$0x1] =	vst.idx.msk $0xffff, v3;
	s16 =	sor.u32 s28, s17  }
0x17: {  	v60 =	vld.idx.msk [tilespmem:v1+s19+$0xFFFFFFC0 ss:$0x1], $0xffff;
	[tilespmem:v0+s20+$0x20 ss:$0x1] =	vst.idx.msk $0xffff, v6;
	s29 =	smulhi.u32 $0xAAAAAAAB, s16  }
0x18: {  	v61 =	vld.idx.msk [tilespmem:v1+s19+$0xFFFFFFD0 ss:$0x1], $0xffff;
	[tilespmem:v0+s19+$0x30 ss:$0x1] =	vst.idx.msk $0xffff, v56;
	s17 =	smulhi.u32 $0xAAAAAAAB, s17  }
0x19: {  	v62 =	vld.idx.msk [tilespmem:v1+s19+$0xFFFFFFE0 ss:$0x1], $0xffff;
	[tilespmem:v0+s19+$0xFFFFFFC0 ss:$0x1] =	vst.idx.msk $0xffff, v57;
	s20 =	sshrl.u32 s29, $0x9  }
0x1a: {  	v63 =	vld.idx.msk [tilespmem:v1+s19+$0xFFFFFFF0 ss:$0x1], $0xffff;
	[tilespmem:v0+s19+$0xFFFFFFD0 ss:$0x1] =	vst.idx.msk $0xffff, v58;
	s17 =	sshrl.u32 s17, $0x9;
	s20 =	smul.u32 $0x300, s20  }
0x1b: {  	s15 =	smul.u32 $0x18000, s15;
	[tilespmem:v0+s19+$0xFFFFFFE0 ss:$0x1] =	vst.idx.msk $0xffff, v59;
	s17 =	sand.u32 $0x3FF, s17  }
0x1c: {  	[tilespmem:v0+s19+$0xFFFFFFF0 ss:$0x1] =	vst.idx.msk $0xffff, v60;
	s17 =	smul.u32 $0x60, s17;
	s16 =	ssub.s32 s16, s20  }
0x1d: {  	s15 =	sadd.s32 s4, s15;
	[tilespmem:v0+s19+$0x0 ss:$0x1] =	vst.idx.msk $0xffff, v61;
	s20 =	sand.u32 $0x7, s16  }
0x1e: {  	[tilespmem:v0+s19+$0x10 ss:$0x1] =	vst.idx.msk $0xffff, v62;
	s15 =	sadd.s32 s17, s15;
	s16 =	sshrl.u32 s16, $0x3;
	s30 =	sshll.u32 s20, $0x12  }
0x1f: {  	[tilespmem:v0+s19+$0x20 ss:$0x1] =	vst.idx.msk $0xffff, v63;
	s15 =	sadd.s32 s16, s15;
	s31 =	sor.u32 $0x400, s30  }
0x20: {  	[hbm4b:s15+s31] =	stream.strided.scatter [tilespmem:s18], [sflag:$0x2], $0x4000, s9, s31, $0x38;
	[tilespmem:$0x10000] =	vst v63  }
.LBB1_5:
0x21: {  	s18 =	sadd.s32 $0x200, s11  }
0x22: {  	s15 =	simm.s32 $0x1;
	p1 =	sgt.s32 s18, $0x2FF  }
0x23: {  	s15 =	simm.s32 @!p1 $0x0  }
0x24: {  	s19 =	sadd.s32 s15, s12  }
0x25: {  	s21 =	smov.u32 s13;
	s15 =	sadd.s32 $0x400, s13;
	p2 =	sgt.s32 s19, $0x40  }
0x26: {  	s21 =	smov.u32 @p2 s15  }
0x27: {  	s18 =	smov.u32 @p1 s2;
	p1 =	sgt.s32 s21, $0x3FF  }
0x28: {  	p0 =	slt.u32 s14, $0x2;
	s21 =	smov.u32 @p1 s1;
	p1 =	sne.s32 s14, s8  }
.Ltmp1:
0x29: {  	s20 =	simm.s32 @!p0 $0x2;
	(pc) =	sbr.rel @!p1 .LBB1_6-.Ltmp1, $4  }
0x2a: {  	s16 =	smov.u32 s11;
	s17 =	smov.u32 s13;
	_ =	swait.ge @!p0 [sflag:s20], $0x4000  }
0x2b: {  	s10 =	sadd.s32 $0x4000, s10;
	[sflag:s20] =	ssyncset.done @!p0 $0x0;
	s11 =	smov.u32 s18  }
0x2c: {  	[sflag:s20] =	ssyncadd.s32 @!p0 $0xFFFFC000;
	s19 =	simm.s32 @p2 $0x0;
	s15 =	smov.u32 s12  }
0x2d: {  	s12 =	smov.u32 s19;
	s14 =	sadd.s32 $0x1, s14;
	s13 =	smov.u32 s21  }
.LBB1_1:
0x2e: {  	p0 =	sge.u32 s14, s6  }
0x2f: {  	s18 =	sshrl.u32 @!p0 s12, $0x3  }
0x30: {  	s19 =	sshll.u32 @!p0 s11, $0x3;
	s18 =	smul.u32 @!p0 $0x1800, s18  }
0x31: {  	s20 =	sshll.u32 @!p0 s12, $0x7;
	s19 =	sand.u32 @!p0 $0xFFFFFC00, s19  }
0x32: {  	s18 =	sadd.s32 @!p0 s18, s19;
	s19 =	sand.u32 @!p0 $0x380, s20  }
0x33: {  	s18 =	sor.u32 @!p0 s19, s18  }
0x34: {  	s19 =	sand.u32 @!p0 $0x7F, s11;
	s20 =	smulhi.u32 @!p0 $0xAAAAAAAB, s18  }
0x35: {  	s18 =	sor.u32 @!p0 s19, s18  }
0x36: {  	s19 =	smulhi.u32 @!p0 $0xAAAAAAAB, s18;
	s20 =	sshrl.u32 @!p0 s20, $0x9  }
0x37: {  	s21 =	smulhi.u32 @!p0 $0x38E38E4, s20;
	_ =	sdelay $0x1  }
0x38: {  	s19 =	sshrl.u32 @!p0 s19, $0x9;
	s21 =	smul.u32 @!p0 $0x48, s21  }
0x39: {  	s31 =	sadd.s32 $0xFFFFFFFF, s14;
	s19 =	smul.u32 @!p0 $0x300, s19  }
0x3a: {  	s22 =	sxor.u32 @!p0 $0xFFFFFFFF, s14;
	s20 =	ssub.s32 @!p0 s20, s21;
	s21 =	smul.u32 @!p0 $0x1B00, s13  }
0x3b: {  	s22 =	sshll.u32 @!p0 s22, $0xE;
	s18 =	ssub.s32 @!p0 s18, s19;
	s19 =	smul.u32 @!p0 $0x60, s20  }
0x3c: {  	s20 =	sand.u32 @!p0 $0x4000, s22;
	s22 =	sand.u32 @!p0 $0x7, s18;
	s21 =	sadd.s32 @!p0 s7, s21  }
0x3d: {  	s18 =	sshrl.u32 @!p0 s18, $0x3;
	s19 =	sadd.s32 @!p0 s19, s21;
	s21 =	sshll.u32 @!p0 s22, $0x12  }
0x3e: {  	s18 =	sadd.s32 @!p0 s18, s19;
	s19 =	sor.u32 @!p0 $0x80, s21;
	s21 =	simm.s32 @!p0 $0xD800  }
0x3f: {  	[tilespmem:s20], [sflag:$0x1] =	stream.strided.gather @!p0 [hbm4b:s18+s19], $0x4000, s21, s19, $0x38;
	[tilespmem:$0x10000] =	vst v63  }
0x40: {  	p0 =	sge.u32 s31, s6  }
.Ltmp2:
0x41: {  	_ = 	snop;
	(pc) =	sbr.rel @p0 .LBB1_5-.Ltmp2, $1  }
0x42: {  	_ =	sdelay $0x3  }
0x43: {  	s18 =	sand.u32 $0x4000, s10  }
0x44: {  	s19 =	sor.u32 $0x70, s18  }
0x45: {  	v1 =	vmov s19;
	_ =	sdelay $0x1  }
0x46: {  	_ =	swait.ge [sflag:s5], $0x4000  }
0x47: {  	[sflag:s5] =	ssyncset.done $0x0  }
0x48: {  	s20 =	simm.s32 $0x0;
	[sflag:s5] =	ssyncadd.s32 $0xFFFFC000  }
0x49: {  	s18 =	sor.u32 $0x8040, s18;
	v6 =	vld.idx.msk [tilespmem:v1+s20+$0x0 ss:$0x1], $0xffff  }
0x4a: {  	v0 =	vmov s18;
	v8 =	vld.idx.msk [tilespmem:v1+s20+$0xFFFFFF90 ss:$0x1], $0xffff  }
0x4b: {  	v7 =	vld.idx.msk [tilespmem:v1+s20+$0xFFFFFFA0 ss:$0x1], $0xffff  }
0x4c: {  	v5 =	vld.idx.msk [tilespmem:v1+s20+$0xFFFFFFB0 ss:$0x1], $0xffff  }
0x4d: {  	v4 =	vld.idx.msk [tilespmem:v1+s20+$0xFFFFFFC0 ss:$0x1], $0xffff  }
0x4e: {  	s31 =	sshll.u32 s14, $0xE;
	v2 =	vld.idx.msk [tilespmem:v1+s20+$0xFFFFFFD0 ss:$0x1], $0xffff  }
0x4f: {  	s18 =	sand.u32 $0x4000, s31;
	v3 =	vld.idx.msk [tilespmem:v1+s20+$0xFFFFFFE0 ss:$0x1], $0xffff;
	[tilespmem:v0+s20+$0x30 ss:$0x1] =	vst.idx.msk $0xffff, v6  }
0x50: {  	s21 =	simm.s32 $0x400;
	s19 =	simm.s32 $0x80;
	s18 =	sor.u32 $0x8000, s18;
	[tilespmem:v0+s20+$0xFFFFFFC0 ss:$0x1] =	vst.idx.msk $0xffff, v8;
	v6 =	vld.idx.msk [tilespmem:v1+s20+$0xFFFFFFF0 ss:$0x1], $0xffff  }
.LBB1_3:
0x51: {  	p0 =	sne.s32 s21, $0xFE00;
	v8 =	vld.idx.msk [tilespmem:v1+s19+$0x0 ss:$0x1], $0xffff;
	[tilespmem:v0+s20+$0xFFFFFFD0 ss:$0x1] =	vst.idx.msk $0xffff, v7  }
0x52: {  	v9 =	vld.idx.msk [tilespmem:v1+s19+$0xFFFFFF90 ss:$0x1], $0xffff;
	[tilespmem:v0+s20+$0xFFFFFFE0 ss:$0x1] =	vst.idx.msk $0xffff, v5  }
0x53: {  	v7 =	vld.idx.msk [tilespmem:v1+s19+$0xFFFFFFA0 ss:$0x1], $0xffff;
	[tilespmem:v0+s20+$0xFFFFFFF0 ss:$0x1] =	vst.idx.msk $0xffff, v4  }
.Ltmp3:
0x54: {  	v5 =	vld.idx.msk [tilespmem:v1+s19+$0xFFFFFFB0 ss:$0x1], $0xffff;
	[tilespmem:v0+s20+$0x0 ss:$0x1] =	vst.idx.msk $0xffff, v2;
	(pc) =	sbr.rel @p0 .LBB1_3-.Ltmp3, $4  }
0x55: {  	v4 =	vld.idx.msk [tilespmem:v1+s19+$0xFFFFFFC0 ss:$0x1], $0xffff;
	[tilespmem:v0+s20+$0x10 ss:$0x1] =	vst.idx.msk $0xffff, v3  }
0x56: {  	v2 =	vld.idx.msk [tilespmem:v1+s19+$0xFFFFFFD0 ss:$0x1], $0xffff;
	[tilespmem:v0+s20+$0x20 ss:$0x1] =	vst.idx.msk $0xffff, v6;
	s20 =	smov.u32 s19  }
0x57: {  	v3 =	vld.idx.msk [tilespmem:v1+s20+$0xFFFFFFE0 ss:$0x1], $0xffff;
	[tilespmem:v0+s20+$0x30 ss:$0x1] =	vst.idx.msk $0xffff, v8  }
0x58: {  	s19 =	sshra.s32 s21, $0x2;
	s21 =	sadd.s32 $0x200, s21;
	[tilespmem:v0+s20+$0xFFFFFFC0 ss:$0x1] =	vst.idx.msk $0xffff, v9;
	v6 =	vld.idx.msk [tilespmem:v1+s20+$0xFFFFFFF0 ss:$0x1], $0xffff  }
.Ltmp4:
0x59: {  	_ = 	snop;
	(pc) =	sbr.rel .LBB1_4-.Ltmp4, $1  }
0x5a: {  	_ =	sdelay $0x3  }
.LBB1_6:
0x5b: {  	_ =	sfence.sel $0x180000  }
0x5c: {  	s1 =	simm.s32 $0x1;
	[bflag:$0x0] =	sbarrier.arrive $0xFFFF  }
0x5d: {  	s31 =	simm.s32 $0x2;
	[sflag:s1] =	ssyncpa.u1 $0x1  }
0x5e: {  	[sflag:s31] =	ssyncpa.u1 $0x1  }
0x5f: {  	p0 =	sne.s32 s0, $0x0;
	_ =	strace $0x9000004A  }
0x60: {  	s0 =	sadd.s32 @!p0 $0x100000, s3;
	[bflag:$0x2] =	sbarrier.arrive $0xFFFF  }
0x61: {  	[sflag:s0] =	ssyncadd.tile.s32 @!p0 $0x1;
	_ =	shalt  }
.Lfunc_end1:
_tile_overlayer_lowered:
.L_overlay_start_2:
0x62: {  	(tag) =	ssettag $0x2  }
0x63: {  	s0 =	rddreg [dreg:$0x0];
	s2 =	stileid.u32  }
0x64: {  	s1 =	rddreg [dreg:$0x1];
	p0 =	sne.s32 s2, $0x0  }
0x65: {  	s3 =	rddreg [dreg:$0x2];
	[bflag:$0x3] =	sbarrier.arrive $0xFFFF;
	s2 =	simm.s32 @!p0 $0x1C01  }
0x66: {  	[timem:s3], [sflag:s2] =	dma.local @!p0 [hbm:s0], s1  }
0x67: {  	s0 =	simm.s32 @!p0 $0x1  }
0x68: {  	_ =	swait.ge @!p0 [sflag:s0], s1  }
0x69: {  	s1 =	ssub.s32 @!p0 $0x0, s1;
	[sflag:s0] =	ssyncset.done @!p0 $0x0  }
0x6a: {  	[sflag:s0] =	ssyncadd.s32 @!p0 s1  }
0x6b: {  	[bflag:$0x3] =	sbarrier.arrive $0xFFFF  }
0x6c: {  	_ =	shalt  }

</sc_bundles>
